<compile_context>
chip_gen: v7x
topology: tpu7x:2x2x1
jax: 0.10.2.dev20260603
libtpu: 0.0.44.dev20260713+nightly
codegen_flags: <defaults>
</compile_context>

<pallas_src>
import functools

import jax
import jax.numpy as jnp
from jax import lax
from jax.experimental import pallas as pl
from jax.experimental.pallas import tpu as pltpu
from jax.experimental.pallas import tpu_sc as plsc

_N = 10000
_E = 320000
_D = 128
_DE = 16
_G = 64

_NC = 2
_NS = 16
_NW = _NC * _NS
_EW = _E // _NW
_CH = 80
_NCH = _EW // _CH
_NPAIR = _NCH // 2
_NPAD = 10240
_NSL = _NPAD // _NS

_SCH = 40
_SNCH = _EW // _SCH
_SNPAIR = _SNCH // 2
_OBR = 40
_NOB = _NSL // _OBR

_f32 = jnp.float32


def _lrelu(t):
    return jnp.maximum(t, 0.01 * t)



def _sc_gather_body(h_hbm, dsti_hbm, srci_hbm, pi_hbm, pj_hbm,
                    idxd, idxs, bi0, bi1, bj0, bj1,
                    gs0, gs1, os0, os1):
    cid = lax.axis_index("c")
    sid = lax.axis_index("s")
    wid = sid * _NC + cid
    ebase = wid * _EW

    pltpu.sync_copy(dsti_hbm.at[wid], idxd)
    pltpu.sync_copy(srci_hbm.at[wid], idxs)

    bi = (bi0, bi1)
    bj = (bj0, bj1)
    gsem = (gs0, gs1)
    osem = (os0, os1)

    def gathers(ch, b):
        g1 = pltpu.async_copy(h_hbm.at[idxd.at[ch]], bi[b], gsem[b])
        g2 = pltpu.async_copy(h_hbm.at[idxs.at[ch]], bj[b], gsem[b])
        return g1, g2

    def outs(ch, b):
        off = ebase + ch * _CH
        pltpu.async_copy(bi[b], pi_hbm.at[pl.ds(off, _CH)], osem[b])
        pltpu.async_copy(bj[b], pj_hbm.at[pl.ds(off, _CH)], osem[b])

    def drain_outs(b):
        pltpu.make_async_copy(bi[b], pi_hbm.at[pl.ds(0, _CH)], osem[b]).wait()
        pltpu.make_async_copy(bj[b], pj_hbm.at[pl.ds(0, _CH)], osem[b]).wait()

    def pair(p, _):
        base = 2 * p

        @pl.when(p > 0)
        def _():
            drain_outs(0)
            drain_outs(1)

        g0a, g0b = gathers(base, 0)
        g1a, g1b = gathers(base + 1, 1)
        g0a.wait()
        g0b.wait()
        outs(base, 0)
        g1a.wait()
        g1b.wait()
        outs(base + 1, 1)
        return ()

    lax.fori_loop(0, _NPAIR, pair, (), unroll=False)

    if _NCH % 2 == 1:
        drain_outs(0)
        ta, tb = gathers(_NCH - 1, 0)
        ta.wait()
        tb.wait()
        outs(_NCH - 1, 0)
    drain_outs(1)
    drain_outs(0)



def _sc_scatter_body(msg_hbm, dsti_hbm, zeros_hbm, out_hbm,
                     agg, idxd, mb0, mb1, ob, ls0, ls1):
    cid = lax.axis_index("c")
    sid = lax.axis_index("s")
    wid = sid * _NC + cid
    ebase = wid * _EW
    rbase = sid * _NSL

    pltpu.sync_copy(zeros_hbm, ob)
    for j in range(_NOB):
        pltpu.sync_copy(ob, agg.at[pl.ds(rbase + j * _OBR, _OBR)])
    pltpu.sync_copy(dsti_hbm.at[wid], idxd)
    plsc.subcore_barrier()

    mb = (mb0, mb1)
    lsem = (ls0, ls1)

    def load(ch, b):
        off = ebase + ch * _SCH
        pltpu.async_copy(msg_hbm.at[pl.ds(off, _SCH)], mb[b], lsem[b])

    def wait_load(b):
        pltpu.make_async_copy(msg_hbm.at[pl.ds(0, _SCH)], mb[b],
                              lsem[b]).wait()

    load(0, 0)
    load(1, 1)

    def pair(p, _):
        for b in range(2):
            ch = 2 * p + b
            wait_load(b)
            pltpu.sync_copy(mb[b], agg.at[idxd.at[ch]], add=True)

            @pl.when(ch < _SNCH - 2)
            def _():
                load(ch + 2, b)

        return ()

    lax.fori_loop(0, _SNPAIR, pair, (), unroll=False)

    plsc.subcore_barrier()

    for j in range(_NOB):
        sl = pl.ds(rbase + j * _OBR, _OBR)
        pltpu.sync_copy(agg.at[sl], ob)
        pltpu.sync_copy(ob, out_hbm.at[cid].at[sl])


@functools.cache
def _sc_gather():
    return pl.kernel(
        _sc_gather_body,
        mesh=plsc.VectorSubcoreMesh(core_axis_name="c", subcore_axis_name="s"),
        out_type=(
            jax.ShapeDtypeStruct((_E, _D), _f32),
            jax.ShapeDtypeStruct((_E, _D), _f32),
        ),
        scratch_types=(
            pltpu.VMEM((_NCH, _CH), jnp.int32),
            pltpu.VMEM((_NCH, _CH), jnp.int32),
            pltpu.VMEM((_CH, _D), _f32),
            pltpu.VMEM((_CH, _D), _f32),
            pltpu.VMEM((_CH, _D), _f32),
            pltpu.VMEM((_CH, _D), _f32),
            pltpu.SemaphoreType.DMA,
            pltpu.SemaphoreType.DMA,
            pltpu.SemaphoreType.DMA,
            pltpu.SemaphoreType.DMA,
        ),
    )


@functools.cache
def _sc_scatter():
    return pl.kernel(
        _sc_scatter_body,
        mesh=plsc.VectorSubcoreMesh(core_axis_name="c", subcore_axis_name="s"),
        out_type=jax.ShapeDtypeStruct((_NC, _NPAD, _D), _f32),
        scratch_types=(
            pltpu.VMEM_SHARED((_NPAD, _D), _f32),
            pltpu.VMEM((_SNCH, _SCH), jnp.int32),
            pltpu.VMEM((_SCH, _D), _f32),
            pltpu.VMEM((_SCH, _D), _f32),
            pltpu.VMEM((_OBR, _D), _f32),
            pltpu.SemaphoreType.DMA,
            pltpu.SemaphoreType.DMA,
        ),
    )



_BN = 2000
_BE = 2000


def _tc_transform_body(x_ref, w_ref, b_ref, h_ref):
    h_ref[...] = _lrelu(
        jnp.dot(x_ref[...], w_ref[...], preferred_element_type=_f32)
        + b_ref[...])


def _tc_transform(x, w, b):
    return pl.pallas_call(
        _tc_transform_body,
        grid=(_N // _BN,),
        in_specs=[
            pl.BlockSpec((_BN, _D), lambda i: (i, 0)),
            pl.BlockSpec((_D, _D), lambda i: (0, 0)),
            pl.BlockSpec((1, _D), lambda i: (0, 0)),
        ],
        out_specs=pl.BlockSpec((_BN, _D), lambda i: (i, 0)),
        out_shape=jax.ShapeDtypeStruct((_N, _D), _f32),
    )(x, w, b)


def _tc_msg_body(pi_ref, pj_ref, ea_ref, wfi_ref, wfj_ref, wfe_ref, bf_ref,
                 wsi_ref, wsj_ref, wse_ref, bs_ref, msg_ref):
    pi = pi_ref[...]
    pj = pj_ref[...]
    ea = ea_ref[...]
    f = (jnp.dot(pi, wfi_ref[...], preferred_element_type=_f32)
         + jnp.dot(pj, wfj_ref[...], preferred_element_type=_f32)
         + jnp.dot(ea, wfe_ref[...], preferred_element_type=_f32)
         + bf_ref[...])
    s = (jnp.dot(pi, wsi_ref[...], preferred_element_type=_f32)
         + jnp.dot(pj, wsj_ref[...], preferred_element_type=_f32)
         + jnp.dot(ea, wse_ref[...], preferred_element_type=_f32)
         + bs_ref[...])
    msg_ref[...] = jax.nn.sigmoid(f) * jax.nn.softplus(s)


def _tc_msg(pi, pj, ea, wfi, wfj, wfe, bf, wsi, wsj, wse, bs):
    full = lambda r, c: pl.BlockSpec((r, c), lambda i: (0, 0))
    return pl.pallas_call(
        _tc_msg_body,
        grid=(_E // _BE,),
        in_specs=[
            pl.BlockSpec((_BE, _D), lambda i: (i, 0)),
            pl.BlockSpec((_BE, _D), lambda i: (i, 0)),
            pl.BlockSpec((_BE, _DE), lambda i: (i, 0)),
            full(_D, _D), full(_D, _D), full(_DE, _D), full(1, _D),
            full(_D, _D), full(_D, _D), full(_DE, _D), full(1, _D),
        ],
        out_specs=pl.BlockSpec((_BE, _D), lambda i: (i, 0)),
        out_shape=jax.ShapeDtypeStruct((_E, _D), _f32),
    )(pi, pj, ea, wfi, wfj, wfe, bf, wsi, wsj, wse, bs)


def _tc_update_body(h_ref, p0_ref, p1_ref, o_ref):
    o_ref[...] = _lrelu(h_ref[...] + p0_ref[...] + p1_ref[...])


def _tc_update(h, p0, p1):
    return pl.pallas_call(
        _tc_update_body,
        grid=(_N // _BN,),
        in_specs=[pl.BlockSpec((_BN, _D), lambda i: (i, 0))] * 3,
        out_specs=pl.BlockSpec((_BN, _D), lambda i: (i, 0)),
        out_shape=jax.ShapeDtypeStruct((_N, _D), _f32),
    )(h, p0, p1)


def _tc_head_body(h_ref, p0_ref, p1_ref, batch_ref, w1_ref, b1_ref,
                  w2_ref, b2_ref, atom_ref, out_ref, pooled):
    i = pl.program_id(0)
    ae = _lrelu(h_ref[...] + p0_ref[...] + p1_ref[...])
    atom_ref[...] = ae
    ids = batch_ref[0, 0, :]
    onehot = (lax.broadcasted_iota(jnp.int32, (_G, _BN), 0)
              == ids[None, :]).astype(_f32)
    contrib = jnp.dot(onehot, ae, preferred_element_type=_f32)

    @pl.when(i == 0)
    def _():
        pooled[...] = contrib

    @pl.when(i > 0)
    def _():
        pooled[...] += contrib

    @pl.when(i == _N // _BN - 1)
    def _():
        p = pooled[...]
        nrm = jnp.sqrt(jnp.sum(p * p, axis=1, keepdims=True))
        p = p / jnp.maximum(nrm, 1e-12)
        h2 = _lrelu(jnp.dot(p, w1_ref[...], preferred_element_type=_f32)
                    + b1_ref[...])
        out_ref[...] = (jnp.dot(h2, w2_ref[...], preferred_element_type=_f32)
                        + b2_ref[...])


def _tc_head(h, p0, p1, batch3d, w1, b1, w2, b2):
    full = lambda r, c: pl.BlockSpec((r, c), lambda i: (0, 0))
    return pl.pallas_call(
        _tc_head_body,
        grid=(_N // _BN,),
        in_specs=[
            pl.BlockSpec((_BN, _D), lambda i: (i, 0)),
            pl.BlockSpec((_BN, _D), lambda i: (i, 0)),
            pl.BlockSpec((_BN, _D), lambda i: (i, 0)),
            pl.BlockSpec((1, 1, _BN), lambda i: (i, 0, 0)),
            full(_D, _D), full(1, _D), full(_D, 1), full(1, 1),
        ],
        out_specs=[
            pl.BlockSpec((_BN, _D), lambda i: (i, 0)),
            pl.BlockSpec((_G, 1), lambda i: (0, 0)),
        ],
        out_shape=[
            jax.ShapeDtypeStruct((_N, _D), _f32),
            jax.ShapeDtypeStruct((_G, 1), _f32),
        ],
        scratch_shapes=[pltpu.VMEM((_G, _D), _f32)],
    )(h, p0, p1, batch3d, w1, b1, w2, b2)



def _layer(h, dst3d_g, src3d_g, dst3d_s, ea, zeros_sl, Wf, bf, Ws, bs):
    pi, pj = _sc_gather()(h, dst3d_g, src3d_g)
    msg = _tc_msg(
        pi, pj, ea,
        Wf[:_D], Wf[_D:2 * _D], Wf[2 * _D:], bf.reshape(1, _D),
        Ws[:_D], Ws[_D:2 * _D], Ws[2 * _D:], bs.reshape(1, _D),
    )
    parts = _sc_scatter()(msg, dst3d_s, zeros_sl)
    return parts[0], parts[1]


def kernel(x, edge_index, edge_attr, batch, W_node, b_node, Wf1, bf1, Ws1, bs1,
           Wf2, bf2, Ws2, bs2, W_fc1, b_fc1, W_fc2, b_fc2):
    dsti = edge_index[1].astype(jnp.int32)
    srci = edge_index[0].astype(jnp.int32)
    dst3d_g = dsti.reshape(_NW, _NCH, _CH)
    src3d_g = srci.reshape(_NW, _NCH, _CH)
    dst3d_s = dsti.reshape(_NW, _SNCH, _SCH)
    batch3d = batch.astype(jnp.int32).reshape(_N // _BN, 1, _BN)
    zeros_sl = jnp.zeros((_OBR, _D), _f32)

    h = _tc_transform(x, W_node, b_node.reshape(1, _D))
    p0, p1 = _layer(h, dst3d_g, src3d_g, dst3d_s, edge_attr, zeros_sl,
                    Wf1, bf1, Ws1, bs1)
    h1 = _tc_update(h, p0, p1)
    q0, q1 = _layer(h1, dst3d_g, src3d_g, dst3d_s, edge_attr, zeros_sl,
                    Wf2, bf2, Ws2, bs2)
    atom_embs, out = _tc_head(h1, q0, q1, batch3d,
                              W_fc1, b_fc1.reshape(1, _D),
                              W_fc2, b_fc2.reshape(1, 1))
    return (out, atom_embs)

# --- scband reference (transcript-rebuilt; emitter-appended) ---
"""Pipeline reference for scband-cgcnn-21131239096637 (READ-ONLY COPY).

The authoritative reference and input builder live on the scoring server;
editing this copy changes nothing except your own understanding.
"""

import jax, jax.numpy as jnp
import numpy as np

N = 10000
E = 320000
D_NODE = 128
D_EDGE = 16
D_HID = 128
D_OUT = 1
N_GRAPHS = 64


def setup_inputs(seed: int = 0) -> dict:
    key = jax.random.key(seed)
    ks = jax.random.split(key, 20)
    x = jax.random.normal(ks[0], (N, D_NODE), dtype=jnp.float32)
    edge_index = jax.random.randint(ks[1], (2, E), 0, N, dtype=jnp.int64)
    edge_attr = jax.random.uniform(ks[2], (E, D_EDGE), dtype=jnp.float32)
    batch = jnp.sort(jax.random.randint(ks[3], (N,), 0, N_GRAPHS, dtype=jnp.int64))
    s = 0.05
    d_z = 2 * D_HID + D_EDGE
    params = {
        'W_node': jax.random.normal(ks[4], (D_NODE, D_HID), dtype=jnp.float32) * s,
        'b_node': jnp.zeros((D_HID,), dtype=jnp.float32),
        'Wf1': jax.random.normal(ks[5], (d_z, D_HID), dtype=jnp.float32) * s,
        'bf1': jnp.zeros((D_HID,), dtype=jnp.float32),
        'Ws1': jax.random.normal(ks[6], (d_z, D_HID), dtype=jnp.float32) * s,
        'bs1': jnp.zeros((D_HID,), dtype=jnp.float32),
        'Wf2': jax.random.normal(ks[7], (d_z, D_HID), dtype=jnp.float32) * s,
        'bf2': jnp.zeros((D_HID,), dtype=jnp.float32),
        'Ws2': jax.random.normal(ks[8], (d_z, D_HID), dtype=jnp.float32) * s,
        'bs2': jnp.zeros((D_HID,), dtype=jnp.float32),
        'W_fc1': jax.random.normal(ks[9], (D_HID, D_HID), dtype=jnp.float32) * s,
        'b_fc1': jnp.zeros((D_HID,), dtype=jnp.float32),
        'W_fc2': jax.random.normal(ks[10], (D_HID, D_OUT), dtype=jnp.float32) * s,
        'b_fc2': jnp.zeros((D_OUT,), dtype=jnp.float32),
    }
    out = {'x': x, 'edge_index': edge_index, 'edge_attr': edge_attr, 'batch': batch}
    out.update(params)
    return out


def _cgconv(h, edge_index, edge_attr, Wf, bf, Ws, bs):
    # PyG CGConv: z = [x_i, x_j, e_ij]; msg = sigmoid(lin_f(z)) * softplus(lin_s(z)); out = x + scatter_add(msg, dst)
    src = edge_index[0]
    dst = edge_index[1]
    x_i = h[dst]
    x_j = h[src]
    z = jnp.concatenate([x_i, x_j, edge_attr], axis=-1)
    msg = jax.nn.sigmoid(z @ Wf + bf) * jax.nn.softplus(z @ Ws + bs)
    agg = jnp.zeros_like(h).at[dst].add(msg)
    return h + agg


def reference(x, edge_index, edge_attr, batch, W_node, b_node, Wf1, bf1, Ws1, bs1,
              Wf2, bf2, Ws2, bs2, W_fc1, b_fc1, W_fc2, b_fc2):
    lrelu = lambda t: jax.nn.leaky_relu(t, negative_slope=0.01)
    h = lrelu(x @ W_node + b_node)
    h = lrelu(_cgconv(h, edge_index, edge_attr, Wf1, bf1, Ws1, bs1))
    atom_embs = lrelu(_cgconv(h, edge_index, edge_attr, Wf2, bf2, Ws2, bs2))
    pooled = jax.ops.segment_sum(atom_embs, batch, num_segments=N_GRAPHS)
    norm = jnp.linalg.norm(pooled, ord=2, axis=1, keepdims=True)
    pooled = pooled / jnp.maximum(norm, 1e-12)
    h2 = lrelu(pooled @ W_fc1 + b_fc1)
    out = h2 @ W_fc2 + b_fc2
    return (out, atom_embs)

if __name__ == "__main__":
    import jax
    _d = setup_inputs()
    print(jax.jit(kernel)(*tuple(_d.values())))

</pallas_src>

<mosaic_0001>
#map = affine_map<(d0, d1) -> (0, 0)>
#map1 = affine_map<(d0, d1) -> (0, 0, 0)>
module attributes {stable_mosaic.version = 14 : i64} {
  func.func @_sc_gather_body(%arg0: i32, %arg1: i32, %arg2: memref<10000x128xf32, #tpu.memory_space<hbm>>, %arg3: memref<32x125x80xi32, #tpu.memory_space<hbm>>, %arg4: memref<32x125x80xi32, #tpu.memory_space<hbm>>, %arg5: memref<320000x128xf32, #tpu.memory_space<hbm>>, %arg6: memref<320000x128xf32, #tpu.memory_space<hbm>>, %arg7: memref<125x80xi32, #tpu.memory_space<vmem>>, %arg8: memref<125x80xi32, #tpu.memory_space<vmem>>, %arg9: memref<80x128xf32, #tpu.memory_space<vmem>>, %arg10: memref<80x128xf32, #tpu.memory_space<vmem>>, %arg11: memref<80x128xf32, #tpu.memory_space<vmem>>, %arg12: memref<80x128xf32, #tpu.memory_space<vmem>>, %arg13: memref<!tpu.dma_semaphore, #tpu.memory_space<semaphore_mem>>, %arg14: memref<!tpu.dma_semaphore, #tpu.memory_space<semaphore_mem>>, %arg15: memref<!tpu.dma_semaphore, #tpu.memory_space<semaphore_mem>>, %arg16: memref<!tpu.dma_semaphore, #tpu.memory_space<semaphore_mem>>) attributes {dimension_semantics = [#tpu.dimension_semantics<core_parallel>, #tpu.dimension_semantics<subcore_parallel>], iteration_bounds = array<i64: 2, 16>, scalar_prefetch = 0 : i64, scratch_operands = 10 : i64, tpu.core_type = #tpu.core_type<sc_vector_subcore>, window_params = [{transform_indices = #map}, {transform_indices = #map1}, {transform_indices = #map1}, {transform_indices = #map}, {transform_indices = #map}]} {
    %mul3A = arith.constant 2 : i32
    %mul3A_0 = arith.muli %arg1, %mul3A : i32
    %add3A = arith.addi %mul3A_0, %arg0 : i32
    %mul3A_1 = arith.constant 10000 : i32
    %mul3A_2 = arith.muli %add3A, %mul3A_1 : i32
    "tpu.region"() ({
      %run_scoped3A = tpu.sem_alloc : memref<!tpu.dma_semaphore, #tpu.memory_space<semaphore_mem>>
      %dma_start3A_79 = arith.constant 0 : i32
      %dma_start3A_80 = arith.constant 0 : i32
      %dma_start3A_81 = tpu.memref_slice %arg3[%add3A, %dma_start3A_79, %dma_start3A_80] : memref<32x125x80xi32, #tpu.memory_space<hbm>> -> memref<1x125x80xi32, #tpu.memory_space<hbm>>
      %dma_start3A_82 = tpu.memref_squeeze %dma_start3A_81 : memref<1x125x80xi32, #tpu.memory_space<hbm>> -> memref<125x80xi32, #tpu.memory_space<hbm>>
      %dma_start3A_83 = arith.constant 0 : i32
      %dma_start3A_84 = arith.constant 0 : i32
      %dma_start3A_85 = tpu.memref_slice %arg3[%add3A, %dma_start3A_83, %dma_start3A_84] : memref<32x125x80xi32, #tpu.memory_space<hbm>> -> memref<1x125x80xi32, #tpu.memory_space<hbm>>
      %dma_start3A_86 = tpu.memref_squeeze %dma_start3A_85 : memref<1x125x80xi32, #tpu.memory_space<hbm>> -> memref<125x80xi32, #tpu.memory_space<hbm>>
      tpu.enqueue_dma source(%dma_start3A_86 : memref<125x80xi32, #tpu.memory_space<hbm>>) target(%arg7 : memref<125x80xi32, #tpu.memory_space<vmem>>) target_semaphore(%run_scoped3A : memref<!tpu.dma_semaphore, #tpu.memory_space<semaphore_mem>>)
      %dma_wait3A_87 = arith.constant 0 : i32
      %dma_wait3A_88 = arith.constant 0 : i32
      %dma_wait3A_89 = tpu.memref_slice %arg3[%add3A, %dma_wait3A_87, %dma_wait3A_88] : memref<32x125x80xi32, #tpu.memory_space<hbm>> -> memref<1x125x80xi32, #tpu.memory_space<hbm>>
      %dma_wait3A_90 = tpu.memref_squeeze %dma_wait3A_89 : memref<1x125x80xi32, #tpu.memory_space<hbm>> -> memref<125x80xi32, #tpu.memory_space<hbm>>
      %dma_wait3A_91 = arith.constant 0 : i32
      %dma_wait3A_92 = arith.constant 0 : i32
      %dma_wait3A_93 = tpu.memref_slice %arg3[%add3A, %dma_wait3A_91, %dma_wait3A_92] : memref<32x125x80xi32, #tpu.memory_space<hbm>> -> memref<1x125x80xi32, #tpu.memory_space<hbm>>
      %dma_wait3A_94 = tpu.memref_squeeze %dma_wait3A_93 : memref<1x125x80xi32, #tpu.memory_space<hbm>> -> memref<125x80xi32, #tpu.memory_space<hbm>>
      tpu.wait_dma2 semaphore(%run_scoped3A : memref<!tpu.dma_semaphore, #tpu.memory_space<semaphore_mem>>) src(%dma_wait3A_94 : memref<125x80xi32, #tpu.memory_space<hbm>>) dst(%arg7 : memref<125x80xi32, #tpu.memory_space<vmem>>)
      tpu.yield
    }) : () -> ()
    "tpu.region"() ({
      %run_scoped3A = tpu.sem_alloc : memref<!tpu.dma_semaphore, #tpu.memory_space<semaphore_mem>>
      %dma_start3A_79 = arith.constant 0 : i32
      %dma_start3A_80 = arith.constant 0 : i32
      %dma_start3A_81 = tpu.memref_slice %arg4[%add3A, %dma_start3A_79, %dma_start3A_80] : memref<32x125x80xi32, #tpu.memory_space<hbm>> -> memref<1x125x80xi32, #tpu.memory_space<hbm>>
      %dma_start3A_82 = tpu.memref_squeeze %dma_start3A_81 : memref<1x125x80xi32, #tpu.memory_space<hbm>> -> memref<125x80xi32, #tpu.memory_space<hbm>>
      %dma_start3A_83 = arith.constant 0 : i32
      %dma_start3A_84 = arith.constant 0 : i32
      %dma_start3A_85 = tpu.memref_slice %arg4[%add3A, %dma_start3A_83, %dma_start3A_84] : memref<32x125x80xi32, #tpu.memory_space<hbm>> -> memref<1x125x80xi32, #tpu.memory_space<hbm>>
      %dma_start3A_86 = tpu.memref_squeeze %dma_start3A_85 : memref<1x125x80xi32, #tpu.memory_space<hbm>> -> memref<125x80xi32, #tpu.memory_space<hbm>>
      tpu.enqueue_dma source(%dma_start3A_86 : memref<125x80xi32, #tpu.memory_space<hbm>>) target(%arg8 : memref<125x80xi32, #tpu.memory_space<vmem>>) target_semaphore(%run_scoped3A : memref<!tpu.dma_semaphore, #tpu.memory_space<semaphore_mem>>)
      %dma_wait3A_87 = arith.constant 0 : i32
      %dma_wait3A_88 = arith.constant 0 : i32
      %dma_wait3A_89 = tpu.memref_slice %arg4[%add3A, %dma_wait3A_87, %dma_wait3A_88] : memref<32x125x80xi32, #tpu.memory_space<hbm>> -> memref<1x125x80xi32, #tpu.memory_space<hbm>>
      %dma_wait3A_90 = tpu.memref_squeeze %dma_wait3A_89 : memref<1x125x80xi32, #tpu.memory_space<hbm>> -> memref<125x80xi32, #tpu.memory_space<hbm>>
      %dma_wait3A_91 = arith.constant 0 : i32
      %dma_wait3A_92 = arith.constant 0 : i32
      %dma_wait3A_93 = tpu.memref_slice %arg4[%add3A, %dma_wait3A_91, %dma_wait3A_92] : memref<32x125x80xi32, #tpu.memory_space<hbm>> -> memref<1x125x80xi32, #tpu.memory_space<hbm>>
      %dma_wait3A_94 = tpu.memref_squeeze %dma_wait3A_93 : memref<1x125x80xi32, #tpu.memory_space<hbm>> -> memref<125x80xi32, #tpu.memory_space<hbm>>
      tpu.wait_dma2 semaphore(%run_scoped3A : memref<!tpu.dma_semaphore, #tpu.memory_space<semaphore_mem>>) src(%dma_wait3A_94 : memref<125x80xi32, #tpu.memory_space<hbm>>) dst(%arg8 : memref<125x80xi32, #tpu.memory_space<vmem>>)
      tpu.yield
    }) : () -> ()
    %scan3A = arith.constant 0 : i32
    %scan3A_3 = arith.constant 62 : i32
    %scan3A_4 = arith.addi %scan3A, %scan3A_3 : i32
    %scan3A_5 = arith.constant 1 : i32
    scf.for %scan3A_79 = %scan3A to %scan3A_4 step %scan3A_5  : i32 {
      %mul3A_80 = arith.constant 2 : i32
      %mul3A_81 = arith.muli %mul3A_80, %scan3A_79 : i32
      %gt3A = arith.constant 0 : i32
      %gt3A_82 = arith.cmpi sgt, %scan3A_79, %gt3A : i32
      %convert_element_type3A = arith.extui %gt3A_82 : i1 to i32
      %cond3A = arith.constant 0 : i32
      %cond3A_83 = arith.cmpi ne, %convert_element_type3A, %cond3A : i32
      scf.if %cond3A_83 {
        %dma_wait3A_158 = arith.constant 0 : i32
        %dma_wait3A_159 = arith.constant 0 : i32
        %dma_wait3A_160 = tpu.memref_slice %arg5[%dma_wait3A_158, %dma_wait3A_159] : memref<320000x128xf32, #tpu.memory_space<hbm>> -> memref<80x128xf32, #tpu.memory_space<hbm>>
        %dma_wait3A_161 = arith.constant 0 : i32
        %dma_wait3A_162 = arith.constant 0 : i32
        %dma_wait3A_163 = tpu.memref_slice %arg5[%dma_wait3A_161, %dma_wait3A_162] : memref<320000x128xf32, #tpu.memory_space<hbm>> -> memref<80x128xf32, #tpu.memory_space<hbm>>
        tpu.wait_dma2 semaphore(%arg15 : memref<!tpu.dma_semaphore, #tpu.memory_space<semaphore_mem>>) src(%arg9 : memref<80x128xf32, #tpu.memory_space<vmem>>) dst(%dma_wait3A_163 : memref<80x128xf32, #tpu.memory_space<hbm>>)
        %dma_wait3A_164 = arith.constant 0 : i32
        %dma_wait3A_165 = arith.constant 0 : i32
        %dma_wait3A_166 = tpu.memref_slice %arg6[%dma_wait3A_164, %dma_wait3A_165] : memref<320000x128xf32, #tpu.memory_space<hbm>> -> memref<80x128xf32, #tpu.memory_space<hbm>>
        %dma_wait3A_167 = arith.constant 0 : i32
        %dma_wait3A_168 = arith.constant 0 : i32
        %dma_wait3A_169 = tpu.memref_slice %arg6[%dma_wait3A_167, %dma_wait3A_168] : memref<320000x128xf32, #tpu.memory_space<hbm>> -> memref<80x128xf32, #tpu.memory_space<hbm>>
        tpu.wait_dma2 semaphore(%arg15 : memref<!tpu.dma_semaphore, #tpu.memory_space<semaphore_mem>>) src(%arg11 : memref<80x128xf32, #tpu.memory_space<vmem>>) dst(%dma_wait3A_169 : memref<80x128xf32, #tpu.memory_space<hbm>>)
        %dma_wait3A_170 = arith.constant 0 : i32
        %dma_wait3A_171 = arith.constant 0 : i32
        %dma_wait3A_172 = tpu.memref_slice %arg5[%dma_wait3A_170, %dma_wait3A_171] : memref<320000x128xf32, #tpu.memory_space<hbm>> -> memref<80x128xf32, #tpu.memory_space<hbm>>
        %dma_wait3A_173 = arith.constant 0 : i32
        %dma_wait3A_174 = arith.constant 0 : i32
        %dma_wait3A_175 = tpu.memref_slice %arg5[%dma_wait3A_173, %dma_wait3A_174] : memref<320000x128xf32, #tpu.memory_space<hbm>> -> memref<80x128xf32, #tpu.memory_space<hbm>>
        tpu.wait_dma2 semaphore(%arg16 : memref<!tpu.dma_semaphore, #tpu.memory_space<semaphore_mem>>) src(%arg10 : memref<80x128xf32, #tpu.memory_space<vmem>>) dst(%dma_wait3A_175 : memref<80x128xf32, #tpu.memory_space<hbm>>)
        %dma_wait3A_176 = arith.constant 0 : i32
        %dma_wait3A_177 = arith.constant 0 : i32
        %dma_wait3A_178 = tpu.memref_slice %arg6[%dma_wait3A_176, %dma_wait3A_177] : memref<320000x128xf32, #tpu.memory_space<hbm>> -> memref<80x128xf32, #tpu.memory_space<hbm>>
        %dma_wait3A_179 = arith.constant 0 : i32
        %dma_wait3A_180 = arith.constant 0 : i32
        %dma_wait3A_181 = tpu.memref_slice %arg6[%dma_wait3A_179, %dma_wait3A_180] : memref<320000x128xf32, #tpu.memory_space<hbm>> -> memref<80x128xf32, #tpu.memory_space<hbm>>
        tpu.wait_dma2 semaphore(%arg16 : memref<!tpu.dma_semaphore, #tpu.memory_space<semaphore_mem>>) src(%arg12 : memref<80x128xf32, #tpu.memory_space<vmem>>) dst(%dma_wait3A_181 : memref<80x128xf32, #tpu.memory_space<hbm>>)
      } else {
      }
      %dma_start3A_84 = arith.constant 0 : i32
      %dma_start3A_85 = tpu.memref_slice %arg7[%mul3A_81, %dma_start3A_84] : memref<125x80xi32, #tpu.memory_space<vmem>> -> memref<1x80xi32, #tpu.memory_space<vmem>>
      %dma_start3A_86 = tpu.memref_squeeze %dma_start3A_85 : memref<1x80xi32, #tpu.memory_space<vmem>> -> memref<80xi32, #tpu.memory_space<vmem>>
      %dma_start3A_87 = arith.constant 0 : i32
      %dma_start3A_88 = arith.constant 0 : i32
      %dma_start3A_89 = tpu.memref_slice %arg2[%dma_start3A_87, %dma_start3A_88] : memref<10000x128xf32, #tpu.memory_space<hbm>> -> memref<10000x128xf32, #tpu.memory_space<hbm>>
      tpu.enqueue_indirect_dma source(%dma_start3A_89 : memref<10000x128xf32, #tpu.memory_space<hbm>>) target(%arg9 : memref<80x128xf32, #tpu.memory_space<vmem>>) offsets(%dma_start3A_86 : memref<80xi32, #tpu.memory_space<vmem>>) semaphore(%arg13 : memref<!tpu.dma_semaphore, #tpu.memory_space<semaphore_mem>>)
      %dma_start3A_90 = arith.constant 0 : i32
      %dma_start3A_91 = tpu.memref_slice %arg8[%mul3A_81, %dma_start3A_90] : memref<125x80xi32, #tpu.memory_space<vmem>> -> memref<1x80xi32, #tpu.memory_space<vmem>>
      %dma_start3A_92 = tpu.memref_squeeze %dma_start3A_91 : memref<1x80xi32, #tpu.memory_space<vmem>> -> memref<80xi32, #tpu.memory_space<vmem>>
      %dma_start3A_93 = arith.constant 0 : i32
      %dma_start3A_94 = arith.constant 0 : i32
      %dma_start3A_95 = tpu.memref_slice %arg2[%dma_start3A_93, %dma_start3A_94] : memref<10000x128xf32, #tpu.memory_space<hbm>> -> memref<10000x128xf32, #tpu.memory_space<hbm>>
      tpu.enqueue_indirect_dma source(%dma_start3A_95 : memref<10000x128xf32, #tpu.memory_space<hbm>>) target(%arg11 : memref<80x128xf32, #tpu.memory_space<vmem>>) offsets(%dma_start3A_92 : memref<80xi32, #tpu.memory_space<vmem>>) semaphore(%arg13 : memref<!tpu.dma_semaphore, #tpu.memory_space<semaphore_mem>>)
      %add3A_96 = arith.constant 1 : i32
      %add3A_97 = arith.addi %mul3A_81, %add3A_96 : i32
      %dma_start3A_98 = arith.constant 0 : i32
      %dma_start3A_99 = tpu.memref_slice %arg7[%add3A_97, %dma_start3A_98] : memref<125x80xi32, #tpu.memory_space<vmem>> -> memref<1x80xi32, #tpu.memory_space<vmem>>
      %dma_start3A_100 = tpu.memref_squeeze %dma_start3A_99 : memref<1x80xi32, #tpu.memory_space<vmem>> -> memref<80xi32, #tpu.memory_space<vmem>>
      %dma_start3A_101 = arith.constant 0 : i32
      %dma_start3A_102 = arith.constant 0 : i32
      %dma_start3A_103 = tpu.memref_slice %arg2[%dma_start3A_101, %dma_start3A_102] : memref<10000x128xf32, #tpu.memory_space<hbm>> -> memref<10000x128xf32, #tpu.memory_space<hbm>>
      tpu.enqueue_indirect_dma source(%dma_start3A_103 : memref<10000x128xf32, #tpu.memory_space<hbm>>) target(%arg10 : memref<80x128xf32, #tpu.memory_space<vmem>>) offsets(%dma_start3A_100 : memref<80xi32, #tpu.memory_space<vmem>>) semaphore(%arg14 : memref<!tpu.dma_semaphore, #tpu.memory_space<semaphore_mem>>)
      %dma_start3A_104 = arith.constant 0 : i32
      %dma_start3A_105 = tpu.memref_slice %arg8[%add3A_97, %dma_start3A_104] : memref<125x80xi32, #tpu.memory_space<vmem>> -> memref<1x80xi32, #tpu.memory_space<vmem>>
      %dma_start3A_106 = tpu.memref_squeeze %dma_start3A_105 : memref<1x80xi32, #tpu.memory_space<vmem>> -> memref<80xi32, #tpu.memory_space<vmem>>
      %dma_start3A_107 = arith.constant 0 : i32
      %dma_start3A_108 = arith.constant 0 : i32
      %dma_start3A_109 = tpu.memref_slice %arg2[%dma_start3A_107, %dma_start3A_108] : memref<10000x128xf32, #tpu.memory_space<hbm>> -> memref<10000x128xf32, #tpu.memory_space<hbm>>
      tpu.enqueue_indirect_dma source(%dma_start3A_109 : memref<10000x128xf32, #tpu.memory_space<hbm>>) target(%arg12 : memref<80x128xf32, #tpu.memory_space<vmem>>) offsets(%dma_start3A_106 : memref<80xi32, #tpu.memory_space<vmem>>) semaphore(%arg14 : memref<!tpu.dma_semaphore, #tpu.memory_space<semaphore_mem>>)
      %dma_wait3A_110 = arith.constant 0 : i32
      %dma_wait3A_111 = tpu.memref_slice %arg7[%mul3A_81, %dma_wait3A_110] : memref<125x80xi32, #tpu.memory_space<vmem>> -> memref<1x80xi32, #tpu.memory_space<vmem>>
      %dma_wait3A_112 = tpu.memref_squeeze %dma_wait3A_111 : memref<1x80xi32, #tpu.memory_space<vmem>> -> memref<80xi32, #tpu.memory_space<vmem>>
      %dma_wait3A_113 = arith.constant 0 : i32
      %dma_wait3A_114 = arith.constant 0 : i32
      %dma_wait3A_115 = tpu.memref_slice %arg2[%dma_wait3A_113, %dma_wait3A_114] : memref<10000x128xf32, #tpu.memory_space<hbm>> -> memref<10000x128xf32, #tpu.memory_space<hbm>>
      tpu.wait_indirect_dma semaphore(%arg13 : memref<!tpu.dma_semaphore, #tpu.memory_space<semaphore_mem>>) src(%dma_wait3A_115 : memref<10000x128xf32, #tpu.memory_space<hbm>>) dst(%arg9 : memref<80x128xf32, #tpu.memory_space<vmem>>)
      %dma_wait3A_116 = arith.constant 0 : i32
      %dma_wait3A_117 = tpu.memref_slice %arg8[%mul3A_81, %dma_wait3A_116] : memref<125x80xi32, #tpu.memory_space<vmem>> -> memref<1x80xi32, #tpu.memory_space<vmem>>
      %dma_wait3A_118 = tpu.memref_squeeze %dma_wait3A_117 : memref<1x80xi32, #tpu.memory_space<vmem>> -> memref<80xi32, #tpu.memory_space<vmem>>
      %dma_wait3A_119 = arith.constant 0 : i32
      %dma_wait3A_120 = arith.constant 0 : i32
      %dma_wait3A_121 = tpu.memref_slice %arg2[%dma_wait3A_119, %dma_wait3A_120] : memref<10000x128xf32, #tpu.memory_space<hbm>> -> memref<10000x128xf32, #tpu.memory_space<hbm>>
      tpu.wait_indirect_dma semaphore(%arg13 : memref<!tpu.dma_semaphore, #tpu.memory_space<semaphore_mem>>) src(%dma_wait3A_121 : memref<10000x128xf32, #tpu.memory_space<hbm>>) dst(%arg11 : memref<80x128xf32, #tpu.memory_space<vmem>>)
      %mul3A_122 = arith.constant 80 : i32
      %mul3A_123 = arith.muli %mul3A_81, %mul3A_122 : i32
      %add3A_124 = arith.addi %mul3A_2, %mul3A_123 : i32
      %dma_start3A_125 = arith.constant 0 : i32
      %dma_start3A_126 = tpu.memref_slice %arg5[%add3A_124, %dma_start3A_125] : memref<320000x128xf32, #tpu.memory_space<hbm>> -> memref<80x128xf32, #tpu.memory_space<hbm>>
      %dma_start3A_127 = arith.constant 0 : i32
      %dma_start3A_128 = tpu.memref_slice %arg5[%add3A_124, %dma_start3A_127] : memref<320000x128xf32, #tpu.memory_space<hbm>> -> memref<80x128xf32, #tpu.memory_space<hbm>>
      tpu.enqueue_dma source(%arg9 : memref<80x128xf32, #tpu.memory_space<vmem>>) target(%dma_start3A_128 : memref<80x128xf32, #tpu.memory_space<hbm>>) target_semaphore(%arg15 : memref<!tpu.dma_semaphore, #tpu.memory_space<semaphore_mem>>)
      %dma_start3A_129 = arith.constant 0 : i32
      %dma_start3A_130 = tpu.memref_slice %arg6[%add3A_124, %dma_start3A_129] : memref<320000x128xf32, #tpu.memory_space<hbm>> -> memref<80x128xf32, #tpu.memory_space<hbm>>
      %dma_start3A_131 = arith.constant 0 : i32
      %dma_start3A_132 = tpu.memref_slice %arg6[%add3A_124, %dma_start3A_131] : memref<320000x128xf32, #tpu.memory_space<hbm>> -> memref<80x128xf32, #tpu.memory_space<hbm>>
      tpu.enqueue_dma source(%arg11 : memref<80x128xf32, #tpu.memory_space<vmem>>) target(%dma_start3A_132 : memref<80x128xf32, #tpu.memory_space<hbm>>) target_semaphore(%arg15 : memref<!tpu.dma_semaphore, #tpu.memory_space<semaphore_mem>>)
      %dma_wait3A_133 = arith.constant 0 : i32
      %dma_wait3A_134 = tpu.memref_slice %arg7[%add3A_97, %dma_wait3A_133] : memref<125x80xi32, #tpu.memory_space<vmem>> -> memref<1x80xi32, #tpu.memory_space<vmem>>
      %dma_wait3A_135 = tpu.memref_squeeze %dma_wait3A_134 : memref<1x80xi32, #tpu.memory_space<vmem>> -> memref<80xi32, #tpu.memory_space<vmem>>
      %dma_wait3A_136 = arith.constant 0 : i32
      %dma_wait3A_137 = arith.constant 0 : i32
      %dma_wait3A_138 = tpu.memref_slice %arg2[%dma_wait3A_136, %dma_wait3A_137] : memref<10000x128xf32, #tpu.memory_space<hbm>> -> memref<10000x128xf32, #tpu.memory_space<hbm>>
      tpu.wait_indirect_dma semaphore(%arg14 : memref<!tpu.dma_semaphore, #tpu.memory_space<semaphore_mem>>) src(%dma_wait3A_138 : memref<10000x128xf32, #tpu.memory_space<hbm>>) dst(%arg10 : memref<80x128xf32, #tpu.memory_space<vmem>>)
      %dma_wait3A_139 = arith.constant 0 : i32
      %dma_wait3A_140 = tpu.memref_slice %arg8[%add3A_97, %dma_wait3A_139] : memref<125x80xi32, #tpu.memory_space<vmem>> -> memref<1x80xi32, #tpu.memory_space<vmem>>
      %dma_wait3A_141 = tpu.memref_squeeze %dma_wait3A_140 : memref<1x80xi32, #tpu.memory_space<vmem>> -> memref<80xi32, #tpu.memory_space<vmem>>
      %dma_wait3A_142 = arith.constant 0 : i32
      %dma_wait3A_143 = arith.constant 0 : i32
      %dma_wait3A_144 = tpu.memref_slice %arg2[%dma_wait3A_142, %dma_wait3A_143] : memref<10000x128xf32, #tpu.memory_space<hbm>> -> memref<10000x128xf32, #tpu.memory_space<hbm>>
      tpu.wait_indirect_dma semaphore(%arg14 : memref<!tpu.dma_semaphore, #tpu.memory_space<semaphore_mem>>) src(%dma_wait3A_144 : memref<10000x128xf32, #tpu.memory_space<hbm>>) dst(%arg12 : memref<80x128xf32, #tpu.memory_space<vmem>>)
      %add3A_145 = arith.constant 1 : i32
      %add3A_146 = arith.addi %mul3A_81, %add3A_145 : i32
      %mul3A_147 = arith.constant 80 : i32
      %mul3A_148 = arith.muli %add3A_146, %mul3A_147 : i32
      %add3A_149 = arith.addi %mul3A_2, %mul3A_148 : i32
      %dma_start3A_150 = arith.constant 0 : i32
      %dma_start3A_151 = tpu.memref_slice %arg5[%add3A_149, %dma_start3A_150] : memref<320000x128xf32, #tpu.memory_space<hbm>> -> memref<80x128xf32, #tpu.memory_space<hbm>>
      %dma_start3A_152 = arith.constant 0 : i32
      %dma_start3A_153 = tpu.memref_slice %arg5[%add3A_149, %dma_start3A_152] : memref<320000x128xf32, #tpu.memory_space<hbm>> -> memref<80x128xf32, #tpu.memory_space<hbm>>
      tpu.enqueue_dma source(%arg10 : memref<80x128xf32, #tpu.memory_space<vmem>>) target(%dma_start3A_153 : memref<80x128xf32, #tpu.memory_space<hbm>>) target_semaphore(%arg16 : memref<!tpu.dma_semaphore, #tpu.memory_space<semaphore_mem>>)
      %dma_start3A_154 = arith.constant 0 : i32
      %dma_start3A_155 = tpu.memref_slice %arg6[%add3A_149, %dma_start3A_154] : memref<320000x128xf32, #tpu.memory_space<hbm>> -> memref<80x128xf32, #tpu.memory_space<hbm>>
      %dma_start3A_156 = arith.constant 0 : i32
      %dma_start3A_157 = tpu.memref_slice %arg6[%add3A_149, %dma_start3A_156] : memref<320000x128xf32, #tpu.memory_space<hbm>> -> memref<80x128xf32, #tpu.memory_space<hbm>>
      tpu.enqueue_dma source(%arg12 : memref<80x128xf32, #tpu.memory_space<vmem>>) target(%dma_start3A_157 : memref<80x128xf32, #tpu.memory_space<hbm>>) target_semaphore(%arg16 : memref<!tpu.dma_semaphore, #tpu.memory_space<semaphore_mem>>)
    }
    %scan3A_6 = arith.constant 62 : i32
    %dma_wait3A = arith.constant 0 : i32
    %dma_wait3A_7 = arith.constant 0 : i32
    %dma_wait3A_8 = tpu.memref_slice %arg5[%dma_wait3A, %dma_wait3A_7] : memref<320000x128xf32, #tpu.memory_space<hbm>> -> memref<80x128xf32, #tpu.memory_space<hbm>>
    %dma_wait3A_9 = arith.constant 0 : i32
    %dma_wait3A_10 = arith.constant 0 : i32
    %dma_wait3A_11 = tpu.memref_slice %arg5[%dma_wait3A_9, %dma_wait3A_10] : memref<320000x128xf32, #tpu.memory_space<hbm>> -> memref<80x128xf32, #tpu.memory_space<hbm>>
    tpu.wait_dma2 semaphore(%arg15 : memref<!tpu.dma_semaphore, #tpu.memory_space<semaphore_mem>>) src(%arg9 : memref<80x128xf32, #tpu.memory_space<vmem>>) dst(%dma_wait3A_11 : memref<80x128xf32, #tpu.memory_space<hbm>>)
    %dma_wait3A_12 = arith.constant 0 : i32
    %dma_wait3A_13 = arith.constant 0 : i32
    %dma_wait3A_14 = tpu.memref_slice %arg6[%dma_wait3A_12, %dma_wait3A_13] : memref<320000x128xf32, #tpu.memory_space<hbm>> -> memref<80x128xf32, #tpu.memory_space<hbm>>
    %dma_wait3A_15 = arith.constant 0 : i32
    %dma_wait3A_16 = arith.constant 0 : i32
    %dma_wait3A_17 = tpu.memref_slice %arg6[%dma_wait3A_15, %dma_wait3A_16] : memref<320000x128xf32, #tpu.memory_space<hbm>> -> memref<80x128xf32, #tpu.memory_space<hbm>>
    tpu.wait_dma2 semaphore(%arg15 : memref<!tpu.dma_semaphore, #tpu.memory_space<semaphore_mem>>) src(%arg11 : memref<80x128xf32, #tpu.memory_space<vmem>>) dst(%dma_wait3A_17 : memref<80x128xf32, #tpu.memory_space<hbm>>)
    %dma_start3A = arith.constant 124 : i32
    %dma_start3A_18 = arith.constant 0 : i32
    %dma_start3A_19 = tpu.memref_slice %arg7[%dma_start3A, %dma_start3A_18] : memref<125x80xi32, #tpu.memory_space<vmem>> -> memref<1x80xi32, #tpu.memory_space<vmem>>
    %dma_start3A_20 = tpu.memref_squeeze %dma_start3A_19 : memref<1x80xi32, #tpu.memory_space<vmem>> -> memref<80xi32, #tpu.memory_space<vmem>>
    %dma_start3A_21 = arith.constant 0 : i32
    %dma_start3A_22 = arith.constant 0 : i32
    %dma_start3A_23 = tpu.memref_slice %arg2[%dma_start3A_21, %dma_start3A_22] : memref<10000x128xf32, #tpu.memory_space<hbm>> -> memref<10000x128xf32, #tpu.memory_space<hbm>>
    tpu.enqueue_indirect_dma source(%dma_start3A_23 : memref<10000x128xf32, #tpu.memory_space<hbm>>) target(%arg9 : memref<80x128xf32, #tpu.memory_space<vmem>>) offsets(%dma_start3A_20 : memref<80xi32, #tpu.memory_space<vmem>>) semaphore(%arg13 : memref<!tpu.dma_semaphore, #tpu.memory_space<semaphore_mem>>)
    %dma_start3A_24 = arith.constant 124 : i32
    %dma_start3A_25 = arith.constant 0 : i32
    %dma_start3A_26 = tpu.memref_slice %arg8[%dma_start3A_24, %dma_start3A_25] : memref<125x80xi32, #tpu.memory_space<vmem>> -> memref<1x80xi32, #tpu.memory_space<vmem>>
    %dma_start3A_27 = tpu.memref_squeeze %dma_start3A_26 : memref<1x80xi32, #tpu.memory_space<vmem>> -> memref<80xi32, #tpu.memory_space<vmem>>
    %dma_start3A_28 = arith.constant 0 : i32
    %dma_start3A_29 = arith.constant 0 : i32
    %dma_start3A_30 = tpu.memref_slice %arg2[%dma_start3A_28, %dma_start3A_29] : memref<10000x128xf32, #tpu.memory_space<hbm>> -> memref<10000x128xf32, #tpu.memory_space<hbm>>
    tpu.enqueue_indirect_dma source(%dma_start3A_30 : memref<10000x128xf32, #tpu.memory_space<hbm>>) target(%arg11 : memref<80x128xf32, #tpu.memory_space<vmem>>) offsets(%dma_start3A_27 : memref<80xi32, #tpu.memory_space<vmem>>) semaphore(%arg13 : memref<!tpu.dma_semaphore, #tpu.memory_space<semaphore_mem>>)
    %dma_wait3A_31 = arith.constant 124 : i32
    %dma_wait3A_32 = arith.constant 0 : i32
    %dma_wait3A_33 = tpu.memref_slice %arg7[%dma_wait3A_31, %dma_wait3A_32] : memref<125x80xi32, #tpu.memory_space<vmem>> -> memref<1x80xi32, #tpu.memory_space<vmem>>
    %dma_wait3A_34 = tpu.memref_squeeze %dma_wait3A_33 : memref<1x80xi32, #tpu.memory_space<vmem>> -> memref<80xi32, #tpu.memory_space<vmem>>
    %dma_wait3A_35 = arith.constant 0 : i32
    %dma_wait3A_36 = arith.constant 0 : i32
    %dma_wait3A_37 = tpu.memref_slice %arg2[%dma_wait3A_35, %dma_wait3A_36] : memref<10000x128xf32, #tpu.memory_space<hbm>> -> memref<10000x128xf32, #tpu.memory_space<hbm>>
    tpu.wait_indirect_dma semaphore(%arg13 : memref<!tpu.dma_semaphore, #tpu.memory_space<semaphore_mem>>) src(%dma_wait3A_37 : memref<10000x128xf32, #tpu.memory_space<hbm>>) dst(%arg9 : memref<80x128xf32, #tpu.memory_space<vmem>>)
    %dma_wait3A_38 = arith.constant 124 : i32
    %dma_wait3A_39 = arith.constant 0 : i32
    %dma_wait3A_40 = tpu.memref_slice %arg8[%dma_wait3A_38, %dma_wait3A_39] : memref<125x80xi32, #tpu.memory_space<vmem>> -> memref<1x80xi32, #tpu.memory_space<vmem>>
    %dma_wait3A_41 = tpu.memref_squeeze %dma_wait3A_40 : memref<1x80xi32, #tpu.memory_space<vmem>> -> memref<80xi32, #tpu.memory_space<vmem>>
    %dma_wait3A_42 = arith.constant 0 : i32
    %dma_wait3A_43 = arith.constant 0 : i32
    %dma_wait3A_44 = tpu.memref_slice %arg2[%dma_wait3A_42, %dma_wait3A_43] : memref<10000x128xf32, #tpu.memory_space<hbm>> -> memref<10000x128xf32, #tpu.memory_space<hbm>>
    tpu.wait_indirect_dma semaphore(%arg13 : memref<!tpu.dma_semaphore, #tpu.memory_space<semaphore_mem>>) src(%dma_wait3A_44 : memref<10000x128xf32, #tpu.memory_space<hbm>>) dst(%arg11 : memref<80x128xf32, #tpu.memory_space<vmem>>)
    %add3A_45 = arith.constant 9920 : i32
    %add3A_46 = arith.addi %mul3A_2, %add3A_45 : i32
    %dma_start3A_47 = arith.constant 0 : i32
    %dma_start3A_48 = tpu.memref_slice %arg5[%add3A_46, %dma_start3A_47] : memref<320000x128xf32, #tpu.memory_space<hbm>> -> memref<80x128xf32, #tpu.memory_space<hbm>>
    %dma_start3A_49 = arith.constant 0 : i32
    %dma_start3A_50 = tpu.memref_slice %arg5[%add3A_46, %dma_start3A_49] : memref<320000x128xf32, #tpu.memory_space<hbm>> -> memref<80x128xf32, #tpu.memory_space<hbm>>
    tpu.enqueue_dma source(%arg9 : memref<80x128xf32, #tpu.memory_space<vmem>>) target(%dma_start3A_50 : memref<80x128xf32, #tpu.memory_space<hbm>>) target_semaphore(%arg15 : memref<!tpu.dma_semaphore, #tpu.memory_space<semaphore_mem>>)
    %dma_start3A_51 = arith.constant 0 : i32
    %dma_start3A_52 = tpu.memref_slice %arg6[%add3A_46, %dma_start3A_51] : memref<320000x128xf32, #tpu.memory_space<hbm>> -> memref<80x128xf32, #tpu.memory_space<hbm>>
    %dma_start3A_53 = arith.constant 0 : i32
    %dma_start3A_54 = tpu.memref_slice %arg6[%add3A_46, %dma_start3A_53] : memref<320000x128xf32, #tpu.memory_space<hbm>> -> memref<80x128xf32, #tpu.memory_space<hbm>>
    tpu.enqueue_dma source(%arg11 : memref<80x128xf32, #tpu.memory_space<vmem>>) target(%dma_start3A_54 : memref<80x128xf32, #tpu.memory_space<hbm>>) target_semaphore(%arg15 : memref<!tpu.dma_semaphore, #tpu.memory_space<semaphore_mem>>)
    %dma_wait3A_55 = arith.constant 0 : i32
    %dma_wait3A_56 = arith.constant 0 : i32
    %dma_wait3A_57 = tpu.memref_slice %arg5[%dma_wait3A_55, %dma_wait3A_56] : memref<320000x128xf32, #tpu.memory_space<hbm>> -> memref<80x128xf32, #tpu.memory_space<hbm>>
    %dma_wait3A_58 = arith.constant 0 : i32
    %dma_wait3A_59 = arith.constant 0 : i32
    %dma_wait3A_60 = tpu.memref_slice %arg5[%dma_wait3A_58, %dma_wait3A_59] : memref<320000x128xf32, #tpu.memory_space<hbm>> -> memref<80x128xf32, #tpu.memory_space<hbm>>
    tpu.wait_dma2 semaphore(%arg16 : memref<!tpu.dma_semaphore, #tpu.memory_space<semaphore_mem>>) src(%arg10 : memref<80x128xf32, #tpu.memory_space<vmem>>) dst(%dma_wait3A_60 : memref<80x128xf32, #tpu.memory_space<hbm>>)
    %dma_wait3A_61 = arith.constant 0 : i32
    %dma_wait3A_62 = arith.constant 0 : i32
    %dma_wait3A_63 = tpu.memref_slice %arg6[%dma_wait3A_61, %dma_wait3A_62] : memref<320000x128xf32, #tpu.memory_space<hbm>> -> memref<80x128xf32, #tpu.memory_space<hbm>>
    %dma_wait3A_64 = arith.constant 0 : i32
    %dma_wait3A_65 = arith.constant 0 : i32
    %dma_wait3A_66 = tpu.memref_slice %arg6[%dma_wait3A_64, %dma_wait3A_65] : memref<320000x128xf32, #tpu.memory_space<hbm>> -> memref<80x128xf32, #tpu.memory_space<hbm>>
    tpu.wait_dma2 semaphore(%arg16 : memref<!tpu.dma_semaphore, #tpu.memory_space<semaphore_mem>>) src(%arg12 : memref<80x128xf32, #tpu.memory_space<vmem>>) dst(%dma_wait3A_66 : memref<80x128xf32, #tpu.memory_space<hbm>>)
    %dma_wait3A_67 = arith.constant 0 : i32
    %dma_wait3A_68 = arith.constant 0 : i32
    %dma_wait3A_69 = tpu.memref_slice %arg5[%dma_wait3A_67, %dma_wait3A_68] : memref<320000x128xf32, #tpu.memory_space<hbm>> -> memref<80x128xf32, #tpu.memory_space<hbm>>
    %dma_wait3A_70 = arith.constant 0 : i32
    %dma_wait3A_71 = arith.constant 0 : i32
    %dma_wait3A_72 = tpu.memref_slice %arg5[%dma_wait3A_70, %dma_wait3A_71] : memref<320000x128xf32, #tpu.memory_space<hbm>> -> memref<80x128xf32, #tpu.memory_space<hbm>>
    tpu.wait_dma2 semaphore(%arg15 : memref<!tpu.dma_semaphore, #tpu.memory_space<semaphore_mem>>) src(%arg9 : memref<80x128xf32, #tpu.memory_space<vmem>>) dst(%dma_wait3A_72 : memref<80x128xf32, #tpu.memory_space<hbm>>)
    %dma_wait3A_73 = arith.constant 0 : i32
    %dma_wait3A_74 = arith.constant 0 : i32
    %dma_wait3A_75 = tpu.memref_slice %arg6[%dma_wait3A_73, %dma_wait3A_74] : memref<320000x128xf32, #tpu.memory_space<hbm>> -> memref<80x128xf32, #tpu.memory_space<hbm>>
    %dma_wait3A_76 = arith.constant 0 : i32
    %dma_wait3A_77 = arith.constant 0 : i32
    %dma_wait3A_78 = tpu.memref_slice %arg6[%dma_wait3A_76, %dma_wait3A_77] : memref<320000x128xf32, #tpu.memory_space<hbm>> -> memref<80x128xf32, #tpu.memory_space<hbm>>
    tpu.wait_dma2 semaphore(%arg15 : memref<!tpu.dma_semaphore, #tpu.memory_space<semaphore_mem>>) src(%arg11 : memref<80x128xf32, #tpu.memory_space<vmem>>) dst(%dma_wait3A_78 : memref<80x128xf32, #tpu.memory_space<hbm>>)
    return
  }
}

#map = affine_map<(d0, d1) -> (0, 0)>
#map1 = affine_map<(d0, d1) -> (0, 0, 0)>
module attributes {stable_mosaic.version = 14 : i64} {
  func.func @_sc_scatter_body(%arg0: i32, %arg1: i32, %arg2: memref<320000x128xf32, #tpu.memory_space<hbm>>, %arg3: memref<32x250x40xi32, #tpu.memory_space<hbm>>, %arg4: memref<40x128xf32, #tpu.memory_space<hbm>>, %arg5: memref<2x10240x128xf32, #tpu.memory_space<hbm>>, %arg6: memref<10240x128xf32, #tpu.memory_space<vmem_shared>>, %arg7: memref<250x40xi32, #tpu.memory_space<vmem>>, %arg8: memref<40x128xf32, #tpu.memory_space<vmem>>, %arg9: memref<40x128xf32, #tpu.memory_space<vmem>>, %arg10: memref<40x128xf32, #tpu.memory_space<vmem>>, %arg11: memref<!tpu.dma_semaphore, #tpu.memory_space<semaphore_mem>>, %arg12: memref<!tpu.dma_semaphore, #tpu.memory_space<semaphore_mem>>) attributes {dimension_semantics = [#tpu.dimension_semantics<core_parallel>, #tpu.dimension_semantics<subcore_parallel>], iteration_bounds = array<i64: 2, 16>, scalar_prefetch = 0 : i64, scratch_operands = 7 : i64, tpu.core_type = #tpu.core_type<sc_vector_subcore>, window_params = [{transform_indices = #map}, {transform_indices = #map1}, {transform_indices = #map}, {transform_indices = #map1}]} {
    %mul3A = arith.constant 2 : i32
    %mul3A_0 = arith.muli %arg1, %mul3A : i32
    %add3A = arith.addi %mul3A_0, %arg0 : i32
    %mul3A_1 = arith.constant 10000 : i32
    %mul3A_2 = arith.muli %add3A, %mul3A_1 : i32
    %mul3A_3 = arith.constant 640 : i32
    %mul3A_4 = arith.muli %arg1, %mul3A_3 : i32
    "tpu.region"() ({
      %run_scoped3A = tpu.sem_alloc : memref<!tpu.dma_semaphore, #tpu.memory_space<semaphore_mem>>
      tpu.enqueue_dma source(%arg4 : memref<40x128xf32, #tpu.memory_space<hbm>>) target(%arg10 : memref<40x128xf32, #tpu.memory_space<vmem>>) target_semaphore(%run_scoped3A : memref<!tpu.dma_semaphore, #tpu.memory_space<semaphore_mem>>)
      tpu.wait_dma2 semaphore(%run_scoped3A : memref<!tpu.dma_semaphore, #tpu.memory_space<semaphore_mem>>) src(%arg4 : memref<40x128xf32, #tpu.memory_space<hbm>>) dst(%arg10 : memref<40x128xf32, #tpu.memory_space<vmem>>)
      tpu.yield
    }) : () -> ()
    %add3A_5 = arith.constant 0 : i32
    %add3A_6 = arith.addi %mul3A_4, %add3A_5 : i32
    "tpu.region"() ({
      %run_scoped3A = tpu.sem_alloc : memref<!tpu.dma_semaphore, #tpu.memory_space<semaphore_mem>>
      %dma_start3A_85 = arith.constant 0 : i32
      %dma_start3A_86 = tpu.memref_slice %arg6[%add3A_6, %dma_start3A_85] : memref<10240x128xf32, #tpu.memory_space<vmem_shared>> -> memref<40x128xf32, #tpu.memory_space<vmem_shared>>
      %dma_start3A_87 = arith.constant 0 : i32
      %dma_start3A_88 = tpu.memref_slice %arg6[%add3A_6, %dma_start3A_87] : memref<10240x128xf32, #tpu.memory_space<vmem_shared>> -> memref<40x128xf32, #tpu.memory_space<vmem_shared>>
      tpu.enqueue_dma source(%arg10 : memref<40x128xf32, #tpu.memory_space<vmem>>) target(%dma_start3A_88 : memref<40x128xf32, #tpu.memory_space<vmem_shared>>) target_semaphore(%run_scoped3A : memref<!tpu.dma_semaphore, #tpu.memory_space<semaphore_mem>>)
      %dma_wait3A = arith.constant 0 : i32
      %dma_wait3A_89 = tpu.memref_slice %arg6[%add3A_6, %dma_wait3A] : memref<10240x128xf32, #tpu.memory_space<vmem_shared>> -> memref<40x128xf32, #tpu.memory_space<vmem_shared>>
      %dma_wait3A_90 = arith.constant 0 : i32
      %dma_wait3A_91 = tpu.memref_slice %arg6[%add3A_6, %dma_wait3A_90] : memref<10240x128xf32, #tpu.memory_space<vmem_shared>> -> memref<40x128xf32, #tpu.memory_space<vmem_shared>>
      tpu.wait_dma2 semaphore(%run_scoped3A : memref<!tpu.dma_semaphore, #tpu.memory_space<semaphore_mem>>) src(%arg10 : memref<40x128xf32, #tpu.memory_space<vmem>>) dst(%dma_wait3A_91 : memref<40x128xf32, #tpu.memory_space<vmem_shared>>)
      tpu.yield
    }) : () -> ()
    %add3A_7 = arith.constant 40 : i32
    %add3A_8 = arith.addi %mul3A_4, %add3A_7 : i32
    "tpu.region"() ({
      %run_scoped3A = tpu.sem_alloc : memref<!tpu.dma_semaphore, #tpu.memory_space<semaphore_mem>>
      %dma_start3A_85 = arith.constant 0 : i32
      %dma_start3A_86 = tpu.memref_slice %arg6[%add3A_8, %dma_start3A_85] : memref<10240x128xf32, #tpu.memory_space<vmem_shared>> -> memref<40x128xf32, #tpu.memory_space<vmem_shared>>
      %dma_start3A_87 = arith.constant 0 : i32
      %dma_start3A_88 = tpu.memref_slice %arg6[%add3A_8, %dma_start3A_87] : memref<10240x128xf32, #tpu.memory_space<vmem_shared>> -> memref<40x128xf32, #tpu.memory_space<vmem_shared>>
      tpu.enqueue_dma source(%arg10 : memref<40x128xf32, #tpu.memory_space<vmem>>) target(%dma_start3A_88 : memref<40x128xf32, #tpu.memory_space<vmem_shared>>) target_semaphore(%run_scoped3A : memref<!tpu.dma_semaphore, #tpu.memory_space<semaphore_mem>>)
      %dma_wait3A = arith.constant 0 : i32
      %dma_wait3A_89 = tpu.memref_slice %arg6[%add3A_8, %dma_wait3A] : memref<10240x128xf32, #tpu.memory_space<vmem_shared>> -> memref<40x128xf32, #tpu.memory_space<vmem_shared>>
      %dma_wait3A_90 = arith.constant 0 : i32
      %dma_wait3A_91 = tpu.memref_slice %arg6[%add3A_8, %dma_wait3A_90] : memref<10240x128xf32, #tpu.memory_space<vmem_shared>> -> memref<40x128xf32, #tpu.memory_space<vmem_shared>>
      tpu.wait_dma2 semaphore(%run_scoped3A : memref<!tpu.dma_semaphore, #tpu.memory_space<semaphore_mem>>) src(%arg10 : memref<40x128xf32, #tpu.memory_space<vmem>>) dst(%dma_wait3A_91 : memref<40x128xf32, #tpu.memory_space<vmem_shared>>)
      tpu.yield
    }) : () -> ()
    %add3A_9 = arith.constant 80 : i32
    %add3A_10 = arith.addi %mul3A_4, %add3A_9 : i32
    "tpu.region"() ({
      %run_scoped3A = tpu.sem_alloc : memref<!tpu.dma_semaphore, #tpu.memory_space<semaphore_mem>>
      %dma_start3A_85 = arith.constant 0 : i32
      %dma_start3A_86 = tpu.memref_slice %arg6[%add3A_10, %dma_start3A_85] : memref<10240x128xf32, #tpu.memory_space<vmem_shared>> -> memref<40x128xf32, #tpu.memory_space<vmem_shared>>
      %dma_start3A_87 = arith.constant 0 : i32
      %dma_start3A_88 = tpu.memref_slice %arg6[%add3A_10, %dma_start3A_87] : memref<10240x128xf32, #tpu.memory_space<vmem_shared>> -> memref<40x128xf32, #tpu.memory_space<vmem_shared>>
      tpu.enqueue_dma source(%arg10 : memref<40x128xf32, #tpu.memory_space<vmem>>) target(%dma_start3A_88 : memref<40x128xf32, #tpu.memory_space<vmem_shared>>) target_semaphore(%run_scoped3A : memref<!tpu.dma_semaphore, #tpu.memory_space<semaphore_mem>>)
      %dma_wait3A = arith.constant 0 : i32
      %dma_wait3A_89 = tpu.memref_slice %arg6[%add3A_10, %dma_wait3A] : memref<10240x128xf32, #tpu.memory_space<vmem_shared>> -> memref<40x128xf32, #tpu.memory_space<vmem_shared>>
      %dma_wait3A_90 = arith.constant 0 : i32
      %dma_wait3A_91 = tpu.memref_slice %arg6[%add3A_10, %dma_wait3A_90] : memref<10240x128xf32, #tpu.memory_space<vmem_shared>> -> memref<40x128xf32, #tpu.memory_space<vmem_shared>>
      tpu.wait_dma2 semaphore(%run_scoped3A : memref<!tpu.dma_semaphore, #tpu.memory_space<semaphore_mem>>) src(%arg10 : memref<40x128xf32, #tpu.memory_space<vmem>>) dst(%dma_wait3A_91 : memref<40x128xf32, #tpu.memory_space<vmem_shared>>)
      tpu.yield
    }) : () -> ()
    %add3A_11 = arith.constant 120 : i32
    %add3A_12 = arith.addi %mul3A_4, %add3A_11 : i32
    "tpu.region"() ({
      %run_scoped3A = tpu.sem_alloc : memref<!tpu.dma_semaphore, #tpu.memory_space<semaphore_mem>>
      %dma_start3A_85 = arith.constant 0 : i32
      %dma_start3A_86 = tpu.memref_slice %arg6[%add3A_12, %dma_start3A_85] : memref<10240x128xf32, #tpu.memory_space<vmem_shared>> -> memref<40x128xf32, #tpu.memory_space<vmem_shared>>
      %dma_start3A_87 = arith.constant 0 : i32
      %dma_start3A_88 = tpu.memref_slice %arg6[%add3A_12, %dma_start3A_87] : memref<10240x128xf32, #tpu.memory_space<vmem_shared>> -> memref<40x128xf32, #tpu.memory_space<vmem_shared>>
      tpu.enqueue_dma source(%arg10 : memref<40x128xf32, #tpu.memory_space<vmem>>) target(%dma_start3A_88 : memref<40x128xf32, #tpu.memory_space<vmem_shared>>) target_semaphore(%run_scoped3A : memref<!tpu.dma_semaphore, #tpu.memory_space<semaphore_mem>>)
      %dma_wait3A = arith.constant 0 : i32
      %dma_wait3A_89 = tpu.memref_slice %arg6[%add3A_12, %dma_wait3A] : memref<10240x128xf32, #tpu.memory_space<vmem_shared>> -> memref<40x128xf32, #tpu.memory_space<vmem_shared>>
      %dma_wait3A_90 = arith.constant 0 : i32
      %dma_wait3A_91 = tpu.memref_slice %arg6[%add3A_12, %dma_wait3A_90] : memref<10240x128xf32, #tpu.memory_space<vmem_shared>> -> memref<40x128xf32, #tpu.memory_space<vmem_shared>>
      tpu.wait_dma2 semaphore(%run_scoped3A : memref<!tpu.dma_semaphore, #tpu.memory_space<semaphore_mem>>) src(%arg10 : memref<40x128xf32, #tpu.memory_space<vmem>>) dst(%dma_wait3A_91 : memref<40x128xf32, #tpu.memory_space<vmem_shared>>)
      tpu.yield
    }) : () -> ()
    %add3A_13 = arith.constant 160 : i32
    %add3A_14 = arith.addi %mul3A_4, %add3A_13 : i32
    "tpu.region"() ({
      %run_scoped3A = tpu.sem_alloc : memref<!tpu.dma_semaphore, #tpu.memory_space<semaphore_mem>>
      %dma_start3A_85 = arith.constant 0 : i32
      %dma_start3A_86 = tpu.memref_slice %arg6[%add3A_14, %dma_start3A_85] : memref<10240x128xf32, #tpu.memory_space<vmem_shared>> -> memref<40x128xf32, #tpu.memory_space<vmem_shared>>
      %dma_start3A_87 = arith.constant 0 : i32
      %dma_start3A_88 = tpu.memref_slice %arg6[%add3A_14, %dma_start3A_87] : memref<10240x128xf32, #tpu.memory_space<vmem_shared>> -> memref<40x128xf32, #tpu.memory_space<vmem_shared>>
      tpu.enqueue_dma source(%arg10 : memref<40x128xf32, #tpu.memory_space<vmem>>) target(%dma_start3A_88 : memref<40x128xf32, #tpu.memory_space<vmem_shared>>) target_semaphore(%run_scoped3A : memref<!tpu.dma_semaphore, #tpu.memory_space<semaphore_mem>>)
      %dma_wait3A = arith.constant 0 : i32
      %dma_wait3A_89 = tpu.memref_slice %arg6[%add3A_14, %dma_wait3A] : memref<10240x128xf32, #tpu.memory_space<vmem_shared>> -> memref<40x128xf32, #tpu.memory_space<vmem_shared>>
      %dma_wait3A_90 = arith.constant 0 : i32
      %dma_wait3A_91 = tpu.memref_slice %arg6[%add3A_14, %dma_wait3A_90] : memref<10240x128xf32, #tpu.memory_space<vmem_shared>> -> memref<40x128xf32, #tpu.memory_space<vmem_shared>>
      tpu.wait_dma2 semaphore(%run_scoped3A : memref<!tpu.dma_semaphore, #tpu.memory_space<semaphore_mem>>) src(%arg10 : memref<40x128xf32, #tpu.memory_space<vmem>>) dst(%dma_wait3A_91 : memref<40x128xf32, #tpu.memory_space<vmem_shared>>)
      tpu.yield
    }) : () -> ()
    %add3A_15 = arith.constant 200 : i32
    %add3A_16 = arith.addi %mul3A_4, %add3A_15 : i32
    "tpu.region"() ({
      %run_scoped3A = tpu.sem_alloc : memref<!tpu.dma_semaphore, #tpu.memory_space<semaphore_mem>>
      %dma_start3A_85 = arith.constant 0 : i32
      %dma_start3A_86 = tpu.memref_slice %arg6[%add3A_16, %dma_start3A_85] : memref<10240x128xf32, #tpu.memory_space<vmem_shared>> -> memref<40x128xf32, #tpu.memory_space<vmem_shared>>
      %dma_start3A_87 = arith.constant 0 : i32
      %dma_start3A_88 = tpu.memref_slice %arg6[%add3A_16, %dma_start3A_87] : memref<10240x128xf32, #tpu.memory_space<vmem_shared>> -> memref<40x128xf32, #tpu.memory_space<vmem_shared>>
      tpu.enqueue_dma source(%arg10 : memref<40x128xf32, #tpu.memory_space<vmem>>) target(%dma_start3A_88 : memref<40x128xf32, #tpu.memory_space<vmem_shared>>) target_semaphore(%run_scoped3A : memref<!tpu.dma_semaphore, #tpu.memory_space<semaphore_mem>>)
      %dma_wait3A = arith.constant 0 : i32
      %dma_wait3A_89 = tpu.memref_slice %arg6[%add3A_16, %dma_wait3A] : memref<10240x128xf32, #tpu.memory_space<vmem_shared>> -> memref<40x128xf32, #tpu.memory_space<vmem_shared>>
      %dma_wait3A_90 = arith.constant 0 : i32
      %dma_wait3A_91 = tpu.memref_slice %arg6[%add3A_16, %dma_wait3A_90] : memref<10240x128xf32, #tpu.memory_space<vmem_shared>> -> memref<40x128xf32, #tpu.memory_space<vmem_shared>>
      tpu.wait_dma2 semaphore(%run_scoped3A : memref<!tpu.dma_semaphore, #tpu.memory_space<semaphore_mem>>) src(%arg10 : memref<40x128xf32, #tpu.memory_space<vmem>>) dst(%dma_wait3A_91 : memref<40x128xf32, #tpu.memory_space<vmem_shared>>)
      tpu.yield
    }) : () -> ()
    %add3A_17 = arith.constant 240 : i32
    %add3A_18 = arith.addi %mul3A_4, %add3A_17 : i32
    "tpu.region"() ({
      %run_scoped3A = tpu.sem_alloc : memref<!tpu.dma_semaphore, #tpu.memory_space<semaphore_mem>>
      %dma_start3A_85 = arith.constant 0 : i32
      %dma_start3A_86 = tpu.memref_slice %arg6[%add3A_18, %dma_start3A_85] : memref<10240x128xf32, #tpu.memory_space<vmem_shared>> -> memref<40x128xf32, #tpu.memory_space<vmem_shared>>
      %dma_start3A_87 = arith.constant 0 : i32
      %dma_start3A_88 = tpu.memref_slice %arg6[%add3A_18, %dma_start3A_87] : memref<10240x128xf32, #tpu.memory_space<vmem_shared>> -> memref<40x128xf32, #tpu.memory_space<vmem_shared>>
      tpu.enqueue_dma source(%arg10 : memref<40x128xf32, #tpu.memory_space<vmem>>) target(%dma_start3A_88 : memref<40x128xf32, #tpu.memory_space<vmem_shared>>) target_semaphore(%run_scoped3A : memref<!tpu.dma_semaphore, #tpu.memory_space<semaphore_mem>>)
      %dma_wait3A = arith.constant 0 : i32
      %dma_wait3A_89 = tpu.memref_slice %arg6[%add3A_18, %dma_wait3A] : memref<10240x128xf32, #tpu.memory_space<vmem_shared>> -> memref<40x128xf32, #tpu.memory_space<vmem_shared>>
      %dma_wait3A_90 = arith.constant 0 : i32
      %dma_wait3A_91 = tpu.memref_slice %arg6[%add3A_18, %dma_wait3A_90] : memref<10240x128xf32, #tpu.memory_space<vmem_shared>> -> memref<40x128xf32, #tpu.memory_space<vmem_shared>>
      tpu.wait_dma2 semaphore(%run_scoped3A : memref<!tpu.dma_semaphore, #tpu.memory_space<semaphore_mem>>) src(%arg10 : memref<40x128xf32, #tpu.memory_space<vmem>>) dst(%dma_wait3A_91 : memref<40x128xf32, #tpu.memory_space<vmem_shared>>)
      tpu.yield
    }) : () -> ()
    %add3A_19 = arith.constant 280 : i32
    %add3A_20 = arith.addi %mul3A_4, %add3A_19 : i32
    "tpu.region"() ({
      %run_scoped3A = tpu.sem_alloc : memref<!tpu.dma_semaphore, #tpu.memory_space<semaphore_mem>>
      %dma_start3A_85 = arith.constant 0 : i32
      %dma_start3A_86 = tpu.memref_slice %arg6[%add3A_20, %dma_start3A_85] : memref<10240x128xf32, #tpu.memory_space<vmem_shared>> -> memref<40x128xf32, #tpu.memory_space<vmem_shared>>
      %dma_start3A_87 = arith.constant 0 : i32
      %dma_start3A_88 = tpu.memref_slice %arg6[%add3A_20, %dma_start3A_87] : memref<10240x128xf32, #tpu.memory_space<vmem_shared>> -> memref<40x128xf32, #tpu.memory_space<vmem_shared>>
      tpu.enqueue_dma source(%arg10 : memref<40x128xf32, #tpu.memory_space<vmem>>) target(%dma_start3A_88 : memref<40x128xf32, #tpu.memory_space<vmem_shared>>) target_semaphore(%run_scoped3A : memref<!tpu.dma_semaphore, #tpu.memory_space<semaphore_mem>>)
      %dma_wait3A = arith.constant 0 : i32
      %dma_wait3A_89 = tpu.memref_slice %arg6[%add3A_20, %dma_wait3A] : memref<10240x128xf32, #tpu.memory_space<vmem_shared>> -> memref<40x128xf32, #tpu.memory_space<vmem_shared>>
      %dma_wait3A_90 = arith.constant 0 : i32
      %dma_wait3A_91 = tpu.memref_slice %arg6[%add3A_20, %dma_wait3A_90] : memref<10240x128xf32, #tpu.memory_space<vmem_shared>> -> memref<40x128xf32, #tpu.memory_space<vmem_shared>>
      tpu.wait_dma2 semaphore(%run_scoped3A : memref<!tpu.dma_semaphore, #tpu.memory_space<semaphore_mem>>) src(%arg10 : memref<40x128xf32, #tpu.memory_space<vmem>>) dst(%dma_wait3A_91 : memref<40x128xf32, #tpu.memory_space<vmem_shared>>)
      tpu.yield
    }) : () -> ()
    %add3A_21 = arith.constant 320 : i32
    %add3A_22 = arith.addi %mul3A_4, %add3A_21 : i32
    "tpu.region"() ({
      %run_scoped3A = tpu.sem_alloc : memref<!tpu.dma_semaphore, #tpu.memory_space<semaphore_mem>>
      %dma_start3A_85 = arith.constant 0 : i32
      %dma_start3A_86 = tpu.memref_slice %arg6[%add3A_22, %dma_start3A_85] : memref<10240x128xf32, #tpu.memory_space<vmem_shared>> -> memref<40x128xf32, #tpu.memory_space<vmem_shared>>
      %dma_start3A_87 = arith.constant 0 : i32
      %dma_start3A_88 = tpu.memref_slice %arg6[%add3A_22, %dma_start3A_87] : memref<10240x128xf32, #tpu.memory_space<vmem_shared>> -> memref<40x128xf32, #tpu.memory_space<vmem_shared>>
      tpu.enqueue_dma source(%arg10 : memref<40x128xf32, #tpu.memory_space<vmem>>) target(%dma_start3A_88 : memref<40x128xf32, #tpu.memory_space<vmem_shared>>) target_semaphore(%run_scoped3A : memref<!tpu.dma_semaphore, #tpu.memory_space<semaphore_mem>>)
      %dma_wait3A = arith.constant 0 : i32
      %dma_wait3A_89 = tpu.memref_slice %arg6[%add3A_22, %dma_wait3A] : memref<10240x128xf32, #tpu.memory_space<vmem_shared>> -> memref<40x128xf32, #tpu.memory_space<vmem_shared>>
      %dma_wait3A_90 = arith.constant 0 : i32
      %dma_wait3A_91 = tpu.memref_slice %arg6[%add3A_22, %dma_wait3A_90] : memref<10240x128xf32, #tpu.memory_space<vmem_shared>> -> memref<40x128xf32, #tpu.memory_space<vmem_shared>>
      tpu.wait_dma2 semaphore(%run_scoped3A : memref<!tpu.dma_semaphore, #tpu.memory_space<semaphore_mem>>) src(%arg10 : memref<40x128xf32, #tpu.memory_space<vmem>>) dst(%dma_wait3A_91 : memref<40x128xf32, #tpu.memory_space<vmem_shared>>)
      tpu.yield
    }) : () -> ()
    %add3A_23 = arith.constant 360 : i32
    %add3A_24 = arith.addi %mul3A_4, %add3A_23 : i32
    "tpu.region"() ({
      %run_scoped3A = tpu.sem_alloc : memref<!tpu.dma_semaphore, #tpu.memory_space<semaphore_mem>>
      %dma_start3A_85 = arith.constant 0 : i32
      %dma_start3A_86 = tpu.memref_slice %arg6[%add3A_24, %dma_start3A_85] : memref<10240x128xf32, #tpu.memory_space<vmem_shared>> -> memref<40x128xf32, #tpu.memory_space<vmem_shared>>
      %dma_start3A_87 = arith.constant 0 : i32
      %dma_start3A_88 = tpu.memref_slice %arg6[%add3A_24, %dma_start3A_87] : memref<10240x128xf32, #tpu.memory_space<vmem_shared>> -> memref<40x128xf32, #tpu.memory_space<vmem_shared>>
      tpu.enqueue_dma source(%arg10 : memref<40x128xf32, #tpu.memory_space<vmem>>) target(%dma_start3A_88 : memref<40x128xf32, #tpu.memory_space<vmem_shared>>) target_semaphore(%run_scoped3A : memref<!tpu.dma_semaphore, #tpu.memory_space<semaphore_mem>>)
      %dma_wait3A = arith.constant 0 : i32
      %dma_wait3A_89 = tpu.memref_slice %arg6[%add3A_24, %dma_wait3A] : memref<10240x128xf32, #tpu.memory_space<vmem_shared>> -> memref<40x128xf32, #tpu.memory_space<vmem_shared>>
      %dma_wait3A_90 = arith.constant 0 : i32
      %dma_wait3A_91 = tpu.memref_slice %arg6[%add3A_24, %dma_wait3A_90] : memref<10240x128xf32, #tpu.memory_space<vmem_shared>> -> memref<40x128xf32, #tpu.memory_space<vmem_shared>>
      tpu.wait_dma2 semaphore(%run_scoped3A : memref<!tpu.dma_semaphore, #tpu.memory_space<semaphore_mem>>) src(%arg10 : memref<40x128xf32, #tpu.memory_space<vmem>>) dst(%dma_wait3A_91 : memref<40x128xf32, #tpu.memory_space<vmem_shared>>)
      tpu.yield
    }) : () -> ()
    %add3A_25 = arith.constant 400 : i32
    %add3A_26 = arith.addi %mul3A_4, %add3A_25 : i32
    "tpu.region"() ({
      %run_scoped3A = tpu.sem_alloc : memref<!tpu.dma_semaphore, #tpu.memory_space<semaphore_mem>>
      %dma_start3A_85 = arith.constant 0 : i32
      %dma_start3A_86 = tpu.memref_slice %arg6[%add3A_26, %dma_start3A_85] : memref<10240x128xf32, #tpu.memory_space<vmem_shared>> -> memref<40x128xf32, #tpu.memory_space<vmem_shared>>
      %dma_start3A_87 = arith.constant 0 : i32
      %dma_start3A_88 = tpu.memref_slice %arg6[%add3A_26, %dma_start3A_87] : memref<10240x128xf32, #tpu.memory_space<vmem_shared>> -> memref<40x128xf32, #tpu.memory_space<vmem_shared>>
      tpu.enqueue_dma source(%arg10 : memref<40x128xf32, #tpu.memory_space<vmem>>) target(%dma_start3A_88 : memref<40x128xf32, #tpu.memory_space<vmem_shared>>) target_semaphore(%run_scoped3A : memref<!tpu.dma_semaphore, #tpu.memory_space<semaphore_mem>>)
      %dma_wait3A = arith.constant 0 : i32
      %dma_wait3A_89 = tpu.memref_slice %arg6[%add3A_26, %dma_wait3A] : memref<10240x128xf32, #tpu.memory_space<vmem_shared>> -> memref<40x128xf32, #tpu.memory_space<vmem_shared>>
      %dma_wait3A_90 = arith.constant 0 : i32
      %dma_wait3A_91 = tpu.memref_slice %arg6[%add3A_26, %dma_wait3A_90] : memref<10240x128xf32, #tpu.memory_space<vmem_shared>> -> memref<40x128xf32, #tpu.memory_space<vmem_shared>>
      tpu.wait_dma2 semaphore(%run_scoped3A : memref<!tpu.dma_semaphore, #tpu.memory_space<semaphore_mem>>) src(%arg10 : memref<40x128xf32, #tpu.memory_space<vmem>>) dst(%dma_wait3A_91 : memref<40x128xf32, #tpu.memory_space<vmem_shared>>)
      tpu.yield
    }) : () -> ()
    %add3A_27 = arith.constant 440 : i32
    %add3A_28 = arith.addi %mul3A_4, %add3A_27 : i32
    "tpu.region"() ({
      %run_scoped3A = tpu.sem_alloc : memref<!tpu.dma_semaphore, #tpu.memory_space<semaphore_mem>>
      %dma_start3A_85 = arith.constant 0 : i32
      %dma_start3A_86 = tpu.memref_slice %arg6[%add3A_28, %dma_start3A_85] : memref<10240x128xf32, #tpu.memory_space<vmem_shared>> -> memref<40x128xf32, #tpu.memory_space<vmem_shared>>
      %dma_start3A_87 = arith.constant 0 : i32
      %dma_start3A_88 = tpu.memref_slice %arg6[%add3A_28, %dma_start3A_87] : memref<10240x128xf32, #tpu.memory_space<vmem_shared>> -> memref<40x128xf32, #tpu.memory_space<vmem_shared>>
      tpu.enqueue_dma source(%arg10 : memref<40x128xf32, #tpu.memory_space<vmem>>) target(%dma_start3A_88 : memref<40x128xf32, #tpu.memory_space<vmem_shared>>) target_semaphore(%run_scoped3A : memref<!tpu.dma_semaphore, #tpu.memory_space<semaphore_mem>>)
      %dma_wait3A = arith.constant 0 : i32
      %dma_wait3A_89 = tpu.memref_slice %arg6[%add3A_28, %dma_wait3A] : memref<10240x128xf32, #tpu.memory_space<vmem_shared>> -> memref<40x128xf32, #tpu.memory_space<vmem_shared>>
      %dma_wait3A_90 = arith.constant 0 : i32
      %dma_wait3A_91 = tpu.memref_slice %arg6[%add3A_28, %dma_wait3A_90] : memref<10240x128xf32, #tpu.memory_space<vmem_shared>> -> memref<40x128xf32, #tpu.memory_space<vmem_shared>>
      tpu.wait_dma2 semaphore(%run_scoped3A : memref<!tpu.dma_semaphore, #tpu.memory_space<semaphore_mem>>) src(%arg10 : memref<40x128xf32, #tpu.memory_space<vmem>>) dst(%dma_wait3A_91 : memref<40x128xf32, #tpu.memory_space<vmem_shared>>)
      tpu.yield
    }) : () -> ()
    %add3A_29 = arith.constant 480 : i32
    %add3A_30 = arith.addi %mul3A_4, %add3A_29 : i32
    "tpu.region"() ({
      %run_scoped3A = tpu.sem_alloc : memref<!tpu.dma_semaphore, #tpu.memory_space<semaphore_mem>>
      %dma_start3A_85 = arith.constant 0 : i32
      %dma_start3A_86 = tpu.memref_slice %arg6[%add3A_30, %dma_start3A_85] : memref<10240x128xf32, #tpu.memory_space<vmem_shared>> -> memref<40x128xf32, #tpu.memory_space<vmem_shared>>
      %dma_start3A_87 = arith.constant 0 : i32
      %dma_start3A_88 = tpu.memref_slice %arg6[%add3A_30, %dma_start3A_87] : memref<10240x128xf32, #tpu.memory_space<vmem_shared>> -> memref<40x128xf32, #tpu.memory_space<vmem_shared>>
      tpu.enqueue_dma source(%arg10 : memref<40x128xf32, #tpu.memory_space<vmem>>) target(%dma_start3A_88 : memref<40x128xf32, #tpu.memory_space<vmem_shared>>) target_semaphore(%run_scoped3A : memref<!tpu.dma_semaphore, #tpu.memory_space<semaphore_mem>>)
      %dma_wait3A = arith.constant 0 : i32
      %dma_wait3A_89 = tpu.memref_slice %arg6[%add3A_30, %dma_wait3A] : memref<10240x128xf32, #tpu.memory_space<vmem_shared>> -> memref<40x128xf32, #tpu.memory_space<vmem_shared>>
      %dma_wait3A_90 = arith.constant 0 : i32
      %dma_wait3A_91 = tpu.memref_slice %arg6[%add3A_30, %dma_wait3A_90] : memref<10240x128xf32, #tpu.memory_space<vmem_shared>> -> memref<40x128xf32, #tpu.memory_space<vmem_shared>>
      tpu.wait_dma2 semaphore(%run_scoped3A : memref<!tpu.dma_semaphore, #tpu.memory_space<semaphore_mem>>) src(%arg10 : memref<40x128xf32, #tpu.memory_space<vmem>>) dst(%dma_wait3A_91 : memref<40x128xf32, #tpu.memory_space<vmem_shared>>)
      tpu.yield
    }) : () -> ()
    %add3A_31 = arith.constant 520 : i32
    %add3A_32 = arith.addi %mul3A_4, %add3A_31 : i32
    "tpu.region"() ({
      %run_scoped3A = tpu.sem_alloc : memref<!tpu.dma_semaphore, #tpu.memory_space<semaphore_mem>>
      %dma_start3A_85 = arith.constant 0 : i32
      %dma_start3A_86 = tpu.memref_slice %arg6[%add3A_32, %dma_start3A_85] : memref<10240x128xf32, #tpu.memory_space<vmem_shared>> -> memref<40x128xf32, #tpu.memory_space<vmem_shared>>
      %dma_start3A_87 = arith.constant 0 : i32
      %dma_start3A_88 = tpu.memref_slice %arg6[%add3A_32, %dma_start3A_87] : memref<10240x128xf32, #tpu.memory_space<vmem_shared>> -> memref<40x128xf32, #tpu.memory_space<vmem_shared>>
      tpu.enqueue_dma source(%arg10 : memref<40x128xf32, #tpu.memory_space<vmem>>) target(%dma_start3A_88 : memref<40x128xf32, #tpu.memory_space<vmem_shared>>) target_semaphore(%run_scoped3A : memref<!tpu.dma_semaphore, #tpu.memory_space<semaphore_mem>>)
      %dma_wait3A = arith.constant 0 : i32
      %dma_wait3A_89 = tpu.memref_slice %arg6[%add3A_32, %dma_wait3A] : memref<10240x128xf32, #tpu.memory_space<vmem_shared>> -> memref<40x128xf32, #tpu.memory_space<vmem_shared>>
      %dma_wait3A_90 = arith.constant 0 : i32
      %dma_wait3A_91 = tpu.memref_slice %arg6[%add3A_32, %dma_wait3A_90] : memref<10240x128xf32, #tpu.memory_space<vmem_shared>> -> memref<40x128xf32, #tpu.memory_space<vmem_shared>>
      tpu.wait_dma2 semaphore(%run_scoped3A : memref<!tpu.dma_semaphore, #tpu.memory_space<semaphore_mem>>) src(%arg10 : memref<40x128xf32, #tpu.memory_space<vmem>>) dst(%dma_wait3A_91 : memref<40x128xf32, #tpu.memory_space<vmem_shared>>)
      tpu.yield
    }) : () -> ()
    %add3A_33 = arith.constant 560 : i32
    %add3A_34 = arith.addi %mul3A_4, %add3A_33 : i32
    "tpu.region"() ({
      %run_scoped3A = tpu.sem_alloc : memref<!tpu.dma_semaphore, #tpu.memory_space<semaphore_mem>>
      %dma_start3A_85 = arith.constant 0 : i32
      %dma_start3A_86 = tpu.memref_slice %arg6[%add3A_34, %dma_start3A_85] : memref<10240x128xf32, #tpu.memory_space<vmem_shared>> -> memref<40x128xf32, #tpu.memory_space<vmem_shared>>
      %dma_start3A_87 = arith.constant 0 : i32
      %dma_start3A_88 = tpu.memref_slice %arg6[%add3A_34, %dma_start3A_87] : memref<10240x128xf32, #tpu.memory_space<vmem_shared>> -> memref<40x128xf32, #tpu.memory_space<vmem_shared>>
      tpu.enqueue_dma source(%arg10 : memref<40x128xf32, #tpu.memory_space<vmem>>) target(%dma_start3A_88 : memref<40x128xf32, #tpu.memory_space<vmem_shared>>) target_semaphore(%run_scoped3A : memref<!tpu.dma_semaphore, #tpu.memory_space<semaphore_mem>>)
      %dma_wait3A = arith.constant 0 : i32
      %dma_wait3A_89 = tpu.memref_slice %arg6[%add3A_34, %dma_wait3A] : memref<10240x128xf32, #tpu.memory_space<vmem_shared>> -> memref<40x128xf32, #tpu.memory_space<vmem_shared>>
      %dma_wait3A_90 = arith.constant 0 : i32
      %dma_wait3A_91 = tpu.memref_slice %arg6[%add3A_34, %dma_wait3A_90] : memref<10240x128xf32, #tpu.memory_space<vmem_shared>> -> memref<40x128xf32, #tpu.memory_space<vmem_shared>>
      tpu.wait_dma2 semaphore(%run_scoped3A : memref<!tpu.dma_semaphore, #tpu.memory_space<semaphore_mem>>) src(%arg10 : memref<40x128xf32, #tpu.memory_space<vmem>>) dst(%dma_wait3A_91 : memref<40x128xf32, #tpu.memory_space<vmem_shared>>)
      tpu.yield
    }) : () -> ()
    %add3A_35 = arith.constant 600 : i32
    %add3A_36 = arith.addi %mul3A_4, %add3A_35 : i32
    "tpu.region"() ({
      %run_scoped3A = tpu.sem_alloc : memref<!tpu.dma_semaphore, #tpu.memory_space<semaphore_mem>>
      %dma_start3A_85 = arith.constant 0 : i32
      %dma_start3A_86 = tpu.memref_slice %arg6[%add3A_36, %dma_start3A_85] : memref<10240x128xf32, #tpu.memory_space<vmem_shared>> -> memref<40x128xf32, #tpu.memory_space<vmem_shared>>
      %dma_start3A_87 = arith.constant 0 : i32
      %dma_start3A_88 = tpu.memref_slice %arg6[%add3A_36, %dma_start3A_87] : memref<10240x128xf32, #tpu.memory_space<vmem_shared>> -> memref<40x128xf32, #tpu.memory_space<vmem_shared>>
      tpu.enqueue_dma source(%arg10 : memref<40x128xf32, #tpu.memory_space<vmem>>) target(%dma_start3A_88 : memref<40x128xf32, #tpu.memory_space<vmem_shared>>) target_semaphore(%run_scoped3A : memref<!tpu.dma_semaphore, #tpu.memory_space<semaphore_mem>>)
      %dma_wait3A = arith.constant 0 : i32
      %dma_wait3A_89 = tpu.memref_slice %arg6[%add3A_36, %dma_wait3A] : memref<10240x128xf32, #tpu.memory_space<vmem_shared>> -> memref<40x128xf32, #tpu.memory_space<vmem_shared>>
      %dma_wait3A_90 = arith.constant 0 : i32
      %dma_wait3A_91 = tpu.memref_slice %arg6[%add3A_36, %dma_wait3A_90] : memref<10240x128xf32, #tpu.memory_space<vmem_shared>> -> memref<40x128xf32, #tpu.memory_space<vmem_shared>>
      tpu.wait_dma2 semaphore(%run_scoped3A : memref<!tpu.dma_semaphore, #tpu.memory_space<semaphore_mem>>) src(%arg10 : memref<40x128xf32, #tpu.memory_space<vmem>>) dst(%dma_wait3A_91 : memref<40x128xf32, #tpu.memory_space<vmem_shared>>)
      tpu.yield
    }) : () -> ()
    "tpu.region"() ({
      %run_scoped3A = tpu.sem_alloc : memref<!tpu.dma_semaphore, #tpu.memory_space<semaphore_mem>>
      %dma_start3A_85 = arith.constant 0 : i32
      %dma_start3A_86 = arith.constant 0 : i32
      %dma_start3A_87 = tpu.memref_slice %arg3[%add3A, %dma_start3A_85, %dma_start3A_86] : memref<32x250x40xi32, #tpu.memory_space<hbm>> -> memref<1x250x40xi32, #tpu.memory_space<hbm>>
      %dma_start3A_88 = tpu.memref_squeeze %dma_start3A_87 : memref<1x250x40xi32, #tpu.memory_space<hbm>> -> memref<250x40xi32, #tpu.memory_space<hbm>>
      %dma_start3A_89 = arith.constant 0 : i32
      %dma_start3A_90 = arith.constant 0 : i32
      %dma_start3A_91 = tpu.memref_slice %arg3[%add3A, %dma_start3A_89, %dma_start3A_90] : memref<32x250x40xi32, #tpu.memory_space<hbm>> -> memref<1x250x40xi32, #tpu.memory_space<hbm>>
      %dma_start3A_92 = tpu.memref_squeeze %dma_start3A_91 : memref<1x250x40xi32, #tpu.memory_space<hbm>> -> memref<250x40xi32, #tpu.memory_space<hbm>>
      tpu.enqueue_dma source(%dma_start3A_92 : memref<250x40xi32, #tpu.memory_space<hbm>>) target(%arg7 : memref<250x40xi32, #tpu.memory_space<vmem>>) target_semaphore(%run_scoped3A : memref<!tpu.dma_semaphore, #tpu.memory_space<semaphore_mem>>)
      %dma_wait3A = arith.constant 0 : i32
      %dma_wait3A_93 = arith.constant 0 : i32
      %dma_wait3A_94 = tpu.memref_slice %arg3[%add3A, %dma_wait3A, %dma_wait3A_93] : memref<32x250x40xi32, #tpu.memory_space<hbm>> -> memref<1x250x40xi32, #tpu.memory_space<hbm>>
      %dma_wait3A_95 = tpu.memref_squeeze %dma_wait3A_94 : memref<1x250x40xi32, #tpu.memory_space<hbm>> -> memref<250x40xi32, #tpu.memory_space<hbm>>
      %dma_wait3A_96 = arith.constant 0 : i32
      %dma_wait3A_97 = arith.constant 0 : i32
      %dma_wait3A_98 = tpu.memref_slice %arg3[%add3A, %dma_wait3A_96, %dma_wait3A_97] : memref<32x250x40xi32, #tpu.memory_space<hbm>> -> memref<1x250x40xi32, #tpu.memory_space<hbm>>
      %dma_wait3A_99 = tpu.memref_squeeze %dma_wait3A_98 : memref<1x250x40xi32, #tpu.memory_space<hbm>> -> memref<250x40xi32, #tpu.memory_space<hbm>>
      tpu.wait_dma2 semaphore(%run_scoped3A : memref<!tpu.dma_semaphore, #tpu.memory_space<semaphore_mem>>) src(%dma_wait3A_99 : memref<250x40xi32, #tpu.memory_space<hbm>>) dst(%arg7 : memref<250x40xi32, #tpu.memory_space<vmem>>)
      tpu.yield
    }) : () -> ()
    %barrier3A = arith.constant 0 : index
    tpu.barrier barrier_id(%barrier3A)
    %add3A_37 = arith.constant 0 : i32
    %add3A_38 = arith.addi %mul3A_2, %add3A_37 : i32
    %dma_start3A = arith.constant 0 : i32
    %dma_start3A_39 = tpu.memref_slice %arg2[%add3A_38, %dma_start3A] : memref<320000x128xf32, #tpu.memory_space<hbm>> -> memref<40x128xf32, #tpu.memory_space<hbm>>
    %dma_start3A_40 = arith.constant 0 : i32
    %dma_start3A_41 = tpu.memref_slice %arg2[%add3A_38, %dma_start3A_40] : memref<320000x128xf32, #tpu.memory_space<hbm>> -> memref<40x128xf32, #tpu.memory_space<hbm>>
    tpu.enqueue_dma source(%dma_start3A_41 : memref<40x128xf32, #tpu.memory_space<hbm>>) target(%arg8 : memref<40x128xf32, #tpu.memory_space<vmem>>) target_semaphore(%arg11 : memref<!tpu.dma_semaphore, #tpu.memory_space<semaphore_mem>>)
    %add3A_42 = arith.constant 40 : i32
    %add3A_43 = arith.addi %mul3A_2, %add3A_42 : i32
    %dma_start3A_44 = arith.constant 0 : i32
    %dma_start3A_45 = tpu.memref_slice %arg2[%add3A_43, %dma_start3A_44] : memref<320000x128xf32, #tpu.memory_space<hbm>> -> memref<40x128xf32, #tpu.memory_space<hbm>>
    %dma_start3A_46 = arith.constant 0 : i32
    %dma_start3A_47 = tpu.memref_slice %arg2[%add3A_43, %dma_start3A_46] : memref<320000x128xf32, #tpu.memory_space<hbm>> -> memref<40x128xf32, #tpu.memory_space<hbm>>
    tpu.enqueue_dma source(%dma_start3A_47 : memref<40x128xf32, #tpu.memory_space<hbm>>) target(%arg9 : memref<40x128xf32, #tpu.memory_space<vmem>>) target_semaphore(%arg12 : memref<!tpu.dma_semaphore, #tpu.memory_space<semaphore_mem>>)
    %scan3A = arith.constant 0 : i32
    %scan3A_48 = arith.constant 125 : i32
    %scan3A_49 = arith.addi %scan3A, %scan3A_48 : i32
    %scan3A_50 = arith.constant 1 : i32
    scf.for %scan3A_85 = %scan3A to %scan3A_49 step %scan3A_50  : i32 {
      %mul3A_86 = arith.constant 2 : i32
      %mul3A_87 = arith.muli %mul3A_86, %scan3A_85 : i32
      %add3A_88 = arith.constant 0 : i32
      %add3A_89 = arith.addi %mul3A_87, %add3A_88 : i32
      %dma_wait3A = arith.constant 0 : i32
      %dma_wait3A_90 = arith.constant 0 : i32
      %dma_wait3A_91 = tpu.memref_slice %arg2[%dma_wait3A, %dma_wait3A_90] : memref<320000x128xf32, #tpu.memory_space<hbm>> -> memref<40x128xf32, #tpu.memory_space<hbm>>
      %dma_wait3A_92 = arith.constant 0 : i32
      %dma_wait3A_93 = arith.constant 0 : i32
      %dma_wait3A_94 = tpu.memref_slice %arg2[%dma_wait3A_92, %dma_wait3A_93] : memref<320000x128xf32, #tpu.memory_space<hbm>> -> memref<40x128xf32, #tpu.memory_space<hbm>>
      tpu.wait_dma2 semaphore(%arg11 : memref<!tpu.dma_semaphore, #tpu.memory_space<semaphore_mem>>) src(%dma_wait3A_94 : memref<40x128xf32, #tpu.memory_space<hbm>>) dst(%arg8 : memref<40x128xf32, #tpu.memory_space<vmem>>)
      "tpu.region"() ({
        %run_scoped3A = tpu.sem_alloc : memref<!tpu.dma_semaphore, #tpu.memory_space<semaphore_mem>>
        %dma_start3A_112 = arith.constant 0 : i32
        %dma_start3A_113 = tpu.memref_slice %arg7[%add3A_89, %dma_start3A_112] : memref<250x40xi32, #tpu.memory_space<vmem>> -> memref<1x40xi32, #tpu.memory_space<vmem>>
        %dma_start3A_114 = tpu.memref_squeeze %dma_start3A_113 : memref<1x40xi32, #tpu.memory_space<vmem>> -> memref<40xi32, #tpu.memory_space<vmem>>
        %dma_start3A_115 = arith.constant 0 : i32
        %dma_start3A_116 = arith.constant 0 : i32
        %dma_start3A_117 = tpu.memref_slice %arg6[%dma_start3A_115, %dma_start3A_116] : memref<10240x128xf32, #tpu.memory_space<vmem_shared>> -> memref<10240x128xf32, #tpu.memory_space<vmem_shared>>
        tpu.enqueue_indirect_dma source(%arg8 : memref<40x128xf32, #tpu.memory_space<vmem>>) target(%dma_start3A_117 : memref<10240x128xf32, #tpu.memory_space<vmem_shared>>) offsets(%dma_start3A_114 : memref<40xi32, #tpu.memory_space<vmem>>) semaphore(%run_scoped3A : memref<!tpu.dma_semaphore, #tpu.memory_space<semaphore_mem>>) {add = true}
        %dma_wait3A_118 = arith.constant 0 : i32
        %dma_wait3A_119 = tpu.memref_slice %arg7[%add3A_89, %dma_wait3A_118] : memref<250x40xi32, #tpu.memory_space<vmem>> -> memref<1x40xi32, #tpu.memory_space<vmem>>
        %dma_wait3A_120 = tpu.memref_squeeze %dma_wait3A_119 : memref<1x40xi32, #tpu.memory_space<vmem>> -> memref<40xi32, #tpu.memory_space<vmem>>
        %dma_wait3A_121 = arith.constant 0 : i32
        %dma_wait3A_122 = arith.constant 0 : i32
        %dma_wait3A_123 = tpu.memref_slice %arg6[%dma_wait3A_121, %dma_wait3A_122] : memref<10240x128xf32, #tpu.memory_space<vmem_shared>> -> memref<10240x128xf32, #tpu.memory_space<vmem_shared>>
        tpu.wait_indirect_dma semaphore(%run_scoped3A : memref<!tpu.dma_semaphore, #tpu.memory_space<semaphore_mem>>) src(%arg8 : memref<40x128xf32, #tpu.memory_space<vmem>>) dst(%dma_wait3A_123 : memref<10240x128xf32, #tpu.memory_space<vmem_shared>>)
        tpu.yield
      }) : () -> ()
      %lt3A = arith.constant 248 : i32
      %lt3A_95 = arith.cmpi slt, %add3A_89, %lt3A : i32
      %convert_element_type3A = arith.extui %lt3A_95 : i1 to i32
      %cond3A = arith.constant 0 : i32
      %cond3A_96 = arith.cmpi ne, %convert_element_type3A, %cond3A : i32
      scf.if %cond3A_96 {
        %add3A_112 = arith.constant 2 : i32
        %add3A_113 = arith.addi %add3A_89, %add3A_112 : i32
        %mul3A_114 = arith.constant 40 : i32
        %mul3A_115 = arith.muli %add3A_113, %mul3A_114 : i32
        %add3A_116 = arith.addi %mul3A_2, %mul3A_115 : i32
        %dma_start3A_117 = arith.constant 0 : i32
        %dma_start3A_118 = tpu.memref_slice %arg2[%add3A_116, %dma_start3A_117] : memref<320000x128xf32, #tpu.memory_space<hbm>> -> memref<40x128xf32, #tpu.memory_space<hbm>>
        %dma_start3A_119 = arith.constant 0 : i32
        %dma_start3A_120 = tpu.memref_slice %arg2[%add3A_116, %dma_start3A_119] : memref<320000x128xf32, #tpu.memory_space<hbm>> -> memref<40x128xf32, #tpu.memory_space<hbm>>
        tpu.enqueue_dma source(%dma_start3A_120 : memref<40x128xf32, #tpu.memory_space<hbm>>) target(%arg8 : memref<40x128xf32, #tpu.memory_space<vmem>>) target_semaphore(%arg11 : memref<!tpu.dma_semaphore, #tpu.memory_space<semaphore_mem>>)
      } else {
      }
      %mul3A_97 = arith.constant 2 : i32
      %mul3A_98 = arith.muli %mul3A_97, %scan3A_85 : i32
      %add3A_99 = arith.constant 1 : i32
      %add3A_100 = arith.addi %mul3A_98, %add3A_99 : i32
      %dma_wait3A_101 = arith.constant 0 : i32
      %dma_wait3A_102 = arith.constant 0 : i32
      %dma_wait3A_103 = tpu.memref_slice %arg2[%dma_wait3A_101, %dma_wait3A_102] : memref<320000x128xf32, #tpu.memory_space<hbm>> -> memref<40x128xf32, #tpu.memory_space<hbm>>
      %dma_wait3A_104 = arith.constant 0 : i32
      %dma_wait3A_105 = arith.constant 0 : i32
      %dma_wait3A_106 = tpu.memref_slice %arg2[%dma_wait3A_104, %dma_wait3A_105] : memref<320000x128xf32, #tpu.memory_space<hbm>> -> memref<40x128xf32, #tpu.memory_space<hbm>>
      tpu.wait_dma2 semaphore(%arg12 : memref<!tpu.dma_semaphore, #tpu.memory_space<semaphore_mem>>) src(%dma_wait3A_106 : memref<40x128xf32, #tpu.memory_space<hbm>>) dst(%arg9 : memref<40x128xf32, #tpu.memory_space<vmem>>)
      "tpu.region"() ({
        %run_scoped3A = tpu.sem_alloc : memref<!tpu.dma_semaphore, #tpu.memory_space<semaphore_mem>>
        %dma_start3A_112 = arith.constant 0 : i32
        %dma_start3A_113 = tpu.memref_slice %arg7[%add3A_100, %dma_start3A_112] : memref<250x40xi32, #tpu.memory_space<vmem>> -> memref<1x40xi32, #tpu.memory_space<vmem>>
        %dma_start3A_114 = tpu.memref_squeeze %dma_start3A_113 : memref<1x40xi32, #tpu.memory_space<vmem>> -> memref<40xi32, #tpu.memory_space<vmem>>
        %dma_start3A_115 = arith.constant 0 : i32
        %dma_start3A_116 = arith.constant 0 : i32
        %dma_start3A_117 = tpu.memref_slice %arg6[%dma_start3A_115, %dma_start3A_116] : memref<10240x128xf32, #tpu.memory_space<vmem_shared>> -> memref<10240x128xf32, #tpu.memory_space<vmem_shared>>
        tpu.enqueue_indirect_dma source(%arg9 : memref<40x128xf32, #tpu.memory_space<vmem>>) target(%dma_start3A_117 : memref<10240x128xf32, #tpu.memory_space<vmem_shared>>) offsets(%dma_start3A_114 : memref<40xi32, #tpu.memory_space<vmem>>) semaphore(%run_scoped3A : memref<!tpu.dma_semaphore, #tpu.memory_space<semaphore_mem>>) {add = true}
        %dma_wait3A_118 = arith.constant 0 : i32
        %dma_wait3A_119 = tpu.memref_slice %arg7[%add3A_100, %dma_wait3A_118] : memref<250x40xi32, #tpu.memory_space<vmem>> -> memref<1x40xi32, #tpu.memory_space<vmem>>
        %dma_wait3A_120 = tpu.memref_squeeze %dma_wait3A_119 : memref<1x40xi32, #tpu.memory_space<vmem>> -> memref<40xi32, #tpu.memory_space<vmem>>
        %dma_wait3A_121 = arith.constant 0 : i32
        %dma_wait3A_122 = arith.constant 0 : i32
        %dma_wait3A_123 = tpu.memref_slice %arg6[%dma_wait3A_121, %dma_wait3A_122] : memref<10240x128xf32, #tpu.memory_space<vmem_shared>> -> memref<10240x128xf32, #tpu.memory_space<vmem_shared>>
        tpu.wait_indirect_dma semaphore(%run_scoped3A : memref<!tpu.dma_semaphore, #tpu.memory_space<semaphore_mem>>) src(%arg9 : memref<40x128xf32, #tpu.memory_space<vmem>>) dst(%dma_wait3A_123 : memref<10240x128xf32, #tpu.memory_space<vmem_shared>>)
        tpu.yield
      }) : () -> ()
      %lt3A_107 = arith.constant 248 : i32
      %lt3A_108 = arith.cmpi slt, %add3A_100, %lt3A_107 : i32
      %convert_element_type3A_109 = arith.extui %lt3A_108 : i1 to i32
      %cond3A_110 = arith.constant 0 : i32
      %cond3A_111 = arith.cmpi ne, %convert_element_type3A_109, %cond3A_110 : i32
      scf.if %cond3A_111 {
        %add3A_112 = arith.constant 2 : i32
        %add3A_113 = arith.addi %add3A_100, %add3A_112 : i32
        %mul3A_114 = arith.constant 40 : i32
        %mul3A_115 = arith.muli %add3A_113, %mul3A_114 : i32
        %add3A_116 = arith.addi %mul3A_2, %mul3A_115 : i32
        %dma_start3A_117 = arith.constant 0 : i32
        %dma_start3A_118 = tpu.memref_slice %arg2[%add3A_116, %dma_start3A_117] : memref<320000x128xf32, #tpu.memory_space<hbm>> -> memref<40x128xf32, #tpu.memory_space<hbm>>
        %dma_start3A_119 = arith.constant 0 : i32
        %dma_start3A_120 = tpu.memref_slice %arg2[%add3A_116, %dma_start3A_119] : memref<320000x128xf32, #tpu.memory_space<hbm>> -> memref<40x128xf32, #tpu.memory_space<hbm>>
        tpu.enqueue_dma source(%dma_start3A_120 : memref<40x128xf32, #tpu.memory_space<hbm>>) target(%arg9 : memref<40x128xf32, #tpu.memory_space<vmem>>) target_semaphore(%arg12 : memref<!tpu.dma_semaphore, #tpu.memory_space<semaphore_mem>>)
      } else {
      }
    }
    %scan3A_51 = arith.constant 125 : i32
    %barrier3A_52 = arith.constant 0 : index
    tpu.barrier barrier_id(%barrier3A_52)
    %add3A_53 = arith.constant 0 : i32
    %add3A_54 = arith.addi %mul3A_4, %add3A_53 : i32
    "tpu.region"() ({
      %run_scoped3A = tpu.sem_alloc : memref<!tpu.dma_semaphore, #tpu.memory_space<semaphore_mem>>
      %dma_start3A_85 = arith.constant 0 : i32
      %dma_start3A_86 = tpu.memref_slice %arg6[%add3A_54, %dma_start3A_85] : memref<10240x128xf32, #tpu.memory_space<vmem_shared>> -> memref<40x128xf32, #tpu.memory_space<vmem_shared>>
      %dma_start3A_87 = arith.constant 0 : i32
      %dma_start3A_88 = tpu.memref_slice %arg6[%add3A_54, %dma_start3A_87] : memref<10240x128xf32, #tpu.memory_space<vmem_shared>> -> memref<40x128xf32, #tpu.memory_space<vmem_shared>>
      tpu.enqueue_dma source(%dma_start3A_88 : memref<40x128xf32, #tpu.memory_space<vmem_shared>>) target(%arg10 : memref<40x128xf32, #tpu.memory_space<vmem>>) target_semaphore(%run_scoped3A : memref<!tpu.dma_semaphore, #tpu.memory_space<semaphore_mem>>)
      %dma_wait3A = arith.constant 0 : i32
      %dma_wait3A_89 = tpu.memref_slice %arg6[%add3A_54, %dma_wait3A] : memref<10240x128xf32, #tpu.memory_space<vmem_shared>> -> memref<40x128xf32, #tpu.memory_space<vmem_shared>>
      %dma_wait3A_90 = arith.constant 0 : i32
      %dma_wait3A_91 = tpu.memref_slice %arg6[%add3A_54, %dma_wait3A_90] : memref<10240x128xf32, #tpu.memory_space<vmem_shared>> -> memref<40x128xf32, #tpu.memory_space<vmem_shared>>
      tpu.wait_dma2 semaphore(%run_scoped3A : memref<!tpu.dma_semaphore, #tpu.memory_space<semaphore_mem>>) src(%dma_wait3A_91 : memref<40x128xf32, #tpu.memory_space<vmem_shared>>) dst(%arg10 : memref<40x128xf32, #tpu.memory_space<vmem>>)
      tpu.yield
    }) : () -> ()
    "tpu.region"() ({
      %run_scoped3A = tpu.sem_alloc : memref<!tpu.dma_semaphore, #tpu.memory_space<semaphore_mem>>
      %dma_start3A_85 = arith.constant 0 : i32
      %dma_start3A_86 = arith.constant 0 : i32
      %dma_start3A_87 = tpu.memref_slice %arg5[%arg0, %dma_start3A_85, %dma_start3A_86] : memref<2x10240x128xf32, #tpu.memory_space<hbm>> -> memref<1x10240x128xf32, #tpu.memory_space<hbm>>
      %dma_start3A_88 = tpu.memref_squeeze %dma_start3A_87 : memref<1x10240x128xf32, #tpu.memory_space<hbm>> -> memref<10240x128xf32, #tpu.memory_space<hbm>>
      %dma_start3A_89 = arith.constant 0 : i32
      %dma_start3A_90 = tpu.memref_slice %dma_start3A_88[%add3A_54, %dma_start3A_89] : memref<10240x128xf32, #tpu.memory_space<hbm>> -> memref<40x128xf32, #tpu.memory_space<hbm>>
      %dma_start3A_91 = arith.constant 0 : i32
      %dma_start3A_92 = arith.constant 0 : i32
      %dma_start3A_93 = tpu.memref_slice %arg5[%arg0, %dma_start3A_91, %dma_start3A_92] : memref<2x10240x128xf32, #tpu.memory_space<hbm>> -> memref<1x10240x128xf32, #tpu.memory_space<hbm>>
      %dma_start3A_94 = tpu.memref_squeeze %dma_start3A_93 : memref<1x10240x128xf32, #tpu.memory_space<hbm>> -> memref<10240x128xf32, #tpu.memory_space<hbm>>
      %dma_start3A_95 = arith.constant 0 : i32
      %dma_start3A_96 = tpu.memref_slice %dma_start3A_94[%add3A_54, %dma_start3A_95] : memref<10240x128xf32, #tpu.memory_space<hbm>> -> memref<40x128xf32, #tpu.memory_space<hbm>>
      tpu.enqueue_dma source(%arg10 : memref<40x128xf32, #tpu.memory_space<vmem>>) target(%dma_start3A_96 : memref<40x128xf32, #tpu.memory_space<hbm>>) target_semaphore(%run_scoped3A : memref<!tpu.dma_semaphore, #tpu.memory_space<semaphore_mem>>)
      %dma_wait3A = arith.constant 0 : i32
      %dma_wait3A_97 = arith.constant 0 : i32
      %dma_wait3A_98 = tpu.memref_slice %arg5[%arg0, %dma_wait3A, %dma_wait3A_97] : memref<2x10240x128xf32, #tpu.memory_space<hbm>> -> memref<1x10240x128xf32, #tpu.memory_space<hbm>>
      %dma_wait3A_99 = tpu.memref_squeeze %dma_wait3A_98 : memref<1x10240x128xf32, #tpu.memory_space<hbm>> -> memref<10240x128xf32, #tpu.memory_space<hbm>>
      %dma_wait3A_100 = arith.constant 0 : i32
      %dma_wait3A_101 = tpu.memref_slice %dma_wait3A_99[%add3A_54, %dma_wait3A_100] : memref<10240x128xf32, #tpu.memory_space<hbm>> -> memref<40x128xf32, #tpu.memory_space<hbm>>
      %dma_wait3A_102 = arith.constant 0 : i32
      %dma_wait3A_103 = arith.constant 0 : i32
      %dma_wait3A_104 = tpu.memref_slice %arg5[%arg0, %dma_wait3A_102, %dma_wait3A_103] : memref<2x10240x128xf32, #tpu.memory_space<hbm>> -> memref<1x10240x128xf32, #tpu.memory_space<hbm>>
      %dma_wait3A_105 = tpu.memref_squeeze %dma_wait3A_104 : memref<1x10240x128xf32, #tpu.memory_space<hbm>> -> memref<10240x128xf32, #tpu.memory_space<hbm>>
      %dma_wait3A_106 = arith.constant 0 : i32
      %dma_wait3A_107 = tpu.memref_slice %dma_wait3A_105[%add3A_54, %dma_wait3A_106] : memref<10240x128xf32, #tpu.memory_space<hbm>> -> memref<40x128xf32, #tpu.memory_space<hbm>>
      tpu.wait_dma2 semaphore(%run_scoped3A : memref<!tpu.dma_semaphore, #tpu.memory_space<semaphore_mem>>) src(%arg10 : memref<40x128xf32, #tpu.memory_space<vmem>>) dst(%dma_wait3A_107 : memref<40x128xf32, #tpu.memory_space<hbm>>)
      tpu.yield
    }) : () -> ()
    %add3A_55 = arith.constant 40 : i32
    %add3A_56 = arith.addi %mul3A_4, %add3A_55 : i32
    "tpu.region"() ({
      %run_scoped3A = tpu.sem_alloc : memref<!tpu.dma_semaphore, #tpu.memory_space<semaphore_mem>>
      %dma_start3A_85 = arith.constant 0 : i32
      %dma_start3A_86 = tpu.memref_slice %arg6[%add3A_56, %dma_start3A_85] : memref<10240x128xf32, #tpu.memory_space<vmem_shared>> -> memref<40x128xf32, #tpu.memory_space<vmem_shared>>
      %dma_start3A_87 = arith.constant 0 : i32
      %dma_start3A_88 = tpu.memref_slice %arg6[%add3A_56, %dma_start3A_87] : memref<10240x128xf32, #tpu.memory_space<vmem_shared>> -> memref<40x128xf32, #tpu.memory_space<vmem_shared>>
      tpu.enqueue_dma source(%dma_start3A_88 : memref<40x128xf32, #tpu.memory_space<vmem_shared>>) target(%arg10 : memref<40x128xf32, #tpu.memory_space<vmem>>) target_semaphore(%run_scoped3A : memref<!tpu.dma_semaphore, #tpu.memory_space<semaphore_mem>>)
      %dma_wait3A = arith.constant 0 : i32
      %dma_wait3A_89 = tpu.memref_slice %arg6[%add3A_56, %dma_wait3A] : memref<10240x128xf32, #tpu.memory_space<vmem_shared>> -> memref<40x128xf32, #tpu.memory_space<vmem_shared>>
      %dma_wait3A_90 = arith.constant 0 : i32
      %dma_wait3A_91 = tpu.memref_slice %arg6[%add3A_56, %dma_wait3A_90] : memref<10240x128xf32, #tpu.memory_space<vmem_shared>> -> memref<40x128xf32, #tpu.memory_space<vmem_shared>>
      tpu.wait_dma2 semaphore(%run_scoped3A : memref<!tpu.dma_semaphore, #tpu.memory_space<semaphore_mem>>) src(%dma_wait3A_91 : memref<40x128xf32, #tpu.memory_space<vmem_shared>>) dst(%arg10 : memref<40x128xf32, #tpu.memory_space<vmem>>)
      tpu.yield
    }) : () -> ()
    "tpu.region"() ({
      %run_scoped3A = tpu.sem_alloc : memref<!tpu.dma_semaphore, #tpu.memory_space<semaphore_mem>>
      %dma_start3A_85 = arith.constant 0 : i32
      %dma_start3A_86 = arith.constant 0 : i32
      %dma_start3A_87 = tpu.memref_slice %arg5[%arg0, %dma_start3A_85, %dma_start3A_86] : memref<2x10240x128xf32, #tpu.memory_space<hbm>> -> memref<1x10240x128xf32, #tpu.memory_space<hbm>>
      %dma_start3A_88 = tpu.memref_squeeze %dma_start3A_87 : memref<1x10240x128xf32, #tpu.memory_space<hbm>> -> memref<10240x128xf32, #tpu.memory_space<hbm>>
      %dma_start3A_89 = arith.constant 0 : i32
      %dma_start3A_90 = tpu.memref_slice %dma_start3A_88[%add3A_56, %dma_start3A_89] : memref<10240x128xf32, #tpu.memory_space<hbm>> -> memref<40x128xf32, #tpu.memory_space<hbm>>
      %dma_start3A_91 = arith.constant 0 : i32
      %dma_start3A_92 = arith.constant 0 : i32
      %dma_start3A_93 = tpu.memref_slice %arg5[%arg0, %dma_start3A_91, %dma_start3A_92] : memref<2x10240x128xf32, #tpu.memory_space<hbm>> -> memref<1x10240x128xf32, #tpu.memory_space<hbm>>
      %dma_start3A_94 = tpu.memref_squeeze %dma_start3A_93 : memref<1x10240x128xf32, #tpu.memory_space<hbm>> -> memref<10240x128xf32, #tpu.memory_space<hbm>>
      %dma_start3A_95 = arith.constant 0 : i32
      %dma_start3A_96 = tpu.memref_slice %dma_start3A_94[%add3A_56, %dma_start3A_95] : memref<10240x128xf32, #tpu.memory_space<hbm>> -> memref<40x128xf32, #tpu.memory_space<hbm>>
      tpu.enqueue_dma source(%arg10 : memref<40x128xf32, #tpu.memory_space<vmem>>) target(%dma_start3A_96 : memref<40x128xf32, #tpu.memory_space<hbm>>) target_semaphore(%run_scoped3A : memref<!tpu.dma_semaphore, #tpu.memory_space<semaphore_mem>>)
      %dma_wait3A = arith.constant 0 : i32
      %dma_wait3A_97 = arith.constant 0 : i32
      %dma_wait3A_98 = tpu.memref_slice %arg5[%arg0, %dma_wait3A, %dma_wait3A_97] : memref<2x10240x128xf32, #tpu.memory_space<hbm>> -> memref<1x10240x128xf32, #tpu.memory_space<hbm>>
      %dma_wait3A_99 = tpu.memref_squeeze %dma_wait3A_98 : memref<1x10240x128xf32, #tpu.memory_space<hbm>> -> memref<10240x128xf32, #tpu.memory_space<hbm>>
      %dma_wait3A_100 = arith.constant 0 : i32
      %dma_wait3A_101 = tpu.memref_slice %dma_wait3A_99[%add3A_56, %dma_wait3A_100] : memref<10240x128xf32, #tpu.memory_space<hbm>> -> memref<40x128xf32, #tpu.memory_space<hbm>>
      %dma_wait3A_102 = arith.constant 0 : i32
      %dma_wait3A_103 = arith.constant 0 : i32
      %dma_wait3A_104 = tpu.memref_slice %arg5[%arg0, %dma_wait3A_102, %dma_wait3A_103] : memref<2x10240x128xf32, #tpu.memory_space<hbm>> -> memref<1x10240x128xf32, #tpu.memory_space<hbm>>
      %dma_wait3A_105 = tpu.memref_squeeze %dma_wait3A_104 : memref<1x10240x128xf32, #tpu.memory_space<hbm>> -> memref<10240x128xf32, #tpu.memory_space<hbm>>
      %dma_wait3A_106 = arith.constant 0 : i32
      %dma_wait3A_107 = tpu.memref_slice %dma_wait3A_105[%add3A_56, %dma_wait3A_106] : memref<10240x128xf32, #tpu.memory_space<hbm>> -> memref<40x128xf32, #tpu.memory_space<hbm>>
      tpu.wait_dma2 semaphore(%run_scoped3A : memref<!tpu.dma_semaphore, #tpu.memory_space<semaphore_mem>>) src(%arg10 : memref<40x128xf32, #tpu.memory_space<vmem>>) dst(%dma_wait3A_107 : memref<40x128xf32, #tpu.memory_space<hbm>>)
      tpu.yield
    }) : () -> ()
    %add3A_57 = arith.constant 80 : i32
    %add3A_58 = arith.addi %mul3A_4, %add3A_57 : i32
    "tpu.region"() ({
      %run_scoped3A = tpu.sem_alloc : memref<!tpu.dma_semaphore, #tpu.memory_space<semaphore_mem>>
      %dma_start3A_85 = arith.constant 0 : i32
      %dma_start3A_86 = tpu.memref_slice %arg6[%add3A_58, %dma_start3A_85] : memref<10240x128xf32, #tpu.memory_space<vmem_shared>> -> memref<40x128xf32, #tpu.memory_space<vmem_shared>>
      %dma_start3A_87 = arith.constant 0 : i32
      %dma_start3A_88 = tpu.memref_slice %arg6[%add3A_58, %dma_start3A_87] : memref<10240x128xf32, #tpu.memory_space<vmem_shared>> -> memref<40x128xf32, #tpu.memory_space<vmem_shared>>
      tpu.enqueue_dma source(%dma_start3A_88 : memref<40x128xf32, #tpu.memory_space<vmem_shared>>) target(%arg10 : memref<40x128xf32, #tpu.memory_space<vmem>>) target_semaphore(%run_scoped3A : memref<!tpu.dma_semaphore, #tpu.memory_space<semaphore_mem>>)
      %dma_wait3A = arith.constant 0 : i32
      %dma_wait3A_89 = tpu.memref_slice %arg6[%add3A_58, %dma_wait3A] : memref<10240x128xf32, #tpu.memory_space<vmem_shared>> -> memref<40x128xf32, #tpu.memory_space<vmem_shared>>
      %dma_wait3A_90 = arith.constant 0 : i32
      %dma_wait3A_91 = tpu.memref_slice %arg6[%add3A_58, %dma_wait3A_90] : memref<10240x128xf32, #tpu.memory_space<vmem_shared>> -> memref<40x128xf32, #tpu.memory_space<vmem_shared>>
      tpu.wait_dma2 semaphore(%run_scoped3A : memref<!tpu.dma_semaphore, #tpu.memory_space<semaphore_mem>>) src(%dma_wait3A_91 : memref<40x128xf32, #tpu.memory_space<vmem_shared>>) dst(%arg10 : memref<40x128xf32, #tpu.memory_space<vmem>>)
      tpu.yield
    }) : () -> ()
    "tpu.region"() ({
      %run_scoped3A = tpu.sem_alloc : memref<!tpu.dma_semaphore, #tpu.memory_space<semaphore_mem>>
      %dma_start3A_85 = arith.constant 0 : i32
      %dma_start3A_86 = arith.constant 0 : i32
      %dma_start3A_87 = tpu.memref_slice %arg5[%arg0, %dma_start3A_85, %dma_start3A_86] : memref<2x10240x128xf32, #tpu.memory_space<hbm>> -> memref<1x10240x128xf32, #tpu.memory_space<hbm>>
      %dma_start3A_88 = tpu.memref_squeeze %dma_start3A_87 : memref<1x10240x128xf32, #tpu.memory_space<hbm>> -> memref<10240x128xf32, #tpu.memory_space<hbm>>
      %dma_start3A_89 = arith.constant 0 : i32
      %dma_start3A_90 = tpu.memref_slice %dma_start3A_88[%add3A_58, %dma_start3A_89] : memref<10240x128xf32, #tpu.memory_space<hbm>> -> memref<40x128xf32, #tpu.memory_space<hbm>>
      %dma_start3A_91 = arith.constant 0 : i32
      %dma_start3A_92 = arith.constant 0 : i32
      %dma_start3A_93 = tpu.memref_slice %arg5[%arg0, %dma_start3A_91, %dma_start3A_92] : memref<2x10240x128xf32, #tpu.memory_space<hbm>> -> memref<1x10240x128xf32, #tpu.memory_space<hbm>>
      %dma_start3A_94 = tpu.memref_squeeze %dma_start3A_93 : memref<1x10240x128xf32, #tpu.memory_space<hbm>> -> memref<10240x128xf32, #tpu.memory_space<hbm>>
      %dma_start3A_95 = arith.constant 0 : i32
      %dma_start3A_96 = tpu.memref_slice %dma_start3A_94[%add3A_58, %dma_start3A_95] : memref<10240x128xf32, #tpu.memory_space<hbm>> -> memref<40x128xf32, #tpu.memory_space<hbm>>
      tpu.enqueue_dma source(%arg10 : memref<40x128xf32, #tpu.memory_space<vmem>>) target(%dma_start3A_96 : memref<40x128xf32, #tpu.memory_space<hbm>>) target_semaphore(%run_scoped3A : memref<!tpu.dma_semaphore, #tpu.memory_space<semaphore_mem>>)
      %dma_wait3A = arith.constant 0 : i32
      %dma_wait3A_97 = arith.constant 0 : i32
      %dma_wait3A_98 = tpu.memref_slice %arg5[%arg0, %dma_wait3A, %dma_wait3A_97] : memref<2x10240x128xf32, #tpu.memory_space<hbm>> -> memref<1x10240x128xf32, #tpu.memory_space<hbm>>
      %dma_wait3A_99 = tpu.memref_squeeze %dma_wait3A_98 : memref<1x10240x128xf32, #tpu.memory_space<hbm>> -> memref<10240x128xf32, #tpu.memory_space<hbm>>
      %dma_wait3A_100 = arith.constant 0 : i32
      %dma_wait3A_101 = tpu.memref_slice %dma_wait3A_99[%add3A_58, %dma_wait3A_100] : memref<10240x128xf32, #tpu.memory_space<hbm>> -> memref<40x128xf32, #tpu.memory_space<hbm>>
      %dma_wait3A_102 = arith.constant 0 : i32
      %dma_wait3A_103 = arith.constant 0 : i32
      %dma_wait3A_104 = tpu.memref_slice %arg5[%arg0, %dma_wait3A_102, %dma_wait3A_103] : memref<2x10240x128xf32, #tpu.memory_space<hbm>> -> memref<1x10240x128xf32, #tpu.memory_space<hbm>>
      %dma_wait3A_105 = tpu.memref_squeeze %dma_wait3A_104 : memref<1x10240x128xf32, #tpu.memory_space<hbm>> -> memref<10240x128xf32, #tpu.memory_space<hbm>>
      %dma_wait3A_106 = arith.constant 0 : i32
      %dma_wait3A_107 = tpu.memref_slice %dma_wait3A_105[%add3A_58, %dma_wait3A_106] : memref<10240x128xf32, #tpu.memory_space<hbm>> -> memref<40x128xf32, #tpu.memory_space<hbm>>
      tpu.wait_dma2 semaphore(%run_scoped3A : memref<!tpu.dma_semaphore, #tpu.memory_space<semaphore_mem>>) src(%arg10 : memref<40x128xf32, #tpu.memory_space<vmem>>) dst(%dma_wait3A_107 : memref<40x128xf32, #tpu.memory_space<hbm>>)
      tpu.yield
    }) : () -> ()
    %add3A_59 = arith.constant 120 : i32
    %add3A_60 = arith.addi %mul3A_4, %add3A_59 : i32
    "tpu.region"() ({
      %run_scoped3A = tpu.sem_alloc : memref<!tpu.dma_semaphore, #tpu.memory_space<semaphore_mem>>
      %dma_start3A_85 = arith.constant 0 : i32
      %dma_start3A_86 = tpu.memref_slice %arg6[%add3A_60, %dma_start3A_85] : memref<10240x128xf32, #tpu.memory_space<vmem_shared>> -> memref<40x128xf32, #tpu.memory_space<vmem_shared>>
      %dma_start3A_87 = arith.constant 0 : i32
      %dma_start3A_88 = tpu.memref_slice %arg6[%add3A_60, %dma_start3A_87] : memref<10240x128xf32, #tpu.memory_space<vmem_shared>> -> memref<40x128xf32, #tpu.memory_space<vmem_shared>>
      tpu.enqueue_dma source(%dma_start3A_88 : memref<40x128xf32, #tpu.memory_space<vmem_shared>>) target(%arg10 : memref<40x128xf32, #tpu.memory_space<vmem>>) target_semaphore(%run_scoped3A : memref<!tpu.dma_semaphore, #tpu.memory_space<semaphore_mem>>)
      %dma_wait3A = arith.constant 0 : i32
      %dma_wait3A_89 = tpu.memref_slice %arg6[%add3A_60, %dma_wait3A] : memref<10240x128xf32, #tpu.memory_space<vmem_shared>> -> memref<40x128xf32, #tpu.memory_space<vmem_shared>>
      %dma_wait3A_90 = arith.constant 0 : i32
      %dma_wait3A_91 = tpu.memref_slice %arg6[%add3A_60, %dma_wait3A_90] : memref<10240x128xf32, #tpu.memory_space<vmem_shared>> -> memref<40x128xf32, #tpu.memory_space<vmem_shared>>
      tpu.wait_dma2 semaphore(%run_scoped3A : memref<!tpu.dma_semaphore, #tpu.memory_space<semaphore_mem>>) src(%dma_wait3A_91 : memref<40x128xf32, #tpu.memory_space<vmem_shared>>) dst(%arg10 : memref<40x128xf32, #tpu.memory_space<vmem>>)
      tpu.yield
    }) : () -> ()
    "tpu.region"() ({
      %run_scoped3A = tpu.sem_alloc : memref<!tpu.dma_semaphore, #tpu.memory_space<semaphore_mem>>
      %dma_start3A_85 = arith.constant 0 : i32
      %dma_start3A_86 = arith.constant 0 : i32
      %dma_start3A_87 = tpu.memref_slice %arg5[%arg0, %dma_start3A_85, %dma_start3A_86] : memref<2x10240x128xf32, #tpu.memory_space<hbm>> -> memref<1x10240x128xf32, #tpu.memory_space<hbm>>
      %dma_start3A_88 = tpu.memref_squeeze %dma_start3A_87 : memref<1x10240x128xf32, #tpu.memory_space<hbm>> -> memref<10240x128xf32, #tpu.memory_space<hbm>>
      %dma_start3A_89 = arith.constant 0 : i32
      %dma_start3A_90 = tpu.memref_slice %dma_start3A_88[%add3A_60, %dma_start3A_89] : memref<10240x128xf32, #tpu.memory_space<hbm>> -> memref<40x128xf32, #tpu.memory_space<hbm>>
      %dma_start3A_91 = arith.constant 0 : i32
      %dma_start3A_92 = arith.constant 0 : i32
      %dma_start3A_93 = tpu.memref_slice %arg5[%arg0, %dma_start3A_91, %dma_start3A_92] : memref<2x10240x128xf32, #tpu.memory_space<hbm>> -> memref<1x10240x128xf32, #tpu.memory_space<hbm>>
      %dma_start3A_94 = tpu.memref_squeeze %dma_start3A_93 : memref<1x10240x128xf32, #tpu.memory_space<hbm>> -> memref<10240x128xf32, #tpu.memory_space<hbm>>
      %dma_start3A_95 = arith.constant 0 : i32
      %dma_start3A_96 = tpu.memref_slice %dma_start3A_94[%add3A_60, %dma_start3A_95] : memref<10240x128xf32, #tpu.memory_space<hbm>> -> memref<40x128xf32, #tpu.memory_space<hbm>>
      tpu.enqueue_dma source(%arg10 : memref<40x128xf32, #tpu.memory_space<vmem>>) target(%dma_start3A_96 : memref<40x128xf32, #tpu.memory_space<hbm>>) target_semaphore(%run_scoped3A : memref<!tpu.dma_semaphore, #tpu.memory_space<semaphore_mem>>)
      %dma_wait3A = arith.constant 0 : i32
      %dma_wait3A_97 = arith.constant 0 : i32
      %dma_wait3A_98 = tpu.memref_slice %arg5[%arg0, %dma_wait3A, %dma_wait3A_97] : memref<2x10240x128xf32, #tpu.memory_space<hbm>> -> memref<1x10240x128xf32, #tpu.memory_space<hbm>>
      %dma_wait3A_99 = tpu.memref_squeeze %dma_wait3A_98 : memref<1x10240x128xf32, #tpu.memory_space<hbm>> -> memref<10240x128xf32, #tpu.memory_space<hbm>>
      %dma_wait3A_100 = arith.constant 0 : i32
      %dma_wait3A_101 = tpu.memref_slice %dma_wait3A_99[%add3A_60, %dma_wait3A_100] : memref<10240x128xf32, #tpu.memory_space<hbm>> -> memref<40x128xf32, #tpu.memory_space<hbm>>
      %dma_wait3A_102 = arith.constant 0 : i32
      %dma_wait3A_103 = arith.constant 0 : i32
      %dma_wait3A_104 = tpu.memref_slice %arg5[%arg0, %dma_wait3A_102, %dma_wait3A_103] : memref<2x10240x128xf32, #tpu.memory_space<hbm>> -> memref<1x10240x128xf32, #tpu.memory_space<hbm>>
      %dma_wait3A_105 = tpu.memref_squeeze %dma_wait3A_104 : memref<1x10240x128xf32, #tpu.memory_space<hbm>> -> memref<10240x128xf32, #tpu.memory_space<hbm>>
      %dma_wait3A_106 = arith.constant 0 : i32
      %dma_wait3A_107 = tpu.memref_slice %dma_wait3A_105[%add3A_60, %dma_wait3A_106] : memref<10240x128xf32, #tpu.memory_space<hbm>> -> memref<40x128xf32, #tpu.memory_space<hbm>>
      tpu.wait_dma2 semaphore(%run_scoped3A : memref<!tpu.dma_semaphore, #tpu.memory_space<semaphore_mem>>) src(%arg10 : memref<40x128xf32, #tpu.memory_space<vmem>>) dst(%dma_wait3A_107 : memref<40x128xf32, #tpu.memory_space<hbm>>)
      tpu.yield
    }) : () -> ()
    %add3A_61 = arith.constant 160 : i32
    %add3A_62 = arith.addi %mul3A_4, %add3A_61 : i32
    "tpu.region"() ({
      %run_scoped3A = tpu.sem_alloc : memref<!tpu.dma_semaphore, #tpu.memory_space<semaphore_mem>>
      %dma_start3A_85 = arith.constant 0 : i32
      %dma_start3A_86 = tpu.memref_slice %arg6[%add3A_62, %dma_start3A_85] : memref<10240x128xf32, #tpu.memory_space<vmem_shared>> -> memref<40x128xf32, #tpu.memory_space<vmem_shared>>
      %dma_start3A_87 = arith.constant 0 : i32
      %dma_start3A_88 = tpu.memref_slice %arg6[%add3A_62, %dma_start3A_87] : memref<10240x128xf32, #tpu.memory_space<vmem_shared>> -> memref<40x128xf32, #tpu.memory_space<vmem_shared>>
      tpu.enqueue_dma source(%dma_start3A_88 : memref<40x128xf32, #tpu.memory_space<vmem_shared>>) target(%arg10 : memref<40x128xf32, #tpu.memory_space<vmem>>) target_semaphore(%run_scoped3A : memref<!tpu.dma_semaphore, #tpu.memory_space<semaphore_mem>>)
      %dma_wait3A = arith.constant 0 : i32
      %dma_wait3A_89 = tpu.memref_slice %arg6[%add3A_62, %dma_wait3A] : memref<10240x128xf32, #tpu.memory_space<vmem_shared>> -> memref<40x128xf32, #tpu.memory_space<vmem_shared>>
      %dma_wait3A_90 = arith.constant 0 : i32
      %dma_wait3A_91 = tpu.memref_slice %arg6[%add3A_62, %dma_wait3A_90] : memref<10240x128xf32, #tpu.memory_space<vmem_shared>> -> memref<40x128xf32, #tpu.memory_space<vmem_shared>>
      tpu.wait_dma2 semaphore(%run_scoped3A : memref<!tpu.dma_semaphore, #tpu.memory_space<semaphore_mem>>) src(%dma_wait3A_91 : memref<40x128xf32, #tpu.memory_space<vmem_shared>>) dst(%arg10 : memref<40x128xf32, #tpu.memory_space<vmem>>)
      tpu.yield
    }) : () -> ()
    "tpu.region"() ({
      %run_scoped3A = tpu.sem_alloc : memref<!tpu.dma_semaphore, #tpu.memory_space<semaphore_mem>>
      %dma_start3A_85 = arith.constant 0 : i32
      %dma_start3A_86 = arith.constant 0 : i32
      %dma_start3A_87 = tpu.memref_slice %arg5[%arg0, %dma_start3A_85, %dma_start3A_86] : memref<2x10240x128xf32, #tpu.memory_space<hbm>> -> memref<1x10240x128xf32, #tpu.memory_space<hbm>>
      %dma_start3A_88 = tpu.memref_squeeze %dma_start3A_87 : memref<1x10240x128xf32, #tpu.memory_space<hbm>> -> memref<10240x128xf32, #tpu.memory_space<hbm>>
      %dma_start3A_89 = arith.constant 0 : i32
      %dma_start3A_90 = tpu.memref_slice %dma_start3A_88[%add3A_62, %dma_start3A_89] : memref<10240x128xf32, #tpu.memory_space<hbm>> -> memref<40x128xf32, #tpu.memory_space<hbm>>
      %dma_start3A_91 = arith.constant 0 : i32
      %dma_start3A_92 = arith.constant 0 : i32
      %dma_start3A_93 = tpu.memref_slice %arg5[%arg0, %dma_start3A_91, %dma_start3A_92] : memref<2x10240x128xf32, #tpu.memory_space<hbm>> -> memref<1x10240x128xf32, #tpu.memory_space<hbm>>
      %dma_start3A_94 = tpu.memref_squeeze %dma_start3A_93 : memref<1x10240x128xf32, #tpu.memory_space<hbm>> -> memref<10240x128xf32, #tpu.memory_space<hbm>>
      %dma_start3A_95 = arith.constant 0 : i32
      %dma_start3A_96 = tpu.memref_slice %dma_start3A_94[%add3A_62, %dma_start3A_95] : memref<10240x128xf32, #tpu.memory_space<hbm>> -> memref<40x128xf32, #tpu.memory_space<hbm>>
      tpu.enqueue_dma source(%arg10 : memref<40x128xf32, #tpu.memory_space<vmem>>) target(%dma_start3A_96 : memref<40x128xf32, #tpu.memory_space<hbm>>) target_semaphore(%run_scoped3A : memref<!tpu.dma_semaphore, #tpu.memory_space<semaphore_mem>>)
      %dma_wait3A = arith.constant 0 : i32
      %dma_wait3A_97 = arith.constant 0 : i32
      %dma_wait3A_98 = tpu.memref_slice %arg5[%arg0, %dma_wait3A, %dma_wait3A_97] : memref<2x10240x128xf32, #tpu.memory_space<hbm>> -> memref<1x10240x128xf32, #tpu.memory_space<hbm>>
      %dma_wait3A_99 = tpu.memref_squeeze %dma_wait3A_98 : memref<1x10240x128xf32, #tpu.memory_space<hbm>> -> memref<10240x128xf32, #tpu.memory_space<hbm>>
      %dma_wait3A_100 = arith.constant 0 : i32
      %dma_wait3A_101 = tpu.memref_slice %dma_wait3A_99[%add3A_62, %dma_wait3A_100] : memref<10240x128xf32, #tpu.memory_space<hbm>> -> memref<40x128xf32, #tpu.memory_space<hbm>>
      %dma_wait3A_102 = arith.constant 0 : i32
      %dma_wait3A_103 = arith.constant 0 : i32
      %dma_wait3A_104 = tpu.memref_slice %arg5[%arg0, %dma_wait3A_102, %dma_wait3A_103] : memref<2x10240x128xf32, #tpu.memory_space<hbm>> -> memref<1x10240x128xf32, #tpu.memory_space<hbm>>
      %dma_wait3A_105 = tpu.memref_squeeze %dma_wait3A_104 : memref<1x10240x128xf32, #tpu.memory_space<hbm>> -> memref<10240x128xf32, #tpu.memory_space<hbm>>
      %dma_wait3A_106 = arith.constant 0 : i32
      %dma_wait3A_107 = tpu.memref_slice %dma_wait3A_105[%add3A_62, %dma_wait3A_106] : memref<10240x128xf32, #tpu.memory_space<hbm>> -> memref<40x128xf32, #tpu.memory_space<hbm>>
      tpu.wait_dma2 semaphore(%run_scoped3A : memref<!tpu.dma_semaphore, #tpu.memory_space<semaphore_mem>>) src(%arg10 : memref<40x128xf32, #tpu.memory_space<vmem>>) dst(%dma_wait3A_107 : memref<40x128xf32, #tpu.memory_space<hbm>>)
      tpu.yield
    }) : () -> ()
    %add3A_63 = arith.constant 200 : i32
    %add3A_64 = arith.addi %mul3A_4, %add3A_63 : i32
    "tpu.region"() ({
      %run_scoped3A = tpu.sem_alloc : memref<!tpu.dma_semaphore, #tpu.memory_space<semaphore_mem>>
      %dma_start3A_85 = arith.constant 0 : i32
      %dma_start3A_86 = tpu.memref_slice %arg6[%add3A_64, %dma_start3A_85] : memref<10240x128xf32, #tpu.memory_space<vmem_shared>> -> memref<40x128xf32, #tpu.memory_space<vmem_shared>>
      %dma_start3A_87 = arith.constant 0 : i32
      %dma_start3A_88 = tpu.memref_slice %arg6[%add3A_64, %dma_start3A_87] : memref<10240x128xf32, #tpu.memory_space<vmem_shared>> -> memref<40x128xf32, #tpu.memory_space<vmem_shared>>
      tpu.enqueue_dma source(%dma_start3A_88 : memref<40x128xf32, #tpu.memory_space<vmem_shared>>) target(%arg10 : memref<40x128xf32, #tpu.memory_space<vmem>>) target_semaphore(%run_scoped3A : memref<!tpu.dma_semaphore, #tpu.memory_space<semaphore_mem>>)
      %dma_wait3A = arith.constant 0 : i32
      %dma_wait3A_89 = tpu.memref_slice %arg6[%add3A_64, %dma_wait3A] : memref<10240x128xf32, #tpu.memory_space<vmem_shared>> -> memref<40x128xf32, #tpu.memory_space<vmem_shared>>
      %dma_wait3A_90 = arith.constant 0 : i32
      %dma_wait3A_91 = tpu.memref_slice %arg6[%add3A_64, %dma_wait3A_90] : memref<10240x128xf32, #tpu.memory_space<vmem_shared>> -> memref<40x128xf32, #tpu.memory_space<vmem_shared>>
      tpu.wait_dma2 semaphore(%run_scoped3A : memref<!tpu.dma_semaphore, #tpu.memory_space<semaphore_mem>>) src(%dma_wait3A_91 : memref<40x128xf32, #tpu.memory_space<vmem_shared>>) dst(%arg10 : memref<40x128xf32, #tpu.memory_space<vmem>>)
      tpu.yield
    }) : () -> ()
    "tpu.region"() ({
      %run_scoped3A = tpu.sem_alloc : memref<!tpu.dma_semaphore, #tpu.memory_space<semaphore_mem>>
      %dma_start3A_85 = arith.constant 0 : i32
      %dma_start3A_86 = arith.constant 0 : i32
      %dma_start3A_87 = tpu.memref_slice %arg5[%arg0, %dma_start3A_85, %dma_start3A_86] : memref<2x10240x128xf32, #tpu.memory_space<hbm>> -> memref<1x10240x128xf32, #tpu.memory_space<hbm>>
      %dma_start3A_88 = tpu.memref_squeeze %dma_start3A_87 : memref<1x10240x128xf32, #tpu.memory_space<hbm>> -> memref<10240x128xf32, #tpu.memory_space<hbm>>
      %dma_start3A_89 = arith.constant 0 : i32
      %dma_start3A_90 = tpu.memref_slice %dma_start3A_88[%add3A_64, %dma_start3A_89] : memref<10240x128xf32, #tpu.memory_space<hbm>> -> memref<40x128xf32, #tpu.memory_space<hbm>>
      %dma_start3A_91 = arith.constant 0 : i32
      %dma_start3A_92 = arith.constant 0 : i32
      %dma_start3A_93 = tpu.memref_slice %arg5[%arg0, %dma_start3A_91, %dma_start3A_92] : memref<2x10240x128xf32, #tpu.memory_space<hbm>> -> memref<1x10240x128xf32, #tpu.memory_space<hbm>>
      %dma_start3A_94 = tpu.memref_squeeze %dma_start3A_93 : memref<1x10240x128xf32, #tpu.memory_space<hbm>> -> memref<10240x128xf32, #tpu.memory_space<hbm>>
      %dma_start3A_95 = arith.constant 0 : i32
      %dma_start3A_96 = tpu.memref_slice %dma_start3A_94[%add3A_64, %dma_start3A_95] : memref<10240x128xf32, #tpu.memory_space<hbm>> -> memref<40x128xf32, #tpu.memory_space<hbm>>
      tpu.enqueue_dma source(%arg10 : memref<40x128xf32, #tpu.memory_space<vmem>>) target(%dma_start3A_96 : memref<40x128xf32, #tpu.memory_space<hbm>>) target_semaphore(%run_scoped3A : memref<!tpu.dma_semaphore, #tpu.memory_space<semaphore_mem>>)
      %dma_wait3A = arith.constant 0 : i32
      %dma_wait3A_97 = arith.constant 0 : i32
      %dma_wait3A_98 = tpu.memref_slice %arg5[%arg0, %dma_wait3A, %dma_wait3A_97] : memref<2x10240x128xf32, #tpu.memory_space<hbm>> -> memref<1x10240x128xf32, #tpu.memory_space<hbm>>
      %dma_wait3A_99 = tpu.memref_squeeze %dma_wait3A_98 : memref<1x10240x128xf32, #tpu.memory_space<hbm>> -> memref<10240x128xf32, #tpu.memory_space<hbm>>
      %dma_wait3A_100 = arith.constant 0 : i32
      %dma_wait3A_101 = tpu.memref_slice %dma_wait3A_99[%add3A_64, %dma_wait3A_100] : memref<10240x128xf32, #tpu.memory_space<hbm>> -> memref<40x128xf32, #tpu.memory_space<hbm>>
      %dma_wait3A_102 = arith.constant 0 : i32
      %dma_wait3A_103 = arith.constant 0 : i32
      %dma_wait3A_104 = tpu.memref_slice %arg5[%arg0, %dma_wait3A_102, %dma_wait3A_103] : memref<2x10240x128xf32, #tpu.memory_space<hbm>> -> memref<1x10240x128xf32, #tpu.memory_space<hbm>>
      %dma_wait3A_105 = tpu.memref_squeeze %dma_wait3A_104 : memref<1x10240x128xf32, #tpu.memory_space<hbm>> -> memref<10240x128xf32, #tpu.memory_space<hbm>>
      %dma_wait3A_106 = arith.constant 0 : i32
      %dma_wait3A_107 = tpu.memref_slice %dma_wait3A_105[%add3A_64, %dma_wait3A_106] : memref<10240x128xf32, #tpu.memory_space<hbm>> -> memref<40x128xf32, #tpu.memory_space<hbm>>
      tpu.wait_dma2 semaphore(%run_scoped3A : memref<!tpu.dma_semaphore, #tpu.memory_space<semaphore_mem>>) src(%arg10 : memref<40x128xf32, #tpu.memory_space<vmem>>) dst(%dma_wait3A_107 : memref<40x128xf32, #tpu.memory_space<hbm>>)
      tpu.yield
    }) : () -> ()
    %add3A_65 = arith.constant 240 : i32
    %add3A_66 = arith.addi %mul3A_4, %add3A_65 : i32
    "tpu.region"() ({
      %run_scoped3A = tpu.sem_alloc : memref<!tpu.dma_semaphore, #tpu.memory_space<semaphore_mem>>
      %dma_start3A_85 = arith.constant 0 : i32
      %dma_start3A_86 = tpu.memref_slice %arg6[%add3A_66, %dma_start3A_85] : memref<10240x128xf32, #tpu.memory_space<vmem_shared>> -> memref<40x128xf32, #tpu.memory_space<vmem_shared>>
      %dma_start3A_87 = arith.constant 0 : i32
      %dma_start3A_88 = tpu.memref_slice %arg6[%add3A_66, %dma_start3A_87] : memref<10240x128xf32, #tpu.memory_space<vmem_shared>> -> memref<40x128xf32, #tpu.memory_space<vmem_shared>>
      tpu.enqueue_dma source(%dma_start3A_88 : memref<40x128xf32, #tpu.memory_space<vmem_shared>>) target(%arg10 : memref<40x128xf32, #tpu.memory_space<vmem>>) target_semaphore(%run_scoped3A : memref<!tpu.dma_semaphore, #tpu.memory_space<semaphore_mem>>)
      %dma_wait3A = arith.constant 0 : i32
      %dma_wait3A_89 = tpu.memref_slice %arg6[%add3A_66, %dma_wait3A] : memref<10240x128xf32, #tpu.memory_space<vmem_shared>> -> memref<40x128xf32, #tpu.memory_space<vmem_shared>>
      %dma_wait3A_90 = arith.constant 0 : i32
      %dma_wait3A_91 = tpu.memref_slice %arg6[%add3A_66, %dma_wait3A_90] : memref<10240x128xf32, #tpu.memory_space<vmem_shared>> -> memref<40x128xf32, #tpu.memory_space<vmem_shared>>
      tpu.wait_dma2 semaphore(%run_scoped3A : memref<!tpu.dma_semaphore, #tpu.memory_space<semaphore_mem>>) src(%dma_wait3A_91 : memref<40x128xf32, #tpu.memory_space<vmem_shared>>) dst(%arg10 : memref<40x128xf32, #tpu.memory_space<vmem>>)
      tpu.yield
    }) : () -> ()
    "tpu.region"() ({
      %run_scoped3A = tpu.sem_alloc : memref<!tpu.dma_semaphore, #tpu.memory_space<semaphore_mem>>
      %dma_start3A_85 = arith.constant 0 : i32
      %dma_start3A_86 = arith.constant 0 : i32
      %dma_start3A_87 = tpu.memref_slice %arg5[%arg0, %dma_start3A_85, %dma_start3A_86] : memref<2x10240x128xf32, #tpu.memory_space<hbm>> -> memref<1x10240x128xf32, #tpu.memory_space<hbm>>
      %dma_start3A_88 = tpu.memref_squeeze %dma_start3A_87 : memref<1x10240x128xf32, #tpu.memory_space<hbm>> -> memref<10240x128xf32, #tpu.memory_space<hbm>>
      %dma_start3A_89 = arith.constant 0 : i32
      %dma_start3A_90 = tpu.memref_slice %dma_start3A_88[%add3A_66, %dma_start3A_89] : memref<10240x128xf32, #tpu.memory_space<hbm>> -> memref<40x128xf32, #tpu.memory_space<hbm>>
      %dma_start3A_91 = arith.constant 0 : i32
      %dma_start3A_92 = arith.constant 0 : i32
      %dma_start3A_93 = tpu.memref_slice %arg5[%arg0, %dma_start3A_91, %dma_start3A_92] : memref<2x10240x128xf32, #tpu.memory_space<hbm>> -> memref<1x10240x128xf32, #tpu.memory_space<hbm>>
      %dma_start3A_94 = tpu.memref_squeeze %dma_start3A_93 : memref<1x10240x128xf32, #tpu.memory_space<hbm>> -> memref<10240x128xf32, #tpu.memory_space<hbm>>
      %dma_start3A_95 = arith.constant 0 : i32
      %dma_start3A_96 = tpu.memref_slice %dma_start3A_94[%add3A_66, %dma_start3A_95] : memref<10240x128xf32, #tpu.memory_space<hbm>> -> memref<40x128xf32, #tpu.memory_space<hbm>>
      tpu.enqueue_dma source(%arg10 : memref<40x128xf32, #tpu.memory_space<vmem>>) target(%dma_start3A_96 : memref<40x128xf32, #tpu.memory_space<hbm>>) target_semaphore(%run_scoped3A : memref<!tpu.dma_semaphore, #tpu.memory_space<semaphore_mem>>)
      %dma_wait3A = arith.constant 0 : i32
      %dma_wait3A_97 = arith.constant 0 : i32
      %dma_wait3A_98 = tpu.memref_slice %arg5[%arg0, %dma_wait3A, %dma_wait3A_97] : memref<2x10240x128xf32, #tpu.memory_space<hbm>> -> memref<1x10240x128xf32, #tpu.memory_space<hbm>>
      %dma_wait3A_99 = tpu.memref_squeeze %dma_wait3A_98 : memref<1x10240x128xf32, #tpu.memory_space<hbm>> -> memref<10240x128xf32, #tpu.memory_space<hbm>>
      %dma_wait3A_100 = arith.constant 0 : i32
      %dma_wait3A_101 = tpu.memref_slice %dma_wait3A_99[%add3A_66, %dma_wait3A_100] : memref<10240x128xf32, #tpu.memory_space<hbm>> -> memref<40x128xf32, #tpu.memory_space<hbm>>
      %dma_wait3A_102 = arith.constant 0 : i32
      %dma_wait3A_103 = arith.constant 0 : i32
      %dma_wait3A_104 = tpu.memref_slice %arg5[%arg0, %dma_wait3A_102, %dma_wait3A_103] : memref<2x10240x128xf32, #tpu.memory_space<hbm>> -> memref<1x10240x128xf32, #tpu.memory_space<hbm>>
      %dma_wait3A_105 = tpu.memref_squeeze %dma_wait3A_104 : memref<1x10240x128xf32, #tpu.memory_space<hbm>> -> memref<10240x128xf32, #tpu.memory_space<hbm>>
      %dma_wait3A_106 = arith.constant 0 : i32
      %dma_wait3A_107 = tpu.memref_slice %dma_wait3A_105[%add3A_66, %dma_wait3A_106] : memref<10240x128xf32, #tpu.memory_space<hbm>> -> memref<40x128xf32, #tpu.memory_space<hbm>>
      tpu.wait_dma2 semaphore(%run_scoped3A : memref<!tpu.dma_semaphore, #tpu.memory_space<semaphore_mem>>) src(%arg10 : memref<40x128xf32, #tpu.memory_space<vmem>>) dst(%dma_wait3A_107 : memref<40x128xf32, #tpu.memory_space<hbm>>)
      tpu.yield
    }) : () -> ()
    %add3A_67 = arith.constant 280 : i32
    %add3A_68 = arith.addi %mul3A_4, %add3A_67 : i32
    "tpu.region"() ({
      %run_scoped3A = tpu.sem_alloc : memref<!tpu.dma_semaphore, #tpu.memory_space<semaphore_mem>>
      %dma_start3A_85 = arith.constant 0 : i32
      %dma_start3A_86 = tpu.memref_slice %arg6[%add3A_68, %dma_start3A_85] : memref<10240x128xf32, #tpu.memory_space<vmem_shared>> -> memref<40x128xf32, #tpu.memory_space<vmem_shared>>
      %dma_start3A_87 = arith.constant 0 : i32
      %dma_start3A_88 = tpu.memref_slice %arg6[%add3A_68, %dma_start3A_87] : memref<10240x128xf32, #tpu.memory_space<vmem_shared>> -> memref<40x128xf32, #tpu.memory_space<vmem_shared>>
      tpu.enqueue_dma source(%dma_start3A_88 : memref<40x128xf32, #tpu.memory_space<vmem_shared>>) target(%arg10 : memref<40x128xf32, #tpu.memory_space<vmem>>) target_semaphore(%run_scoped3A : memref<!tpu.dma_semaphore, #tpu.memory_space<semaphore_mem>>)
      %dma_wait3A = arith.constant 0 : i32
      %dma_wait3A_89 = tpu.memref_slice %arg6[%add3A_68, %dma_wait3A] : memref<10240x128xf32, #tpu.memory_space<vmem_shared>> -> memref<40x128xf32, #tpu.memory_space<vmem_shared>>
      %dma_wait3A_90 = arith.constant 0 : i32
      %dma_wait3A_91 = tpu.memref_slice %arg6[%add3A_68, %dma_wait3A_90] : memref<10240x128xf32, #tpu.memory_space<vmem_shared>> -> memref<40x128xf32, #tpu.memory_space<vmem_shared>>
      tpu.wait_dma2 semaphore(%run_scoped3A : memref<!tpu.dma_semaphore, #tpu.memory_space<semaphore_mem>>) src(%dma_wait3A_91 : memref<40x128xf32, #tpu.memory_space<vmem_shared>>) dst(%arg10 : memref<40x128xf32, #tpu.memory_space<vmem>>)
      tpu.yield
    }) : () -> ()
    "tpu.region"() ({
      %run_scoped3A = tpu.sem_alloc : memref<!tpu.dma_semaphore, #tpu.memory_space<semaphore_mem>>
      %dma_start3A_85 = arith.constant 0 : i32
      %dma_start3A_86 = arith.constant 0 : i32
      %dma_start3A_87 = tpu.memref_slice %arg5[%arg0, %dma_start3A_85, %dma_start3A_86] : memref<2x10240x128xf32, #tpu.memory_space<hbm>> -> memref<1x10240x128xf32, #tpu.memory_space<hbm>>
      %dma_start3A_88 = tpu.memref_squeeze %dma_start3A_87 : memref<1x10240x128xf32, #tpu.memory_space<hbm>> -> memref<10240x128xf32, #tpu.memory_space<hbm>>
      %dma_start3A_89 = arith.constant 0 : i32
      %dma_start3A_90 = tpu.memref_slice %dma_start3A_88[%add3A_68, %dma_start3A_89] : memref<10240x128xf32, #tpu.memory_space<hbm>> -> memref<40x128xf32, #tpu.memory_space<hbm>>
      %dma_start3A_91 = arith.constant 0 : i32
      %dma_start3A_92 = arith.constant 0 : i32
      %dma_start3A_93 = tpu.memref_slice %arg5[%arg0, %dma_start3A_91, %dma_start3A_92] : memref<2x10240x128xf32, #tpu.memory_space<hbm>> -> memref<1x10240x128xf32, #tpu.memory_space<hbm>>
      %dma_start3A_94 = tpu.memref_squeeze %dma_start3A_93 : memref<1x10240x128xf32, #tpu.memory_space<hbm>> -> memref<10240x128xf32, #tpu.memory_space<hbm>>
      %dma_start3A_95 = arith.constant 0 : i32
      %dma_start3A_96 = tpu.memref_slice %dma_start3A_94[%add3A_68, %dma_start3A_95] : memref<10240x128xf32, #tpu.memory_space<hbm>> -> memref<40x128xf32, #tpu.memory_space<hbm>>
      tpu.enqueue_dma source(%arg10 : memref<40x128xf32, #tpu.memory_space<vmem>>) target(%dma_start3A_96 : memref<40x128xf32, #tpu.memory_space<hbm>>) target_semaphore(%run_scoped3A : memref<!tpu.dma_semaphore, #tpu.memory_space<semaphore_mem>>)
      %dma_wait3A = arith.constant 0 : i32
      %dma_wait3A_97 = arith.constant 0 : i32
      %dma_wait3A_98 = tpu.memref_slice %arg5[%arg0, %dma_wait3A, %dma_wait3A_97] : memref<2x10240x128xf32, #tpu.memory_space<hbm>> -> memref<1x10240x128xf32, #tpu.memory_space<hbm>>
      %dma_wait3A_99 = tpu.memref_squeeze %dma_wait3A_98 : memref<1x10240x128xf32, #tpu.memory_space<hbm>> -> memref<10240x128xf32, #tpu.memory_space<hbm>>
      %dma_wait3A_100 = arith.constant 0 : i32
      %dma_wait3A_101 = tpu.memref_slice %dma_wait3A_99[%add3A_68, %dma_wait3A_100] : memref<10240x128xf32, #tpu.memory_space<hbm>> -> memref<40x128xf32, #tpu.memory_space<hbm>>
      %dma_wait3A_102 = arith.constant 0 : i32
      %dma_wait3A_103 = arith.constant 0 : i32
      %dma_wait3A_104 = tpu.memref_slice %arg5[%arg0, %dma_wait3A_102, %dma_wait3A_103] : memref<2x10240x128xf32, #tpu.memory_space<hbm>> -> memref<1x10240x128xf32, #tpu.memory_space<hbm>>
      %dma_wait3A_105 = tpu.memref_squeeze %dma_wait3A_104 : memref<1x10240x128xf32, #tpu.memory_space<hbm>> -> memref<10240x128xf32, #tpu.memory_space<hbm>>
      %dma_wait3A_106 = arith.constant 0 : i32
      %dma_wait3A_107 = tpu.memref_slice %dma_wait3A_105[%add3A_68, %dma_wait3A_106] : memref<10240x128xf32, #tpu.memory_space<hbm>> -> memref<40x128xf32, #tpu.memory_space<hbm>>
      tpu.wait_dma2 semaphore(%run_scoped3A : memref<!tpu.dma_semaphore, #tpu.memory_space<semaphore_mem>>) src(%arg10 : memref<40x128xf32, #tpu.memory_space<vmem>>) dst(%dma_wait3A_107 : memref<40x128xf32, #tpu.memory_space<hbm>>)
      tpu.yield
    }) : () -> ()
    %add3A_69 = arith.constant 320 : i32
    %add3A_70 = arith.addi %mul3A_4, %add3A_69 : i32
    "tpu.region"() ({
      %run_scoped3A = tpu.sem_alloc : memref<!tpu.dma_semaphore, #tpu.memory_space<semaphore_mem>>
      %dma_start3A_85 = arith.constant 0 : i32
      %dma_start3A_86 = tpu.memref_slice %arg6[%add3A_70, %dma_start3A_85] : memref<10240x128xf32, #tpu.memory_space<vmem_shared>> -> memref<40x128xf32, #tpu.memory_space<vmem_shared>>
      %dma_start3A_87 = arith.constant 0 : i32
      %dma_start3A_88 = tpu.memref_slice %arg6[%add3A_70, %dma_start3A_87] : memref<10240x128xf32, #tpu.memory_space<vmem_shared>> -> memref<40x128xf32, #tpu.memory_space<vmem_shared>>
      tpu.enqueue_dma source(%dma_start3A_88 : memref<40x128xf32, #tpu.memory_space<vmem_shared>>) target(%arg10 : memref<40x128xf32, #tpu.memory_space<vmem>>) target_semaphore(%run_scoped3A : memref<!tpu.dma_semaphore, #tpu.memory_space<semaphore_mem>>)
      %dma_wait3A = arith.constant 0 : i32
      %dma_wait3A_89 = tpu.memref_slice %arg6[%add3A_70, %dma_wait3A] : memref<10240x128xf32, #tpu.memory_space<vmem_shared>> -> memref<40x128xf32, #tpu.memory_space<vmem_shared>>
      %dma_wait3A_90 = arith.constant 0 : i32
      %dma_wait3A_91 = tpu.memref_slice %arg6[%add3A_70, %dma_wait3A_90] : memref<10240x128xf32, #tpu.memory_space<vmem_shared>> -> memref<40x128xf32, #tpu.memory_space<vmem_shared>>
      tpu.wait_dma2 semaphore(%run_scoped3A : memref<!tpu.dma_semaphore, #tpu.memory_space<semaphore_mem>>) src(%dma_wait3A_91 : memref<40x128xf32, #tpu.memory_space<vmem_shared>>) dst(%arg10 : memref<40x128xf32, #tpu.memory_space<vmem>>)
      tpu.yield
    }) : () -> ()
    "tpu.region"() ({
      %run_scoped3A = tpu.sem_alloc : memref<!tpu.dma_semaphore, #tpu.memory_space<semaphore_mem>>
      %dma_start3A_85 = arith.constant 0 : i32
      %dma_start3A_86 = arith.constant 0 : i32
      %dma_start3A_87 = tpu.memref_slice %arg5[%arg0, %dma_start3A_85, %dma_start3A_86] : memref<2x10240x128xf32, #tpu.memory_space<hbm>> -> memref<1x10240x128xf32, #tpu.memory_space<hbm>>
      %dma_start3A_88 = tpu.memref_squeeze %dma_start3A_87 : memref<1x10240x128xf32, #tpu.memory_space<hbm>> -> memref<10240x128xf32, #tpu.memory_space<hbm>>
      %dma_start3A_89 = arith.constant 0 : i32
      %dma_start3A_90 = tpu.memref_slice %dma_start3A_88[%add3A_70, %dma_start3A_89] : memref<10240x128xf32, #tpu.memory_space<hbm>> -> memref<40x128xf32, #tpu.memory_space<hbm>>
      %dma_start3A_91 = arith.constant 0 : i32
      %dma_start3A_92 = arith.constant 0 : i32
      %dma_start3A_93 = tpu.memref_slice %arg5[%arg0, %dma_start3A_91, %dma_start3A_92] : memref<2x10240x128xf32, #tpu.memory_space<hbm>> -> memref<1x10240x128xf32, #tpu.memory_space<hbm>>
      %dma_start3A_94 = tpu.memref_squeeze %dma_start3A_93 : memref<1x10240x128xf32, #tpu.memory_space<hbm>> -> memref<10240x128xf32, #tpu.memory_space<hbm>>
      %dma_start3A_95 = arith.constant 0 : i32
      %dma_start3A_96 = tpu.memref_slice %dma_start3A_94[%add3A_70, %dma_start3A_95] : memref<10240x128xf32, #tpu.memory_space<hbm>> -> memref<40x128xf32, #tpu.memory_space<hbm>>
      tpu.enqueue_dma source(%arg10 : memref<40x128xf32, #tpu.memory_space<vmem>>) target(%dma_start3A_96 : memref<40x128xf32, #tpu.memory_space<hbm>>) target_semaphore(%run_scoped3A : memref<!tpu.dma_semaphore, #tpu.memory_space<semaphore_mem>>)
      %dma_wait3A = arith.constant 0 : i32
      %dma_wait3A_97 = arith.constant 0 : i32
      %dma_wait3A_98 = tpu.memref_slice %arg5[%arg0, %dma_wait3A, %dma_wait3A_97] : memref<2x10240x128xf32, #tpu.memory_space<hbm>> -> memref<1x10240x128xf32, #tpu.memory_space<hbm>>
      %dma_wait3A_99 = tpu.memref_squeeze %dma_wait3A_98 : memref<1x10240x128xf32, #tpu.memory_space<hbm>> -> memref<10240x128xf32, #tpu.memory_space<hbm>>
      %dma_wait3A_100 = arith.constant 0 : i32
      %dma_wait3A_101 = tpu.memref_slice %dma_wait3A_99[%add3A_70, %dma_wait3A_100] : memref<10240x128xf32, #tpu.memory_space<hbm>> -> memref<40x128xf32, #tpu.memory_space<hbm>>
      %dma_wait3A_102 = arith.constant 0 : i32
      %dma_wait3A_103 = arith.constant 0 : i32
      %dma_wait3A_104 = tpu.memref_slice %arg5[%arg0, %dma_wait3A_102, %dma_wait3A_103] : memref<2x10240x128xf32, #tpu.memory_space<hbm>> -> memref<1x10240x128xf32, #tpu.memory_space<hbm>>
      %dma_wait3A_105 = tpu.memref_squeeze %dma_wait3A_104 : memref<1x10240x128xf32, #tpu.memory_space<hbm>> -> memref<10240x128xf32, #tpu.memory_space<hbm>>
      %dma_wait3A_106 = arith.constant 0 : i32
      %dma_wait3A_107 = tpu.memref_slice %dma_wait3A_105[%add3A_70, %dma_wait3A_106] : memref<10240x128xf32, #tpu.memory_space<hbm>> -> memref<40x128xf32, #tpu.memory_space<hbm>>
      tpu.wait_dma2 semaphore(%run_scoped3A : memref<!tpu.dma_semaphore, #tpu.memory_space<semaphore_mem>>) src(%arg10 : memref<40x128xf32, #tpu.memory_space<vmem>>) dst(%dma_wait3A_107 : memref<40x128xf32, #tpu.memory_space<hbm>>)
      tpu.yield
    }) : () -> ()
    %add3A_71 = arith.constant 360 : i32
    %add3A_72 = arith.addi %mul3A_4, %add3A_71 : i32
    "tpu.region"() ({
      %run_scoped3A = tpu.sem_alloc : memref<!tpu.dma_semaphore, #tpu.memory_space<semaphore_mem>>
      %dma_start3A_85 = arith.constant 0 : i32
      %dma_start3A_86 = tpu.memref_slice %arg6[%add3A_72, %dma_start3A_85] : memref<10240x128xf32, #tpu.memory_space<vmem_shared>> -> memref<40x128xf32, #tpu.memory_space<vmem_shared>>
      %dma_start3A_87 = arith.constant 0 : i32
      %dma_start3A_88 = tpu.memref_slice %arg6[%add3A_72, %dma_start3A_87] : memref<10240x128xf32, #tpu.memory_space<vmem_shared>> -> memref<40x128xf32, #tpu.memory_space<vmem_shared>>
      tpu.enqueue_dma source(%dma_start3A_88 : memref<40x128xf32, #tpu.memory_space<vmem_shared>>) target(%arg10 : memref<40x128xf32, #tpu.memory_space<vmem>>) target_semaphore(%run_scoped3A : memref<!tpu.dma_semaphore, #tpu.memory_space<semaphore_mem>>)
      %dma_wait3A = arith.constant 0 : i32
      %dma_wait3A_89 = tpu.memref_slice %arg6[%add3A_72, %dma_wait3A] : memref<10240x128xf32, #tpu.memory_space<vmem_shared>> -> memref<40x128xf32, #tpu.memory_space<vmem_shared>>
      %dma_wait3A_90 = arith.constant 0 : i32
      %dma_wait3A_91 = tpu.memref_slice %arg6[%add3A_72, %dma_wait3A_90] : memref<10240x128xf32, #tpu.memory_space<vmem_shared>> -> memref<40x128xf32, #tpu.memory_space<vmem_shared>>
      tpu.wait_dma2 semaphore(%run_scoped3A : memref<!tpu.dma_semaphore, #tpu.memory_space<semaphore_mem>>) src(%dma_wait3A_91 : memref<40x128xf32, #tpu.memory_space<vmem_shared>>) dst(%arg10 : memref<40x128xf32, #tpu.memory_space<vmem>>)
      tpu.yield
    }) : () -> ()
    "tpu.region"() ({
      %run_scoped3A = tpu.sem_alloc : memref<!tpu.dma_semaphore, #tpu.memory_space<semaphore_mem>>
      %dma_start3A_85 = arith.constant 0 : i32
      %dma_start3A_86 = arith.constant 0 : i32
      %dma_start3A_87 = tpu.memref_slice %arg5[%arg0, %dma_start3A_85, %dma_start3A_86] : memref<2x10240x128xf32, #tpu.memory_space<hbm>> -> memref<1x10240x128xf32, #tpu.memory_space<hbm>>
      %dma_start3A_88 = tpu.memref_squeeze %dma_start3A_87 : memref<1x10240x128xf32, #tpu.memory_space<hbm>> -> memref<10240x128xf32, #tpu.memory_space<hbm>>
      %dma_start3A_89 = arith.constant 0 : i32
      %dma_start3A_90 = tpu.memref_slice %dma_start3A_88[%add3A_72, %dma_start3A_89] : memref<10240x128xf32, #tpu.memory_space<hbm>> -> memref<40x128xf32, #tpu.memory_space<hbm>>
      %dma_start3A_91 = arith.constant 0 : i32
      %dma_start3A_92 = arith.constant 0 : i32
      %dma_start3A_93 = tpu.memref_slice %arg5[%arg0, %dma_start3A_91, %dma_start3A_92] : memref<2x10240x128xf32, #tpu.memory_space<hbm>> -> memref<1x10240x128xf32, #tpu.memory_space<hbm>>
      %dma_start3A_94 = tpu.memref_squeeze %dma_start3A_93 : memref<1x10240x128xf32, #tpu.memory_space<hbm>> -> memref<10240x128xf32, #tpu.memory_space<hbm>>
      %dma_start3A_95 = arith.constant 0 : i32
      %dma_start3A_96 = tpu.memref_slice %dma_start3A_94[%add3A_72, %dma_start3A_95] : memref<10240x128xf32, #tpu.memory_space<hbm>> -> memref<40x128xf32, #tpu.memory_space<hbm>>
      tpu.enqueue_dma source(%arg10 : memref<40x128xf32, #tpu.memory_space<vmem>>) target(%dma_start3A_96 : memref<40x128xf32, #tpu.memory_space<hbm>>) target_semaphore(%run_scoped3A : memref<!tpu.dma_semaphore, #tpu.memory_space<semaphore_mem>>)
      %dma_wait3A = arith.constant 0 : i32
      %dma_wait3A_97 = arith.constant 0 : i32
      %dma_wait3A_98 = tpu.memref_slice %arg5[%arg0, %dma_wait3A, %dma_wait3A_97] : memref<2x10240x128xf32, #tpu.memory_space<hbm>> -> memref<1x10240x128xf32, #tpu.memory_space<hbm>>
      %dma_wait3A_99 = tpu.memref_squeeze %dma_wait3A_98 : memref<1x10240x128xf32, #tpu.memory_space<hbm>> -> memref<10240x128xf32, #tpu.memory_space<hbm>>
      %dma_wait3A_100 = arith.constant 0 : i32
      %dma_wait3A_101 = tpu.memref_slice %dma_wait3A_99[%add3A_72, %dma_wait3A_100] : memref<10240x128xf32, #tpu.memory_space<hbm>> -> memref<40x128xf32, #tpu.memory_space<hbm>>
      %dma_wait3A_102 = arith.constant 0 : i32
      %dma_wait3A_103 = arith.constant 0 : i32
      %dma_wait3A_104 = tpu.memref_slice %arg5[%arg0, %dma_wait3A_102, %dma_wait3A_103] : memref<2x10240x128xf32, #tpu.memory_space<hbm>> -> memref<1x10240x128xf32, #tpu.memory_space<hbm>>
      %dma_wait3A_105 = tpu.memref_squeeze %dma_wait3A_104 : memref<1x10240x128xf32, #tpu.memory_space<hbm>> -> memref<10240x128xf32, #tpu.memory_space<hbm>>
      %dma_wait3A_106 = arith.constant 0 : i32
      %dma_wait3A_107 = tpu.memref_slice %dma_wait3A_105[%add3A_72, %dma_wait3A_106] : memref<10240x128xf32, #tpu.memory_space<hbm>> -> memref<40x128xf32, #tpu.memory_space<hbm>>
      tpu.wait_dma2 semaphore(%run_scoped3A : memref<!tpu.dma_semaphore, #tpu.memory_space<semaphore_mem>>) src(%arg10 : memref<40x128xf32, #tpu.memory_space<vmem>>) dst(%dma_wait3A_107 : memref<40x128xf32, #tpu.memory_space<hbm>>)
      tpu.yield
    }) : () -> ()
    %add3A_73 = arith.constant 400 : i32
    %add3A_74 = arith.addi %mul3A_4, %add3A_73 : i32
    "tpu.region"() ({
      %run_scoped3A = tpu.sem_alloc : memref<!tpu.dma_semaphore, #tpu.memory_space<semaphore_mem>>
      %dma_start3A_85 = arith.constant 0 : i32
      %dma_start3A_86 = tpu.memref_slice %arg6[%add3A_74, %dma_start3A_85] : memref<10240x128xf32, #tpu.memory_space<vmem_shared>> -> memref<40x128xf32, #tpu.memory_space<vmem_shared>>
      %dma_start3A_87 = arith.constant 0 : i32
      %dma_start3A_88 = tpu.memref_slice %arg6[%add3A_74, %dma_start3A_87] : memref<10240x128xf32, #tpu.memory_space<vmem_shared>> -> memref<40x128xf32, #tpu.memory_space<vmem_shared>>
      tpu.enqueue_dma source(%dma_start3A_88 : memref<40x128xf32, #tpu.memory_space<vmem_shared>>) target(%arg10 : memref<40x128xf32, #tpu.memory_space<vmem>>) target_semaphore(%run_scoped3A : memref<!tpu.dma_semaphore, #tpu.memory_space<semaphore_mem>>)
      %dma_wait3A = arith.constant 0 : i32
      %dma_wait3A_89 = tpu.memref_slice %arg6[%add3A_74, %dma_wait3A] : memref<10240x128xf32, #tpu.memory_space<vmem_shared>> -> memref<40x128xf32, #tpu.memory_space<vmem_shared>>
      %dma_wait3A_90 = arith.constant 0 : i32
      %dma_wait3A_91 = tpu.memref_slice %arg6[%add3A_74, %dma_wait3A_90] : memref<10240x128xf32, #tpu.memory_space<vmem_shared>> -> memref<40x128xf32, #tpu.memory_space<vmem_shared>>
      tpu.wait_dma2 semaphore(%run_scoped3A : memref<!tpu.dma_semaphore, #tpu.memory_space<semaphore_mem>>) src(%dma_wait3A_91 : memref<40x128xf32, #tpu.memory_space<vmem_shared>>) dst(%arg10 : memref<40x128xf32, #tpu.memory_space<vmem>>)
      tpu.yield
    }) : () -> ()
    "tpu.region"() ({
      %run_scoped3A = tpu.sem_alloc : memref<!tpu.dma_semaphore, #tpu.memory_space<semaphore_mem>>
      %dma_start3A_85 = arith.constant 0 : i32
      %dma_start3A_86 = arith.constant 0 : i32
      %dma_start3A_87 = tpu.memref_slice %arg5[%arg0, %dma_start3A_85, %dma_start3A_86] : memref<2x10240x128xf32, #tpu.memory_space<hbm>> -> memref<1x10240x128xf32, #tpu.memory_space<hbm>>
      %dma_start3A_88 = tpu.memref_squeeze %dma_start3A_87 : memref<1x10240x128xf32, #tpu.memory_space<hbm>> -> memref<10240x128xf32, #tpu.memory_space<hbm>>
      %dma_start3A_89 = arith.constant 0 : i32
      %dma_start3A_90 = tpu.memref_slice %dma_start3A_88[%add3A_74, %dma_start3A_89] : memref<10240x128xf32, #tpu.memory_space<hbm>> -> memref<40x128xf32, #tpu.memory_space<hbm>>
      %dma_start3A_91 = arith.constant 0 : i32
      %dma_start3A_92 = arith.constant 0 : i32
      %dma_start3A_93 = tpu.memref_slice %arg5[%arg0, %dma_start3A_91, %dma_start3A_92] : memref<2x10240x128xf32, #tpu.memory_space<hbm>> -> memref<1x10240x128xf32, #tpu.memory_space<hbm>>
      %dma_start3A_94 = tpu.memref_squeeze %dma_start3A_93 : memref<1x10240x128xf32, #tpu.memory_space<hbm>> -> memref<10240x128xf32, #tpu.memory_space<hbm>>
      %dma_start3A_95 = arith.constant 0 : i32
      %dma_start3A_96 = tpu.memref_slice %dma_start3A_94[%add3A_74, %dma_start3A_95] : memref<10240x128xf32, #tpu.memory_space<hbm>> -> memref<40x128xf32, #tpu.memory_space<hbm>>
      tpu.enqueue_dma source(%arg10 : memref<40x128xf32, #tpu.memory_space<vmem>>) target(%dma_start3A_96 : memref<40x128xf32, #tpu.memory_space<hbm>>) target_semaphore(%run_scoped3A : memref<!tpu.dma_semaphore, #tpu.memory_space<semaphore_mem>>)
      %dma_wait3A = arith.constant 0 : i32
      %dma_wait3A_97 = arith.constant 0 : i32
      %dma_wait3A_98 = tpu.memref_slice %arg5[%arg0, %dma_wait3A, %dma_wait3A_97] : memref<2x10240x128xf32, #tpu.memory_space<hbm>> -> memref<1x10240x128xf32, #tpu.memory_space<hbm>>
      %dma_wait3A_99 = tpu.memref_squeeze %dma_wait3A_98 : memref<1x10240x128xf32, #tpu.memory_space<hbm>> -> memref<10240x128xf32, #tpu.memory_space<hbm>>
      %dma_wait3A_100 = arith.constant 0 : i32
      %dma_wait3A_101 = tpu.memref_slice %dma_wait3A_99[%add3A_74, %dma_wait3A_100] : memref<10240x128xf32, #tpu.memory_space<hbm>> -> memref<40x128xf32, #tpu.memory_space<hbm>>
      %dma_wait3A_102 = arith.constant 0 : i32
      %dma_wait3A_103 = arith.constant 0 : i32
      %dma_wait3A_104 = tpu.memref_slice %arg5[%arg0, %dma_wait3A_102, %dma_wait3A_103] : memref<2x10240x128xf32, #tpu.memory_space<hbm>> -> memref<1x10240x128xf32, #tpu.memory_space<hbm>>
      %dma_wait3A_105 = tpu.memref_squeeze %dma_wait3A_104 : memref<1x10240x128xf32, #tpu.memory_space<hbm>> -> memref<10240x128xf32, #tpu.memory_space<hbm>>
      %dma_wait3A_106 = arith.constant 0 : i32
      %dma_wait3A_107 = tpu.memref_slice %dma_wait3A_105[%add3A_74, %dma_wait3A_106] : memref<10240x128xf32, #tpu.memory_space<hbm>> -> memref<40x128xf32, #tpu.memory_space<hbm>>
      tpu.wait_dma2 semaphore(%run_scoped3A : memref<!tpu.dma_semaphore, #tpu.memory_space<semaphore_mem>>) src(%arg10 : memref<40x128xf32, #tpu.memory_space<vmem>>) dst(%dma_wait3A_107 : memref<40x128xf32, #tpu.memory_space<hbm>>)
      tpu.yield
    }) : () -> ()
    %add3A_75 = arith.constant 440 : i32
    %add3A_76 = arith.addi %mul3A_4, %add3A_75 : i32
    "tpu.region"() ({
      %run_scoped3A = tpu.sem_alloc : memref<!tpu.dma_semaphore, #tpu.memory_space<semaphore_mem>>
      %dma_start3A_85 = arith.constant 0 : i32
      %dma_start3A_86 = tpu.memref_slice %arg6[%add3A_76, %dma_start3A_85] : memref<10240x128xf32, #tpu.memory_space<vmem_shared>> -> memref<40x128xf32, #tpu.memory_space<vmem_shared>>
      %dma_start3A_87 = arith.constant 0 : i32
      %dma_start3A_88 = tpu.memref_slice %arg6[%add3A_76, %dma_start3A_87] : memref<10240x128xf32, #tpu.memory_space<vmem_shared>> -> memref<40x128xf32, #tpu.memory_space<vmem_shared>>
      tpu.enqueue_dma source(%dma_start3A_88 : memref<40x128xf32, #tpu.memory_space<vmem_shared>>) target(%arg10 : memref<40x128xf32, #tpu.memory_space<vmem>>) target_semaphore(%run_scoped3A : memref<!tpu.dma_semaphore, #tpu.memory_space<semaphore_mem>>)
      %dma_wait3A = arith.constant 0 : i32
      %dma_wait3A_89 = tpu.memref_slice %arg6[%add3A_76, %dma_wait3A] : memref<10240x128xf32, #tpu.memory_space<vmem_shared>> -> memref<40x128xf32, #tpu.memory_space<vmem_shared>>
      %dma_wait3A_90 = arith.constant 0 : i32
      %dma_wait3A_91 = tpu.memref_slice %arg6[%add3A_76, %dma_wait3A_90] : memref<10240x128xf32, #tpu.memory_space<vmem_shared>> -> memref<40x128xf32, #tpu.memory_space<vmem_shared>>
      tpu.wait_dma2 semaphore(%run_scoped3A : memref<!tpu.dma_semaphore, #tpu.memory_space<semaphore_mem>>) src(%dma_wait3A_91 : memref<40x128xf32, #tpu.memory_space<vmem_shared>>) dst(%arg10 : memref<40x128xf32, #tpu.memory_space<vmem>>)
      tpu.yield
    }) : () -> ()
    "tpu.region"() ({
      %run_scoped3A = tpu.sem_alloc : memref<!tpu.dma_semaphore, #tpu.memory_space<semaphore_mem>>
      %dma_start3A_85 = arith.constant 0 : i32
      %dma_start3A_86 = arith.constant 0 : i32
      %dma_start3A_87 = tpu.memref_slice %arg5[%arg0, %dma_start3A_85, %dma_start3A_86] : memref<2x10240x128xf32, #tpu.memory_space<hbm>> -> memref<1x10240x128xf32, #tpu.memory_space<hbm>>
      %dma_start3A_88 = tpu.memref_squeeze %dma_start3A_87 : memref<1x10240x128xf32, #tpu.memory_space<hbm>> -> memref<10240x128xf32, #tpu.memory_space<hbm>>
      %dma_start3A_89 = arith.constant 0 : i32
      %dma_start3A_90 = tpu.memref_slice %dma_start3A_88[%add3A_76, %dma_start3A_89] : memref<10240x128xf32, #tpu.memory_space<hbm>> -> memref<40x128xf32, #tpu.memory_space<hbm>>
      %dma_start3A_91 = arith.constant 0 : i32
      %dma_start3A_92 = arith.constant 0 : i32
      %dma_start3A_93 = tpu.memref_slice %arg5[%arg0, %dma_start3A_91, %dma_start3A_92] : memref<2x10240x128xf32, #tpu.memory_space<hbm>> -> memref<1x10240x128xf32, #tpu.memory_space<hbm>>
      %dma_start3A_94 = tpu.memref_squeeze %dma_start3A_93 : memref<1x10240x128xf32, #tpu.memory_space<hbm>> -> memref<10240x128xf32, #tpu.memory_space<hbm>>
      %dma_start3A_95 = arith.constant 0 : i32
      %dma_start3A_96 = tpu.memref_slice %dma_start3A_94[%add3A_76, %dma_start3A_95] : memref<10240x128xf32, #tpu.memory_space<hbm>> -> memref<40x128xf32, #tpu.memory_space<hbm>>
      tpu.enqueue_dma source(%arg10 : memref<40x128xf32, #tpu.memory_space<vmem>>) target(%dma_start3A_96 : memref<40x128xf32, #tpu.memory_space<hbm>>) target_semaphore(%run_scoped3A : memref<!tpu.dma_semaphore, #tpu.memory_space<semaphore_mem>>)
      %dma_wait3A = arith.constant 0 : i32
      %dma_wait3A_97 = arith.constant 0 : i32
      %dma_wait3A_98 = tpu.memref_slice %arg5[%arg0, %dma_wait3A, %dma_wait3A_97] : memref<2x10240x128xf32, #tpu.memory_space<hbm>> -> memref<1x10240x128xf32, #tpu.memory_space<hbm>>
      %dma_wait3A_99 = tpu.memref_squeeze %dma_wait3A_98 : memref<1x10240x128xf32, #tpu.memory_space<hbm>> -> memref<10240x128xf32, #tpu.memory_space<hbm>>
      %dma_wait3A_100 = arith.constant 0 : i32
      %dma_wait3A_101 = tpu.memref_slice %dma_wait3A_99[%add3A_76, %dma_wait3A_100] : memref<10240x128xf32, #tpu.memory_space<hbm>> -> memref<40x128xf32, #tpu.memory_space<hbm>>
      %dma_wait3A_102 = arith.constant 0 : i32
      %dma_wait3A_103 = arith.constant 0 : i32
      %dma_wait3A_104 = tpu.memref_slice %arg5[%arg0, %dma_wait3A_102, %dma_wait3A_103] : memref<2x10240x128xf32, #tpu.memory_space<hbm>> -> memref<1x10240x128xf32, #tpu.memory_space<hbm>>
      %dma_wait3A_105 = tpu.memref_squeeze %dma_wait3A_104 : memref<1x10240x128xf32, #tpu.memory_space<hbm>> -> memref<10240x128xf32, #tpu.memory_space<hbm>>
      %dma_wait3A_106 = arith.constant 0 : i32
      %dma_wait3A_107 = tpu.memref_slice %dma_wait3A_105[%add3A_76, %dma_wait3A_106] : memref<10240x128xf32, #tpu.memory_space<hbm>> -> memref<40x128xf32, #tpu.memory_space<hbm>>
      tpu.wait_dma2 semaphore(%run_scoped3A : memref<!tpu.dma_semaphore, #tpu.memory_space<semaphore_mem>>) src(%arg10 : memref<40x128xf32, #tpu.memory_space<vmem>>) dst(%dma_wait3A_107 : memref<40x128xf32, #tpu.memory_space<hbm>>)
      tpu.yield
    }) : () -> ()
    %add3A_77 = arith.constant 480 : i32
    %add3A_78 = arith.addi %mul3A_4, %add3A_77 : i32
    "tpu.region"() ({
      %run_scoped3A = tpu.sem_alloc : memref<!tpu.dma_semaphore, #tpu.memory_space<semaphore_mem>>
      %dma_start3A_85 = arith.constant 0 : i32
      %dma_start3A_86 = tpu.memref_slice %arg6[%add3A_78, %dma_start3A_85] : memref<10240x128xf32, #tpu.memory_space<vmem_shared>> -> memref<40x128xf32, #tpu.memory_space<vmem_shared>>
      %dma_start3A_87 = arith.constant 0 : i32
      %dma_start3A_88 = tpu.memref_slice %arg6[%add3A_78, %dma_start3A_87] : memref<10240x128xf32, #tpu.memory_space<vmem_shared>> -> memref<40x128xf32, #tpu.memory_space<vmem_shared>>
      tpu.enqueue_dma source(%dma_start3A_88 : memref<40x128xf32, #tpu.memory_space<vmem_shared>>) target(%arg10 : memref<40x128xf32, #tpu.memory_space<vmem>>) target_semaphore(%run_scoped3A : memref<!tpu.dma_semaphore, #tpu.memory_space<semaphore_mem>>)
      %dma_wait3A = arith.constant 0 : i32
      %dma_wait3A_89 = tpu.memref_slice %arg6[%add3A_78, %dma_wait3A] : memref<10240x128xf32, #tpu.memory_space<vmem_shared>> -> memref<40x128xf32, #tpu.memory_space<vmem_shared>>
      %dma_wait3A_90 = arith.constant 0 : i32
      %dma_wait3A_91 = tpu.memref_slice %arg6[%add3A_78, %dma_wait3A_90] : memref<10240x128xf32, #tpu.memory_space<vmem_shared>> -> memref<40x128xf32, #tpu.memory_space<vmem_shared>>
      tpu.wait_dma2 semaphore(%run_scoped3A : memref<!tpu.dma_semaphore, #tpu.memory_space<semaphore_mem>>) src(%dma_wait3A_91 : memref<40x128xf32, #tpu.memory_space<vmem_shared>>) dst(%arg10 : memref<40x128xf32, #tpu.memory_space<vmem>>)
      tpu.yield
    }) : () -> ()
    "tpu.region"() ({
      %run_scoped3A = tpu.sem_alloc : memref<!tpu.dma_semaphore, #tpu.memory_space<semaphore_mem>>
      %dma_start3A_85 = arith.constant 0 : i32
      %dma_start3A_86 = arith.constant 0 : i32
      %dma_start3A_87 = tpu.memref_slice %arg5[%arg0, %dma_start3A_85, %dma_start3A_86] : memref<2x10240x128xf32, #tpu.memory_space<hbm>> -> memref<1x10240x128xf32, #tpu.memory_space<hbm>>
      %dma_start3A_88 = tpu.memref_squeeze %dma_start3A_87 : memref<1x10240x128xf32, #tpu.memory_space<hbm>> -> memref<10240x128xf32, #tpu.memory_space<hbm>>
      %dma_start3A_89 = arith.constant 0 : i32
      %dma_start3A_90 = tpu.memref_slice %dma_start3A_88[%add3A_78, %dma_start3A_89] : memref<10240x128xf32, #tpu.memory_space<hbm>> -> memref<40x128xf32, #tpu.memory_space<hbm>>
      %dma_start3A_91 = arith.constant 0 : i32
      %dma_start3A_92 = arith.constant 0 : i32
      %dma_start3A_93 = tpu.memref_slice %arg5[%arg0, %dma_start3A_91, %dma_start3A_92] : memref<2x10240x128xf32, #tpu.memory_space<hbm>> -> memref<1x10240x128xf32, #tpu.memory_space<hbm>>
      %dma_start3A_94 = tpu.memref_squeeze %dma_start3A_93 : memref<1x10240x128xf32, #tpu.memory_space<hbm>> -> memref<10240x128xf32, #tpu.memory_space<hbm>>
      %dma_start3A_95 = arith.constant 0 : i32
      %dma_start3A_96 = tpu.memref_slice %dma_start3A_94[%add3A_78, %dma_start3A_95] : memref<10240x128xf32, #tpu.memory_space<hbm>> -> memref<40x128xf32, #tpu.memory_space<hbm>>
      tpu.enqueue_dma source(%arg10 : memref<40x128xf32, #tpu.memory_space<vmem>>) target(%dma_start3A_96 : memref<40x128xf32, #tpu.memory_space<hbm>>) target_semaphore(%run_scoped3A : memref<!tpu.dma_semaphore, #tpu.memory_space<semaphore_mem>>)
      %dma_wait3A = arith.constant 0 : i32
      %dma_wait3A_97 = arith.constant 0 : i32
      %dma_wait3A_98 = tpu.memref_slice %arg5[%arg0, %dma_wait3A, %dma_wait3A_97] : memref<2x10240x128xf32, #tpu.memory_space<hbm>> -> memref<1x10240x128xf32, #tpu.memory_space<hbm>>
      %dma_wait3A_99 = tpu.memref_squeeze %dma_wait3A_98 : memref<1x10240x128xf32, #tpu.memory_space<hbm>> -> memref<10240x128xf32, #tpu.memory_space<hbm>>
      %dma_wait3A_100 = arith.constant 0 : i32
      %dma_wait3A_101 = tpu.memref_slice %dma_wait3A_99[%add3A_78, %dma_wait3A_100] : memref<10240x128xf32, #tpu.memory_space<hbm>> -> memref<40x128xf32, #tpu.memory_space<hbm>>
      %dma_wait3A_102 = arith.constant 0 : i32
      %dma_wait3A_103 = arith.constant 0 : i32
      %dma_wait3A_104 = tpu.memref_slice %arg5[%arg0, %dma_wait3A_102, %dma_wait3A_103] : memref<2x10240x128xf32, #tpu.memory_space<hbm>> -> memref<1x10240x128xf32, #tpu.memory_space<hbm>>
      %dma_wait3A_105 = tpu.memref_squeeze %dma_wait3A_104 : memref<1x10240x128xf32, #tpu.memory_space<hbm>> -> memref<10240x128xf32, #tpu.memory_space<hbm>>
      %dma_wait3A_106 = arith.constant 0 : i32
      %dma_wait3A_107 = tpu.memref_slice %dma_wait3A_105[%add3A_78, %dma_wait3A_106] : memref<10240x128xf32, #tpu.memory_space<hbm>> -> memref<40x128xf32, #tpu.memory_space<hbm>>
      tpu.wait_dma2 semaphore(%run_scoped3A : memref<!tpu.dma_semaphore, #tpu.memory_space<semaphore_mem>>) src(%arg10 : memref<40x128xf32, #tpu.memory_space<vmem>>) dst(%dma_wait3A_107 : memref<40x128xf32, #tpu.memory_space<hbm>>)
      tpu.yield
    }) : () -> ()
    %add3A_79 = arith.constant 520 : i32
    %add3A_80 = arith.addi %mul3A_4, %add3A_79 : i32
    "tpu.region"() ({
      %run_scoped3A = tpu.sem_alloc : memref<!tpu.dma_semaphore, #tpu.memory_space<semaphore_mem>>
      %dma_start3A_85 = arith.constant 0 : i32
      %dma_start3A_86 = tpu.memref_slice %arg6[%add3A_80, %dma_start3A_85] : memref<10240x128xf32, #tpu.memory_space<vmem_shared>> -> memref<40x128xf32, #tpu.memory_space<vmem_shared>>
      %dma_start3A_87 = arith.constant 0 : i32
      %dma_start3A_88 = tpu.memref_slice %arg6[%add3A_80, %dma_start3A_87] : memref<10240x128xf32, #tpu.memory_space<vmem_shared>> -> memref<40x128xf32, #tpu.memory_space<vmem_shared>>
      tpu.enqueue_dma source(%dma_start3A_88 : memref<40x128xf32, #tpu.memory_space<vmem_shared>>) target(%arg10 : memref<40x128xf32, #tpu.memory_space<vmem>>) target_semaphore(%run_scoped3A : memref<!tpu.dma_semaphore, #tpu.memory_space<semaphore_mem>>)
      %dma_wait3A = arith.constant 0 : i32
      %dma_wait3A_89 = tpu.memref_slice %arg6[%add3A_80, %dma_wait3A] : memref<10240x128xf32, #tpu.memory_space<vmem_shared>> -> memref<40x128xf32, #tpu.memory_space<vmem_shared>>
      %dma_wait3A_90 = arith.constant 0 : i32
      %dma_wait3A_91 = tpu.memref_slice %arg6[%add3A_80, %dma_wait3A_90] : memref<10240x128xf32, #tpu.memory_space<vmem_shared>> -> memref<40x128xf32, #tpu.memory_space<vmem_shared>>
      tpu.wait_dma2 semaphore(%run_scoped3A : memref<!tpu.dma_semaphore, #tpu.memory_space<semaphore_mem>>) src(%dma_wait3A_91 : memref<40x128xf32, #tpu.memory_space<vmem_shared>>) dst(%arg10 : memref<40x128xf32, #tpu.memory_space<vmem>>)
      tpu.yield
    }) : () -> ()
    "tpu.region"() ({
      %run_scoped3A = tpu.sem_alloc : memref<!tpu.dma_semaphore, #tpu.memory_space<semaphore_mem>>
      %dma_start3A_85 = arith.constant 0 : i32
      %dma_start3A_86 = arith.constant 0 : i32
      %dma_start3A_87 = tpu.memref_slice %arg5[%arg0, %dma_start3A_85, %dma_start3A_86] : memref<2x10240x128xf32, #tpu.memory_space<hbm>> -> memref<1x10240x128xf32, #tpu.memory_space<hbm>>
      %dma_start3A_88 = tpu.memref_squeeze %dma_start3A_87 : memref<1x10240x128xf32, #tpu.memory_space<hbm>> -> memref<10240x128xf32, #tpu.memory_space<hbm>>
      %dma_start3A_89 = arith.constant 0 : i32
      %dma_start3A_90 = tpu.memref_slice %dma_start3A_88[%add3A_80, %dma_start3A_89] : memref<10240x128xf32, #tpu.memory_space<hbm>> -> memref<40x128xf32, #tpu.memory_space<hbm>>
      %dma_start3A_91 = arith.constant 0 : i32
      %dma_start3A_92 = arith.constant 0 : i32
      %dma_start3A_93 = tpu.memref_slice %arg5[%arg0, %dma_start3A_91, %dma_start3A_92] : memref<2x10240x128xf32, #tpu.memory_space<hbm>> -> memref<1x10240x128xf32, #tpu.memory_space<hbm>>
      %dma_start3A_94 = tpu.memref_squeeze %dma_start3A_93 : memref<1x10240x128xf32, #tpu.memory_space<hbm>> -> memref<10240x128xf32, #tpu.memory_space<hbm>>
      %dma_start3A_95 = arith.constant 0 : i32
      %dma_start3A_96 = tpu.memref_slice %dma_start3A_94[%add3A_80, %dma_start3A_95] : memref<10240x128xf32, #tpu.memory_space<hbm>> -> memref<40x128xf32, #tpu.memory_space<hbm>>
      tpu.enqueue_dma source(%arg10 : memref<40x128xf32, #tpu.memory_space<vmem>>) target(%dma_start3A_96 : memref<40x128xf32, #tpu.memory_space<hbm>>) target_semaphore(%run_scoped3A : memref<!tpu.dma_semaphore, #tpu.memory_space<semaphore_mem>>)
      %dma_wait3A = arith.constant 0 : i32
      %dma_wait3A_97 = arith.constant 0 : i32
      %dma_wait3A_98 = tpu.memref_slice %arg5[%arg0, %dma_wait3A, %dma_wait3A_97] : memref<2x10240x128xf32, #tpu.memory_space<hbm>> -> memref<1x10240x128xf32, #tpu.memory_space<hbm>>
      %dma_wait3A_99 = tpu.memref_squeeze %dma_wait3A_98 : memref<1x10240x128xf32, #tpu.memory_space<hbm>> -> memref<10240x128xf32, #tpu.memory_space<hbm>>
      %dma_wait3A_100 = arith.constant 0 : i32
      %dma_wait3A_101 = tpu.memref_slice %dma_wait3A_99[%add3A_80, %dma_wait3A_100] : memref<10240x128xf32, #tpu.memory_space<hbm>> -> memref<40x128xf32, #tpu.memory_space<hbm>>
      %dma_wait3A_102 = arith.constant 0 : i32
      %dma_wait3A_103 = arith.constant 0 : i32
      %dma_wait3A_104 = tpu.memref_slice %arg5[%arg0, %dma_wait3A_102, %dma_wait3A_103] : memref<2x10240x128xf32, #tpu.memory_space<hbm>> -> memref<1x10240x128xf32, #tpu.memory_space<hbm>>
      %dma_wait3A_105 = tpu.memref_squeeze %dma_wait3A_104 : memref<1x10240x128xf32, #tpu.memory_space<hbm>> -> memref<10240x128xf32, #tpu.memory_space<hbm>>
      %dma_wait3A_106 = arith.constant 0 : i32
      %dma_wait3A_107 = tpu.memref_slice %dma_wait3A_105[%add3A_80, %dma_wait3A_106] : memref<10240x128xf32, #tpu.memory_space<hbm>> -> memref<40x128xf32, #tpu.memory_space<hbm>>
      tpu.wait_dma2 semaphore(%run_scoped3A : memref<!tpu.dma_semaphore, #tpu.memory_space<semaphore_mem>>) src(%arg10 : memref<40x128xf32, #tpu.memory_space<vmem>>) dst(%dma_wait3A_107 : memref<40x128xf32, #tpu.memory_space<hbm>>)
      tpu.yield
    }) : () -> ()
    %add3A_81 = arith.constant 560 : i32
    %add3A_82 = arith.addi %mul3A_4, %add3A_81 : i32
    "tpu.region"() ({
      %run_scoped3A = tpu.sem_alloc : memref<!tpu.dma_semaphore, #tpu.memory_space<semaphore_mem>>
      %dma_start3A_85 = arith.constant 0 : i32
      %dma_start3A_86 = tpu.memref_slice %arg6[%add3A_82, %dma_start3A_85] : memref<10240x128xf32, #tpu.memory_space<vmem_shared>> -> memref<40x128xf32, #tpu.memory_space<vmem_shared>>
      %dma_start3A_87 = arith.constant 0 : i32
      %dma_start3A_88 = tpu.memref_slice %arg6[%add3A_82, %dma_start3A_87] : memref<10240x128xf32, #tpu.memory_space<vmem_shared>> -> memref<40x128xf32, #tpu.memory_space<vmem_shared>>
      tpu.enqueue_dma source(%dma_start3A_88 : memref<40x128xf32, #tpu.memory_space<vmem_shared>>) target(%arg10 : memref<40x128xf32, #tpu.memory_space<vmem>>) target_semaphore(%run_scoped3A : memref<!tpu.dma_semaphore, #tpu.memory_space<semaphore_mem>>)
      %dma_wait3A = arith.constant 0 : i32
      %dma_wait3A_89 = tpu.memref_slice %arg6[%add3A_82, %dma_wait3A] : memref<10240x128xf32, #tpu.memory_space<vmem_shared>> -> memref<40x128xf32, #tpu.memory_space<vmem_shared>>
      %dma_wait3A_90 = arith.constant 0 : i32
      %dma_wait3A_91 = tpu.memref_slice %arg6[%add3A_82, %dma_wait3A_90] : memref<10240x128xf32, #tpu.memory_space<vmem_shared>> -> memref<40x128xf32, #tpu.memory_space<vmem_shared>>
      tpu.wait_dma2 semaphore(%run_scoped3A : memref<!tpu.dma_semaphore, #tpu.memory_space<semaphore_mem>>) src(%dma_wait3A_91 : memref<40x128xf32, #tpu.memory_space<vmem_shared>>) dst(%arg10 : memref<40x128xf32, #tpu.memory_space<vmem>>)
      tpu.yield
    }) : () -> ()
    "tpu.region"() ({
      %run_scoped3A = tpu.sem_alloc : memref<!tpu.dma_semaphore, #tpu.memory_space<semaphore_mem>>
      %dma_start3A_85 = arith.constant 0 : i32
      %dma_start3A_86 = arith.constant 0 : i32
      %dma_start3A_87 = tpu.memref_slice %arg5[%arg0, %dma_start3A_85, %dma_start3A_86] : memref<2x10240x128xf32, #tpu.memory_space<hbm>> -> memref<1x10240x128xf32, #tpu.memory_space<hbm>>
      %dma_start3A_88 = tpu.memref_squeeze %dma_start3A_87 : memref<1x10240x128xf32, #tpu.memory_space<hbm>> -> memref<10240x128xf32, #tpu.memory_space<hbm>>
      %dma_start3A_89 = arith.constant 0 : i32
      %dma_start3A_90 = tpu.memref_slice %dma_start3A_88[%add3A_82, %dma_start3A_89] : memref<10240x128xf32, #tpu.memory_space<hbm>> -> memref<40x128xf32, #tpu.memory_space<hbm>>
      %dma_start3A_91 = arith.constant 0 : i32
      %dma_start3A_92 = arith.constant 0 : i32
      %dma_start3A_93 = tpu.memref_slice %arg5[%arg0, %dma_start3A_91, %dma_start3A_92] : memref<2x10240x128xf32, #tpu.memory_space<hbm>> -> memref<1x10240x128xf32, #tpu.memory_space<hbm>>
      %dma_start3A_94 = tpu.memref_squeeze %dma_start3A_93 : memref<1x10240x128xf32, #tpu.memory_space<hbm>> -> memref<10240x128xf32, #tpu.memory_space<hbm>>
      %dma_start3A_95 = arith.constant 0 : i32
      %dma_start3A_96 = tpu.memref_slice %dma_start3A_94[%add3A_82, %dma_start3A_95] : memref<10240x128xf32, #tpu.memory_space<hbm>> -> memref<40x128xf32, #tpu.memory_space<hbm>>
      tpu.enqueue_dma source(%arg10 : memref<40x128xf32, #tpu.memory_space<vmem>>) target(%dma_start3A_96 : memref<40x128xf32, #tpu.memory_space<hbm>>) target_semaphore(%run_scoped3A : memref<!tpu.dma_semaphore, #tpu.memory_space<semaphore_mem>>)
      %dma_wait3A = arith.constant 0 : i32
      %dma_wait3A_97 = arith.constant 0 : i32
      %dma_wait3A_98 = tpu.memref_slice %arg5[%arg0, %dma_wait3A, %dma_wait3A_97] : memref<2x10240x128xf32, #tpu.memory_space<hbm>> -> memref<1x10240x128xf32, #tpu.memory_space<hbm>>
      %dma_wait3A_99 = tpu.memref_squeeze %dma_wait3A_98 : memref<1x10240x128xf32, #tpu.memory_space<hbm>> -> memref<10240x128xf32, #tpu.memory_space<hbm>>
      %dma_wait3A_100 = arith.constant 0 : i32
      %dma_wait3A_101 = tpu.memref_slice %dma_wait3A_99[%add3A_82, %dma_wait3A_100] : memref<10240x128xf32, #tpu.memory_space<hbm>> -> memref<40x128xf32, #tpu.memory_space<hbm>>
      %dma_wait3A_102 = arith.constant 0 : i32
      %dma_wait3A_103 = arith.constant 0 : i32
      %dma_wait3A_104 = tpu.memref_slice %arg5[%arg0, %dma_wait3A_102, %dma_wait3A_103] : memref<2x10240x128xf32, #tpu.memory_space<hbm>> -> memref<1x10240x128xf32, #tpu.memory_space<hbm>>
      %dma_wait3A_105 = tpu.memref_squeeze %dma_wait3A_104 : memref<1x10240x128xf32, #tpu.memory_space<hbm>> -> memref<10240x128xf32, #tpu.memory_space<hbm>>
      %dma_wait3A_106 = arith.constant 0 : i32
      %dma_wait3A_107 = tpu.memref_slice %dma_wait3A_105[%add3A_82, %dma_wait3A_106] : memref<10240x128xf32, #tpu.memory_space<hbm>> -> memref<40x128xf32, #tpu.memory_space<hbm>>
      tpu.wait_dma2 semaphore(%run_scoped3A : memref<!tpu.dma_semaphore, #tpu.memory_space<semaphore_mem>>) src(%arg10 : memref<40x128xf32, #tpu.memory_space<vmem>>) dst(%dma_wait3A_107 : memref<40x128xf32, #tpu.memory_space<hbm>>)
      tpu.yield
    }) : () -> ()
    %add3A_83 = arith.constant 600 : i32
    %add3A_84 = arith.addi %mul3A_4, %add3A_83 : i32
    "tpu.region"() ({
      %run_scoped3A = tpu.sem_alloc : memref<!tpu.dma_semaphore, #tpu.memory_space<semaphore_mem>>
      %dma_start3A_85 = arith.constant 0 : i32
      %dma_start3A_86 = tpu.memref_slice %arg6[%add3A_84, %dma_start3A_85] : memref<10240x128xf32, #tpu.memory_space<vmem_shared>> -> memref<40x128xf32, #tpu.memory_space<vmem_shared>>
      %dma_start3A_87 = arith.constant 0 : i32
      %dma_start3A_88 = tpu.memref_slice %arg6[%add3A_84, %dma_start3A_87] : memref<10240x128xf32, #tpu.memory_space<vmem_shared>> -> memref<40x128xf32, #tpu.memory_space<vmem_shared>>
      tpu.enqueue_dma source(%dma_start3A_88 : memref<40x128xf32, #tpu.memory_space<vmem_shared>>) target(%arg10 : memref<40x128xf32, #tpu.memory_space<vmem>>) target_semaphore(%run_scoped3A : memref<!tpu.dma_semaphore, #tpu.memory_space<semaphore_mem>>)
      %dma_wait3A = arith.constant 0 : i32
      %dma_wait3A_89 = tpu.memref_slice %arg6[%add3A_84, %dma_wait3A] : memref<10240x128xf32, #tpu.memory_space<vmem_shared>> -> memref<40x128xf32, #tpu.memory_space<vmem_shared>>
      %dma_wait3A_90 = arith.constant 0 : i32
      %dma_wait3A_91 = tpu.memref_slice %arg6[%add3A_84, %dma_wait3A_90] : memref<10240x128xf32, #tpu.memory_space<vmem_shared>> -> memref<40x128xf32, #tpu.memory_space<vmem_shared>>
      tpu.wait_dma2 semaphore(%run_scoped3A : memref<!tpu.dma_semaphore, #tpu.memory_space<semaphore_mem>>) src(%dma_wait3A_91 : memref<40x128xf32, #tpu.memory_space<vmem_shared>>) dst(%arg10 : memref<40x128xf32, #tpu.memory_space<vmem>>)
      tpu.yield
    }) : () -> ()
    "tpu.region"() ({
      %run_scoped3A = tpu.sem_alloc : memref<!tpu.dma_semaphore, #tpu.memory_space<semaphore_mem>>
      %dma_start3A_85 = arith.constant 0 : i32
      %dma_start3A_86 = arith.constant 0 : i32
      %dma_start3A_87 = tpu.memref_slice %arg5[%arg0, %dma_start3A_85, %dma_start3A_86] : memref<2x10240x128xf32, #tpu.memory_space<hbm>> -> memref<1x10240x128xf32, #tpu.memory_space<hbm>>
      %dma_start3A_88 = tpu.memref_squeeze %dma_start3A_87 : memref<1x10240x128xf32, #tpu.memory_space<hbm>> -> memref<10240x128xf32, #tpu.memory_space<hbm>>
      %dma_start3A_89 = arith.constant 0 : i32
      %dma_start3A_90 = tpu.memref_slice %dma_start3A_88[%add3A_84, %dma_start3A_89] : memref<10240x128xf32, #tpu.memory_space<hbm>> -> memref<40x128xf32, #tpu.memory_space<hbm>>
      %dma_start3A_91 = arith.constant 0 : i32
      %dma_start3A_92 = arith.constant 0 : i32
      %dma_start3A_93 = tpu.memref_slice %arg5[%arg0, %dma_start3A_91, %dma_start3A_92] : memref<2x10240x128xf32, #tpu.memory_space<hbm>> -> memref<1x10240x128xf32, #tpu.memory_space<hbm>>
      %dma_start3A_94 = tpu.memref_squeeze %dma_start3A_93 : memref<1x10240x128xf32, #tpu.memory_space<hbm>> -> memref<10240x128xf32, #tpu.memory_space<hbm>>
      %dma_start3A_95 = arith.constant 0 : i32
      %dma_start3A_96 = tpu.memref_slice %dma_start3A_94[%add3A_84, %dma_start3A_95] : memref<10240x128xf32, #tpu.memory_space<hbm>> -> memref<40x128xf32, #tpu.memory_space<hbm>>
      tpu.enqueue_dma source(%arg10 : memref<40x128xf32, #tpu.memory_space<vmem>>) target(%dma_start3A_96 : memref<40x128xf32, #tpu.memory_space<hbm>>) target_semaphore(%run_scoped3A : memref<!tpu.dma_semaphore, #tpu.memory_space<semaphore_mem>>)
      %dma_wait3A = arith.constant 0 : i32
      %dma_wait3A_97 = arith.constant 0 : i32
      %dma_wait3A_98 = tpu.memref_slice %arg5[%arg0, %dma_wait3A, %dma_wait3A_97] : memref<2x10240x128xf32, #tpu.memory_space<hbm>> -> memref<1x10240x128xf32, #tpu.memory_space<hbm>>
      %dma_wait3A_99 = tpu.memref_squeeze %dma_wait3A_98 : memref<1x10240x128xf32, #tpu.memory_space<hbm>> -> memref<10240x128xf32, #tpu.memory_space<hbm>>
      %dma_wait3A_100 = arith.constant 0 : i32
      %dma_wait3A_101 = tpu.memref_slice %dma_wait3A_99[%add3A_84, %dma_wait3A_100] : memref<10240x128xf32, #tpu.memory_space<hbm>> -> memref<40x128xf32, #tpu.memory_space<hbm>>
      %dma_wait3A_102 = arith.constant 0 : i32
      %dma_wait3A_103 = arith.constant 0 : i32
      %dma_wait3A_104 = tpu.memref_slice %arg5[%arg0, %dma_wait3A_102, %dma_wait3A_103] : memref<2x10240x128xf32, #tpu.memory_space<hbm>> -> memref<1x10240x128xf32, #tpu.memory_space<hbm>>
      %dma_wait3A_105 = tpu.memref_squeeze %dma_wait3A_104 : memref<1x10240x128xf32, #tpu.memory_space<hbm>> -> memref<10240x128xf32, #tpu.memory_space<hbm>>
      %dma_wait3A_106 = arith.constant 0 : i32
      %dma_wait3A_107 = tpu.memref_slice %dma_wait3A_105[%add3A_84, %dma_wait3A_106] : memref<10240x128xf32, #tpu.memory_space<hbm>> -> memref<40x128xf32, #tpu.memory_space<hbm>>
      tpu.wait_dma2 semaphore(%run_scoped3A : memref<!tpu.dma_semaphore, #tpu.memory_space<semaphore_mem>>) src(%arg10 : memref<40x128xf32, #tpu.memory_space<vmem>>) dst(%dma_wait3A_107 : memref<40x128xf32, #tpu.memory_space<hbm>>)
      tpu.yield
    }) : () -> ()
    return
  }
}

#map = affine_map<(d0, d1) -> (0, 0)>
#map1 = affine_map<(d0, d1) -> (0, 0, 0)>
module attributes {stable_mosaic.version = 14 : i64} {
  func.func @_sc_gather_body(%arg0: i32, %arg1: i32, %arg2: memref<10000x128xf32, #tpu.memory_space<hbm>>, %arg3: memref<32x125x80xi32, #tpu.memory_space<hbm>>, %arg4: memref<32x125x80xi32, #tpu.memory_space<hbm>>, %arg5: memref<320000x128xf32, #tpu.memory_space<hbm>>, %arg6: memref<320000x128xf32, #tpu.memory_space<hbm>>, %arg7: memref<125x80xi32, #tpu.memory_space<vmem>>, %arg8: memref<125x80xi32, #tpu.memory_space<vmem>>, %arg9: memref<80x128xf32, #tpu.memory_space<vmem>>, %arg10: memref<80x128xf32, #tpu.memory_space<vmem>>, %arg11: memref<80x128xf32, #tpu.memory_space<vmem>>, %arg12: memref<80x128xf32, #tpu.memory_space<vmem>>, %arg13: memref<!tpu.dma_semaphore, #tpu.memory_space<semaphore_mem>>, %arg14: memref<!tpu.dma_semaphore, #tpu.memory_space<semaphore_mem>>, %arg15: memref<!tpu.dma_semaphore, #tpu.memory_space<semaphore_mem>>, %arg16: memref<!tpu.dma_semaphore, #tpu.memory_space<semaphore_mem>>) attributes {dimension_semantics = [#tpu.dimension_semantics<core_parallel>, #tpu.dimension_semantics<subcore_parallel>], iteration_bounds = array<i64: 2, 16>, scalar_prefetch = 0 : i64, scratch_operands = 10 : i64, tpu.core_type = #tpu.core_type<sc_vector_subcore>, window_params = [{transform_indices = #map}, {transform_indices = #map1}, {transform_indices = #map1}, {transform_indices = #map}, {transform_indices = #map}]} {
    %mul3A = arith.constant 2 : i32
    %mul3A_0 = arith.muli %arg1, %mul3A : i32
    %add3A = arith.addi %mul3A_0, %arg0 : i32
    %mul3A_1 = arith.constant 10000 : i32
    %mul3A_2 = arith.muli %add3A, %mul3A_1 : i32
    "tpu.region"() ({
      %run_scoped3A = tpu.sem_alloc : memref<!tpu.dma_semaphore, #tpu.memory_space<semaphore_mem>>
      %dma_start3A_79 = arith.constant 0 : i32
      %dma_start3A_80 = arith.constant 0 : i32
      %dma_start3A_81 = tpu.memref_slice %arg3[%add3A, %dma_start3A_79, %dma_start3A_80] : memref<32x125x80xi32, #tpu.memory_space<hbm>> -> memref<1x125x80xi32, #tpu.memory_space<hbm>>
      %dma_start3A_82 = tpu.memref_squeeze %dma_start3A_81 : memref<1x125x80xi32, #tpu.memory_space<hbm>> -> memref<125x80xi32, #tpu.memory_space<hbm>>
      %dma_start3A_83 = arith.constant 0 : i32
      %dma_start3A_84 = arith.constant 0 : i32
      %dma_start3A_85 = tpu.memref_slice %arg3[%add3A, %dma_start3A_83, %dma_start3A_84] : memref<32x125x80xi32, #tpu.memory_space<hbm>> -> memref<1x125x80xi32, #tpu.memory_space<hbm>>
      %dma_start3A_86 = tpu.memref_squeeze %dma_start3A_85 : memref<1x125x80xi32, #tpu.memory_space<hbm>> -> memref<125x80xi32, #tpu.memory_space<hbm>>
      tpu.enqueue_dma source(%dma_start3A_86 : memref<125x80xi32, #tpu.memory_space<hbm>>) target(%arg7 : memref<125x80xi32, #tpu.memory_space<vmem>>) target_semaphore(%run_scoped3A : memref<!tpu.dma_semaphore, #tpu.memory_space<semaphore_mem>>)
      %dma_wait3A_87 = arith.constant 0 : i32
      %dma_wait3A_88 = arith.constant 0 : i32
      %dma_wait3A_89 = tpu.memref_slice %arg3[%add3A, %dma_wait3A_87, %dma_wait3A_88] : memref<32x125x80xi32, #tpu.memory_space<hbm>> -> memref<1x125x80xi32, #tpu.memory_space<hbm>>
      %dma_wait3A_90 = tpu.memref_squeeze %dma_wait3A_89 : memref<1x125x80xi32, #tpu.memory_space<hbm>> -> memref<125x80xi32, #tpu.memory_space<hbm>>
      %dma_wait3A_91 = arith.constant 0 : i32
      %dma_wait3A_92 = arith.constant 0 : i32
      %dma_wait3A_93 = tpu.memref_slice %arg3[%add3A, %dma_wait3A_91, %dma_wait3A_92] : memref<32x125x80xi32, #tpu.memory_space<hbm>> -> memref<1x125x80xi32, #tpu.memory_space<hbm>>
      %dma_wait3A_94 = tpu.memref_squeeze %dma_wait3A_93 : memref<1x125x80xi32, #tpu.memory_space<hbm>> -> memref<125x80xi32, #tpu.memory_space<hbm>>
      tpu.wait_dma2 semaphore(%run_scoped3A : memref<!tpu.dma_semaphore, #tpu.memory_space<semaphore_mem>>) src(%dma_wait3A_94 : memref<125x80xi32, #tpu.memory_space<hbm>>) dst(%arg7 : memref<125x80xi32, #tpu.memory_space<vmem>>)
      tpu.yield
    }) : () -> ()
    "tpu.region"() ({
      %run_scoped3A = tpu.sem_alloc : memref<!tpu.dma_semaphore, #tpu.memory_space<semaphore_mem>>
      %dma_start3A_79 = arith.constant 0 : i32
      %dma_start3A_80 = arith.constant 0 : i32
      %dma_start3A_81 = tpu.memref_slice %arg4[%add3A, %dma_start3A_79, %dma_start3A_80] : memref<32x125x80xi32, #tpu.memory_space<hbm>> -> memref<1x125x80xi32, #tpu.memory_space<hbm>>
      %dma_start3A_82 = tpu.memref_squeeze %dma_start3A_81 : memref<1x125x80xi32, #tpu.memory_space<hbm>> -> memref<125x80xi32, #tpu.memory_space<hbm>>
      %dma_start3A_83 = arith.constant 0 : i32
      %dma_start3A_84 = arith.constant 0 : i32
      %dma_start3A_85 = tpu.memref_slice %arg4[%add3A, %dma_start3A_83, %dma_start3A_84] : memref<32x125x80xi32, #tpu.memory_space<hbm>> -> memref<1x125x80xi32, #tpu.memory_space<hbm>>
      %dma_start3A_86 = tpu.memref_squeeze %dma_start3A_85 : memref<1x125x80xi32, #tpu.memory_space<hbm>> -> memref<125x80xi32, #tpu.memory_space<hbm>>
      tpu.enqueue_dma source(%dma_start3A_86 : memref<125x80xi32, #tpu.memory_space<hbm>>) target(%arg8 : memref<125x80xi32, #tpu.memory_space<vmem>>) target_semaphore(%run_scoped3A : memref<!tpu.dma_semaphore, #tpu.memory_space<semaphore_mem>>)
      %dma_wait3A_87 = arith.constant 0 : i32
      %dma_wait3A_88 = arith.constant 0 : i32
      %dma_wait3A_89 = tpu.memref_slice %arg4[%add3A, %dma_wait3A_87, %dma_wait3A_88] : memref<32x125x80xi32, #tpu.memory_space<hbm>> -> memref<1x125x80xi32, #tpu.memory_space<hbm>>
      %dma_wait3A_90 = tpu.memref_squeeze %dma_wait3A_89 : memref<1x125x80xi32, #tpu.memory_space<hbm>> -> memref<125x80xi32, #tpu.memory_space<hbm>>
      %dma_wait3A_91 = arith.constant 0 : i32
      %dma_wait3A_92 = arith.constant 0 : i32
      %dma_wait3A_93 = tpu.memref_slice %arg4[%add3A, %dma_wait3A_91, %dma_wait3A_92] : memref<32x125x80xi32, #tpu.memory_space<hbm>> -> memref<1x125x80xi32, #tpu.memory_space<hbm>>
      %dma_wait3A_94 = tpu.memref_squeeze %dma_wait3A_93 : memref<1x125x80xi32, #tpu.memory_space<hbm>> -> memref<125x80xi32, #tpu.memory_space<hbm>>
      tpu.wait_dma2 semaphore(%run_scoped3A : memref<!tpu.dma_semaphore, #tpu.memory_space<semaphore_mem>>) src(%dma_wait3A_94 : memref<125x80xi32, #tpu.memory_space<hbm>>) dst(%arg8 : memref<125x80xi32, #tpu.memory_space<vmem>>)
      tpu.yield
    }) : () -> ()
    %scan3A = arith.constant 0 : i32
    %scan3A_3 = arith.constant 62 : i32
    %scan3A_4 = arith.addi %scan3A, %scan3A_3 : i32
    %scan3A_5 = arith.constant 1 : i32
    scf.for %scan3A_79 = %scan3A to %scan3A_4 step %scan3A_5  : i32 {
      %mul3A_80 = arith.constant 2 : i32
      %mul3A_81 = arith.muli %mul3A_80, %scan3A_79 : i32
      %gt3A = arith.constant 0 : i32
      %gt3A_82 = arith.cmpi sgt, %scan3A_79, %gt3A : i32
      %convert_element_type3A = arith.extui %gt3A_82 : i1 to i32
      %cond3A = arith.constant 0 : i32
      %cond3A_83 = arith.cmpi ne, %convert_element_type3A, %cond3A : i32
      scf.if %cond3A_83 {
        %dma_wait3A_158 = arith.constant 0 : i32
        %dma_wait3A_159 = arith.constant 0 : i32
        %dma_wait3A_160 = tpu.memref_slice %arg5[%dma_wait3A_158, %dma_wait3A_159] : memref<320000x128xf32, #tpu.memory_space<hbm>> -> memref<80x128xf32, #tpu.memory_space<hbm>>
        %dma_wait3A_161 = arith.constant 0 : i32
        %dma_wait3A_162 = arith.constant 0 : i32
        %dma_wait3A_163 = tpu.memref_slice %arg5[%dma_wait3A_161, %dma_wait3A_162] : memref<320000x128xf32, #tpu.memory_space<hbm>> -> memref<80x128xf32, #tpu.memory_space<hbm>>
        tpu.wait_dma2 semaphore(%arg15 : memref<!tpu.dma_semaphore, #tpu.memory_space<semaphore_mem>>) src(%arg9 : memref<80x128xf32, #tpu.memory_space<vmem>>) dst(%dma_wait3A_163 : memref<80x128xf32, #tpu.memory_space<hbm>>)
        %dma_wait3A_164 = arith.constant 0 : i32
        %dma_wait3A_165 = arith.constant 0 : i32
        %dma_wait3A_166 = tpu.memref_slice %arg6[%dma_wait3A_164, %dma_wait3A_165] : memref<320000x128xf32, #tpu.memory_space<hbm>> -> memref<80x128xf32, #tpu.memory_space<hbm>>
        %dma_wait3A_167 = arith.constant 0 : i32
        %dma_wait3A_168 = arith.constant 0 : i32
        %dma_wait3A_169 = tpu.memref_slice %arg6[%dma_wait3A_167, %dma_wait3A_168] : memref<320000x128xf32, #tpu.memory_space<hbm>> -> memref<80x128xf32, #tpu.memory_space<hbm>>
        tpu.wait_dma2 semaphore(%arg15 : memref<!tpu.dma_semaphore, #tpu.memory_space<semaphore_mem>>) src(%arg11 : memref<80x128xf32, #tpu.memory_space<vmem>>) dst(%dma_wait3A_169 : memref<80x128xf32, #tpu.memory_space<hbm>>)
        %dma_wait3A_170 = arith.constant 0 : i32
        %dma_wait3A_171 = arith.constant 0 : i32
        %dma_wait3A_172 = tpu.memref_slice %arg5[%dma_wait3A_170, %dma_wait3A_171] : memref<320000x128xf32, #tpu.memory_space<hbm>> -> memref<80x128xf32, #tpu.memory_space<hbm>>
        %dma_wait3A_173 = arith.constant 0 : i32
        %dma_wait3A_174 = arith.constant 0 : i32
        %dma_wait3A_175 = tpu.memref_slice %arg5[%dma_wait3A_173, %dma_wait3A_174] : memref<320000x128xf32, #tpu.memory_space<hbm>> -> memref<80x128xf32, #tpu.memory_space<hbm>>
        tpu.wait_dma2 semaphore(%arg16 : memref<!tpu.dma_semaphore, #tpu.memory_space<semaphore_mem>>) src(%arg10 : memref<80x128xf32, #tpu.memory_space<vmem>>) dst(%dma_wait3A_175 : memref<80x128xf32, #tpu.memory_space<hbm>>)
        %dma_wait3A_176 = arith.constant 0 : i32
        %dma_wait3A_177 = arith.constant 0 : i32
        %dma_wait3A_178 = tpu.memref_slice %arg6[%dma_wait3A_176, %dma_wait3A_177] : memref<320000x128xf32, #tpu.memory_space<hbm>> -> memref<80x128xf32, #tpu.memory_space<hbm>>
        %dma_wait3A_179 = arith.constant 0 : i32
        %dma_wait3A_180 = arith.constant 0 : i32
        %dma_wait3A_181 = tpu.memref_slice %arg6[%dma_wait3A_179, %dma_wait3A_180] : memref<320000x128xf32, #tpu.memory_space<hbm>> -> memref<80x128xf32, #tpu.memory_space<hbm>>
        tpu.wait_dma2 semaphore(%arg16 : memref<!tpu.dma_semaphore, #tpu.memory_space<semaphore_mem>>) src(%arg12 : memref<80x128xf32, #tpu.memory_space<vmem>>) dst(%dma_wait3A_181 : memref<80x128xf32, #tpu.memory_space<hbm>>)
      } else {
      }
      %dma_start3A_84 = arith.constant 0 : i32
      %dma_start3A_85 = tpu.memref_slice %arg7[%mul3A_81, %dma_start3A_84] : memref<125x80xi32, #tpu.memory_space<vmem>> -> memref<1x80xi32, #tpu.memory_space<vmem>>
      %dma_start3A_86 = tpu.memref_squeeze %dma_start3A_85 : memref<1x80xi32, #tpu.memory_space<vmem>> -> memref<80xi32, #tpu.memory_space<vmem>>
      %dma_start3A_87 = arith.constant 0 : i32
      %dma_start3A_88 = arith.constant 0 : i32
      %dma_start3A_89 = tpu.memref_slice %arg2[%dma_start3A_87, %dma_start3A_88] : memref<10000x128xf32, #tpu.memory_space<hbm>> -> memref<10000x128xf32, #tpu.memory_space<hbm>>
      tpu.enqueue_indirect_dma source(%dma_start3A_89 : memref<10000x128xf32, #tpu.memory_space<hbm>>) target(%arg9 : memref<80x128xf32, #tpu.memory_space<vmem>>) offsets(%dma_start3A_86 : memref<80xi32, #tpu.memory_space<vmem>>) semaphore(%arg13 : memref<!tpu.dma_semaphore, #tpu.memory_space<semaphore_mem>>)
      %dma_start3A_90 = arith.constant 0 : i32
      %dma_start3A_91 = tpu.memref_slice %arg8[%mul3A_81, %dma_start3A_90] : memref<125x80xi32, #tpu.memory_space<vmem>> -> memref<1x80xi32, #tpu.memory_space<vmem>>
      %dma_start3A_92 = tpu.memref_squeeze %dma_start3A_91 : memref<1x80xi32, #tpu.memory_space<vmem>> -> memref<80xi32, #tpu.memory_space<vmem>>
      %dma_start3A_93 = arith.constant 0 : i32
      %dma_start3A_94 = arith.constant 0 : i32
      %dma_start3A_95 = tpu.memref_slice %arg2[%dma_start3A_93, %dma_start3A_94] : memref<10000x128xf32, #tpu.memory_space<hbm>> -> memref<10000x128xf32, #tpu.memory_space<hbm>>
      tpu.enqueue_indirect_dma source(%dma_start3A_95 : memref<10000x128xf32, #tpu.memory_space<hbm>>) target(%arg11 : memref<80x128xf32, #tpu.memory_space<vmem>>) offsets(%dma_start3A_92 : memref<80xi32, #tpu.memory_space<vmem>>) semaphore(%arg13 : memref<!tpu.dma_semaphore, #tpu.memory_space<semaphore_mem>>)
      %add3A_96 = arith.constant 1 : i32
      %add3A_97 = arith.addi %mul3A_81, %add3A_96 : i32
      %dma_start3A_98 = arith.constant 0 : i32
      %dma_start3A_99 = tpu.memref_slice %arg7[%add3A_97, %dma_start3A_98] : memref<125x80xi32, #tpu.memory_space<vmem>> -> memref<1x80xi32, #tpu.memory_space<vmem>>
      %dma_start3A_100 = tpu.memref_squeeze %dma_start3A_99 : memref<1x80xi32, #tpu.memory_space<vmem>> -> memref<80xi32, #tpu.memory_space<vmem>>
      %dma_start3A_101 = arith.constant 0 : i32
      %dma_start3A_102 = arith.constant 0 : i32
      %dma_start3A_103 = tpu.memref_slice %arg2[%dma_start3A_101, %dma_start3A_102] : memref<10000x128xf32, #tpu.memory_space<hbm>> -> memref<10000x128xf32, #tpu.memory_space<hbm>>
      tpu.enqueue_indirect_dma source(%dma_start3A_103 : memref<10000x128xf32, #tpu.memory_space<hbm>>) target(%arg10 : memref<80x128xf32, #tpu.memory_space<vmem>>) offsets(%dma_start3A_100 : memref<80xi32, #tpu.memory_space<vmem>>) semaphore(%arg14 : memref<!tpu.dma_semaphore, #tpu.memory_space<semaphore_mem>>)
      %dma_start3A_104 = arith.constant 0 : i32
      %dma_start3A_105 = tpu.memref_slice %arg8[%add3A_97, %dma_start3A_104] : memref<125x80xi32, #tpu.memory_space<vmem>> -> memref<1x80xi32, #tpu.memory_space<vmem>>
      %dma_start3A_106 = tpu.memref_squeeze %dma_start3A_105 : memref<1x80xi32, #tpu.memory_space<vmem>> -> memref<80xi32, #tpu.memory_space<vmem>>
      %dma_start3A_107 = arith.constant 0 : i32
      %dma_start3A_108 = arith.constant 0 : i32
      %dma_start3A_109 = tpu.memref_slice %arg2[%dma_start3A_107, %dma_start3A_108] : memref<10000x128xf32, #tpu.memory_space<hbm>> -> memref<10000x128xf32, #tpu.memory_space<hbm>>
      tpu.enqueue_indirect_dma source(%dma_start3A_109 : memref<10000x128xf32, #tpu.memory_space<hbm>>) target(%arg12 : memref<80x128xf32, #tpu.memory_space<vmem>>) offsets(%dma_start3A_106 : memref<80xi32, #tpu.memory_space<vmem>>) semaphore(%arg14 : memref<!tpu.dma_semaphore, #tpu.memory_space<semaphore_mem>>)
      %dma_wait3A_110 = arith.constant 0 : i32
      %dma_wait3A_111 = tpu.memref_slice %arg7[%mul3A_81, %dma_wait3A_110] : memref<125x80xi32, #tpu.memory_space<vmem>> -> memref<1x80xi32, #tpu.memory_space<vmem>>
      %dma_wait3A_112 = tpu.memref_squeeze %dma_wait3A_111 : memref<1x80xi32, #tpu.memory_space<vmem>> -> memref<80xi32, #tpu.memory_space<vmem>>
      %dma_wait3A_113 = arith.constant 0 : i32
      %dma_wait3A_114 = arith.constant 0 : i32
      %dma_wait3A_115 = tpu.memref_slice %arg2[%dma_wait3A_113, %dma_wait3A_114] : memref<10000x128xf32, #tpu.memory_space<hbm>> -> memref<10000x128xf32, #tpu.memory_space<hbm>>
      tpu.wait_indirect_dma semaphore(%arg13 : memref<!tpu.dma_semaphore, #tpu.memory_space<semaphore_mem>>) src(%dma_wait3A_115 : memref<10000x128xf32, #tpu.memory_space<hbm>>) dst(%arg9 : memref<80x128xf32, #tpu.memory_space<vmem>>)
      %dma_wait3A_116 = arith.constant 0 : i32
      %dma_wait3A_117 = tpu.memref_slice %arg8[%mul3A_81, %dma_wait3A_116] : memref<125x80xi32, #tpu.memory_space<vmem>> -> memref<1x80xi32, #tpu.memory_space<vmem>>
      %dma_wait3A_118 = tpu.memref_squeeze %dma_wait3A_117 : memref<1x80xi32, #tpu.memory_space<vmem>> -> memref<80xi32, #tpu.memory_space<vmem>>
      %dma_wait3A_119 = arith.constant 0 : i32
      %dma_wait3A_120 = arith.constant 0 : i32
      %dma_wait3A_121 = tpu.memref_slice %arg2[%dma_wait3A_119, %dma_wait3A_120] : memref<10000x128xf32, #tpu.memory_space<hbm>> -> memref<10000x128xf32, #tpu.memory_space<hbm>>
      tpu.wait_indirect_dma semaphore(%arg13 : memref<!tpu.dma_semaphore, #tpu.memory_space<semaphore_mem>>) src(%dma_wait3A_121 : memref<10000x128xf32, #tpu.memory_space<hbm>>) dst(%arg11 : memref<80x128xf32, #tpu.memory_space<vmem>>)
      %mul3A_122 = arith.constant 80 : i32
      %mul3A_123 = arith.muli %mul3A_81, %mul3A_122 : i32
      %add3A_124 = arith.addi %mul3A_2, %mul3A_123 : i32
      %dma_start3A_125 = arith.constant 0 : i32
      %dma_start3A_126 = tpu.memref_slice %arg5[%add3A_124, %dma_start3A_125] : memref<320000x128xf32, #tpu.memory_space<hbm>> -> memref<80x128xf32, #tpu.memory_space<hbm>>
      %dma_start3A_127 = arith.constant 0 : i32
      %dma_start3A_128 = tpu.memref_slice %arg5[%add3A_124, %dma_start3A_127] : memref<320000x128xf32, #tpu.memory_space<hbm>> -> memref<80x128xf32, #tpu.memory_space<hbm>>
      tpu.enqueue_dma source(%arg9 : memref<80x128xf32, #tpu.memory_space<vmem>>) target(%dma_start3A_128 : memref<80x128xf32, #tpu.memory_space<hbm>>) target_semaphore(%arg15 : memref<!tpu.dma_semaphore, #tpu.memory_space<semaphore_mem>>)
      %dma_start3A_129 = arith.constant 0 : i32
      %dma_start3A_130 = tpu.memref_slice %arg6[%add3A_124, %dma_start3A_129] : memref<320000x128xf32, #tpu.memory_space<hbm>> -> memref<80x128xf32, #tpu.memory_space<hbm>>
      %dma_start3A_131 = arith.constant 0 : i32
      %dma_start3A_132 = tpu.memref_slice %arg6[%add3A_124, %dma_start3A_131] : memref<320000x128xf32, #tpu.memory_space<hbm>> -> memref<80x128xf32, #tpu.memory_space<hbm>>
      tpu.enqueue_dma source(%arg11 : memref<80x128xf32, #tpu.memory_space<vmem>>) target(%dma_start3A_132 : memref<80x128xf32, #tpu.memory_space<hbm>>) target_semaphore(%arg15 : memref<!tpu.dma_semaphore, #tpu.memory_space<semaphore_mem>>)
      %dma_wait3A_133 = arith.constant 0 : i32
      %dma_wait3A_134 = tpu.memref_slice %arg7[%add3A_97, %dma_wait3A_133] : memref<125x80xi32, #tpu.memory_space<vmem>> -> memref<1x80xi32, #tpu.memory_space<vmem>>
      %dma_wait3A_135 = tpu.memref_squeeze %dma_wait3A_134 : memref<1x80xi32, #tpu.memory_space<vmem>> -> memref<80xi32, #tpu.memory_space<vmem>>
      %dma_wait3A_136 = arith.constant 0 : i32
      %dma_wait3A_137 = arith.constant 0 : i32
      %dma_wait3A_138 = tpu.memref_slice %arg2[%dma_wait3A_136, %dma_wait3A_137] : memref<10000x128xf32, #tpu.memory_space<hbm>> -> memref<10000x128xf32, #tpu.memory_space<hbm>>
      tpu.wait_indirect_dma semaphore(%arg14 : memref<!tpu.dma_semaphore, #tpu.memory_space<semaphore_mem>>) src(%dma_wait3A_138 : memref<10000x128xf32, #tpu.memory_space<hbm>>) dst(%arg10 : memref<80x128xf32, #tpu.memory_space<vmem>>)
      %dma_wait3A_139 = arith.constant 0 : i32
      %dma_wait3A_140 = tpu.memref_slice %arg8[%add3A_97, %dma_wait3A_139] : memref<125x80xi32, #tpu.memory_space<vmem>> -> memref<1x80xi32, #tpu.memory_space<vmem>>
      %dma_wait3A_141 = tpu.memref_squeeze %dma_wait3A_140 : memref<1x80xi32, #tpu.memory_space<vmem>> -> memref<80xi32, #tpu.memory_space<vmem>>
      %dma_wait3A_142 = arith.constant 0 : i32
      %dma_wait3A_143 = arith.constant 0 : i32
      %dma_wait3A_144 = tpu.memref_slice %arg2[%dma_wait3A_142, %dma_wait3A_143] : memref<10000x128xf32, #tpu.memory_space<hbm>> -> memref<10000x128xf32, #tpu.memory_space<hbm>>
      tpu.wait_indirect_dma semaphore(%arg14 : memref<!tpu.dma_semaphore, #tpu.memory_space<semaphore_mem>>) src(%dma_wait3A_144 : memref<10000x128xf32, #tpu.memory_space<hbm>>) dst(%arg12 : memref<80x128xf32, #tpu.memory_space<vmem>>)
      %add3A_145 = arith.constant 1 : i32
      %add3A_146 = arith.addi %mul3A_81, %add3A_145 : i32
      %mul3A_147 = arith.constant 80 : i32
      %mul3A_148 = arith.muli %add3A_146, %mul3A_147 : i32
      %add3A_149 = arith.addi %mul3A_2, %mul3A_148 : i32
      %dma_start3A_150 = arith.constant 0 : i32
      %dma_start3A_151 = tpu.memref_slice %arg5[%add3A_149, %dma_start3A_150] : memref<320000x128xf32, #tpu.memory_space<hbm>> -> memref<80x128xf32, #tpu.memory_space<hbm>>
      %dma_start3A_152 = arith.constant 0 : i32
      %dma_start3A_153 = tpu.memref_slice %arg5[%add3A_149, %dma_start3A_152] : memref<320000x128xf32, #tpu.memory_space<hbm>> -> memref<80x128xf32, #tpu.memory_space<hbm>>
      tpu.enqueue_dma source(%arg10 : memref<80x128xf32, #tpu.memory_space<vmem>>) target(%dma_start3A_153 : memref<80x128xf32, #tpu.memory_space<hbm>>) target_semaphore(%arg16 : memref<!tpu.dma_semaphore, #tpu.memory_space<semaphore_mem>>)
      %dma_start3A_154 = arith.constant 0 : i32
      %dma_start3A_155 = tpu.memref_slice %arg6[%add3A_149, %dma_start3A_154] : memref<320000x128xf32, #tpu.memory_space<hbm>> -> memref<80x128xf32, #tpu.memory_space<hbm>>
      %dma_start3A_156 = arith.constant 0 : i32
      %dma_start3A_157 = tpu.memref_slice %arg6[%add3A_149, %dma_start3A_156] : memref<320000x128xf32, #tpu.memory_space<hbm>> -> memref<80x128xf32, #tpu.memory_space<hbm>>
      tpu.enqueue_dma source(%arg12 : memref<80x128xf32, #tpu.memory_space<vmem>>) target(%dma_start3A_157 : memref<80x128xf32, #tpu.memory_space<hbm>>) target_semaphore(%arg16 : memref<!tpu.dma_semaphore, #tpu.memory_space<semaphore_mem>>)
    }
    %scan3A_6 = arith.constant 62 : i32
    %dma_wait3A = arith.constant 0 : i32
    %dma_wait3A_7 = arith.constant 0 : i32
    %dma_wait3A_8 = tpu.memref_slice %arg5[%dma_wait3A, %dma_wait3A_7] : memref<320000x128xf32, #tpu.memory_space<hbm>> -> memref<80x128xf32, #tpu.memory_space<hbm>>
    %dma_wait3A_9 = arith.constant 0 : i32
    %dma_wait3A_10 = arith.constant 0 : i32
    %dma_wait3A_11 = tpu.memref_slice %arg5[%dma_wait3A_9, %dma_wait3A_10] : memref<320000x128xf32, #tpu.memory_space<hbm>> -> memref<80x128xf32, #tpu.memory_space<hbm>>
    tpu.wait_dma2 semaphore(%arg15 : memref<!tpu.dma_semaphore, #tpu.memory_space<semaphore_mem>>) src(%arg9 : memref<80x128xf32, #tpu.memory_space<vmem>>) dst(%dma_wait3A_11 : memref<80x128xf32, #tpu.memory_space<hbm>>)
    %dma_wait3A_12 = arith.constant 0 : i32
    %dma_wait3A_13 = arith.constant 0 : i32
    %dma_wait3A_14 = tpu.memref_slice %arg6[%dma_wait3A_12, %dma_wait3A_13] : memref<320000x128xf32, #tpu.memory_space<hbm>> -> memref<80x128xf32, #tpu.memory_space<hbm>>
    %dma_wait3A_15 = arith.constant 0 : i32
    %dma_wait3A_16 = arith.constant 0 : i32
    %dma_wait3A_17 = tpu.memref_slice %arg6[%dma_wait3A_15, %dma_wait3A_16] : memref<320000x128xf32, #tpu.memory_space<hbm>> -> memref<80x128xf32, #tpu.memory_space<hbm>>
    tpu.wait_dma2 semaphore(%arg15 : memref<!tpu.dma_semaphore, #tpu.memory_space<semaphore_mem>>) src(%arg11 : memref<80x128xf32, #tpu.memory_space<vmem>>) dst(%dma_wait3A_17 : memref<80x128xf32, #tpu.memory_space<hbm>>)
    %dma_start3A = arith.constant 124 : i32
    %dma_start3A_18 = arith.constant 0 : i32
    %dma_start3A_19 = tpu.memref_slice %arg7[%dma_start3A, %dma_start3A_18] : memref<125x80xi32, #tpu.memory_space<vmem>> -> memref<1x80xi32, #tpu.memory_space<vmem>>
    %dma_start3A_20 = tpu.memref_squeeze %dma_start3A_19 : memref<1x80xi32, #tpu.memory_space<vmem>> -> memref<80xi32, #tpu.memory_space<vmem>>
    %dma_start3A_21 = arith.constant 0 : i32
    %dma_start3A_22 = arith.constant 0 : i32
    %dma_start3A_23 = tpu.memref_slice %arg2[%dma_start3A_21, %dma_start3A_22] : memref<10000x128xf32, #tpu.memory_space<hbm>> -> memref<10000x128xf32, #tpu.memory_space<hbm>>
    tpu.enqueue_indirect_dma source(%dma_start3A_23 : memref<10000x128xf32, #tpu.memory_space<hbm>>) target(%arg9 : memref<80x128xf32, #tpu.memory_space<vmem>>) offsets(%dma_start3A_20 : memref<80xi32, #tpu.memory_space<vmem>>) semaphore(%arg13 : memref<!tpu.dma_semaphore, #tpu.memory_space<semaphore_mem>>)
    %dma_start3A_24 = arith.constant 124 : i32
    %dma_start3A_25 = arith.constant 0 : i32
    %dma_start3A_26 = tpu.memref_slice %arg8[%dma_start3A_24, %dma_start3A_25] : memref<125x80xi32, #tpu.memory_space<vmem>> -> memref<1x80xi32, #tpu.memory_space<vmem>>
    %dma_start3A_27 = tpu.memref_squeeze %dma_start3A_26 : memref<1x80xi32, #tpu.memory_space<vmem>> -> memref<80xi32, #tpu.memory_space<vmem>>
    %dma_start3A_28 = arith.constant 0 : i32
    %dma_start3A_29 = arith.constant 0 : i32
    %dma_start3A_30 = tpu.memref_slice %arg2[%dma_start3A_28, %dma_start3A_29] : memref<10000x128xf32, #tpu.memory_space<hbm>> -> memref<10000x128xf32, #tpu.memory_space<hbm>>
    tpu.enqueue_indirect_dma source(%dma_start3A_30 : memref<10000x128xf32, #tpu.memory_space<hbm>>) target(%arg11 : memref<80x128xf32, #tpu.memory_space<vmem>>) offsets(%dma_start3A_27 : memref<80xi32, #tpu.memory_space<vmem>>) semaphore(%arg13 : memref<!tpu.dma_semaphore, #tpu.memory_space<semaphore_mem>>)
    %dma_wait3A_31 = arith.constant 124 : i32
    %dma_wait3A_32 = arith.constant 0 : i32
    %dma_wait3A_33 = tpu.memref_slice %arg7[%dma_wait3A_31, %dma_wait3A_32] : memref<125x80xi32, #tpu.memory_space<vmem>> -> memref<1x80xi32, #tpu.memory_space<vmem>>
    %dma_wait3A_34 = tpu.memref_squeeze %dma_wait3A_33 : memref<1x80xi32, #tpu.memory_space<vmem>> -> memref<80xi32, #tpu.memory_space<vmem>>
    %dma_wait3A_35 = arith.constant 0 : i32
    %dma_wait3A_36 = arith.constant 0 : i32
    %dma_wait3A_37 = tpu.memref_slice %arg2[%dma_wait3A_35, %dma_wait3A_36] : memref<10000x128xf32, #tpu.memory_space<hbm>> -> memref<10000x128xf32, #tpu.memory_space<hbm>>
    tpu.wait_indirect_dma semaphore(%arg13 : memref<!tpu.dma_semaphore, #tpu.memory_space<semaphore_mem>>) src(%dma_wait3A_37 : memref<10000x128xf32, #tpu.memory_space<hbm>>) dst(%arg9 : memref<80x128xf32, #tpu.memory_space<vmem>>)
    %dma_wait3A_38 = arith.constant 124 : i32
    %dma_wait3A_39 = arith.constant 0 : i32
    %dma_wait3A_40 = tpu.memref_slice %arg8[%dma_wait3A_38, %dma_wait3A_39] : memref<125x80xi32, #tpu.memory_space<vmem>> -> memref<1x80xi32, #tpu.memory_space<vmem>>
    %dma_wait3A_41 = tpu.memref_squeeze %dma_wait3A_40 : memref<1x80xi32, #tpu.memory_space<vmem>> -> memref<80xi32, #tpu.memory_space<vmem>>
    %dma_wait3A_42 = arith.constant 0 : i32
    %dma_wait3A_43 = arith.constant 0 : i32
    %dma_wait3A_44 = tpu.memref_slice %arg2[%dma_wait3A_42, %dma_wait3A_43] : memref<10000x128xf32, #tpu.memory_space<hbm>> -> memref<10000x128xf32, #tpu.memory_space<hbm>>
    tpu.wait_indirect_dma semaphore(%arg13 : memref<!tpu.dma_semaphore, #tpu.memory_space<semaphore_mem>>) src(%dma_wait3A_44 : memref<10000x128xf32, #tpu.memory_space<hbm>>) dst(%arg11 : memref<80x128xf32, #tpu.memory_space<vmem>>)
    %add3A_45 = arith.constant 9920 : i32
    %add3A_46 = arith.addi %mul3A_2, %add3A_45 : i32
    %dma_start3A_47 = arith.constant 0 : i32
    %dma_start3A_48 = tpu.memref_slice %arg5[%add3A_46, %dma_start3A_47] : memref<320000x128xf32, #tpu.memory_space<hbm>> -> memref<80x128xf32, #tpu.memory_space<hbm>>
    %dma_start3A_49 = arith.constant 0 : i32
    %dma_start3A_50 = tpu.memref_slice %arg5[%add3A_46, %dma_start3A_49] : memref<320000x128xf32, #tpu.memory_space<hbm>> -> memref<80x128xf32, #tpu.memory_space<hbm>>
    tpu.enqueue_dma source(%arg9 : memref<80x128xf32, #tpu.memory_space<vmem>>) target(%dma_start3A_50 : memref<80x128xf32, #tpu.memory_space<hbm>>) target_semaphore(%arg15 : memref<!tpu.dma_semaphore, #tpu.memory_space<semaphore_mem>>)
    %dma_start3A_51 = arith.constant 0 : i32
    %dma_start3A_52 = tpu.memref_slice %arg6[%add3A_46, %dma_start3A_51] : memref<320000x128xf32, #tpu.memory_space<hbm>> -> memref<80x128xf32, #tpu.memory_space<hbm>>
    %dma_start3A_53 = arith.constant 0 : i32
    %dma_start3A_54 = tpu.memref_slice %arg6[%add3A_46, %dma_start3A_53] : memref<320000x128xf32, #tpu.memory_space<hbm>> -> memref<80x128xf32, #tpu.memory_space<hbm>>
    tpu.enqueue_dma source(%arg11 : memref<80x128xf32, #tpu.memory_space<vmem>>) target(%dma_start3A_54 : memref<80x128xf32, #tpu.memory_space<hbm>>) target_semaphore(%arg15 : memref<!tpu.dma_semaphore, #tpu.memory_space<semaphore_mem>>)
    %dma_wait3A_55 = arith.constant 0 : i32
    %dma_wait3A_56 = arith.constant 0 : i32
    %dma_wait3A_57 = tpu.memref_slice %arg5[%dma_wait3A_55, %dma_wait3A_56] : memref<320000x128xf32, #tpu.memory_space<hbm>> -> memref<80x128xf32, #tpu.memory_space<hbm>>
    %dma_wait3A_58 = arith.constant 0 : i32
    %dma_wait3A_59 = arith.constant 0 : i32
    %dma_wait3A_60 = tpu.memref_slice %arg5[%dma_wait3A_58, %dma_wait3A_59] : memref<320000x128xf32, #tpu.memory_space<hbm>> -> memref<80x128xf32, #tpu.memory_space<hbm>>
    tpu.wait_dma2 semaphore(%arg16 : memref<!tpu.dma_semaphore, #tpu.memory_space<semaphore_mem>>) src(%arg10 : memref<80x128xf32, #tpu.memory_space<vmem>>) dst(%dma_wait3A_60 : memref<80x128xf32, #tpu.memory_space<hbm>>)
    %dma_wait3A_61 = arith.constant 0 : i32
    %dma_wait3A_62 = arith.constant 0 : i32
    %dma_wait3A_63 = tpu.memref_slice %arg6[%dma_wait3A_61, %dma_wait3A_62] : memref<320000x128xf32, #tpu.memory_space<hbm>> -> memref<80x128xf32, #tpu.memory_space<hbm>>
    %dma_wait3A_64 = arith.constant 0 : i32
    %dma_wait3A_65 = arith.constant 0 : i32
    %dma_wait3A_66 = tpu.memref_slice %arg6[%dma_wait3A_64, %dma_wait3A_65] : memref<320000x128xf32, #tpu.memory_space<hbm>> -> memref<80x128xf32, #tpu.memory_space<hbm>>
    tpu.wait_dma2 semaphore(%arg16 : memref<!tpu.dma_semaphore, #tpu.memory_space<semaphore_mem>>) src(%arg12 : memref<80x128xf32, #tpu.memory_space<vmem>>) dst(%dma_wait3A_66 : memref<80x128xf32, #tpu.memory_space<hbm>>)
    %dma_wait3A_67 = arith.constant 0 : i32
    %dma_wait3A_68 = arith.constant 0 : i32
    %dma_wait3A_69 = tpu.memref_slice %arg5[%dma_wait3A_67, %dma_wait3A_68] : memref<320000x128xf32, #tpu.memory_space<hbm>> -> memref<80x128xf32, #tpu.memory_space<hbm>>
    %dma_wait3A_70 = arith.constant 0 : i32
    %dma_wait3A_71 = arith.constant 0 : i32
    %dma_wait3A_72 = tpu.memref_slice %arg5[%dma_wait3A_70, %dma_wait3A_71] : memref<320000x128xf32, #tpu.memory_space<hbm>> -> memref<80x128xf32, #tpu.memory_space<hbm>>
    tpu.wait_dma2 semaphore(%arg15 : memref<!tpu.dma_semaphore, #tpu.memory_space<semaphore_mem>>) src(%arg9 : memref<80x128xf32, #tpu.memory_space<vmem>>) dst(%dma_wait3A_72 : memref<80x128xf32, #tpu.memory_space<hbm>>)
    %dma_wait3A_73 = arith.constant 0 : i32
    %dma_wait3A_74 = arith.constant 0 : i32
    %dma_wait3A_75 = tpu.memref_slice %arg6[%dma_wait3A_73, %dma_wait3A_74] : memref<320000x128xf32, #tpu.memory_space<hbm>> -> memref<80x128xf32, #tpu.memory_space<hbm>>
    %dma_wait3A_76 = arith.constant 0 : i32
    %dma_wait3A_77 = arith.constant 0 : i32
    %dma_wait3A_78 = tpu.memref_slice %arg6[%dma_wait3A_76, %dma_wait3A_77] : memref<320000x128xf32, #tpu.memory_space<hbm>> -> memref<80x128xf32, #tpu.memory_space<hbm>>
    tpu.wait_dma2 semaphore(%arg15 : memref<!tpu.dma_semaphore, #tpu.memory_space<semaphore_mem>>) src(%arg11 : memref<80x128xf32, #tpu.memory_space<vmem>>) dst(%dma_wait3A_78 : memref<80x128xf32, #tpu.memory_space<hbm>>)
    return
  }
}

#map = affine_map<(d0, d1) -> (0, 0)>
#map1 = affine_map<(d0, d1) -> (0, 0, 0)>
module attributes {stable_mosaic.version = 14 : i64} {
  func.func @_sc_scatter_body(%arg0: i32, %arg1: i32, %arg2: memref<320000x128xf32, #tpu.memory_space<hbm>>, %arg3: memref<32x250x40xi32, #tpu.memory_space<hbm>>, %arg4: memref<40x128xf32, #tpu.memory_space<hbm>>, %arg5: memref<2x10240x128xf32, #tpu.memory_space<hbm>>, %arg6: memref<10240x128xf32, #tpu.memory_space<vmem_shared>>, %arg7: memref<250x40xi32, #tpu.memory_space<vmem>>, %arg8: memref<40x128xf32, #tpu.memory_space<vmem>>, %arg9: memref<40x128xf32, #tpu.memory_space<vmem>>, %arg10: memref<40x128xf32, #tpu.memory_space<vmem>>, %arg11: memref<!tpu.dma_semaphore, #tpu.memory_space<semaphore_mem>>, %arg12: memref<!tpu.dma_semaphore, #tpu.memory_space<semaphore_mem>>) attributes {dimension_semantics = [#tpu.dimension_semantics<core_parallel>, #tpu.dimension_semantics<subcore_parallel>], iteration_bounds = array<i64: 2, 16>, scalar_prefetch = 0 : i64, scratch_operands = 7 : i64, tpu.core_type = #tpu.core_type<sc_vector_subcore>, window_params = [{transform_indices = #map}, {transform_indices = #map1}, {transform_indices = #map}, {transform_indices = #map1}]} {
    %mul3A = arith.constant 2 : i32
    %mul3A_0 = arith.muli %arg1, %mul3A : i32
    %add3A = arith.addi %mul3A_0, %arg0 : i32
    %mul3A_1 = arith.constant 10000 : i32
    %mul3A_2 = arith.muli %add3A, %mul3A_1 : i32
    %mul3A_3 = arith.constant 640 : i32
    %mul3A_4 = arith.muli %arg1, %mul3A_3 : i32
    "tpu.region"() ({
      %run_scoped3A = tpu.sem_alloc : memref<!tpu.dma_semaphore, #tpu.memory_space<semaphore_mem>>
      tpu.enqueue_dma source(%arg4 : memref<40x128xf32, #tpu.memory_space<hbm>>) target(%arg10 : memref<40x128xf32, #tpu.memory_space<vmem>>) target_semaphore(%run_scoped3A : memref<!tpu.dma_semaphore, #tpu.memory_space<semaphore_mem>>)
      tpu.wait_dma2 semaphore(%run_scoped3A : memref<!tpu.dma_semaphore, #tpu.memory_space<semaphore_mem>>) src(%arg4 : memref<40x128xf32, #tpu.memory_space<hbm>>) dst(%arg10 : memref<40x128xf32, #tpu.memory_space<vmem>>)
      tpu.yield
    }) : () -> ()
    %add3A_5 = arith.constant 0 : i32
    %add3A_6 = arith.addi %mul3A_4, %add3A_5 : i32
    "tpu.region"() ({
      %run_scoped3A = tpu.sem_alloc : memref<!tpu.dma_semaphore, #tpu.memory_space<semaphore_mem>>
      %dma_start3A_85 = arith.constant 0 : i32
      %dma_start3A_86 = tpu.memref_slice %arg6[%add3A_6, %dma_start3A_85] : memref<10240x128xf32, #tpu.memory_space<vmem_shared>> -> memref<40x128xf32, #tpu.memory_space<vmem_shared>>
      %dma_start3A_87 = arith.constant 0 : i32
      %dma_start3A_88 = tpu.memref_slice %arg6[%add3A_6, %dma_start3A_87] : memref<10240x128xf32, #tpu.memory_space<vmem_shared>> -> memref<40x128xf32, #tpu.memory_space<vmem_shared>>
      tpu.enqueue_dma source(%arg10 : memref<40x128xf32, #tpu.memory_space<vmem>>) target(%dma_start3A_88 : memref<40x128xf32, #tpu.memory_space<vmem_shared>>) target_semaphore(%run_scoped3A : memref<!tpu.dma_semaphore, #tpu.memory_space<semaphore_mem>>)
      %dma_wait3A = arith.constant 0 : i32
      %dma_wait3A_89 = tpu.memref_slice %arg6[%add3A_6, %dma_wait3A] : memref<10240x128xf32, #tpu.memory_space<vmem_shared>> -> memref<40x128xf32, #tpu.memory_space<vmem_shared>>
      %dma_wait3A_90 = arith.constant 0 : i32
      %dma_wait3A_91 = tpu.memref_slice %arg6[%add3A_6, %dma_wait3A_90] : memref<10240x128xf32, #tpu.memory_space<vmem_shared>> -> memref<40x128xf32, #tpu.memory_space<vmem_shared>>
      tpu.wait_dma2 semaphore(%run_scoped3A : memref<!tpu.dma_semaphore, #tpu.memory_space<semaphore_mem>>) src(%arg10 : memref<40x128xf32, #tpu.memory_space<vmem>>) dst(%dma_wait3A_91 : memref<40x128xf32, #tpu.memory_space<vmem_shared>>)
      tpu.yield
    }) : () -> ()
    %add3A_7 = arith.constant 40 : i32
    %add3A_8 = arith.addi %mul3A_4, %add3A_7 : i32
    "tpu.region"() ({
      %run_scoped3A = tpu.sem_alloc : memref<!tpu.dma_semaphore, #tpu.memory_space<semaphore_mem>>
      %dma_start3A_85 = arith.constant 0 : i32
      %dma_start3A_86 = tpu.memref_slice %arg6[%add3A_8, %dma_start3A_85] : memref<10240x128xf32, #tpu.memory_space<vmem_shared>> -> memref<40x128xf32, #tpu.memory_space<vmem_shared>>
      %dma_start3A_87 = arith.constant 0 : i32
      %dma_start3A_88 = tpu.memref_slice %arg6[%add3A_8, %dma_start3A_87] : memref<10240x128xf32, #tpu.memory_space<vmem_shared>> -> memref<40x128xf32, #tpu.memory_space<vmem_shared>>
      tpu.enqueue_dma source(%arg10 : memref<40x128xf32, #tpu.memory_space<vmem>>) target(%dma_start3A_88 : memref<40x128xf32, #tpu.memory_space<vmem_shared>>) target_semaphore(%run_scoped3A : memref<!tpu.dma_semaphore, #tpu.memory_space<semaphore_mem>>)
      %dma_wait3A = arith.constant 0 : i32
      %dma_wait3A_89 = tpu.memref_slice %arg6[%add3A_8, %dma_wait3A] : memref<10240x128xf32, #tpu.memory_space<vmem_shared>> -> memref<40x128xf32, #tpu.memory_space<vmem_shared>>
      %dma_wait3A_90 = arith.constant 0 : i32
      %dma_wait3A_91 = tpu.memref_slice %arg6[%add3A_8, %dma_wait3A_90] : memref<10240x128xf32, #tpu.memory_space<vmem_shared>> -> memref<40x128xf32, #tpu.memory_space<vmem_shared>>
      tpu.wait_dma2 semaphore(%run_scoped3A : memref<!tpu.dma_semaphore, #tpu.memory_space<semaphore_mem>>) src(%arg10 : memref<40x128xf32, #tpu.memory_space<vmem>>) dst(%dma_wait3A_91 : memref<40x128xf32, #tpu.memory_space<vmem_shared>>)
      tpu.yield
    }) : () -> ()
    %add3A_9 = arith.constant 80 : i32
    %add3A_10 = arith.addi %mul3A_4, %add3A_9 : i32
    "tpu.region"() ({
      %run_scoped3A = tpu.sem_alloc : memref<!tpu.dma_semaphore, #tpu.memory_space<semaphore_mem>>
      %dma_start3A_85 = arith.constant 0 : i32
      %dma_start3A_86 = tpu.memref_slice %arg6[%add3A_10, %dma_start3A_85] : memref<10240x128xf32, #tpu.memory_space<vmem_shared>> -> memref<40x128xf32, #tpu.memory_space<vmem_shared>>
      %dma_start3A_87 = arith.constant 0 : i32
      %dma_start3A_88 = tpu.memref_slice %arg6[%add3A_10, %dma_start3A_87] : memref<10240x128xf32, #tpu.memory_space<vmem_shared>> -> memref<40x128xf32, #tpu.memory_space<vmem_shared>>
      tpu.enqueue_dma source(%arg10 : memref<40x128xf32, #tpu.memory_space<vmem>>) target(%dma_start3A_88 : memref<40x128xf32, #tpu.memory_space<vmem_shared>>) target_semaphore(%run_scoped3A : memref<!tpu.dma_semaphore, #tpu.memory_space<semaphore_mem>>)
      %dma_wait3A = arith.constant 0 : i32
      %dma_wait3A_89 = tpu.memref_slice %arg6[%add3A_10, %dma_wait3A] : memref<10240x128xf32, #tpu.memory_space<vmem_shared>> -> memref<40x128xf32, #tpu.memory_space<vmem_shared>>
      %dma_wait3A_90 = arith.constant 0 : i32
      %dma_wait3A_91 = tpu.memref_slice %arg6[%add3A_10, %dma_wait3A_90] : memref<10240x128xf32, #tpu.memory_space<vmem_shared>> -> memref<40x128xf32, #tpu.memory_space<vmem_shared>>
      tpu.wait_dma2 semaphore(%run_scoped3A : memref<!tpu.dma_semaphore, #tpu.memory_space<semaphore_mem>>) src(%arg10 : memref<40x128xf32, #tpu.memory_space<vmem>>) dst(%dma_wait3A_91 : memref<40x128xf32, #tpu.memory_space<vmem_shared>>)
      tpu.yield
    }) : () -> ()
    %add3A_11 = arith.constant 120 : i32
    %add3A_12 = arith.addi %mul3A_4, %add3A_11 : i32
    "tpu.region"() ({
      %run_scoped3A = tpu.sem_alloc : memref<!tpu.dma_semaphore, #tpu.memory_space<semaphore_mem>>
      %dma_start3A_85 = arith.constant 0 : i32
      %dma_start3A_86 = tpu.memref_slice %arg6[%add3A_12, %dma_start3A_85] : memref<10240x128xf32, #tpu.memory_space<vmem_shared>> -> memref<40x128xf32, #tpu.memory_space<vmem_shared>>
      %dma_start3A_87 = arith.constant 0 : i32
      %dma_start3A_88 = tpu.memref_slice %arg6[%add3A_12, %dma_start3A_87] : memref<10240x128xf32, #tpu.memory_space<vmem_shared>> -> memref<40x128xf32, #tpu.memory_space<vmem_shared>>
      tpu.enqueue_dma source(%arg10 : memref<40x128xf32, #tpu.memory_space<vmem>>) target(%dma_start3A_88 : memref<40x128xf32, #tpu.memory_space<vmem_shared>>) target_semaphore(%run_scoped3A : memref<!tpu.dma_semaphore, #tpu.memory_space<semaphore_mem>>)
      %dma_wait3A = arith.constant 0 : i32
      %dma_wait3A_89 = tpu.memref_slice %arg6[%add3A_12, %dma_wait3A] : memref<10240x128xf32, #tpu.memory_space<vmem_shared>> -> memref<40x128xf32, #tpu.memory_space<vmem_shared>>
      %dma_wait3A_90 = arith.constant 0 : i32
      %dma_wait3A_91 = tpu.memref_slice %arg6[%add3A_12, %dma_wait3A_90] : memref<10240x128xf32, #tpu.memory_space<vmem_shared>> -> memref<40x128xf32, #tpu.memory_space<vmem_shared>>
      tpu.wait_dma2 semaphore(%run_scoped3A : memref<!tpu.dma_semaphore, #tpu.memory_space<semaphore_mem>>) src(%arg10 : memref<40x128xf32, #tpu.memory_space<vmem>>) dst(%dma_wait3A_91 : memref<40x128xf32, #tpu.memory_space<vmem_shared>>)
      tpu.yield
    }) : () -> ()
    %add3A_13 = arith.constant 160 : i32
    %add3A_14 = arith.addi %mul3A_4, %add3A_13 : i32
    "tpu.region"() ({
      %run_scoped3A = tpu.sem_alloc : memref<!tpu.dma_semaphore, #tpu.memory_space<semaphore_mem>>
      %dma_start3A_85 = arith.constant 0 : i32
      %dma_start3A_86 = tpu.memref_slice %arg6[%add3A_14, %dma_start3A_85] : memref<10240x128xf32, #tpu.memory_space<vmem_shared>> -> memref<40x128xf32, #tpu.memory_space<vmem_shared>>
      %dma_start3A_87 = arith.constant 0 : i32
      %dma_start3A_88 = tpu.memref_slice %arg6[%add3A_14, %dma_start3A_87] : memref<10240x128xf32, #tpu.memory_space<vmem_shared>> -> memref<40x128xf32, #tpu.memory_space<vmem_shared>>
      tpu.enqueue_dma source(%arg10 : memref<40x128xf32, #tpu.memory_space<vmem>>) target(%dma_start3A_88 : memref<40x128xf32, #tpu.memory_space<vmem_shared>>) target_semaphore(%run_scoped3A : memref<!tpu.dma_semaphore, #tpu.memory_space<semaphore_mem>>)
      %dma_wait3A = arith.constant 0 : i32
      %dma_wait3A_89 = tpu.memref_slice %arg6[%add3A_14, %dma_wait3A] : memref<10240x128xf32, #tpu.memory_space<vmem_shared>> -> memref<40x128xf32, #tpu.memory_space<vmem_shared>>
      %dma_wait3A_90 = arith.constant 0 : i32
      %dma_wait3A_91 = tpu.memref_slice %arg6[%add3A_14, %dma_wait3A_90] : memref<10240x128xf32, #tpu.memory_space<vmem_shared>> -> memref<40x128xf32, #tpu.memory_space<vmem_shared>>
      tpu.wait_dma2 semaphore(%run_scoped3A : memref<!tpu.dma_semaphore, #tpu.memory_space<semaphore_mem>>) src(%arg10 : memref<40x128xf32, #tpu.memory_space<vmem>>) dst(%dma_wait3A_91 : memref<40x128xf32, #tpu.memory_space<vmem_shared>>)
      tpu.yield
    }) : () -> ()
    %add3A_15 = arith.constant 200 : i32
    %add3A_16 = arith.addi %mul3A_4, %add3A_15 : i32
    "tpu.region"() ({
      %run_scoped3A = tpu.sem_alloc : memref<!tpu.dma_semaphore, #tpu.memory_space<semaphore_mem>>
      %dma_start3A_85 = arith.constant 0 : i32
      %dma_start3A_86 = tpu.memref_slice %arg6[%add3A_16, %dma_start3A_85] : memref<10240x128xf32, #tpu.memory_space<vmem_shared>> -> memref<40x128xf32, #tpu.memory_space<vmem_shared>>
      %dma_start3A_87 = arith.constant 0 : i32
      %dma_start3A_88 = tpu.memref_slice %arg6[%add3A_16, %dma_start3A_87] : memref<10240x128xf32, #tpu.memory_space<vmem_shared>> -> memref<40x128xf32, #tpu.memory_space<vmem_shared>>
      tpu.enqueue_dma source(%arg10 : memref<40x128xf32, #tpu.memory_space<vmem>>) target(%dma_start3A_88 : memref<40x128xf32, #tpu.memory_space<vmem_shared>>) target_semaphore(%run_scoped3A : memref<!tpu.dma_semaphore, #tpu.memory_space<semaphore_mem>>)
      %dma_wait3A = arith.constant 0 : i32
      %dma_wait3A_89 = tpu.memref_slice %arg6[%add3A_16, %dma_wait3A] : memref<10240x128xf32, #tpu.memory_space<vmem_shared>> -> memref<40x128xf32, #tpu.memory_space<vmem_shared>>
      %dma_wait3A_90 = arith.constant 0 : i32
      %dma_wait3A_91 = tpu.memref_slice %arg6[%add3A_16, %dma_wait3A_90] : memref<10240x128xf32, #tpu.memory_space<vmem_shared>> -> memref<40x128xf32, #tpu.memory_space<vmem_shared>>
      tpu.wait_dma2 semaphore(%run_scoped3A : memref<!tpu.dma_semaphore, #tpu.memory_space<semaphore_mem>>) src(%arg10 : memref<40x128xf32, #tpu.memory_space<vmem>>) dst(%dma_wait3A_91 : memref<40x128xf32, #tpu.memory_space<vmem_shared>>)
      tpu.yield
    }) : () -> ()
    %add3A_17 = arith.constant 240 : i32
    %add3A_18 = arith.addi %mul3A_4, %add3A_17 : i32
    "tpu.region"() ({
      %run_scoped3A = tpu.sem_alloc : memref<!tpu.dma_semaphore, #tpu.memory_space<semaphore_mem>>
      %dma_start3A_85 = arith.constant 0 : i32
      %dma_start3A_86 = tpu.memref_slice %arg6[%add3A_18, %dma_start3A_85] : memref<10240x128xf32, #tpu.memory_space<vmem_shared>> -> memref<40x128xf32, #tpu.memory_space<vmem_shared>>
      %dma_start3A_87 = arith.constant 0 : i32
      %dma_start3A_88 = tpu.memref_slice %arg6[%add3A_18, %dma_start3A_87] : memref<10240x128xf32, #tpu.memory_space<vmem_shared>> -> memref<40x128xf32, #tpu.memory_space<vmem_shared>>
      tpu.enqueue_dma source(%arg10 : memref<40x128xf32, #tpu.memory_space<vmem>>) target(%dma_start3A_88 : memref<40x128xf32, #tpu.memory_space<vmem_shared>>) target_semaphore(%run_scoped3A : memref<!tpu.dma_semaphore, #tpu.memory_space<semaphore_mem>>)
      %dma_wait3A = arith.constant 0 : i32
      %dma_wait3A_89 = tpu.memref_slice %arg6[%add3A_18, %dma_wait3A] : memref<10240x128xf32, #tpu.memory_space<vmem_shared>> -> memref<40x128xf32, #tpu.memory_space<vmem_shared>>
      %dma_wait3A_90 = arith.constant 0 : i32
      %dma_wait3A_91 = tpu.memref_slice %arg6[%add3A_18, %dma_wait3A_90] : memref<10240x128xf32, #tpu.memory_space<vmem_shared>> -> memref<40x128xf32, #tpu.memory_space<vmem_shared>>
      tpu.wait_dma2 semaphore(%run_scoped3A : memref<!tpu.dma_semaphore, #tpu.memory_space<semaphore_mem>>) src(%arg10 : memref<40x128xf32, #tpu.memory_space<vmem>>) dst(%dma_wait3A_91 : memref<40x128xf32, #tpu.memory_space<vmem_shared>>)
      tpu.yield
    }) : () -> ()
    %add3A_19 = arith.constant 280 : i32
    %add3A_20 = arith.addi %mul3A_4, %add3A_19 : i32
    "tpu.region"() ({
      %run_scoped3A = tpu.sem_alloc : memref<!tpu.dma_semaphore, #tpu.memory_space<semaphore_mem>>
      %dma_start3A_85 = arith.constant 0 : i32
      %dma_start3A_86 = tpu.memref_slice %arg6[%add3A_20, %dma_start3A_85] : memref<10240x128xf32, #tpu.memory_space<vmem_shared>> -> memref<40x128xf32, #tpu.memory_space<vmem_shared>>
      %dma_start3A_87 = arith.constant 0 : i32
      %dma_start3A_88 = tpu.memref_slice %arg6[%add3A_20, %dma_start3A_87] : memref<10240x128xf32, #tpu.memory_space<vmem_shared>> -> memref<40x128xf32, #tpu.memory_space<vmem_shared>>
      tpu.enqueue_dma source(%arg10 : memref<40x128xf32, #tpu.memory_space<vmem>>) target(%dma_start3A_88 : memref<40x128xf32, #tpu.memory_space<vmem_shared>>) target_semaphore(%run_scoped3A : memref<!tpu.dma_semaphore, #tpu.memory_space<semaphore_mem>>)
      %dma_wait3A = arith.constant 0 : i32
      %dma_wait3A_89 = tpu.memref_slice %arg6[%add3A_20, %dma_wait3A] : memref<10240x128xf32, #tpu.memory_space<vmem_shared>> -> memref<40x128xf32, #tpu.memory_space<vmem_shared>>
      %dma_wait3A_90 = arith.constant 0 : i32
      %dma_wait3A_91 = tpu.memref_slice %arg6[%add3A_20, %dma_wait3A_90] : memref<10240x128xf32, #tpu.memory_space<vmem_shared>> -> memref<40x128xf32, #tpu.memory_space<vmem_shared>>
      tpu.wait_dma2 semaphore(%run_scoped3A : memref<!tpu.dma_semaphore, #tpu.memory_space<semaphore_mem>>) src(%arg10 : memref<40x128xf32, #tpu.memory_space<vmem>>) dst(%dma_wait3A_91 : memref<40x128xf32, #tpu.memory_space<vmem_shared>>)
      tpu.yield
    }) : () -> ()
    %add3A_21 = arith.constant 320 : i32
    %add3A_22 = arith.addi %mul3A_4, %add3A_21 : i32
    "tpu.region"() ({
      %run_scoped3A = tpu.sem_alloc : memref<!tpu.dma_semaphore, #tpu.memory_space<semaphore_mem>>
      %dma_start3A_85 = arith.constant 0 : i32
      %dma_start3A_86 = tpu.memref_slice %arg6[%add3A_22, %dma_start3A_85] : memref<10240x128xf32, #tpu.memory_space<vmem_shared>> -> memref<40x128xf32, #tpu.memory_space<vmem_shared>>
      %dma_start3A_87 = arith.constant 0 : i32
      %dma_start3A_88 = tpu.memref_slice %arg6[%add3A_22, %dma_start3A_87] : memref<10240x128xf32, #tpu.memory_space<vmem_shared>> -> memref<40x128xf32, #tpu.memory_space<vmem_shared>>
      tpu.enqueue_dma source(%arg10 : memref<40x128xf32, #tpu.memory_space<vmem>>) target(%dma_start3A_88 : memref<40x128xf32, #tpu.memory_space<vmem_shared>>) target_semaphore(%run_scoped3A : memref<!tpu.dma_semaphore, #tpu.memory_space<semaphore_mem>>)
      %dma_wait3A = arith.constant 0 : i32
      %dma_wait3A_89 = tpu.memref_slice %arg6[%add3A_22, %dma_wait3A] : memref<10240x128xf32, #tpu.memory_space<vmem_shared>> -> memref<40x128xf32, #tpu.memory_space<vmem_shared>>
      %dma_wait3A_90 = arith.constant 0 : i32
      %dma_wait3A_91 = tpu.memref_slice %arg6[%add3A_22, %dma_wait3A_90] : memref<10240x128xf32, #tpu.memory_space<vmem_shared>> -> memref<40x128xf32, #tpu.memory_space<vmem_shared>>
      tpu.wait_dma2 semaphore(%run_scoped3A : memref<!tpu.dma_semaphore, #tpu.memory_space<semaphore_mem>>) src(%arg10 : memref<40x128xf32, #tpu.memory_space<vmem>>) dst(%dma_wait3A_91 : memref<40x128xf32, #tpu.memory_space<vmem_shared>>)
      tpu.yield
    }) : () -> ()
    %add3A_23 = arith.constant 360 : i32
    %add3A_24 = arith.addi %mul3A_4, %add3A_23 : i32
    "tpu.region"() ({
      %run_scoped3A = tpu.sem_alloc : memref<!tpu.dma_semaphore, #tpu.memory_space<semaphore_mem>>
      %dma_start3A_85 = arith.constant 0 : i32
      %dma_start3A_86 = tpu.memref_slice %arg6[%add3A_24, %dma_start3A_85] : memref<10240x128xf32, #tpu.memory_space<vmem_shared>> -> memref<40x128xf32, #tpu.memory_space<vmem_shared>>
      %dma_start3A_87 = arith.constant 0 : i32
      %dma_start3A_88 = tpu.memref_slice %arg6[%add3A_24, %dma_start3A_87] : memref<10240x128xf32, #tpu.memory_space<vmem_shared>> -> memref<40x128xf32, #tpu.memory_space<vmem_shared>>
      tpu.enqueue_dma source(%arg10 : memref<40x128xf32, #tpu.memory_space<vmem>>) target(%dma_start3A_88 : memref<40x128xf32, #tpu.memory_space<vmem_shared>>) target_semaphore(%run_scoped3A : memref<!tpu.dma_semaphore, #tpu.memory_space<semaphore_mem>>)
      %dma_wait3A = arith.constant 0 : i32
      %dma_wait3A_89 = tpu.memref_slice %arg6[%add3A_24, %dma_wait3A] : memref<10240x128xf32, #tpu.memory_space<vmem_shared>> -> memref<40x128xf32, #tpu.memory_space<vmem_shared>>
      %dma_wait3A_90 = arith.constant 0 : i32
      %dma_wait3A_91 = tpu.memref_slice %arg6[%add3A_24, %dma_wait3A_90] : memref<10240x128xf32, #tpu.memory_space<vmem_shared>> -> memref<40x128xf32, #tpu.memory_space<vmem_shared>>
      tpu.wait_dma2 semaphore(%run_scoped3A : memref<!tpu.dma_semaphore, #tpu.memory_space<semaphore_mem>>) src(%arg10 : memref<40x128xf32, #tpu.memory_space<vmem>>) dst(%dma_wait3A_91 : memref<40x128xf32, #tpu.memory_space<vmem_shared>>)
      tpu.yield
    }) : () -> ()
    %add3A_25 = arith.constant 400 : i32
    %add3A_26 = arith.addi %mul3A_4, %add3A_25 : i32
    "tpu.region"() ({
      %run_scoped3A = tpu.sem_alloc : memref<!tpu.dma_semaphore, #tpu.memory_space<semaphore_mem>>
      %dma_start3A_85 = arith.constant 0 : i32
      %dma_start3A_86 = tpu.memref_slice %arg6[%add3A_26, %dma_start3A_85] : memref<10240x128xf32, #tpu.memory_space<vmem_shared>> -> memref<40x128xf32, #tpu.memory_space<vmem_shared>>
      %dma_start3A_87 = arith.constant 0 : i32
      %dma_start3A_88 = tpu.memref_slice %arg6[%add3A_26, %dma_start3A_87] : memref<10240x128xf32, #tpu.memory_space<vmem_shared>> -> memref<40x128xf32, #tpu.memory_space<vmem_shared>>
      tpu.enqueue_dma source(%arg10 : memref<40x128xf32, #tpu.memory_space<vmem>>) target(%dma_start3A_88 : memref<40x128xf32, #tpu.memory_space<vmem_shared>>) target_semaphore(%run_scoped3A : memref<!tpu.dma_semaphore, #tpu.memory_space<semaphore_mem>>)
      %dma_wait3A = arith.constant 0 : i32
      %dma_wait3A_89 = tpu.memref_slice %arg6[%add3A_26, %dma_wait3A] : memref<10240x128xf32, #tpu.memory_space<vmem_shared>> -> memref<40x128xf32, #tpu.memory_space<vmem_shared>>
      %dma_wait3A_90 = arith.constant 0 : i32
      %dma_wait3A_91 = tpu.memref_slice %arg6[%add3A_26, %dma_wait3A_90] : memref<10240x128xf32, #tpu.memory_space<vmem_shared>> -> memref<40x128xf32, #tpu.memory_space<vmem_shared>>
      tpu.wait_dma2 semaphore(%run_scoped3A : memref<!tpu.dma_semaphore, #tpu.memory_space<semaphore_mem>>) src(%arg10 : memref<40x128xf32, #tpu.memory_space<vmem>>) dst(%dma_wait3A_91 : memref<40x128xf32, #tpu.memory_space<vmem_shared>>)
      tpu.yield
    }) : () -> ()
    %add3A_27 = arith.constant 440 : i32
    %add3A_28 = arith.addi %mul3A_4, %add3A_27 : i32
    "tpu.region"() ({
      %run_scoped3A = tpu.sem_alloc : memref<!tpu.dma_semaphore, #tpu.memory_space<semaphore_mem>>
      %dma_start3A_85 = arith.constant 0 : i32
      %dma_start3A_86 = tpu.memref_slice %arg6[%add3A_28, %dma_start3A_85] : memref<10240x128xf32, #tpu.memory_space<vmem_shared>> -> memref<40x128xf32, #tpu.memory_space<vmem_shared>>
      %dma_start3A_87 = arith.constant 0 : i32
      %dma_start3A_88 = tpu.memref_slice %arg6[%add3A_28, %dma_start3A_87] : memref<10240x128xf32, #tpu.memory_space<vmem_shared>> -> memref<40x128xf32, #tpu.memory_space<vmem_shared>>
      tpu.enqueue_dma source(%arg10 : memref<40x128xf32, #tpu.memory_space<vmem>>) target(%dma_start3A_88 : memref<40x128xf32, #tpu.memory_space<vmem_shared>>) target_semaphore(%run_scoped3A : memref<!tpu.dma_semaphore, #tpu.memory_space<semaphore_mem>>)
      %dma_wait3A = arith.constant 0 : i32
      %dma_wait3A_89 = tpu.memref_slice %arg6[%add3A_28, %dma_wait3A] : memref<10240x128xf32, #tpu.memory_space<vmem_shared>> -> memref<40x128xf32, #tpu.memory_space<vmem_shared>>
      %dma_wait3A_90 = arith.constant 0 : i32
      %dma_wait3A_91 = tpu.memref_slice %arg6[%add3A_28, %dma_wait3A_90] : memref<10240x128xf32, #tpu.memory_space<vmem_shared>> -> memref<40x128xf32, #tpu.memory_space<vmem_shared>>
      tpu.wait_dma2 semaphore(%run_scoped3A : memref<!tpu.dma_semaphore, #tpu.memory_space<semaphore_mem>>) src(%arg10 : memref<40x128xf32, #tpu.memory_space<vmem>>) dst(%dma_wait3A_91 : memref<40x128xf32, #tpu.memory_space<vmem_shared>>)
      tpu.yield
    }) : () -> ()
    %add3A_29 = arith.constant 480 : i32
    %add3A_30 = arith.addi %mul3A_4, %add3A_29 : i32
    "tpu.region"() ({
      %run_scoped3A = tpu.sem_alloc : memref<!tpu.dma_semaphore, #tpu.memory_space<semaphore_mem>>
      %dma_start3A_85 = arith.constant 0 : i32
      %dma_start3A_86 = tpu.memref_slice %arg6[%add3A_30, %dma_start3A_85] : memref<10240x128xf32, #tpu.memory_space<vmem_shared>> -> memref<40x128xf32, #tpu.memory_space<vmem_shared>>
      %dma_start3A_87 = arith.constant 0 : i32
      %dma_start3A_88 = tpu.memref_slice %arg6[%add3A_30, %dma_start3A_87] : memref<10240x128xf32, #tpu.memory_space<vmem_shared>> -> memref<40x128xf32, #tpu.memory_space<vmem_shared>>
      tpu.enqueue_dma source(%arg10 : memref<40x128xf32, #tpu.memory_space<vmem>>) target(%dma_start3A_88 : memref<40x128xf32, #tpu.memory_space<vmem_shared>>) target_semaphore(%run_scoped3A : memref<!tpu.dma_semaphore, #tpu.memory_space<semaphore_mem>>)
      %dma_wait3A = arith.constant 0 : i32
      %dma_wait3A_89 = tpu.memref_slice %arg6[%add3A_30, %dma_wait3A] : memref<10240x128xf32, #tpu.memory_space<vmem_shared>> -> memref<40x128xf32, #tpu.memory_space<vmem_shared>>
      %dma_wait3A_90 = arith.constant 0 : i32
      %dma_wait3A_91 = tpu.memref_slice %arg6[%add3A_30, %dma_wait3A_90] : memref<10240x128xf32, #tpu.memory_space<vmem_shared>> -> memref<40x128xf32, #tpu.memory_space<vmem_shared>>
      tpu.wait_dma2 semaphore(%run_scoped3A : memref<!tpu.dma_semaphore, #tpu.memory_space<semaphore_mem>>) src(%arg10 : memref<40x128xf32, #tpu.memory_space<vmem>>) dst(%dma_wait3A_91 : memref<40x128xf32, #tpu.memory_space<vmem_shared>>)
      tpu.yield
    }) : () -> ()
    %add3A_31 = arith.constant 520 : i32
    %add3A_32 = arith.addi %mul3A_4, %add3A_31 : i32
    "tpu.region"() ({
      %run_scoped3A = tpu.sem_alloc : memref<!tpu.dma_semaphore, #tpu.memory_space<semaphore_mem>>
      %dma_start3A_85 = arith.constant 0 : i32
      %dma_start3A_86 = tpu.memref_slice %arg6[%add3A_32, %dma_start3A_85] : memref<10240x128xf32, #tpu.memory_space<vmem_shared>> -> memref<40x128xf32, #tpu.memory_space<vmem_shared>>
      %dma_start3A_87 = arith.constant 0 : i32
      %dma_start3A_88 = tpu.memref_slice %arg6[%add3A_32, %dma_start3A_87] : memref<10240x128xf32, #tpu.memory_space<vmem_shared>> -> memref<40x128xf32, #tpu.memory_space<vmem_shared>>
      tpu.enqueue_dma source(%arg10 : memref<40x128xf32, #tpu.memory_space<vmem>>) target(%dma_start3A_88 : memref<40x128xf32, #tpu.memory_space<vmem_shared>>) target_semaphore(%run_scoped3A : memref<!tpu.dma_semaphore, #tpu.memory_space<semaphore_mem>>)
      %dma_wait3A = arith.constant 0 : i32
      %dma_wait3A_89 = tpu.memref_slice %arg6[%add3A_32, %dma_wait3A] : memref<10240x128xf32, #tpu.memory_space<vmem_shared>> -> memref<40x128xf32, #tpu.memory_space<vmem_shared>>
      %dma_wait3A_90 = arith.constant 0 : i32
      %dma_wait3A_91 = tpu.memref_slice %arg6[%add3A_32, %dma_wait3A_90] : memref<10240x128xf32, #tpu.memory_space<vmem_shared>> -> memref<40x128xf32, #tpu.memory_space<vmem_shared>>
      tpu.wait_dma2 semaphore(%run_scoped3A : memref<!tpu.dma_semaphore, #tpu.memory_space<semaphore_mem>>) src(%arg10 : memref<40x128xf32, #tpu.memory_space<vmem>>) dst(%dma_wait3A_91 : memref<40x128xf32, #tpu.memory_space<vmem_shared>>)
      tpu.yield
    }) : () -> ()
    %add3A_33 = arith.constant 560 : i32
    %add3A_34 = arith.addi %mul3A_4, %add3A_33 : i32
    "tpu.region"() ({
      %run_scoped3A = tpu.sem_alloc : memref<!tpu.dma_semaphore, #tpu.memory_space<semaphore_mem>>
      %dma_start3A_85 = arith.constant 0 : i32
      %dma_start3A_86 = tpu.memref_slice %arg6[%add3A_34, %dma_start3A_85] : memref<10240x128xf32, #tpu.memory_space<vmem_shared>> -> memref<40x128xf32, #tpu.memory_space<vmem_shared>>
      %dma_start3A_87 = arith.constant 0 : i32
      %dma_start3A_88 = tpu.memref_slice %arg6[%add3A_34, %dma_start3A_87] : memref<10240x128xf32, #tpu.memory_space<vmem_shared>> -> memref<40x128xf32, #tpu.memory_space<vmem_shared>>
      tpu.enqueue_dma source(%arg10 : memref<40x128xf32, #tpu.memory_space<vmem>>) target(%dma_start3A_88 : memref<40x128xf32, #tpu.memory_space<vmem_shared>>) target_semaphore(%run_scoped3A : memref<!tpu.dma_semaphore, #tpu.memory_space<semaphore_mem>>)
      %dma_wait3A = arith.constant 0 : i32
      %dma_wait3A_89 = tpu.memref_slice %arg6[%add3A_34, %dma_wait3A] : memref<10240x128xf32, #tpu.memory_space<vmem_shared>> -> memref<40x128xf32, #tpu.memory_space<vmem_shared>>
      %dma_wait3A_90 = arith.constant 0 : i32
      %dma_wait3A_91 = tpu.memref_slice %arg6[%add3A_34, %dma_wait3A_90] : memref<10240x128xf32, #tpu.memory_space<vmem_shared>> -> memref<40x128xf32, #tpu.memory_space<vmem_shared>>
      tpu.wait_dma2 semaphore(%run_scoped3A : memref<!tpu.dma_semaphore, #tpu.memory_space<semaphore_mem>>) src(%arg10 : memref<40x128xf32, #tpu.memory_space<vmem>>) dst(%dma_wait3A_91 : memref<40x128xf32, #tpu.memory_space<vmem_shared>>)
      tpu.yield
    }) : () -> ()
    %add3A_35 = arith.constant 600 : i32
    %add3A_36 = arith.addi %mul3A_4, %add3A_35 : i32
    "tpu.region"() ({
      %run_scoped3A = tpu.sem_alloc : memref<!tpu.dma_semaphore, #tpu.memory_space<semaphore_mem>>
      %dma_start3A_85 = arith.constant 0 : i32
      %dma_start3A_86 = tpu.memref_slice %arg6[%add3A_36, %dma_start3A_85] : memref<10240x128xf32, #tpu.memory_space<vmem_shared>> -> memref<40x128xf32, #tpu.memory_space<vmem_shared>>
      %dma_start3A_87 = arith.constant 0 : i32
      %dma_start3A_88 = tpu.memref_slice %arg6[%add3A_36, %dma_start3A_87] : memref<10240x128xf32, #tpu.memory_space<vmem_shared>> -> memref<40x128xf32, #tpu.memory_space<vmem_shared>>
      tpu.enqueue_dma source(%arg10 : memref<40x128xf32, #tpu.memory_space<vmem>>) target(%dma_start3A_88 : memref<40x128xf32, #tpu.memory_space<vmem_shared>>) target_semaphore(%run_scoped3A : memref<!tpu.dma_semaphore, #tpu.memory_space<semaphore_mem>>)
      %dma_wait3A = arith.constant 0 : i32
      %dma_wait3A_89 = tpu.memref_slice %arg6[%add3A_36, %dma_wait3A] : memref<10240x128xf32, #tpu.memory_space<vmem_shared>> -> memref<40x128xf32, #tpu.memory_space<vmem_shared>>
      %dma_wait3A_90 = arith.constant 0 : i32
      %dma_wait3A_91 = tpu.memref_slice %arg6[%add3A_36, %dma_wait3A_90] : memref<10240x128xf32, #tpu.memory_space<vmem_shared>> -> memref<40x128xf32, #tpu.memory_space<vmem_shared>>
      tpu.wait_dma2 semaphore(%run_scoped3A : memref<!tpu.dma_semaphore, #tpu.memory_space<semaphore_mem>>) src(%arg10 : memref<40x128xf32, #tpu.memory_space<vmem>>) dst(%dma_wait3A_91 : memref<40x128xf32, #tpu.memory_space<vmem_shared>>)
      tpu.yield
    }) : () -> ()
    "tpu.region"() ({
      %run_scoped3A = tpu.sem_alloc : memref<!tpu.dma_semaphore, #tpu.memory_space<semaphore_mem>>
      %dma_start3A_85 = arith.constant 0 : i32
      %dma_start3A_86 = arith.constant 0 : i32
      %dma_start3A_87 = tpu.memref_slice %arg3[%add3A, %dma_start3A_85, %dma_start3A_86] : memref<32x250x40xi32, #tpu.memory_space<hbm>> -> memref<1x250x40xi32, #tpu.memory_space<hbm>>
      %dma_start3A_88 = tpu.memref_squeeze %dma_start3A_87 : memref<1x250x40xi32, #tpu.memory_space<hbm>> -> memref<250x40xi32, #tpu.memory_space<hbm>>
      %dma_start3A_89 = arith.constant 0 : i32
      %dma_start3A_90 = arith.constant 0 : i32
      %dma_start3A_91 = tpu.memref_slice %arg3[%add3A, %dma_start3A_89, %dma_start3A_90] : memref<32x250x40xi32, #tpu.memory_space<hbm>> -> memref<1x250x40xi32, #tpu.memory_space<hbm>>
      %dma_start3A_92 = tpu.memref_squeeze %dma_start3A_91 : memref<1x250x40xi32, #tpu.memory_space<hbm>> -> memref<250x40xi32, #tpu.memory_space<hbm>>
      tpu.enqueue_dma source(%dma_start3A_92 : memref<250x40xi32, #tpu.memory_space<hbm>>) target(%arg7 : memref<250x40xi32, #tpu.memory_space<vmem>>) target_semaphore(%run_scoped3A : memref<!tpu.dma_semaphore, #tpu.memory_space<semaphore_mem>>)
      %dma_wait3A = arith.constant 0 : i32
      %dma_wait3A_93 = arith.constant 0 : i32
      %dma_wait3A_94 = tpu.memref_slice %arg3[%add3A, %dma_wait3A, %dma_wait3A_93] : memref<32x250x40xi32, #tpu.memory_space<hbm>> -> memref<1x250x40xi32, #tpu.memory_space<hbm>>
      %dma_wait3A_95 = tpu.memref_squeeze %dma_wait3A_94 : memref<1x250x40xi32, #tpu.memory_space<hbm>> -> memref<250x40xi32, #tpu.memory_space<hbm>>
      %dma_wait3A_96 = arith.constant 0 : i32
      %dma_wait3A_97 = arith.constant 0 : i32
      %dma_wait3A_98 = tpu.memref_slice %arg3[%add3A, %dma_wait3A_96, %dma_wait3A_97] : memref<32x250x40xi32, #tpu.memory_space<hbm>> -> memref<1x250x40xi32, #tpu.memory_space<hbm>>
      %dma_wait3A_99 = tpu.memref_squeeze %dma_wait3A_98 : memref<1x250x40xi32, #tpu.memory_space<hbm>> -> memref<250x40xi32, #tpu.memory_space<hbm>>
      tpu.wait_dma2 semaphore(%run_scoped3A : memref<!tpu.dma_semaphore, #tpu.memory_space<semaphore_mem>>) src(%dma_wait3A_99 : memref<250x40xi32, #tpu.memory_space<hbm>>) dst(%arg7 : memref<250x40xi32, #tpu.memory_space<vmem>>)
      tpu.yield
    }) : () -> ()
    %barrier3A = arith.constant 0 : index
    tpu.barrier barrier_id(%barrier3A)
    %add3A_37 = arith.constant 0 : i32
    %add3A_38 = arith.addi %mul3A_2, %add3A_37 : i32
    %dma_start3A = arith.constant 0 : i32
    %dma_start3A_39 = tpu.memref_slice %arg2[%add3A_38, %dma_start3A] : memref<320000x128xf32, #tpu.memory_space<hbm>> -> memref<40x128xf32, #tpu.memory_space<hbm>>
    %dma_start3A_40 = arith.constant 0 : i32
    %dma_start3A_41 = tpu.memref_slice %arg2[%add3A_38, %dma_start3A_40] : memref<320000x128xf32, #tpu.memory_space<hbm>> -> memref<40x128xf32, #tpu.memory_space<hbm>>
    tpu.enqueue_dma source(%dma_start3A_41 : memref<40x128xf32, #tpu.memory_space<hbm>>) target(%arg8 : memref<40x128xf32, #tpu.memory_space<vmem>>) target_semaphore(%arg11 : memref<!tpu.dma_semaphore, #tpu.memory_space<semaphore_mem>>)
    %add3A_42 = arith.constant 40 : i32
    %add3A_43 = arith.addi %mul3A_2, %add3A_42 : i32
    %dma_start3A_44 = arith.constant 0 : i32
    %dma_start3A_45 = tpu.memref_slice %arg2[%add3A_43, %dma_start3A_44] : memref<320000x128xf32, #tpu.memory_space<hbm>> -> memref<40x128xf32, #tpu.memory_space<hbm>>
    %dma_start3A_46 = arith.constant 0 : i32
    %dma_start3A_47 = tpu.memref_slice %arg2[%add3A_43, %dma_start3A_46] : memref<320000x128xf32, #tpu.memory_space<hbm>> -> memref<40x128xf32, #tpu.memory_space<hbm>>
    tpu.enqueue_dma source(%dma_start3A_47 : memref<40x128xf32, #tpu.memory_space<hbm>>) target(%arg9 : memref<40x128xf32, #tpu.memory_space<vmem>>) target_semaphore(%arg12 : memref<!tpu.dma_semaphore, #tpu.memory_space<semaphore_mem>>)
    %scan3A = arith.constant 0 : i32
    %scan3A_48 = arith.constant 125 : i32
    %scan3A_49 = arith.addi %scan3A, %scan3A_48 : i32
    %scan3A_50 = arith.constant 1 : i32
    scf.for %scan3A_85 = %scan3A to %scan3A_49 step %scan3A_50  : i32 {
      %mul3A_86 = arith.constant 2 : i32
      %mul3A_87 = arith.muli %mul3A_86, %scan3A_85 : i32
      %add3A_88 = arith.constant 0 : i32
      %add3A_89 = arith.addi %mul3A_87, %add3A_88 : i32
      %dma_wait3A = arith.constant 0 : i32
      %dma_wait3A_90 = arith.constant 0 : i32
      %dma_wait3A_91 = tpu.memref_slice %arg2[%dma_wait3A, %dma_wait3A_90] : memref<320000x128xf32, #tpu.memory_space<hbm>> -> memref<40x128xf32, #tpu.memory_space<hbm>>
      %dma_wait3A_92 = arith.constant 0 : i32
      %dma_wait3A_93 = arith.constant 0 : i32
      %dma_wait3A_94 = tpu.memref_slice %arg2[%dma_wait3A_92, %dma_wait3A_93] : memref<320000x128xf32, #tpu.memory_space<hbm>> -> memref<40x128xf32, #tpu.memory_space<hbm>>
      tpu.wait_dma2 semaphore(%arg11 : memref<!tpu.dma_semaphore, #tpu.memory_space<semaphore_mem>>) src(%dma_wait3A_94 : memref<40x128xf32, #tpu.memory_space<hbm>>) dst(%arg8 : memref<40x128xf32, #tpu.memory_space<vmem>>)
      "tpu.region"() ({
        %run_scoped3A = tpu.sem_alloc : memref<!tpu.dma_semaphore, #tpu.memory_space<semaphore_mem>>
        %dma_start3A_112 = arith.constant 0 : i32
        %dma_start3A_113 = tpu.memref_slice %arg7[%add3A_89, %dma_start3A_112] : memref<250x40xi32, #tpu.memory_space<vmem>> -> memref<1x40xi32, #tpu.memory_space<vmem>>
        %dma_start3A_114 = tpu.memref_squeeze %dma_start3A_113 : memref<1x40xi32, #tpu.memory_space<vmem>> -> memref<40xi32, #tpu.memory_space<vmem>>
        %dma_start3A_115 = arith.constant 0 : i32
        %dma_start3A_116 = arith.constant 0 : i32
        %dma_start3A_117 = tpu.memref_slice %arg6[%dma_start3A_115, %dma_start3A_116] : memref<10240x128xf32, #tpu.memory_space<vmem_shared>> -> memref<10240x128xf32, #tpu.memory_space<vmem_shared>>
        tpu.enqueue_indirect_dma source(%arg8 : memref<40x128xf32, #tpu.memory_space<vmem>>) target(%dma_start3A_117 : memref<10240x128xf32, #tpu.memory_space<vmem_shared>>) offsets(%dma_start3A_114 : memref<40xi32, #tpu.memory_space<vmem>>) semaphore(%run_scoped3A : memref<!tpu.dma_semaphore, #tpu.memory_space<semaphore_mem>>) {add = true}
        %dma_wait3A_118 = arith.constant 0 : i32
        %dma_wait3A_119 = tpu.memref_slice %arg7[%add3A_89, %dma_wait3A_118] : memref<250x40xi32, #tpu.memory_space<vmem>> -> memref<1x40xi32, #tpu.memory_space<vmem>>
        %dma_wait3A_120 = tpu.memref_squeeze %dma_wait3A_119 : memref<1x40xi32, #tpu.memory_space<vmem>> -> memref<40xi32, #tpu.memory_space<vmem>>
        %dma_wait3A_121 = arith.constant 0 : i32
        %dma_wait3A_122 = arith.constant 0 : i32
        %dma_wait3A_123 = tpu.memref_slice %arg6[%dma_wait3A_121, %dma_wait3A_122] : memref<10240x128xf32, #tpu.memory_space<vmem_shared>> -> memref<10240x128xf32, #tpu.memory_space<vmem_shared>>
        tpu.wait_indirect_dma semaphore(%run_scoped3A : memref<!tpu.dma_semaphore, #tpu.memory_space<semaphore_mem>>) src(%arg8 : memref<40x128xf32, #tpu.memory_space<vmem>>) dst(%dma_wait3A_123 : memref<10240x128xf32, #tpu.memory_space<vmem_shared>>)
        tpu.yield
      }) : () -> ()
      %lt3A = arith.constant 248 : i32
      %lt3A_95 = arith.cmpi slt, %add3A_89, %lt3A : i32
      %convert_element_type3A = arith.extui %lt3A_95 : i1 to i32
      %cond3A = arith.constant 0 : i32
      %cond3A_96 = arith.cmpi ne, %convert_element_type3A, %cond3A : i32
      scf.if %cond3A_96 {
        %add3A_112 = arith.constant 2 : i32
        %add3A_113 = arith.addi %add3A_89, %add3A_112 : i32
        %mul3A_114 = arith.constant 40 : i32
        %mul3A_115 = arith.muli %add3A_113, %mul3A_114 : i32
        %add3A_116 = arith.addi %mul3A_2, %mul3A_115 : i32
        %dma_start3A_117 = arith.constant 0 : i32
        %dma_start3A_118 = tpu.memref_slice %arg2[%add3A_116, %dma_start3A_117] : memref<320000x128xf32, #tpu.memory_space<hbm>> -> memref<40x128xf32, #tpu.memory_space<hbm>>
        %dma_start3A_119 = arith.constant 0 : i32
        %dma_start3A_120 = tpu.memref_slice %arg2[%add3A_116, %dma_start3A_119] : memref<320000x128xf32, #tpu.memory_space<hbm>> -> memref<40x128xf32, #tpu.memory_space<hbm>>
        tpu.enqueue_dma source(%dma_start3A_120 : memref<40x128xf32, #tpu.memory_space<hbm>>) target(%arg8 : memref<40x128xf32, #tpu.memory_space<vmem>>) target_semaphore(%arg11 : memref<!tpu.dma_semaphore, #tpu.memory_space<semaphore_mem>>)
      } else {
      }
      %mul3A_97 = arith.constant 2 : i32
      %mul3A_98 = arith.muli %mul3A_97, %scan3A_85 : i32
      %add3A_99 = arith.constant 1 : i32
      %add3A_100 = arith.addi %mul3A_98, %add3A_99 : i32
      %dma_wait3A_101 = arith.constant 0 : i32
      %dma_wait3A_102 = arith.constant 0 : i32
      %dma_wait3A_103 = tpu.memref_slice %arg2[%dma_wait3A_101, %dma_wait3A_102] : memref<320000x128xf32, #tpu.memory_space<hbm>> -> memref<40x128xf32, #tpu.memory_space<hbm>>
      %dma_wait3A_104 = arith.constant 0 : i32
      %dma_wait3A_105 = arith.constant 0 : i32
      %dma_wait3A_106 = tpu.memref_slice %arg2[%dma_wait3A_104, %dma_wait3A_105] : memref<320000x128xf32, #tpu.memory_space<hbm>> -> memref<40x128xf32, #tpu.memory_space<hbm>>
      tpu.wait_dma2 semaphore(%arg12 : memref<!tpu.dma_semaphore, #tpu.memory_space<semaphore_mem>>) src(%dma_wait3A_106 : memref<40x128xf32, #tpu.memory_space<hbm>>) dst(%arg9 : memref<40x128xf32, #tpu.memory_space<vmem>>)
      "tpu.region"() ({
        %run_scoped3A = tpu.sem_alloc : memref<!tpu.dma_semaphore, #tpu.memory_space<semaphore_mem>>
        %dma_start3A_112 = arith.constant 0 : i32
        %dma_start3A_113 = tpu.memref_slice %arg7[%add3A_100, %dma_start3A_112] : memref<250x40xi32, #tpu.memory_space<vmem>> -> memref<1x40xi32, #tpu.memory_space<vmem>>
        %dma_start3A_114 = tpu.memref_squeeze %dma_start3A_113 : memref<1x40xi32, #tpu.memory_space<vmem>> -> memref<40xi32, #tpu.memory_space<vmem>>
        %dma_start3A_115 = arith.constant 0 : i32
        %dma_start3A_116 = arith.constant 0 : i32
        %dma_start3A_117 = tpu.memref_slice %arg6[%dma_start3A_115, %dma_start3A_116] : memref<10240x128xf32, #tpu.memory_space<vmem_shared>> -> memref<10240x128xf32, #tpu.memory_space<vmem_shared>>
        tpu.enqueue_indirect_dma source(%arg9 : memref<40x128xf32, #tpu.memory_space<vmem>>) target(%dma_start3A_117 : memref<10240x128xf32, #tpu.memory_space<vmem_shared>>) offsets(%dma_start3A_114 : memref<40xi32, #tpu.memory_space<vmem>>) semaphore(%run_scoped3A : memref<!tpu.dma_semaphore, #tpu.memory_space<semaphore_mem>>) {add = true}
        %dma_wait3A_118 = arith.constant 0 : i32
        %dma_wait3A_119 = tpu.memref_slice %arg7[%add3A_100, %dma_wait3A_118] : memref<250x40xi32, #tpu.memory_space<vmem>> -> memref<1x40xi32, #tpu.memory_space<vmem>>
        %dma_wait3A_120 = tpu.memref_squeeze %dma_wait3A_119 : memref<1x40xi32, #tpu.memory_space<vmem>> -> memref<40xi32, #tpu.memory_space<vmem>>
        %dma_wait3A_121 = arith.constant 0 : i32
        %dma_wait3A_122 = arith.constant 0 : i32
        %dma_wait3A_123 = tpu.memref_slice %arg6[%dma_wait3A_121, %dma_wait3A_122] : memref<10240x128xf32, #tpu.memory_space<vmem_shared>> -> memref<10240x128xf32, #tpu.memory_space<vmem_shared>>
        tpu.wait_indirect_dma semaphore(%run_scoped3A : memref<!tpu.dma_semaphore, #tpu.memory_space<semaphore_mem>>) src(%arg9 : memref<40x128xf32, #tpu.memory_space<vmem>>) dst(%dma_wait3A_123 : memref<10240x128xf32, #tpu.memory_space<vmem_shared>>)
        tpu.yield
      }) : () -> ()
      %lt3A_107 = arith.constant 248 : i32
      %lt3A_108 = arith.cmpi slt, %add3A_100, %lt3A_107 : i32
      %convert_element_type3A_109 = arith.extui %lt3A_108 : i1 to i32
      %cond3A_110 = arith.constant 0 : i32
      %cond3A_111 = arith.cmpi ne, %convert_element_type3A_109, %cond3A_110 : i32
      scf.if %cond3A_111 {
        %add3A_112 = arith.constant 2 : i32
        %add3A_113 = arith.addi %add3A_100, %add3A_112 : i32
        %mul3A_114 = arith.constant 40 : i32
        %mul3A_115 = arith.muli %add3A_113, %mul3A_114 : i32
        %add3A_116 = arith.addi %mul3A_2, %mul3A_115 : i32
        %dma_start3A_117 = arith.constant 0 : i32
        %dma_start3A_118 = tpu.memref_slice %arg2[%add3A_116, %dma_start3A_117] : memref<320000x128xf32, #tpu.memory_space<hbm>> -> memref<40x128xf32, #tpu.memory_space<hbm>>
        %dma_start3A_119 = arith.constant 0 : i32
        %dma_start3A_120 = tpu.memref_slice %arg2[%add3A_116, %dma_start3A_119] : memref<320000x128xf32, #tpu.memory_space<hbm>> -> memref<40x128xf32, #tpu.memory_space<hbm>>
        tpu.enqueue_dma source(%dma_start3A_120 : memref<40x128xf32, #tpu.memory_space<hbm>>) target(%arg9 : memref<40x128xf32, #tpu.memory_space<vmem>>) target_semaphore(%arg12 : memref<!tpu.dma_semaphore, #tpu.memory_space<semaphore_mem>>)
      } else {
      }
    }
    %scan3A_51 = arith.constant 125 : i32
    %barrier3A_52 = arith.constant 0 : index
    tpu.barrier barrier_id(%barrier3A_52)
    %add3A_53 = arith.constant 0 : i32
    %add3A_54 = arith.addi %mul3A_4, %add3A_53 : i32
    "tpu.region"() ({
      %run_scoped3A = tpu.sem_alloc : memref<!tpu.dma_semaphore, #tpu.memory_space<semaphore_mem>>
      %dma_start3A_85 = arith.constant 0 : i32
      %dma_start3A_86 = tpu.memref_slice %arg6[%add3A_54, %dma_start3A_85] : memref<10240x128xf32, #tpu.memory_space<vmem_shared>> -> memref<40x128xf32, #tpu.memory_space<vmem_shared>>
      %dma_start3A_87 = arith.constant 0 : i32
      %dma_start3A_88 = tpu.memref_slice %arg6[%add3A_54, %dma_start3A_87] : memref<10240x128xf32, #tpu.memory_space<vmem_shared>> -> memref<40x128xf32, #tpu.memory_space<vmem_shared>>
      tpu.enqueue_dma source(%dma_start3A_88 : memref<40x128xf32, #tpu.memory_space<vmem_shared>>) target(%arg10 : memref<40x128xf32, #tpu.memory_space<vmem>>) target_semaphore(%run_scoped3A : memref<!tpu.dma_semaphore, #tpu.memory_space<semaphore_mem>>)
      %dma_wait3A = arith.constant 0 : i32
      %dma_wait3A_89 = tpu.memref_slice %arg6[%add3A_54, %dma_wait3A] : memref<10240x128xf32, #tpu.memory_space<vmem_shared>> -> memref<40x128xf32, #tpu.memory_space<vmem_shared>>
      %dma_wait3A_90 = arith.constant 0 : i32
      %dma_wait3A_91 = tpu.memref_slice %arg6[%add3A_54, %dma_wait3A_90] : memref<10240x128xf32, #tpu.memory_space<vmem_shared>> -> memref<40x128xf32, #tpu.memory_space<vmem_shared>>
      tpu.wait_dma2 semaphore(%run_scoped3A : memref<!tpu.dma_semaphore, #tpu.memory_space<semaphore_mem>>) src(%dma_wait3A_91 : memref<40x128xf32, #tpu.memory_space<vmem_shared>>) dst(%arg10 : memref<40x128xf32, #tpu.memory_space<vmem>>)
      tpu.yield
    }) : () -> ()
    "tpu.region"() ({
      %run_scoped3A = tpu.sem_alloc : memref<!tpu.dma_semaphore, #tpu.memory_space<semaphore_mem>>
      %dma_start3A_85 = arith.constant 0 : i32
      %dma_start3A_86 = arith.constant 0 : i32
      %dma_start3A_87 = tpu.memref_slice %arg5[%arg0, %dma_start3A_85, %dma_start3A_86] : memref<2x10240x128xf32, #tpu.memory_space<hbm>> -> memref<1x10240x128xf32, #tpu.memory_space<hbm>>
      %dma_start3A_88 = tpu.memref_squeeze %dma_start3A_87 : memref<1x10240x128xf32, #tpu.memory_space<hbm>> -> memref<10240x128xf32, #tpu.memory_space<hbm>>
      %dma_start3A_89 = arith.constant 0 : i32
      %dma_start3A_90 = tpu.memref_slice %dma_start3A_88[%add3A_54, %dma_start3A_89] : memref<10240x128xf32, #tpu.memory_space<hbm>> -> memref<40x128xf32, #tpu.memory_space<hbm>>
      %dma_start3A_91 = arith.constant 0 : i32
      %dma_start3A_92 = arith.constant 0 : i32
      %dma_start3A_93 = tpu.memref_slice %arg5[%arg0, %dma_start3A_91, %dma_start3A_92] : memref<2x10240x128xf32, #tpu.memory_space<hbm>> -> memref<1x10240x128xf32, #tpu.memory_space<hbm>>
      %dma_start3A_94 = tpu.memref_squeeze %dma_start3A_93 : memref<1x10240x128xf32, #tpu.memory_space<hbm>> -> memref<10240x128xf32, #tpu.memory_space<hbm>>
      %dma_start3A_95 = arith.constant 0 : i32
      %dma_start3A_96 = tpu.memref_slice %dma_start3A_94[%add3A_54, %dma_start3A_95] : memref<10240x128xf32, #tpu.memory_space<hbm>> -> memref<40x128xf32, #tpu.memory_space<hbm>>
      tpu.enqueue_dma source(%arg10 : memref<40x128xf32, #tpu.memory_space<vmem>>) target(%dma_start3A_96 : memref<40x128xf32, #tpu.memory_space<hbm>>) target_semaphore(%run_scoped3A : memref<!tpu.dma_semaphore, #tpu.memory_space<semaphore_mem>>)
      %dma_wait3A = arith.constant 0 : i32
      %dma_wait3A_97 = arith.constant 0 : i32
      %dma_wait3A_98 = tpu.memref_slice %arg5[%arg0, %dma_wait3A, %dma_wait3A_97] : memref<2x10240x128xf32, #tpu.memory_space<hbm>> -> memref<1x10240x128xf32, #tpu.memory_space<hbm>>
      %dma_wait3A_99 = tpu.memref_squeeze %dma_wait3A_98 : memref<1x10240x128xf32, #tpu.memory_space<hbm>> -> memref<10240x128xf32, #tpu.memory_space<hbm>>
      %dma_wait3A_100 = arith.constant 0 : i32
      %dma_wait3A_101 = tpu.memref_slice %dma_wait3A_99[%add3A_54, %dma_wait3A_100] : memref<10240x128xf32, #tpu.memory_space<hbm>> -> memref<40x128xf32, #tpu.memory_space<hbm>>
      %dma_wait3A_102 = arith.constant 0 : i32
      %dma_wait3A_103 = arith.constant 0 : i32
      %dma_wait3A_104 = tpu.memref_slice %arg5[%arg0, %dma_wait3A_102, %dma_wait3A_103] : memref<2x10240x128xf32, #tpu.memory_space<hbm>> -> memref<1x10240x128xf32, #tpu.memory_space<hbm>>
      %dma_wait3A_105 = tpu.memref_squeeze %dma_wait3A_104 : memref<1x10240x128xf32, #tpu.memory_space<hbm>> -> memref<10240x128xf32, #tpu.memory_space<hbm>>
      %dma_wait3A_106 = arith.constant 0 : i32
      %dma_wait3A_107 = tpu.memref_slice %dma_wait3A_105[%add3A_54, %dma_wait3A_106] : memref<10240x128xf32, #tpu.memory_space<hbm>> -> memref<40x128xf32, #tpu.memory_space<hbm>>
      tpu.wait_dma2 semaphore(%run_scoped3A : memref<!tpu.dma_semaphore, #tpu.memory_space<semaphore_mem>>) src(%arg10 : memref<40x128xf32, #tpu.memory_space<vmem>>) dst(%dma_wait3A_107 : memref<40x128xf32, #tpu.memory_space<hbm>>)
      tpu.yield
    }) : () -> ()
    %add3A_55 = arith.constant 40 : i32
    %add3A_56 = arith.addi %mul3A_4, %add3A_55 : i32
    "tpu.region"() ({
      %run_scoped3A = tpu.sem_alloc : memref<!tpu.dma_semaphore, #tpu.memory_space<semaphore_mem>>
      %dma_start3A_85 = arith.constant 0 : i32
      %dma_start3A_86 = tpu.memref_slice %arg6[%add3A_56, %dma_start3A_85] : memref<10240x128xf32, #tpu.memory_space<vmem_shared>> -> memref<40x128xf32, #tpu.memory_space<vmem_shared>>
      %dma_start3A_87 = arith.constant 0 : i32
      %dma_start3A_88 = tpu.memref_slice %arg6[%add3A_56, %dma_start3A_87] : memref<10240x128xf32, #tpu.memory_space<vmem_shared>> -> memref<40x128xf32, #tpu.memory_space<vmem_shared>>
      tpu.enqueue_dma source(%dma_start3A_88 : memref<40x128xf32, #tpu.memory_space<vmem_shared>>) target(%arg10 : memref<40x128xf32, #tpu.memory_space<vmem>>) target_semaphore(%run_scoped3A : memref<!tpu.dma_semaphore, #tpu.memory_space<semaphore_mem>>)
      %dma_wait3A = arith.constant 0 : i32
      %dma_wait3A_89 = tpu.memref_slice %arg6[%add3A_56, %dma_wait3A] : memref<10240x128xf32, #tpu.memory_space<vmem_shared>> -> memref<40x128xf32, #tpu.memory_space<vmem_shared>>
      %dma_wait3A_90 = arith.constant 0 : i32
      %dma_wait3A_91 = tpu.memref_slice %arg6[%add3A_56, %dma_wait3A_90] : memref<10240x128xf32, #tpu.memory_space<vmem_shared>> -> memref<40x128xf32, #tpu.memory_space<vmem_shared>>
      tpu.wait_dma2 semaphore(%run_scoped3A : memref<!tpu.dma_semaphore, #tpu.memory_space<semaphore_mem>>) src(%dma_wait3A_91 : memref<40x128xf32, #tpu.memory_space<vmem_shared>>) dst(%arg10 : memref<40x128xf32, #tpu.memory_space<vmem>>)
      tpu.yield
    }) : () -> ()
    "tpu.region"() ({
      %run_scoped3A = tpu.sem_alloc : memref<!tpu.dma_semaphore, #tpu.memory_space<semaphore_mem>>
      %dma_start3A_85 = arith.constant 0 : i32
      %dma_start3A_86 = arith.constant 0 : i32
      %dma_start3A_87 = tpu.memref_slice %arg5[%arg0, %dma_start3A_85, %dma_start3A_86] : memref<2x10240x128xf32, #tpu.memory_space<hbm>> -> memref<1x10240x128xf32, #tpu.memory_space<hbm>>
      %dma_start3A_88 = tpu.memref_squeeze %dma_start3A_87 : memref<1x10240x128xf32, #tpu.memory_space<hbm>> -> memref<10240x128xf32, #tpu.memory_space<hbm>>
      %dma_start3A_89 = arith.constant 0 : i32
      %dma_start3A_90 = tpu.memref_slice %dma_start3A_88[%add3A_56, %dma_start3A_89] : memref<10240x128xf32, #tpu.memory_space<hbm>> -> memref<40x128xf32, #tpu.memory_space<hbm>>
      %dma_start3A_91 = arith.constant 0 : i32
      %dma_start3A_92 = arith.constant 0 : i32
      %dma_start3A_93 = tpu.memref_slice %arg5[%arg0, %dma_start3A_91, %dma_start3A_92] : memref<2x10240x128xf32, #tpu.memory_space<hbm>> -> memref<1x10240x128xf32, #tpu.memory_space<hbm>>
      %dma_start3A_94 = tpu.memref_squeeze %dma_start3A_93 : memref<1x10240x128xf32, #tpu.memory_space<hbm>> -> memref<10240x128xf32, #tpu.memory_space<hbm>>
      %dma_start3A_95 = arith.constant 0 : i32
      %dma_start3A_96 = tpu.memref_slice %dma_start3A_94[%add3A_56, %dma_start3A_95] : memref<10240x128xf32, #tpu.memory_space<hbm>> -> memref<40x128xf32, #tpu.memory_space<hbm>>
      tpu.enqueue_dma source(%arg10 : memref<40x128xf32, #tpu.memory_space<vmem>>) target(%dma_start3A_96 : memref<40x128xf32, #tpu.memory_space<hbm>>) target_semaphore(%run_scoped3A : memref<!tpu.dma_semaphore, #tpu.memory_space<semaphore_mem>>)
      %dma_wait3A = arith.constant 0 : i32
      %dma_wait3A_97 = arith.constant 0 : i32
      %dma_wait3A_98 = tpu.memref_slice %arg5[%arg0, %dma_wait3A, %dma_wait3A_97] : memref<2x10240x128xf32, #tpu.memory_space<hbm>> -> memref<1x10240x128xf32, #tpu.memory_space<hbm>>
      %dma_wait3A_99 = tpu.memref_squeeze %dma_wait3A_98 : memref<1x10240x128xf32, #tpu.memory_space<hbm>> -> memref<10240x128xf32, #tpu.memory_space<hbm>>
      %dma_wait3A_100 = arith.constant 0 : i32
      %dma_wait3A_101 = tpu.memref_slice %dma_wait3A_99[%add3A_56, %dma_wait3A_100] : memref<10240x128xf32, #tpu.memory_space<hbm>> -> memref<40x128xf32, #tpu.memory_space<hbm>>
      %dma_wait3A_102 = arith.constant 0 : i32
      %dma_wait3A_103 = arith.constant 0 : i32
      %dma_wait3A_104 = tpu.memref_slice %arg5[%arg0, %dma_wait3A_102, %dma_wait3A_103] : memref<2x10240x128xf32, #tpu.memory_space<hbm>> -> memref<1x10240x128xf32, #tpu.memory_space<hbm>>
      %dma_wait3A_105 = tpu.memref_squeeze %dma_wait3A_104 : memref<1x10240x128xf32, #tpu.memory_space<hbm>> -> memref<10240x128xf32, #tpu.memory_space<hbm>>
      %dma_wait3A_106 = arith.constant 0 : i32
      %dma_wait3A_107 = tpu.memref_slice %dma_wait3A_105[%add3A_56, %dma_wait3A_106] : memref<10240x128xf32, #tpu.memory_space<hbm>> -> memref<40x128xf32, #tpu.memory_space<hbm>>
      tpu.wait_dma2 semaphore(%run_scoped3A : memref<!tpu.dma_semaphore, #tpu.memory_space<semaphore_mem>>) src(%arg10 : memref<40x128xf32, #tpu.memory_space<vmem>>) dst(%dma_wait3A_107 : memref<40x128xf32, #tpu.memory_space<hbm>>)
      tpu.yield
    }) : () -> ()
    %add3A_57 = arith.constant 80 : i32
    %add3A_58 = arith.addi %mul3A_4, %add3A_57 : i32
    "tpu.region"() ({
      %run_scoped3A = tpu.sem_alloc : memref<!tpu.dma_semaphore, #tpu.memory_space<semaphore_mem>>
      %dma_start3A_85 = arith.constant 0 : i32
      %dma_start3A_86 = tpu.memref_slice %arg6[%add3A_58, %dma_start3A_85] : memref<10240x128xf32, #tpu.memory_space<vmem_shared>> -> memref<40x128xf32, #tpu.memory_space<vmem_shared>>
      %dma_start3A_87 = arith.constant 0 : i32
      %dma_start3A_88 = tpu.memref_slice %arg6[%add3A_58, %dma_start3A_87] : memref<10240x128xf32, #tpu.memory_space<vmem_shared>> -> memref<40x128xf32, #tpu.memory_space<vmem_shared>>
      tpu.enqueue_dma source(%dma_start3A_88 : memref<40x128xf32, #tpu.memory_space<vmem_shared>>) target(%arg10 : memref<40x128xf32, #tpu.memory_space<vmem>>) target_semaphore(%run_scoped3A : memref<!tpu.dma_semaphore, #tpu.memory_space<semaphore_mem>>)
      %dma_wait3A = arith.constant 0 : i32
      %dma_wait3A_89 = tpu.memref_slice %arg6[%add3A_58, %dma_wait3A] : memref<10240x128xf32, #tpu.memory_space<vmem_shared>> -> memref<40x128xf32, #tpu.memory_space<vmem_shared>>
      %dma_wait3A_90 = arith.constant 0 : i32
      %dma_wait3A_91 = tpu.memref_slice %arg6[%add3A_58, %dma_wait3A_90] : memref<10240x128xf32, #tpu.memory_space<vmem_shared>> -> memref<40x128xf32, #tpu.memory_space<vmem_shared>>
      tpu.wait_dma2 semaphore(%run_scoped3A : memref<!tpu.dma_semaphore, #tpu.memory_space<semaphore_mem>>) src(%dma_wait3A_91 : memref<40x128xf32, #tpu.memory_space<vmem_shared>>) dst(%arg10 : memref<40x128xf32, #tpu.memory_space<vmem>>)
      tpu.yield
    }) : () -> ()
    "tpu.region"() ({
      %run_scoped3A = tpu.sem_alloc : memref<!tpu.dma_semaphore, #tpu.memory_space<semaphore_mem>>
      %dma_start3A_85 = arith.constant 0 : i32
      %dma_start3A_86 = arith.constant 0 : i32
      %dma_start3A_87 = tpu.memref_slice %arg5[%arg0, %dma_start3A_85, %dma_start3A_86] : memref<2x10240x128xf32, #tpu.memory_space<hbm>> -> memref<1x10240x128xf32, #tpu.memory_space<hbm>>
      %dma_start3A_88 = tpu.memref_squeeze %dma_start3A_87 : memref<1x10240x128xf32, #tpu.memory_space<hbm>> -> memref<10240x128xf32, #tpu.memory_space<hbm>>
      %dma_start3A_89 = arith.constant 0 : i32
      %dma_start3A_90 = tpu.memref_slice %dma_start3A_88[%add3A_58, %dma_start3A_89] : memref<10240x128xf32, #tpu.memory_space<hbm>> -> memref<40x128xf32, #tpu.memory_space<hbm>>
      %dma_start3A_91 = arith.constant 0 : i32
      %dma_start3A_92 = arith.constant 0 : i32
      %dma_start3A_93 = tpu.memref_slice %arg5[%arg0, %dma_start3A_91, %dma_start3A_92] : memref<2x10240x128xf32, #tpu.memory_space<hbm>> -> memref<1x10240x128xf32, #tpu.memory_space<hbm>>
      %dma_start3A_94 = tpu.memref_squeeze %dma_start3A_93 : memref<1x10240x128xf32, #tpu.memory_space<hbm>> -> memref<10240x128xf32, #tpu.memory_space<hbm>>
      %dma_start3A_95 = arith.constant 0 : i32
      %dma_start3A_96 = tpu.memref_slice %dma_start3A_94[%add3A_58, %dma_start3A_95] : memref<10240x128xf32, #tpu.memory_space<hbm>> -> memref<40x128xf32, #tpu.memory_space<hbm>>
      tpu.enqueue_dma source(%arg10 : memref<40x128xf32, #tpu.memory_space<vmem>>) target(%dma_start3A_96 : memref<40x128xf32, #tpu.memory_space<hbm>>) target_semaphore(%run_scoped3A : memref<!tpu.dma_semaphore, #tpu.memory_space<semaphore_mem>>)
      %dma_wait3A = arith.constant 0 : i32
      %dma_wait3A_97 = arith.constant 0 : i32
      %dma_wait3A_98 = tpu.memref_slice %arg5[%arg0, %dma_wait3A, %dma_wait3A_97] : memref<2x10240x128xf32, #tpu.memory_space<hbm>> -> memref<1x10240x128xf32, #tpu.memory_space<hbm>>
      %dma_wait3A_99 = tpu.memref_squeeze %dma_wait3A_98 : memref<1x10240x128xf32, #tpu.memory_space<hbm>> -> memref<10240x128xf32, #tpu.memory_space<hbm>>
      %dma_wait3A_100 = arith.constant 0 : i32
      %dma_wait3A_101 = tpu.memref_slice %dma_wait3A_99[%add3A_58, %dma_wait3A_100] : memref<10240x128xf32, #tpu.memory_space<hbm>> -> memref<40x128xf32, #tpu.memory_space<hbm>>
      %dma_wait3A_102 = arith.constant 0 : i32
      %dma_wait3A_103 = arith.constant 0 : i32
      %dma_wait3A_104 = tpu.memref_slice %arg5[%arg0, %dma_wait3A_102, %dma_wait3A_103] : memref<2x10240x128xf32, #tpu.memory_space<hbm>> -> memref<1x10240x128xf32, #tpu.memory_space<hbm>>
      %dma_wait3A_105 = tpu.memref_squeeze %dma_wait3A_104 : memref<1x10240x128xf32, #tpu.memory_space<hbm>> -> memref<10240x128xf32, #tpu.memory_space<hbm>>
      %dma_wait3A_106 = arith.constant 0 : i32
      %dma_wait3A_107 = tpu.memref_slice %dma_wait3A_105[%add3A_58, %dma_wait3A_106] : memref<10240x128xf32, #tpu.memory_space<hbm>> -> memref<40x128xf32, #tpu.memory_space<hbm>>
      tpu.wait_dma2 semaphore(%run_scoped3A : memref<!tpu.dma_semaphore, #tpu.memory_space<semaphore_mem>>) src(%arg10 : memref<40x128xf32, #tpu.memory_space<vmem>>) dst(%dma_wait3A_107 : memref<40x128xf32, #tpu.memory_space<hbm>>)
      tpu.yield
    }) : () -> ()
    %add3A_59 = arith.constant 120 : i32
    %add3A_60 = arith.addi %mul3A_4, %add3A_59 : i32
    "tpu.region"() ({
      %run_scoped3A = tpu.sem_alloc : memref<!tpu.dma_semaphore, #tpu.memory_space<semaphore_mem>>
      %dma_start3A_85 = arith.constant 0 : i32
      %dma_start3A_86 = tpu.memref_slice %arg6[%add3A_60, %dma_start3A_85] : memref<10240x128xf32, #tpu.memory_space<vmem_shared>> -> memref<40x128xf32, #tpu.memory_space<vmem_shared>>
      %dma_start3A_87 = arith.constant 0 : i32
      %dma_start3A_88 = tpu.memref_slice %arg6[%add3A_60, %dma_start3A_87] : memref<10240x128xf32, #tpu.memory_space<vmem_shared>> -> memref<40x128xf32, #tpu.memory_space<vmem_shared>>
      tpu.enqueue_dma source(%dma_start3A_88 : memref<40x128xf32, #tpu.memory_space<vmem_shared>>) target(%arg10 : memref<40x128xf32, #tpu.memory_space<vmem>>) target_semaphore(%run_scoped3A : memref<!tpu.dma_semaphore, #tpu.memory_space<semaphore_mem>>)
      %dma_wait3A = arith.constant 0 : i32
      %dma_wait3A_89 = tpu.memref_slice %arg6[%add3A_60, %dma_wait3A] : memref<10240x128xf32, #tpu.memory_space<vmem_shared>> -> memref<40x128xf32, #tpu.memory_space<vmem_shared>>
      %dma_wait3A_90 = arith.constant 0 : i32
      %dma_wait3A_91 = tpu.memref_slice %arg6[%add3A_60, %dma_wait3A_90] : memref<10240x128xf32, #tpu.memory_space<vmem_shared>> -> memref<40x128xf32, #tpu.memory_space<vmem_shared>>
      tpu.wait_dma2 semaphore(%run_scoped3A : memref<!tpu.dma_semaphore, #tpu.memory_space<semaphore_mem>>) src(%dma_wait3A_91 : memref<40x128xf32, #tpu.memory_space<vmem_shared>>) dst(%arg10 : memref<40x128xf32, #tpu.memory_space<vmem>>)
      tpu.yield
    }) : () -> ()
    "tpu.region"() ({
      %run_scoped3A = tpu.sem_alloc : memref<!tpu.dma_semaphore, #tpu.memory_space<semaphore_mem>>
      %dma_start3A_85 = arith.constant 0 : i32
      %dma_start3A_86 = arith.constant 0 : i32
      %dma_start3A_87 = tpu.memref_slice %arg5[%arg0, %dma_start3A_85, %dma_start3A_86] : memref<2x10240x128xf32, #tpu.memory_space<hbm>> -> memref<1x10240x128xf32, #tpu.memory_space<hbm>>
      %dma_start3A_88 = tpu.memref_squeeze %dma_start3A_87 : memref<1x10240x128xf32, #tpu.memory_space<hbm>> -> memref<10240x128xf32, #tpu.memory_space<hbm>>
      %dma_start3A_89 = arith.constant 0 : i32
      %dma_start3A_90 = tpu.memref_slice %dma_start3A_88[%add3A_60, %dma_start3A_89] : memref<10240x128xf32, #tpu.memory_space<hbm>> -> memref<40x128xf32, #tpu.memory_space<hbm>>
      %dma_start3A_91 = arith.constant 0 : i32
      %dma_start3A_92 = arith.constant 0 : i32
      %dma_start3A_93 = tpu.memref_slice %arg5[%arg0, %dma_start3A_91, %dma_start3A_92] : memref<2x10240x128xf32, #tpu.memory_space<hbm>> -> memref<1x10240x128xf32, #tpu.memory_space<hbm>>
      %dma_start3A_94 = tpu.memref_squeeze %dma_start3A_93 : memref<1x10240x128xf32, #tpu.memory_space<hbm>> -> memref<10240x128xf32, #tpu.memory_space<hbm>>
      %dma_start3A_95 = arith.constant 0 : i32
      %dma_start3A_96 = tpu.memref_slice %dma_start3A_94[%add3A_60, %dma_start3A_95] : memref<10240x128xf32, #tpu.memory_space<hbm>> -> memref<40x128xf32, #tpu.memory_space<hbm>>
      tpu.enqueue_dma source(%arg10 : memref<40x128xf32, #tpu.memory_space<vmem>>) target(%dma_start3A_96 : memref<40x128xf32, #tpu.memory_space<hbm>>) target_semaphore(%run_scoped3A : memref<!tpu.dma_semaphore, #tpu.memory_space<semaphore_mem>>)
      %dma_wait3A = arith.constant 0 : i32
      %dma_wait3A_97 = arith.constant 0 : i32
      %dma_wait3A_98 = tpu.memref_slice %arg5[%arg0, %dma_wait3A, %dma_wait3A_97] : memref<2x10240x128xf32, #tpu.memory_space<hbm>> -> memref<1x10240x128xf32, #tpu.memory_space<hbm>>
      %dma_wait3A_99 = tpu.memref_squeeze %dma_wait3A_98 : memref<1x10240x128xf32, #tpu.memory_space<hbm>> -> memref<10240x128xf32, #tpu.memory_space<hbm>>
      %dma_wait3A_100 = arith.constant 0 : i32
      %dma_wait3A_101 = tpu.memref_slice %dma_wait3A_99[%add3A_60, %dma_wait3A_100] : memref<10240x128xf32, #tpu.memory_space<hbm>> -> memref<40x128xf32, #tpu.memory_space<hbm>>
      %dma_wait3A_102 = arith.constant 0 : i32
      %dma_wait3A_103 = arith.constant 0 : i32
      %dma_wait3A_104 = tpu.memref_slice %arg5[%arg0, %dma_wait3A_102, %dma_wait3A_103] : memref<2x10240x128xf32, #tpu.memory_space<hbm>> -> memref<1x10240x128xf32, #tpu.memory_space<hbm>>
      %dma_wait3A_105 = tpu.memref_squeeze %dma_wait3A_104 : memref<1x10240x128xf32, #tpu.memory_space<hbm>> -> memref<10240x128xf32, #tpu.memory_space<hbm>>
      %dma_wait3A_106 = arith.constant 0 : i32
      %dma_wait3A_107 = tpu.memref_slice %dma_wait3A_105[%add3A_60, %dma_wait3A_106] : memref<10240x128xf32, #tpu.memory_space<hbm>> -> memref<40x128xf32, #tpu.memory_space<hbm>>
      tpu.wait_dma2 semaphore(%run_scoped3A : memref<!tpu.dma_semaphore, #tpu.memory_space<semaphore_mem>>) src(%arg10 : memref<40x128xf32, #tpu.memory_space<vmem>>) dst(%dma_wait3A_107 : memref<40x128xf32, #tpu.memory_space<hbm>>)
      tpu.yield
    }) : () -> ()
    %add3A_61 = arith.constant 160 : i32
    %add3A_62 = arith.addi %mul3A_4, %add3A_61 : i32
    "tpu.region"() ({
      %run_scoped3A = tpu.sem_alloc : memref<!tpu.dma_semaphore, #tpu.memory_space<semaphore_mem>>
      %dma_start3A_85 = arith.constant 0 : i32
      %dma_start3A_86 = tpu.memref_slice %arg6[%add3A_62, %dma_start3A_85] : memref<10240x128xf32, #tpu.memory_space<vmem_shared>> -> memref<40x128xf32, #tpu.memory_space<vmem_shared>>
      %dma_start3A_87 = arith.constant 0 : i32
      %dma_start3A_88 = tpu.memref_slice %arg6[%add3A_62, %dma_start3A_87] : memref<10240x128xf32, #tpu.memory_space<vmem_shared>> -> memref<40x128xf32, #tpu.memory_space<vmem_shared>>
      tpu.enqueue_dma source(%dma_start3A_88 : memref<40x128xf32, #tpu.memory_space<vmem_shared>>) target(%arg10 : memref<40x128xf32, #tpu.memory_space<vmem>>) target_semaphore(%run_scoped3A : memref<!tpu.dma_semaphore, #tpu.memory_space<semaphore_mem>>)
      %dma_wait3A = arith.constant 0 : i32
      %dma_wait3A_89 = tpu.memref_slice %arg6[%add3A_62, %dma_wait3A] : memref<10240x128xf32, #tpu.memory_space<vmem_shared>> -> memref<40x128xf32, #tpu.memory_space<vmem_shared>>
      %dma_wait3A_90 = arith.constant 0 : i32
      %dma_wait3A_91 = tpu.memref_slice %arg6[%add3A_62, %dma_wait3A_90] : memref<10240x128xf32, #tpu.memory_space<vmem_shared>> -> memref<40x128xf32, #tpu.memory_space<vmem_shared>>
      tpu.wait_dma2 semaphore(%run_scoped3A : memref<!tpu.dma_semaphore, #tpu.memory_space<semaphore_mem>>) src(%dma_wait3A_91 : memref<40x128xf32, #tpu.memory_space<vmem_shared>>) dst(%arg10 : memref<40x128xf32, #tpu.memory_space<vmem>>)
      tpu.yield
    }) : () -> ()
    "tpu.region"() ({
      %run_scoped3A = tpu.sem_alloc : memref<!tpu.dma_semaphore, #tpu.memory_space<semaphore_mem>>
      %dma_start3A_85 = arith.constant 0 : i32
      %dma_start3A_86 = arith.constant 0 : i32
      %dma_start3A_87 = tpu.memref_slice %arg5[%arg0, %dma_start3A_85, %dma_start3A_86] : memref<2x10240x128xf32, #tpu.memory_space<hbm>> -> memref<1x10240x128xf32, #tpu.memory_space<hbm>>
      %dma_start3A_88 = tpu.memref_squeeze %dma_start3A_87 : memref<1x10240x128xf32, #tpu.memory_space<hbm>> -> memref<10240x128xf32, #tpu.memory_space<hbm>>
      %dma_start3A_89 = arith.constant 0 : i32
      %dma_start3A_90 = tpu.memref_slice %dma_start3A_88[%add3A_62, %dma_start3A_89] : memref<10240x128xf32, #tpu.memory_space<hbm>> -> memref<40x128xf32, #tpu.memory_space<hbm>>
      %dma_start3A_91 = arith.constant 0 : i32
      %dma_start3A_92 = arith.constant 0 : i32
      %dma_start3A_93 = tpu.memref_slice %arg5[%arg0, %dma_start3A_91, %dma_start3A_92] : memref<2x10240x128xf32, #tpu.memory_space<hbm>> -> memref<1x10240x128xf32, #tpu.memory_space<hbm>>
      %dma_start3A_94 = tpu.memref_squeeze %dma_start3A_93 : memref<1x10240x128xf32, #tpu.memory_space<hbm>> -> memref<10240x128xf32, #tpu.memory_space<hbm>>
      %dma_start3A_95 = arith.constant 0 : i32
      %dma_start3A_96 = tpu.memref_slice %dma_start3A_94[%add3A_62, %dma_start3A_95] : memref<10240x128xf32, #tpu.memory_space<hbm>> -> memref<40x128xf32, #tpu.memory_space<hbm>>
      tpu.enqueue_dma source(%arg10 : memref<40x128xf32, #tpu.memory_space<vmem>>) target(%dma_start3A_96 : memref<40x128xf32, #tpu.memory_space<hbm>>) target_semaphore(%run_scoped3A : memref<!tpu.dma_semaphore, #tpu.memory_space<semaphore_mem>>)
      %dma_wait3A = arith.constant 0 : i32
      %dma_wait3A_97 = arith.constant 0 : i32
      %dma_wait3A_98 = tpu.memref_slice %arg5[%arg0, %dma_wait3A, %dma_wait3A_97] : memref<2x10240x128xf32, #tpu.memory_space<hbm>> -> memref<1x10240x128xf32, #tpu.memory_space<hbm>>
      %dma_wait3A_99 = tpu.memref_squeeze %dma_wait3A_98 : memref<1x10240x128xf32, #tpu.memory_space<hbm>> -> memref<10240x128xf32, #tpu.memory_space<hbm>>
      %dma_wait3A_100 = arith.constant 0 : i32
      %dma_wait3A_101 = tpu.memref_slice %dma_wait3A_99[%add3A_62, %dma_wait3A_100] : memref<10240x128xf32, #tpu.memory_space<hbm>> -> memref<40x128xf32, #tpu.memory_space<hbm>>
      %dma_wait3A_102 = arith.constant 0 : i32
      %dma_wait3A_103 = arith.constant 0 : i32
      %dma_wait3A_104 = tpu.memref_slice %arg5[%arg0, %dma_wait3A_102, %dma_wait3A_103] : memref<2x10240x128xf32, #tpu.memory_space<hbm>> -> memref<1x10240x128xf32, #tpu.memory_space<hbm>>
      %dma_wait3A_105 = tpu.memref_squeeze %dma_wait3A_104 : memref<1x10240x128xf32, #tpu.memory_space<hbm>> -> memref<10240x128xf32, #tpu.memory_space<hbm>>
      %dma_wait3A_106 = arith.constant 0 : i32
      %dma_wait3A_107 = tpu.memref_slice %dma_wait3A_105[%add3A_62, %dma_wait3A_106] : memref<10240x128xf32, #tpu.memory_space<hbm>> -> memref<40x128xf32, #tpu.memory_space<hbm>>
      tpu.wait_dma2 semaphore(%run_scoped3A : memref<!tpu.dma_semaphore, #tpu.memory_space<semaphore_mem>>) src(%arg10 : memref<40x128xf32, #tpu.memory_space<vmem>>) dst(%dma_wait3A_107 : memref<40x128xf32, #tpu.memory_space<hbm>>)
      tpu.yield
    }) : () -> ()
    %add3A_63 = arith.constant 200 : i32
    %add3A_64 = arith.addi %mul3A_4, %add3A_63 : i32
    "tpu.region"() ({
      %run_scoped3A = tpu.sem_alloc : memref<!tpu.dma_semaphore, #tpu.memory_space<semaphore_mem>>
      %dma_start3A_85 = arith.constant 0 : i32
      %dma_start3A_86 = tpu.memref_slice %arg6[%add3A_64, %dma_start3A_85] : memref<10240x128xf32, #tpu.memory_space<vmem_shared>> -> memref<40x128xf32, #tpu.memory_space<vmem_shared>>
      %dma_start3A_87 = arith.constant 0 : i32
      %dma_start3A_88 = tpu.memref_slice %arg6[%add3A_64, %dma_start3A_87] : memref<10240x128xf32, #tpu.memory_space<vmem_shared>> -> memref<40x128xf32, #tpu.memory_space<vmem_shared>>
      tpu.enqueue_dma source(%dma_start3A_88 : memref<40x128xf32, #tpu.memory_space<vmem_shared>>) target(%arg10 : memref<40x128xf32, #tpu.memory_space<vmem>>) target_semaphore(%run_scoped3A : memref<!tpu.dma_semaphore, #tpu.memory_space<semaphore_mem>>)
      %dma_wait3A = arith.constant 0 : i32
      %dma_wait3A_89 = tpu.memref_slice %arg6[%add3A_64, %dma_wait3A] : memref<10240x128xf32, #tpu.memory_space<vmem_shared>> -> memref<40x128xf32, #tpu.memory_space<vmem_shared>>
      %dma_wait3A_90 = arith.constant 0 : i32
      %dma_wait3A_91 = tpu.memref_slice %arg6[%add3A_64, %dma_wait3A_90] : memref<10240x128xf32, #tpu.memory_space<vmem_shared>> -> memref<40x128xf32, #tpu.memory_space<vmem_shared>>
      tpu.wait_dma2 semaphore(%run_scoped3A : memref<!tpu.dma_semaphore, #tpu.memory_space<semaphore_mem>>) src(%dma_wait3A_91 : memref<40x128xf32, #tpu.memory_space<vmem_shared>>) dst(%arg10 : memref<40x128xf32, #tpu.memory_space<vmem>>)
      tpu.yield
    }) : () -> ()
    "tpu.region"() ({
      %run_scoped3A = tpu.sem_alloc : memref<!tpu.dma_semaphore, #tpu.memory_space<semaphore_mem>>
      %dma_start3A_85 = arith.constant 0 : i32
      %dma_start3A_86 = arith.constant 0 : i32
      %dma_start3A_87 = tpu.memref_slice %arg5[%arg0, %dma_start3A_85, %dma_start3A_86] : memref<2x10240x128xf32, #tpu.memory_space<hbm>> -> memref<1x10240x128xf32, #tpu.memory_space<hbm>>
      %dma_start3A_88 = tpu.memref_squeeze %dma_start3A_87 : memref<1x10240x128xf32, #tpu.memory_space<hbm>> -> memref<10240x128xf32, #tpu.memory_space<hbm>>
      %dma_start3A_89 = arith.constant 0 : i32
      %dma_start3A_90 = tpu.memref_slice %dma_start3A_88[%add3A_64, %dma_start3A_89] : memref<10240x128xf32, #tpu.memory_space<hbm>> -> memref<40x128xf32, #tpu.memory_space<hbm>>
      %dma_start3A_91 = arith.constant 0 : i32
      %dma_start3A_92 = arith.constant 0 : i32
      %dma_start3A_93 = tpu.memref_slice %arg5[%arg0, %dma_start3A_91, %dma_start3A_92] : memref<2x10240x128xf32, #tpu.memory_space<hbm>> -> memref<1x10240x128xf32, #tpu.memory_space<hbm>>
      %dma_start3A_94 = tpu.memref_squeeze %dma_start3A_93 : memref<1x10240x128xf32, #tpu.memory_space<hbm>> -> memref<10240x128xf32, #tpu.memory_space<hbm>>
      %dma_start3A_95 = arith.constant 0 : i32
      %dma_start3A_96 = tpu.memref_slice %dma_start3A_94[%add3A_64, %dma_start3A_95] : memref<10240x128xf32, #tpu.memory_space<hbm>> -> memref<40x128xf32, #tpu.memory_space<hbm>>
      tpu.enqueue_dma source(%arg10 : memref<40x128xf32, #tpu.memory_space<vmem>>) target(%dma_start3A_96 : memref<40x128xf32, #tpu.memory_space<hbm>>) target_semaphore(%run_scoped3A : memref<!tpu.dma_semaphore, #tpu.memory_space<semaphore_mem>>)
      %dma_wait3A = arith.constant 0 : i32
      %dma_wait3A_97 = arith.constant 0 : i32
      %dma_wait3A_98 = tpu.memref_slice %arg5[%arg0, %dma_wait3A, %dma_wait3A_97] : memref<2x10240x128xf32, #tpu.memory_space<hbm>> -> memref<1x10240x128xf32, #tpu.memory_space<hbm>>
      %dma_wait3A_99 = tpu.memref_squeeze %dma_wait3A_98 : memref<1x10240x128xf32, #tpu.memory_space<hbm>> -> memref<10240x128xf32, #tpu.memory_space<hbm>>
      %dma_wait3A_100 = arith.constant 0 : i32
      %dma_wait3A_101 = tpu.memref_slice %dma_wait3A_99[%add3A_64, %dma_wait3A_100] : memref<10240x128xf32, #tpu.memory_space<hbm>> -> memref<40x128xf32, #tpu.memory_space<hbm>>
      %dma_wait3A_102 = arith.constant 0 : i32
      %dma_wait3A_103 = arith.constant 0 : i32
      %dma_wait3A_104 = tpu.memref_slice %arg5[%arg0, %dma_wait3A_102, %dma_wait3A_103] : memref<2x10240x128xf32, #tpu.memory_space<hbm>> -> memref<1x10240x128xf32, #tpu.memory_space<hbm>>
      %dma_wait3A_105 = tpu.memref_squeeze %dma_wait3A_104 : memref<1x10240x128xf32, #tpu.memory_space<hbm>> -> memref<10240x128xf32, #tpu.memory_space<hbm>>
      %dma_wait3A_106 = arith.constant 0 : i32
      %dma_wait3A_107 = tpu.memref_slice %dma_wait3A_105[%add3A_64, %dma_wait3A_106] : memref<10240x128xf32, #tpu.memory_space<hbm>> -> memref<40x128xf32, #tpu.memory_space<hbm>>
      tpu.wait_dma2 semaphore(%run_scoped3A : memref<!tpu.dma_semaphore, #tpu.memory_space<semaphore_mem>>) src(%arg10 : memref<40x128xf32, #tpu.memory_space<vmem>>) dst(%dma_wait3A_107 : memref<40x128xf32, #tpu.memory_space<hbm>>)
      tpu.yield
    }) : () -> ()
    %add3A_65 = arith.constant 240 : i32
    %add3A_66 = arith.addi %mul3A_4, %add3A_65 : i32
    "tpu.region"() ({
      %run_scoped3A = tpu.sem_alloc : memref<!tpu.dma_semaphore, #tpu.memory_space<semaphore_mem>>
      %dma_start3A_85 = arith.constant 0 : i32
      %dma_start3A_86 = tpu.memref_slice %arg6[%add3A_66, %dma_start3A_85] : memref<10240x128xf32, #tpu.memory_space<vmem_shared>> -> memref<40x128xf32, #tpu.memory_space<vmem_shared>>
      %dma_start3A_87 = arith.constant 0 : i32
      %dma_start3A_88 = tpu.memref_slice %arg6[%add3A_66, %dma_start3A_87] : memref<10240x128xf32, #tpu.memory_space<vmem_shared>> -> memref<40x128xf32, #tpu.memory_space<vmem_shared>>
      tpu.enqueue_dma source(%dma_start3A_88 : memref<40x128xf32, #tpu.memory_space<vmem_shared>>) target(%arg10 : memref<40x128xf32, #tpu.memory_space<vmem>>) target_semaphore(%run_scoped3A : memref<!tpu.dma_semaphore, #tpu.memory_space<semaphore_mem>>)
      %dma_wait3A = arith.constant 0 : i32
      %dma_wait3A_89 = tpu.memref_slice %arg6[%add3A_66, %dma_wait3A] : memref<10240x128xf32, #tpu.memory_space<vmem_shared>> -> memref<40x128xf32, #tpu.memory_space<vmem_shared>>
      %dma_wait3A_90 = arith.constant 0 : i32
      %dma_wait3A_91 = tpu.memref_slice %arg6[%add3A_66, %dma_wait3A_90] : memref<10240x128xf32, #tpu.memory_space<vmem_shared>> -> memref<40x128xf32, #tpu.memory_space<vmem_shared>>
      tpu.wait_dma2 semaphore(%run_scoped3A : memref<!tpu.dma_semaphore, #tpu.memory_space<semaphore_mem>>) src(%dma_wait3A_91 : memref<40x128xf32, #tpu.memory_space<vmem_shared>>) dst(%arg10 : memref<40x128xf32, #tpu.memory_space<vmem>>)
      tpu.yield
    }) : () -> ()
    "tpu.region"() ({
      %run_scoped3A = tpu.sem_alloc : memref<!tpu.dma_semaphore, #tpu.memory_space<semaphore_mem>>
      %dma_start3A_85 = arith.constant 0 : i32
      %dma_start3A_86 = arith.constant 0 : i32
      %dma_start3A_87 = tpu.memref_slice %arg5[%arg0, %dma_start3A_85, %dma_start3A_86] : memref<2x10240x128xf32, #tpu.memory_space<hbm>> -> memref<1x10240x128xf32, #tpu.memory_space<hbm>>
      %dma_start3A_88 = tpu.memref_squeeze %dma_start3A_87 : memref<1x10240x128xf32, #tpu.memory_space<hbm>> -> memref<10240x128xf32, #tpu.memory_space<hbm>>
      %dma_start3A_89 = arith.constant 0 : i32
      %dma_start3A_90 = tpu.memref_slice %dma_start3A_88[%add3A_66, %dma_start3A_89] : memref<10240x128xf32, #tpu.memory_space<hbm>> -> memref<40x128xf32, #tpu.memory_space<hbm>>
      %dma_start3A_91 = arith.constant 0 : i32
      %dma_start3A_92 = arith.constant 0 : i32
      %dma_start3A_93 = tpu.memref_slice %arg5[%arg0, %dma_start3A_91, %dma_start3A_92] : memref<2x10240x128xf32, #tpu.memory_space<hbm>> -> memref<1x10240x128xf32, #tpu.memory_space<hbm>>
      %dma_start3A_94 = tpu.memref_squeeze %dma_start3A_93 : memref<1x10240x128xf32, #tpu.memory_space<hbm>> -> memref<10240x128xf32, #tpu.memory_space<hbm>>
      %dma_start3A_95 = arith.constant 0 : i32
      %dma_start3A_96 = tpu.memref_slice %dma_start3A_94[%add3A_66, %dma_start3A_95] : memref<10240x128xf32, #tpu.memory_space<hbm>> -> memref<40x128xf32, #tpu.memory_space<hbm>>
      tpu.enqueue_dma source(%arg10 : memref<40x128xf32, #tpu.memory_space<vmem>>) target(%dma_start3A_96 : memref<40x128xf32, #tpu.memory_space<hbm>>) target_semaphore(%run_scoped3A : memref<!tpu.dma_semaphore, #tpu.memory_space<semaphore_mem>>)
      %dma_wait3A = arith.constant 0 : i32
      %dma_wait3A_97 = arith.constant 0 : i32
      %dma_wait3A_98 = tpu.memref_slice %arg5[%arg0, %dma_wait3A, %dma_wait3A_97] : memref<2x10240x128xf32, #tpu.memory_space<hbm>> -> memref<1x10240x128xf32, #tpu.memory_space<hbm>>
      %dma_wait3A_99 = tpu.memref_squeeze %dma_wait3A_98 : memref<1x10240x128xf32, #tpu.memory_space<hbm>> -> memref<10240x128xf32, #tpu.memory_space<hbm>>
      %dma_wait3A_100 = arith.constant 0 : i32
      %dma_wait3A_101 = tpu.memref_slice %dma_wait3A_99[%add3A_66, %dma_wait3A_100] : memref<10240x128xf32, #tpu.memory_space<hbm>> -> memref<40x128xf32, #tpu.memory_space<hbm>>
      %dma_wait3A_102 = arith.constant 0 : i32
      %dma_wait3A_103 = arith.constant 0 : i32
      %dma_wait3A_104 = tpu.memref_slice %arg5[%arg0, %dma_wait3A_102, %dma_wait3A_103] : memref<2x10240x128xf32, #tpu.memory_space<hbm>> -> memref<1x10240x128xf32, #tpu.memory_space<hbm>>
      %dma_wait3A_105 = tpu.memref_squeeze %dma_wait3A_104 : memref<1x10240x128xf32, #tpu.memory_space<hbm>> -> memref<10240x128xf32, #tpu.memory_space<hbm>>
      %dma_wait3A_106 = arith.constant 0 : i32
      %dma_wait3A_107 = tpu.memref_slice %dma_wait3A_105[%add3A_66, %dma_wait3A_106] : memref<10240x128xf32, #tpu.memory_space<hbm>> -> memref<40x128xf32, #tpu.memory_space<hbm>>
      tpu.wait_dma2 semaphore(%run_scoped3A : memref<!tpu.dma_semaphore, #tpu.memory_space<semaphore_mem>>) src(%arg10 : memref<40x128xf32, #tpu.memory_space<vmem>>) dst(%dma_wait3A_107 : memref<40x128xf32, #tpu.memory_space<hbm>>)
      tpu.yield
    }) : () -> ()
    %add3A_67 = arith.constant 280 : i32
    %add3A_68 = arith.addi %mul3A_4, %add3A_67 : i32
    "tpu.region"() ({
      %run_scoped3A = tpu.sem_alloc : memref<!tpu.dma_semaphore, #tpu.memory_space<semaphore_mem>>
      %dma_start3A_85 = arith.constant 0 : i32
      %dma_start3A_86 = tpu.memref_slice %arg6[%add3A_68, %dma_start3A_85] : memref<10240x128xf32, #tpu.memory_space<vmem_shared>> -> memref<40x128xf32, #tpu.memory_space<vmem_shared>>
      %dma_start3A_87 = arith.constant 0 : i32
      %dma_start3A_88 = tpu.memref_slice %arg6[%add3A_68, %dma_start3A_87] : memref<10240x128xf32, #tpu.memory_space<vmem_shared>> -> memref<40x128xf32, #tpu.memory_space<vmem_shared>>
      tpu.enqueue_dma source(%dma_start3A_88 : memref<40x128xf32, #tpu.memory_space<vmem_shared>>) target(%arg10 : memref<40x128xf32, #tpu.memory_space<vmem>>) target_semaphore(%run_scoped3A : memref<!tpu.dma_semaphore, #tpu.memory_space<semaphore_mem>>)
      %dma_wait3A = arith.constant 0 : i32
      %dma_wait3A_89 = tpu.memref_slice %arg6[%add3A_68, %dma_wait3A] : memref<10240x128xf32, #tpu.memory_space<vmem_shared>> -> memref<40x128xf32, #tpu.memory_space<vmem_shared>>
      %dma_wait3A_90 = arith.constant 0 : i32
      %dma_wait3A_91 = tpu.memref_slice %arg6[%add3A_68, %dma_wait3A_90] : memref<10240x128xf32, #tpu.memory_space<vmem_shared>> -> memref<40x128xf32, #tpu.memory_space<vmem_shared>>
      tpu.wait_dma2 semaphore(%run_scoped3A : memref<!tpu.dma_semaphore, #tpu.memory_space<semaphore_mem>>) src(%dma_wait3A_91 : memref<40x128xf32, #tpu.memory_space<vmem_shared>>) dst(%arg10 : memref<40x128xf32, #tpu.memory_space<vmem>>)
      tpu.yield
    }) : () -> ()
    "tpu.region"() ({
      %run_scoped3A = tpu.sem_alloc : memref<!tpu.dma_semaphore, #tpu.memory_space<semaphore_mem>>
      %dma_start3A_85 = arith.constant 0 : i32
      %dma_start3A_86 = arith.constant 0 : i32
      %dma_start3A_87 = tpu.memref_slice %arg5[%arg0, %dma_start3A_85, %dma_start3A_86] : memref<2x10240x128xf32, #tpu.memory_space<hbm>> -> memref<1x10240x128xf32, #tpu.memory_space<hbm>>
      %dma_start3A_88 = tpu.memref_squeeze %dma_start3A_87 : memref<1x10240x128xf32, #tpu.memory_space<hbm>> -> memref<10240x128xf32, #tpu.memory_space<hbm>>
      %dma_start3A_89 = arith.constant 0 : i32
      %dma_start3A_90 = tpu.memref_slice %dma_start3A_88[%add3A_68, %dma_start3A_89] : memref<10240x128xf32, #tpu.memory_space<hbm>> -> memref<40x128xf32, #tpu.memory_space<hbm>>
      %dma_start3A_91 = arith.constant 0 : i32
      %dma_start3A_92 = arith.constant 0 : i32
      %dma_start3A_93 = tpu.memref_slice %arg5[%arg0, %dma_start3A_91, %dma_start3A_92] : memref<2x10240x128xf32, #tpu.memory_space<hbm>> -> memref<1x10240x128xf32, #tpu.memory_space<hbm>>
      %dma_start3A_94 = tpu.memref_squeeze %dma_start3A_93 : memref<1x10240x128xf32, #tpu.memory_space<hbm>> -> memref<10240x128xf32, #tpu.memory_space<hbm>>
      %dma_start3A_95 = arith.constant 0 : i32
      %dma_start3A_96 = tpu.memref_slice %dma_start3A_94[%add3A_68, %dma_start3A_95] : memref<10240x128xf32, #tpu.memory_space<hbm>> -> memref<40x128xf32, #tpu.memory_space<hbm>>
      tpu.enqueue_dma source(%arg10 : memref<40x128xf32, #tpu.memory_space<vmem>>) target(%dma_start3A_96 : memref<40x128xf32, #tpu.memory_space<hbm>>) target_semaphore(%run_scoped3A : memref<!tpu.dma_semaphore, #tpu.memory_space<semaphore_mem>>)
      %dma_wait3A = arith.constant 0 : i32
      %dma_wait3A_97 = arith.constant 0 : i32
      %dma_wait3A_98 = tpu.memref_slice %arg5[%arg0, %dma_wait3A, %dma_wait3A_97] : memref<2x10240x128xf32, #tpu.memory_space<hbm>> -> memref<1x10240x128xf32, #tpu.memory_space<hbm>>
      %dma_wait3A_99 = tpu.memref_squeeze %dma_wait3A_98 : memref<1x10240x128xf32, #tpu.memory_space<hbm>> -> memref<10240x128xf32, #tpu.memory_space<hbm>>
      %dma_wait3A_100 = arith.constant 0 : i32
      %dma_wait3A_101 = tpu.memref_slice %dma_wait3A_99[%add3A_68, %dma_wait3A_100] : memref<10240x128xf32, #tpu.memory_space<hbm>> -> memref<40x128xf32, #tpu.memory_space<hbm>>
      %dma_wait3A_102 = arith.constant 0 : i32
      %dma_wait3A_103 = arith.constant 0 : i32
      %dma_wait3A_104 = tpu.memref_slice %arg5[%arg0, %dma_wait3A_102, %dma_wait3A_103] : memref<2x10240x128xf32, #tpu.memory_space<hbm>> -> memref<1x10240x128xf32, #tpu.memory_space<hbm>>
      %dma_wait3A_105 = tpu.memref_squeeze %dma_wait3A_104 : memref<1x10240x128xf32, #tpu.memory_space<hbm>> -> memref<10240x128xf32, #tpu.memory_space<hbm>>
      %dma_wait3A_106 = arith.constant 0 : i32
      %dma_wait3A_107 = tpu.memref_slice %dma_wait3A_105[%add3A_68, %dma_wait3A_106] : memref<10240x128xf32, #tpu.memory_space<hbm>> -> memref<40x128xf32, #tpu.memory_space<hbm>>
      tpu.wait_dma2 semaphore(%run_scoped3A : memref<!tpu.dma_semaphore, #tpu.memory_space<semaphore_mem>>) src(%arg10 : memref<40x128xf32, #tpu.memory_space<vmem>>) dst(%dma_wait3A_107 : memref<40x128xf32, #tpu.memory_space<hbm>>)
      tpu.yield
    }) : () -> ()
    %add3A_69 = arith.constant 320 : i32
    %add3A_70 = arith.addi %mul3A_4, %add3A_69 : i32
    "tpu.region"() ({
      %run_scoped3A = tpu.sem_alloc : memref<!tpu.dma_semaphore, #tpu.memory_space<semaphore_mem>>
      %dma_start3A_85 = arith.constant 0 : i32
      %dma_start3A_86 = tpu.memref_slice %arg6[%add3A_70, %dma_start3A_85] : memref<10240x128xf32, #tpu.memory_space<vmem_shared>> -> memref<40x128xf32, #tpu.memory_space<vmem_shared>>
      %dma_start3A_87 = arith.constant 0 : i32
      %dma_start3A_88 = tpu.memref_slice %arg6[%add3A_70, %dma_start3A_87] : memref<10240x128xf32, #tpu.memory_space<vmem_shared>> -> memref<40x128xf32, #tpu.memory_space<vmem_shared>>
      tpu.enqueue_dma source(%dma_start3A_88 : memref<40x128xf32, #tpu.memory_space<vmem_shared>>) target(%arg10 : memref<40x128xf32, #tpu.memory_space<vmem>>) target_semaphore(%run_scoped3A : memref<!tpu.dma_semaphore, #tpu.memory_space<semaphore_mem>>)
      %dma_wait3A = arith.constant 0 : i32
      %dma_wait3A_89 = tpu.memref_slice %arg6[%add3A_70, %dma_wait3A] : memref<10240x128xf32, #tpu.memory_space<vmem_shared>> -> memref<40x128xf32, #tpu.memory_space<vmem_shared>>
      %dma_wait3A_90 = arith.constant 0 : i32
      %dma_wait3A_91 = tpu.memref_slice %arg6[%add3A_70, %dma_wait3A_90] : memref<10240x128xf32, #tpu.memory_space<vmem_shared>> -> memref<40x128xf32, #tpu.memory_space<vmem_shared>>
      tpu.wait_dma2 semaphore(%run_scoped3A : memref<!tpu.dma_semaphore, #tpu.memory_space<semaphore_mem>>) src(%dma_wait3A_91 : memref<40x128xf32, #tpu.memory_space<vmem_shared>>) dst(%arg10 : memref<40x128xf32, #tpu.memory_space<vmem>>)
      tpu.yield
    }) : () -> ()
    "tpu.region"() ({
      %run_scoped3A = tpu.sem_alloc : memref<!tpu.dma_semaphore, #tpu.memory_space<semaphore_mem>>
      %dma_start3A_85 = arith.constant 0 : i32
      %dma_start3A_86 = arith.constant 0 : i32
      %dma_start3A_87 = tpu.memref_slice %arg5[%arg0, %dma_start3A_85, %dma_start3A_86] : memref<2x10240x128xf32, #tpu.memory_space<hbm>> -> memref<1x10240x128xf32, #tpu.memory_space<hbm>>
      %dma_start3A_88 = tpu.memref_squeeze %dma_start3A_87 : memref<1x10240x128xf32, #tpu.memory_space<hbm>> -> memref<10240x128xf32, #tpu.memory_space<hbm>>
      %dma_start3A_89 = arith.constant 0 : i32
      %dma_start3A_90 = tpu.memref_slice %dma_start3A_88[%add3A_70, %dma_start3A_89] : memref<10240x128xf32, #tpu.memory_space<hbm>> -> memref<40x128xf32, #tpu.memory_space<hbm>>
      %dma_start3A_91 = arith.constant 0 : i32
      %dma_start3A_92 = arith.constant 0 : i32
      %dma_start3A_93 = tpu.memref_slice %arg5[%arg0, %dma_start3A_91, %dma_start3A_92] : memref<2x10240x128xf32, #tpu.memory_space<hbm>> -> memref<1x10240x128xf32, #tpu.memory_space<hbm>>
      %dma_start3A_94 = tpu.memref_squeeze %dma_start3A_93 : memref<1x10240x128xf32, #tpu.memory_space<hbm>> -> memref<10240x128xf32, #tpu.memory_space<hbm>>
      %dma_start3A_95 = arith.constant 0 : i32
      %dma_start3A_96 = tpu.memref_slice %dma_start3A_94[%add3A_70, %dma_start3A_95] : memref<10240x128xf32, #tpu.memory_space<hbm>> -> memref<40x128xf32, #tpu.memory_space<hbm>>
      tpu.enqueue_dma source(%arg10 : memref<40x128xf32, #tpu.memory_space<vmem>>) target(%dma_start3A_96 : memref<40x128xf32, #tpu.memory_space<hbm>>) target_semaphore(%run_scoped3A : memref<!tpu.dma_semaphore, #tpu.memory_space<semaphore_mem>>)
      %dma_wait3A = arith.constant 0 : i32
      %dma_wait3A_97 = arith.constant 0 : i32
      %dma_wait3A_98 = tpu.memref_slice %arg5[%arg0, %dma_wait3A, %dma_wait3A_97] : memref<2x10240x128xf32, #tpu.memory_space<hbm>> -> memref<1x10240x128xf32, #tpu.memory_space<hbm>>
      %dma_wait3A_99 = tpu.memref_squeeze %dma_wait3A_98 : memref<1x10240x128xf32, #tpu.memory_space<hbm>> -> memref<10240x128xf32, #tpu.memory_space<hbm>>
      %dma_wait3A_100 = arith.constant 0 : i32
      %dma_wait3A_101 = tpu.memref_slice %dma_wait3A_99[%add3A_70, %dma_wait3A_100] : memref<10240x128xf32, #tpu.memory_space<hbm>> -> memref<40x128xf32, #tpu.memory_space<hbm>>
      %dma_wait3A_102 = arith.constant 0 : i32
      %dma_wait3A_103 = arith.constant 0 : i32
      %dma_wait3A_104 = tpu.memref_slice %arg5[%arg0, %dma_wait3A_102, %dma_wait3A_103] : memref<2x10240x128xf32, #tpu.memory_space<hbm>> -> memref<1x10240x128xf32, #tpu.memory_space<hbm>>
      %dma_wait3A_105 = tpu.memref_squeeze %dma_wait3A_104 : memref<1x10240x128xf32, #tpu.memory_space<hbm>> -> memref<10240x128xf32, #tpu.memory_space<hbm>>
      %dma_wait3A_106 = arith.constant 0 : i32
      %dma_wait3A_107 = tpu.memref_slice %dma_wait3A_105[%add3A_70, %dma_wait3A_106] : memref<10240x128xf32, #tpu.memory_space<hbm>> -> memref<40x128xf32, #tpu.memory_space<hbm>>
      tpu.wait_dma2 semaphore(%run_scoped3A : memref<!tpu.dma_semaphore, #tpu.memory_space<semaphore_mem>>) src(%arg10 : memref<40x128xf32, #tpu.memory_space<vmem>>) dst(%dma_wait3A_107 : memref<40x128xf32, #tpu.memory_space<hbm>>)
      tpu.yield
    }) : () -> ()
    %add3A_71 = arith.constant 360 : i32
    %add3A_72 = arith.addi %mul3A_4, %add3A_71 : i32
    "tpu.region"() ({
      %run_scoped3A = tpu.sem_alloc : memref<!tpu.dma_semaphore, #tpu.memory_space<semaphore_mem>>
      %dma_start3A_85 = arith.constant 0 : i32
      %dma_start3A_86 = tpu.memref_slice %arg6[%add3A_72, %dma_start3A_85] : memref<10240x128xf32, #tpu.memory_space<vmem_shared>> -> memref<40x128xf32, #tpu.memory_space<vmem_shared>>
      %dma_start3A_87 = arith.constant 0 : i32
      %dma_start3A_88 = tpu.memref_slice %arg6[%add3A_72, %dma_start3A_87] : memref<10240x128xf32, #tpu.memory_space<vmem_shared>> -> memref<40x128xf32, #tpu.memory_space<vmem_shared>>
      tpu.enqueue_dma source(%dma_start3A_88 : memref<40x128xf32, #tpu.memory_space<vmem_shared>>) target(%arg10 : memref<40x128xf32, #tpu.memory_space<vmem>>) target_semaphore(%run_scoped3A : memref<!tpu.dma_semaphore, #tpu.memory_space<semaphore_mem>>)
      %dma_wait3A = arith.constant 0 : i32
      %dma_wait3A_89 = tpu.memref_slice %arg6[%add3A_72, %dma_wait3A] : memref<10240x128xf32, #tpu.memory_space<vmem_shared>> -> memref<40x128xf32, #tpu.memory_space<vmem_shared>>
      %dma_wait3A_90 = arith.constant 0 : i32
      %dma_wait3A_91 = tpu.memref_slice %arg6[%add3A_72, %dma_wait3A_90] : memref<10240x128xf32, #tpu.memory_space<vmem_shared>> -> memref<40x128xf32, #tpu.memory_space<vmem_shared>>
      tpu.wait_dma2 semaphore(%run_scoped3A : memref<!tpu.dma_semaphore, #tpu.memory_space<semaphore_mem>>) src(%dma_wait3A_91 : memref<40x128xf32, #tpu.memory_space<vmem_shared>>) dst(%arg10 : memref<40x128xf32, #tpu.memory_space<vmem>>)
      tpu.yield
    }) : () -> ()
    "tpu.region"() ({
      %run_scoped3A = tpu.sem_alloc : memref<!tpu.dma_semaphore, #tpu.memory_space<semaphore_mem>>
      %dma_start3A_85 = arith.constant 0 : i32
      %dma_start3A_86 = arith.constant 0 : i32
      %dma_start3A_87 = tpu.memref_slice %arg5[%arg0, %dma_start3A_85, %dma_start3A_86] : memref<2x10240x128xf32, #tpu.memory_space<hbm>> -> memref<1x10240x128xf32, #tpu.memory_space<hbm>>
      %dma_start3A_88 = tpu.memref_squeeze %dma_start3A_87 : memref<1x10240x128xf32, #tpu.memory_space<hbm>> -> memref<10240x128xf32, #tpu.memory_space<hbm>>
      %dma_start3A_89 = arith.constant 0 : i32
      %dma_start3A_90 = tpu.memref_slice %dma_start3A_88[%add3A_72, %dma_start3A_89] : memref<10240x128xf32, #tpu.memory_space<hbm>> -> memref<40x128xf32, #tpu.memory_space<hbm>>
      %dma_start3A_91 = arith.constant 0 : i32
      %dma_start3A_92 = arith.constant 0 : i32
      %dma_start3A_93 = tpu.memref_slice %arg5[%arg0, %dma_start3A_91, %dma_start3A_92] : memref<2x10240x128xf32, #tpu.memory_space<hbm>> -> memref<1x10240x128xf32, #tpu.memory_space<hbm>>
      %dma_start3A_94 = tpu.memref_squeeze %dma_start3A_93 : memref<1x10240x128xf32, #tpu.memory_space<hbm>> -> memref<10240x128xf32, #tpu.memory_space<hbm>>
      %dma_start3A_95 = arith.constant 0 : i32
      %dma_start3A_96 = tpu.memref_slice %dma_start3A_94[%add3A_72, %dma_start3A_95] : memref<10240x128xf32, #tpu.memory_space<hbm>> -> memref<40x128xf32, #tpu.memory_space<hbm>>
      tpu.enqueue_dma source(%arg10 : memref<40x128xf32, #tpu.memory_space<vmem>>) target(%dma_start3A_96 : memref<40x128xf32, #tpu.memory_space<hbm>>) target_semaphore(%run_scoped3A : memref<!tpu.dma_semaphore, #tpu.memory_space<semaphore_mem>>)
      %dma_wait3A = arith.constant 0 : i32
      %dma_wait3A_97 = arith.constant 0 : i32
      %dma_wait3A_98 = tpu.memref_slice %arg5[%arg0, %dma_wait3A, %dma_wait3A_97] : memref<2x10240x128xf32, #tpu.memory_space<hbm>> -> memref<1x10240x128xf32, #tpu.memory_space<hbm>>
      %dma_wait3A_99 = tpu.memref_squeeze %dma_wait3A_98 : memref<1x10240x128xf32, #tpu.memory_space<hbm>> -> memref<10240x128xf32, #tpu.memory_space<hbm>>
      %dma_wait3A_100 = arith.constant 0 : i32
      %dma_wait3A_101 = tpu.memref_slice %dma_wait3A_99[%add3A_72, %dma_wait3A_100] : memref<10240x128xf32, #tpu.memory_space<hbm>> -> memref<40x128xf32, #tpu.memory_space<hbm>>
      %dma_wait3A_102 = arith.constant 0 : i32
      %dma_wait3A_103 = arith.constant 0 : i32
      %dma_wait3A_104 = tpu.memref_slice %arg5[%arg0, %dma_wait3A_102, %dma_wait3A_103] : memref<2x10240x128xf32, #tpu.memory_space<hbm>> -> memref<1x10240x128xf32, #tpu.memory_space<hbm>>
      %dma_wait3A_105 = tpu.memref_squeeze %dma_wait3A_104 : memref<1x10240x128xf32, #tpu.memory_space<hbm>> -> memref<10240x128xf32, #tpu.memory_space<hbm>>
      %dma_wait3A_106 = arith.constant 0 : i32
      %dma_wait3A_107 = tpu.memref_slice %dma_wait3A_105[%add3A_72, %dma_wait3A_106] : memref<10240x128xf32, #tpu.memory_space<hbm>> -> memref<40x128xf32, #tpu.memory_space<hbm>>
      tpu.wait_dma2 semaphore(%run_scoped3A : memref<!tpu.dma_semaphore, #tpu.memory_space<semaphore_mem>>) src(%arg10 : memref<40x128xf32, #tpu.memory_space<vmem>>) dst(%dma_wait3A_107 : memref<40x128xf32, #tpu.memory_space<hbm>>)
      tpu.yield
    }) : () -> ()
    %add3A_73 = arith.constant 400 : i32
    %add3A_74 = arith.addi %mul3A_4, %add3A_73 : i32
    "tpu.region"() ({
      %run_scoped3A = tpu.sem_alloc : memref<!tpu.dma_semaphore, #tpu.memory_space<semaphore_mem>>
      %dma_start3A_85 = arith.constant 0 : i32
      %dma_start3A_86 = tpu.memref_slice %arg6[%add3A_74, %dma_start3A_85] : memref<10240x128xf32, #tpu.memory_space<vmem_shared>> -> memref<40x128xf32, #tpu.memory_space<vmem_shared>>
      %dma_start3A_87 = arith.constant 0 : i32
      %dma_start3A_88 = tpu.memref_slice %arg6[%add3A_74, %dma_start3A_87] : memref<10240x128xf32, #tpu.memory_space<vmem_shared>> -> memref<40x128xf32, #tpu.memory_space<vmem_shared>>
      tpu.enqueue_dma source(%dma_start3A_88 : memref<40x128xf32, #tpu.memory_space<vmem_shared>>) target(%arg10 : memref<40x128xf32, #tpu.memory_space<vmem>>) target_semaphore(%run_scoped3A : memref<!tpu.dma_semaphore, #tpu.memory_space<semaphore_mem>>)
      %dma_wait3A = arith.constant 0 : i32
      %dma_wait3A_89 = tpu.memref_slice %arg6[%add3A_74, %dma_wait3A] : memref<10240x128xf32, #tpu.memory_space<vmem_shared>> -> memref<40x128xf32, #tpu.memory_space<vmem_shared>>
      %dma_wait3A_90 = arith.constant 0 : i32
      %dma_wait3A_91 = tpu.memref_slice %arg6[%add3A_74, %dma_wait3A_90] : memref<10240x128xf32, #tpu.memory_space<vmem_shared>> -> memref<40x128xf32, #tpu.memory_space<vmem_shared>>
      tpu.wait_dma2 semaphore(%run_scoped3A : memref<!tpu.dma_semaphore, #tpu.memory_space<semaphore_mem>>) src(%dma_wait3A_91 : memref<40x128xf32, #tpu.memory_space<vmem_shared>>) dst(%arg10 : memref<40x128xf32, #tpu.memory_space<vmem>>)
      tpu.yield
    }) : () -> ()
    "tpu.region"() ({
      %run_scoped3A = tpu.sem_alloc : memref<!tpu.dma_semaphore, #tpu.memory_space<semaphore_mem>>
      %dma_start3A_85 = arith.constant 0 : i32
      %dma_start3A_86 = arith.constant 0 : i32
      %dma_start3A_87 = tpu.memref_slice %arg5[%arg0, %dma_start3A_85, %dma_start3A_86] : memref<2x10240x128xf32, #tpu.memory_space<hbm>> -> memref<1x10240x128xf32, #tpu.memory_space<hbm>>
      %dma_start3A_88 = tpu.memref_squeeze %dma_start3A_87 : memref<1x10240x128xf32, #tpu.memory_space<hbm>> -> memref<10240x128xf32, #tpu.memory_space<hbm>>
      %dma_start3A_89 = arith.constant 0 : i32
      %dma_start3A_90 = tpu.memref_slice %dma_start3A_88[%add3A_74, %dma_start3A_89] : memref<10240x128xf32, #tpu.memory_space<hbm>> -> memref<40x128xf32, #tpu.memory_space<hbm>>
      %dma_start3A_91 = arith.constant 0 : i32
      %dma_start3A_92 = arith.constant 0 : i32
      %dma_start3A_93 = tpu.memref_slice %arg5[%arg0, %dma_start3A_91, %dma_start3A_92] : memref<2x10240x128xf32, #tpu.memory_space<hbm>> -> memref<1x10240x128xf32, #tpu.memory_space<hbm>>
      %dma_start3A_94 = tpu.memref_squeeze %dma_start3A_93 : memref<1x10240x128xf32, #tpu.memory_space<hbm>> -> memref<10240x128xf32, #tpu.memory_space<hbm>>
      %dma_start3A_95 = arith.constant 0 : i32
      %dma_start3A_96 = tpu.memref_slice %dma_start3A_94[%add3A_74, %dma_start3A_95] : memref<10240x128xf32, #tpu.memory_space<hbm>> -> memref<40x128xf32, #tpu.memory_space<hbm>>
      tpu.enqueue_dma source(%arg10 : memref<40x128xf32, #tpu.memory_space<vmem>>) target(%dma_start3A_96 : memref<40x128xf32, #tpu.memory_space<hbm>>) target_semaphore(%run_scoped3A : memref<!tpu.dma_semaphore, #tpu.memory_space<semaphore_mem>>)
      %dma_wait3A = arith.constant 0 : i32
      %dma_wait3A_97 = arith.constant 0 : i32
      %dma_wait3A_98 = tpu.memref_slice %arg5[%arg0, %dma_wait3A, %dma_wait3A_97] : memref<2x10240x128xf32, #tpu.memory_space<hbm>> -> memref<1x10240x128xf32, #tpu.memory_space<hbm>>
      %dma_wait3A_99 = tpu.memref_squeeze %dma_wait3A_98 : memref<1x10240x128xf32, #tpu.memory_space<hbm>> -> memref<10240x128xf32, #tpu.memory_space<hbm>>
      %dma_wait3A_100 = arith.constant 0 : i32
      %dma_wait3A_101 = tpu.memref_slice %dma_wait3A_99[%add3A_74, %dma_wait3A_100] : memref<10240x128xf32, #tpu.memory_space<hbm>> -> memref<40x128xf32, #tpu.memory_space<hbm>>
      %dma_wait3A_102 = arith.constant 0 : i32
      %dma_wait3A_103 = arith.constant 0 : i32
      %dma_wait3A_104 = tpu.memref_slice %arg5[%arg0, %dma_wait3A_102, %dma_wait3A_103] : memref<2x10240x128xf32, #tpu.memory_space<hbm>> -> memref<1x10240x128xf32, #tpu.memory_space<hbm>>
      %dma_wait3A_105 = tpu.memref_squeeze %dma_wait3A_104 : memref<1x10240x128xf32, #tpu.memory_space<hbm>> -> memref<10240x128xf32, #tpu.memory_space<hbm>>
      %dma_wait3A_106 = arith.constant 0 : i32
      %dma_wait3A_107 = tpu.memref_slice %dma_wait3A_105[%add3A_74, %dma_wait3A_106] : memref<10240x128xf32, #tpu.memory_space<hbm>> -> memref<40x128xf32, #tpu.memory_space<hbm>>
      tpu.wait_dma2 semaphore(%run_scoped3A : memref<!tpu.dma_semaphore, #tpu.memory_space<semaphore_mem>>) src(%arg10 : memref<40x128xf32, #tpu.memory_space<vmem>>) dst(%dma_wait3A_107 : memref<40x128xf32, #tpu.memory_space<hbm>>)
      tpu.yield
    }) : () -> ()
    %add3A_75 = arith.constant 440 : i32
    %add3A_76 = arith.addi %mul3A_4, %add3A_75 : i32
    "tpu.region"() ({
      %run_scoped3A = tpu.sem_alloc : memref<!tpu.dma_semaphore, #tpu.memory_space<semaphore_mem>>
      %dma_start3A_85 = arith.constant 0 : i32
      %dma_start3A_86 = tpu.memref_slice %arg6[%add3A_76, %dma_start3A_85] : memref<10240x128xf32, #tpu.memory_space<vmem_shared>> -> memref<40x128xf32, #tpu.memory_space<vmem_shared>>
      %dma_start3A_87 = arith.constant 0 : i32
      %dma_start3A_88 = tpu.memref_slice %arg6[%add3A_76, %dma_start3A_87] : memref<10240x128xf32, #tpu.memory_space<vmem_shared>> -> memref<40x128xf32, #tpu.memory_space<vmem_shared>>
      tpu.enqueue_dma source(%dma_start3A_88 : memref<40x128xf32, #tpu.memory_space<vmem_shared>>) target(%arg10 : memref<40x128xf32, #tpu.memory_space<vmem>>) target_semaphore(%run_scoped3A : memref<!tpu.dma_semaphore, #tpu.memory_space<semaphore_mem>>)
      %dma_wait3A = arith.constant 0 : i32
      %dma_wait3A_89 = tpu.memref_slice %arg6[%add3A_76, %dma_wait3A] : memref<10240x128xf32, #tpu.memory_space<vmem_shared>> -> memref<40x128xf32, #tpu.memory_space<vmem_shared>>
      %dma_wait3A_90 = arith.constant 0 : i32
      %dma_wait3A_91 = tpu.memref_slice %arg6[%add3A_76, %dma_wait3A_90] : memref<10240x128xf32, #tpu.memory_space<vmem_shared>> -> memref<40x128xf32, #tpu.memory_space<vmem_shared>>
      tpu.wait_dma2 semaphore(%run_scoped3A : memref<!tpu.dma_semaphore, #tpu.memory_space<semaphore_mem>>) src(%dma_wait3A_91 : memref<40x128xf32, #tpu.memory_space<vmem_shared>>) dst(%arg10 : memref<40x128xf32, #tpu.memory_space<vmem>>)
      tpu.yield
    }) : () -> ()
    "tpu.region"() ({
      %run_scoped3A = tpu.sem_alloc : memref<!tpu.dma_semaphore, #tpu.memory_space<semaphore_mem>>
      %dma_start3A_85 = arith.constant 0 : i32
      %dma_start3A_86 = arith.constant 0 : i32
      %dma_start3A_87 = tpu.memref_slice %arg5[%arg0, %dma_start3A_85, %dma_start3A_86] : memref<2x10240x128xf32, #tpu.memory_space<hbm>> -> memref<1x10240x128xf32, #tpu.memory_space<hbm>>
      %dma_start3A_88 = tpu.memref_squeeze %dma_start3A_87 : memref<1x10240x128xf32, #tpu.memory_space<hbm>> -> memref<10240x128xf32, #tpu.memory_space<hbm>>
      %dma_start3A_89 = arith.constant 0 : i32
      %dma_start3A_90 = tpu.memref_slice %dma_start3A_88[%add3A_76, %dma_start3A_89] : memref<10240x128xf32, #tpu.memory_space<hbm>> -> memref<40x128xf32, #tpu.memory_space<hbm>>
      %dma_start3A_91 = arith.constant 0 : i32
      %dma_start3A_92 = arith.constant 0 : i32
      %dma_start3A_93 = tpu.memref_slice %arg5[%arg0, %dma_start3A_91, %dma_start3A_92] : memref<2x10240x128xf32, #tpu.memory_space<hbm>> -> memref<1x10240x128xf32, #tpu.memory_space<hbm>>
      %dma_start3A_94 = tpu.memref_squeeze %dma_start3A_93 : memref<1x10240x128xf32, #tpu.memory_space<hbm>> -> memref<10240x128xf32, #tpu.memory_space<hbm>>
      %dma_start3A_95 = arith.constant 0 : i32
      %dma_start3A_96 = tpu.memref_slice %dma_start3A_94[%add3A_76, %dma_start3A_95] : memref<10240x128xf32, #tpu.memory_space<hbm>> -> memref<40x128xf32, #tpu.memory_space<hbm>>
      tpu.enqueue_dma source(%arg10 : memref<40x128xf32, #tpu.memory_space<vmem>>) target(%dma_start3A_96 : memref<40x128xf32, #tpu.memory_space<hbm>>) target_semaphore(%run_scoped3A : memref<!tpu.dma_semaphore, #tpu.memory_space<semaphore_mem>>)
      %dma_wait3A = arith.constant 0 : i32
      %dma_wait3A_97 = arith.constant 0 : i32
      %dma_wait3A_98 = tpu.memref_slice %arg5[%arg0, %dma_wait3A, %dma_wait3A_97] : memref<2x10240x128xf32, #tpu.memory_space<hbm>> -> memref<1x10240x128xf32, #tpu.memory_space<hbm>>
      %dma_wait3A_99 = tpu.memref_squeeze %dma_wait3A_98 : memref<1x10240x128xf32, #tpu.memory_space<hbm>> -> memref<10240x128xf32, #tpu.memory_space<hbm>>
      %dma_wait3A_100 = arith.constant 0 : i32
      %dma_wait3A_101 = tpu.memref_slice %dma_wait3A_99[%add3A_76, %dma_wait3A_100] : memref<10240x128xf32, #tpu.memory_space<hbm>> -> memref<40x128xf32, #tpu.memory_space<hbm>>
      %dma_wait3A_102 = arith.constant 0 : i32
      %dma_wait3A_103 = arith.constant 0 : i32
      %dma_wait3A_104 = tpu.memref_slice %arg5[%arg0, %dma_wait3A_102, %dma_wait3A_103] : memref<2x10240x128xf32, #tpu.memory_space<hbm>> -> memref<1x10240x128xf32, #tpu.memory_space<hbm>>
      %dma_wait3A_105 = tpu.memref_squeeze %dma_wait3A_104 : memref<1x10240x128xf32, #tpu.memory_space<hbm>> -> memref<10240x128xf32, #tpu.memory_space<hbm>>
      %dma_wait3A_106 = arith.constant 0 : i32
      %dma_wait3A_107 = tpu.memref_slice %dma_wait3A_105[%add3A_76, %dma_wait3A_106] : memref<10240x128xf32, #tpu.memory_space<hbm>> -> memref<40x128xf32, #tpu.memory_space<hbm>>
      tpu.wait_dma2 semaphore(%run_scoped3A : memref<!tpu.dma_semaphore, #tpu.memory_space<semaphore_mem>>) src(%arg10 : memref<40x128xf32, #tpu.memory_space<vmem>>) dst(%dma_wait3A_107 : memref<40x128xf32, #tpu.memory_space<hbm>>)
      tpu.yield
    }) : () -> ()
    %add3A_77 = arith.constant 480 : i32
    %add3A_78 = arith.addi %mul3A_4, %add3A_77 : i32
    "tpu.region"() ({
      %run_scoped3A = tpu.sem_alloc : memref<!tpu.dma_semaphore, #tpu.memory_space<semaphore_mem>>
      %dma_start3A_85 = arith.constant 0 : i32
      %dma_start3A_86 = tpu.memref_slice %arg6[%add3A_78, %dma_start3A_85] : memref<10240x128xf32, #tpu.memory_space<vmem_shared>> -> memref<40x128xf32, #tpu.memory_space<vmem_shared>>
      %dma_start3A_87 = arith.constant 0 : i32
      %dma_start3A_88 = tpu.memref_slice %arg6[%add3A_78, %dma_start3A_87] : memref<10240x128xf32, #tpu.memory_space<vmem_shared>> -> memref<40x128xf32, #tpu.memory_space<vmem_shared>>
      tpu.enqueue_dma source(%dma_start3A_88 : memref<40x128xf32, #tpu.memory_space<vmem_shared>>) target(%arg10 : memref<40x128xf32, #tpu.memory_space<vmem>>) target_semaphore(%run_scoped3A : memref<!tpu.dma_semaphore, #tpu.memory_space<semaphore_mem>>)
      %dma_wait3A = arith.constant 0 : i32
      %dma_wait3A_89 = tpu.memref_slice %arg6[%add3A_78, %dma_wait3A] : memref<10240x128xf32, #tpu.memory_space<vmem_shared>> -> memref<40x128xf32, #tpu.memory_space<vmem_shared>>
      %dma_wait3A_90 = arith.constant 0 : i32
      %dma_wait3A_91 = tpu.memref_slice %arg6[%add3A_78, %dma_wait3A_90] : memref<10240x128xf32, #tpu.memory_space<vmem_shared>> -> memref<40x128xf32, #tpu.memory_space<vmem_shared>>
      tpu.wait_dma2 semaphore(%run_scoped3A : memref<!tpu.dma_semaphore, #tpu.memory_space<semaphore_mem>>) src(%dma_wait3A_91 : memref<40x128xf32, #tpu.memory_space<vmem_shared>>) dst(%arg10 : memref<40x128xf32, #tpu.memory_space<vmem>>)
      tpu.yield
    }) : () -> ()
    "tpu.region"() ({
      %run_scoped3A = tpu.sem_alloc : memref<!tpu.dma_semaphore, #tpu.memory_space<semaphore_mem>>
      %dma_start3A_85 = arith.constant 0 : i32
      %dma_start3A_86 = arith.constant 0 : i32
      %dma_start3A_87 = tpu.memref_slice %arg5[%arg0, %dma_start3A_85, %dma_start3A_86] : memref<2x10240x128xf32, #tpu.memory_space<hbm>> -> memref<1x10240x128xf32, #tpu.memory_space<hbm>>
      %dma_start3A_88 = tpu.memref_squeeze %dma_start3A_87 : memref<1x10240x128xf32, #tpu.memory_space<hbm>> -> memref<10240x128xf32, #tpu.memory_space<hbm>>
      %dma_start3A_89 = arith.constant 0 : i32
      %dma_start3A_90 = tpu.memref_slice %dma_start3A_88[%add3A_78, %dma_start3A_89] : memref<10240x128xf32, #tpu.memory_space<hbm>> -> memref<40x128xf32, #tpu.memory_space<hbm>>
      %dma_start3A_91 = arith.constant 0 : i32
      %dma_start3A_92 = arith.constant 0 : i32
      %dma_start3A_93 = tpu.memref_slice %arg5[%arg0, %dma_start3A_91, %dma_start3A_92] : memref<2x10240x128xf32, #tpu.memory_space<hbm>> -> memref<1x10240x128xf32, #tpu.memory_space<hbm>>
      %dma_start3A_94 = tpu.memref_squeeze %dma_start3A_93 : memref<1x10240x128xf32, #tpu.memory_space<hbm>> -> memref<10240x128xf32, #tpu.memory_space<hbm>>
      %dma_start3A_95 = arith.constant 0 : i32
      %dma_start3A_96 = tpu.memref_slice %dma_start3A_94[%add3A_78, %dma_start3A_95] : memref<10240x128xf32, #tpu.memory_space<hbm>> -> memref<40x128xf32, #tpu.memory_space<hbm>>
      tpu.enqueue_dma source(%arg10 : memref<40x128xf32, #tpu.memory_space<vmem>>) target(%dma_start3A_96 : memref<40x128xf32, #tpu.memory_space<hbm>>) target_semaphore(%run_scoped3A : memref<!tpu.dma_semaphore, #tpu.memory_space<semaphore_mem>>)
      %dma_wait3A = arith.constant 0 : i32
      %dma_wait3A_97 = arith.constant 0 : i32
      %dma_wait3A_98 = tpu.memref_slice %arg5[%arg0, %dma_wait3A, %dma_wait3A_97] : memref<2x10240x128xf32, #tpu.memory_space<hbm>> -> memref<1x10240x128xf32, #tpu.memory_space<hbm>>
      %dma_wait3A_99 = tpu.memref_squeeze %dma_wait3A_98 : memref<1x10240x128xf32, #tpu.memory_space<hbm>> -> memref<10240x128xf32, #tpu.memory_space<hbm>>
      %dma_wait3A_100 = arith.constant 0 : i32
      %dma_wait3A_101 = tpu.memref_slice %dma_wait3A_99[%add3A_78, %dma_wait3A_100] : memref<10240x128xf32, #tpu.memory_space<hbm>> -> memref<40x128xf32, #tpu.memory_space<hbm>>
      %dma_wait3A_102 = arith.constant 0 : i32
      %dma_wait3A_103 = arith.constant 0 : i32
      %dma_wait3A_104 = tpu.memref_slice %arg5[%arg0, %dma_wait3A_102, %dma_wait3A_103] : memref<2x10240x128xf32, #tpu.memory_space<hbm>> -> memref<1x10240x128xf32, #tpu.memory_space<hbm>>
      %dma_wait3A_105 = tpu.memref_squeeze %dma_wait3A_104 : memref<1x10240x128xf32, #tpu.memory_space<hbm>> -> memref<10240x128xf32, #tpu.memory_space<hbm>>
      %dma_wait3A_106 = arith.constant 0 : i32
      %dma_wait3A_107 = tpu.memref_slice %dma_wait3A_105[%add3A_78, %dma_wait3A_106] : memref<10240x128xf32, #tpu.memory_space<hbm>> -> memref<40x128xf32, #tpu.memory_space<hbm>>
      tpu.wait_dma2 semaphore(%run_scoped3A : memref<!tpu.dma_semaphore, #tpu.memory_space<semaphore_mem>>) src(%arg10 : memref<40x128xf32, #tpu.memory_space<vmem>>) dst(%dma_wait3A_107 : memref<40x128xf32, #tpu.memory_space<hbm>>)
      tpu.yield
    }) : () -> ()
    %add3A_79 = arith.constant 520 : i32
    %add3A_80 = arith.addi %mul3A_4, %add3A_79 : i32
    "tpu.region"() ({
      %run_scoped3A = tpu.sem_alloc : memref<!tpu.dma_semaphore, #tpu.memory_space<semaphore_mem>>
      %dma_start3A_85 = arith.constant 0 : i32
      %dma_start3A_86 = tpu.memref_slice %arg6[%add3A_80, %dma_start3A_85] : memref<10240x128xf32, #tpu.memory_space<vmem_shared>> -> memref<40x128xf32, #tpu.memory_space<vmem_shared>>
      %dma_start3A_87 = arith.constant 0 : i32
      %dma_start3A_88 = tpu.memref_slice %arg6[%add3A_80, %dma_start3A_87] : memref<10240x128xf32, #tpu.memory_space<vmem_shared>> -> memref<40x128xf32, #tpu.memory_space<vmem_shared>>
      tpu.enqueue_dma source(%dma_start3A_88 : memref<40x128xf32, #tpu.memory_space<vmem_shared>>) target(%arg10 : memref<40x128xf32, #tpu.memory_space<vmem>>) target_semaphore(%run_scoped3A : memref<!tpu.dma_semaphore, #tpu.memory_space<semaphore_mem>>)
      %dma_wait3A = arith.constant 0 : i32
      %dma_wait3A_89 = tpu.memref_slice %arg6[%add3A_80, %dma_wait3A] : memref<10240x128xf32, #tpu.memory_space<vmem_shared>> -> memref<40x128xf32, #tpu.memory_space<vmem_shared>>
      %dma_wait3A_90 = arith.constant 0 : i32
      %dma_wait3A_91 = tpu.memref_slice %arg6[%add3A_80, %dma_wait3A_90] : memref<10240x128xf32, #tpu.memory_space<vmem_shared>> -> memref<40x128xf32, #tpu.memory_space<vmem_shared>>
      tpu.wait_dma2 semaphore(%run_scoped3A : memref<!tpu.dma_semaphore, #tpu.memory_space<semaphore_mem>>) src(%dma_wait3A_91 : memref<40x128xf32, #tpu.memory_space<vmem_shared>>) dst(%arg10 : memref<40x128xf32, #tpu.memory_space<vmem>>)
      tpu.yield
    }) : () -> ()
    "tpu.region"() ({
      %run_scoped3A = tpu.sem_alloc : memref<!tpu.dma_semaphore, #tpu.memory_space<semaphore_mem>>
      %dma_start3A_85 = arith.constant 0 : i32
      %dma_start3A_86 = arith.constant 0 : i32
      %dma_start3A_87 = tpu.memref_slice %arg5[%arg0, %dma_start3A_85, %dma_start3A_86] : memref<2x10240x128xf32, #tpu.memory_space<hbm>> -> memref<1x10240x128xf32, #tpu.memory_space<hbm>>
      %dma_start3A_88 = tpu.memref_squeeze %dma_start3A_87 : memref<1x10240x128xf32, #tpu.memory_space<hbm>> -> memref<10240x128xf32, #tpu.memory_space<hbm>>
      %dma_start3A_89 = arith.constant 0 : i32
      %dma_start3A_90 = tpu.memref_slice %dma_start3A_88[%add3A_80, %dma_start3A_89] : memref<10240x128xf32, #tpu.memory_space<hbm>> -> memref<40x128xf32, #tpu.memory_space<hbm>>
      %dma_start3A_91 = arith.constant 0 : i32
      %dma_start3A_92 = arith.constant 0 : i32
      %dma_start3A_93 = tpu.memref_slice %arg5[%arg0, %dma_start3A_91, %dma_start3A_92] : memref<2x10240x128xf32, #tpu.memory_space<hbm>> -> memref<1x10240x128xf32, #tpu.memory_space<hbm>>
      %dma_start3A_94 = tpu.memref_squeeze %dma_start3A_93 : memref<1x10240x128xf32, #tpu.memory_space<hbm>> -> memref<10240x128xf32, #tpu.memory_space<hbm>>
      %dma_start3A_95 = arith.constant 0 : i32
      %dma_start3A_96 = tpu.memref_slice %dma_start3A_94[%add3A_80, %dma_start3A_95] : memref<10240x128xf32, #tpu.memory_space<hbm>> -> memref<40x128xf32, #tpu.memory_space<hbm>>
      tpu.enqueue_dma source(%arg10 : memref<40x128xf32, #tpu.memory_space<vmem>>) target(%dma_start3A_96 : memref<40x128xf32, #tpu.memory_space<hbm>>) target_semaphore(%run_scoped3A : memref<!tpu.dma_semaphore, #tpu.memory_space<semaphore_mem>>)
      %dma_wait3A = arith.constant 0 : i32
      %dma_wait3A_97 = arith.constant 0 : i32
      %dma_wait3A_98 = tpu.memref_slice %arg5[%arg0, %dma_wait3A, %dma_wait3A_97] : memref<2x10240x128xf32, #tpu.memory_space<hbm>> -> memref<1x10240x128xf32, #tpu.memory_space<hbm>>
      %dma_wait3A_99 = tpu.memref_squeeze %dma_wait3A_98 : memref<1x10240x128xf32, #tpu.memory_space<hbm>> -> memref<10240x128xf32, #tpu.memory_space<hbm>>
      %dma_wait3A_100 = arith.constant 0 : i32
      %dma_wait3A_101 = tpu.memref_slice %dma_wait3A_99[%add3A_80, %dma_wait3A_100] : memref<10240x128xf32, #tpu.memory_space<hbm>> -> memref<40x128xf32, #tpu.memory_space<hbm>>
      %dma_wait3A_102 = arith.constant 0 : i32
      %dma_wait3A_103 = arith.constant 0 : i32
      %dma_wait3A_104 = tpu.memref_slice %arg5[%arg0, %dma_wait3A_102, %dma_wait3A_103] : memref<2x10240x128xf32, #tpu.memory_space<hbm>> -> memref<1x10240x128xf32, #tpu.memory_space<hbm>>
      %dma_wait3A_105 = tpu.memref_squeeze %dma_wait3A_104 : memref<1x10240x128xf32, #tpu.memory_space<hbm>> -> memref<10240x128xf32, #tpu.memory_space<hbm>>
      %dma_wait3A_106 = arith.constant 0 : i32
      %dma_wait3A_107 = tpu.memref_slice %dma_wait3A_105[%add3A_80, %dma_wait3A_106] : memref<10240x128xf32, #tpu.memory_space<hbm>> -> memref<40x128xf32, #tpu.memory_space<hbm>>
      tpu.wait_dma2 semaphore(%run_scoped3A : memref<!tpu.dma_semaphore, #tpu.memory_space<semaphore_mem>>) src(%arg10 : memref<40x128xf32, #tpu.memory_space<vmem>>) dst(%dma_wait3A_107 : memref<40x128xf32, #tpu.memory_space<hbm>>)
      tpu.yield
    }) : () -> ()
    %add3A_81 = arith.constant 560 : i32
    %add3A_82 = arith.addi %mul3A_4, %add3A_81 : i32
    "tpu.region"() ({
      %run_scoped3A = tpu.sem_alloc : memref<!tpu.dma_semaphore, #tpu.memory_space<semaphore_mem>>
      %dma_start3A_85 = arith.constant 0 : i32
      %dma_start3A_86 = tpu.memref_slice %arg6[%add3A_82, %dma_start3A_85] : memref<10240x128xf32, #tpu.memory_space<vmem_shared>> -> memref<40x128xf32, #tpu.memory_space<vmem_shared>>
      %dma_start3A_87 = arith.constant 0 : i32
      %dma_start3A_88 = tpu.memref_slice %arg6[%add3A_82, %dma_start3A_87] : memref<10240x128xf32, #tpu.memory_space<vmem_shared>> -> memref<40x128xf32, #tpu.memory_space<vmem_shared>>
      tpu.enqueue_dma source(%dma_start3A_88 : memref<40x128xf32, #tpu.memory_space<vmem_shared>>) target(%arg10 : memref<40x128xf32, #tpu.memory_space<vmem>>) target_semaphore(%run_scoped3A : memref<!tpu.dma_semaphore, #tpu.memory_space<semaphore_mem>>)
      %dma_wait3A = arith.constant 0 : i32
      %dma_wait3A_89 = tpu.memref_slice %arg6[%add3A_82, %dma_wait3A] : memref<10240x128xf32, #tpu.memory_space<vmem_shared>> -> memref<40x128xf32, #tpu.memory_space<vmem_shared>>
      %dma_wait3A_90 = arith.constant 0 : i32
      %dma_wait3A_91 = tpu.memref_slice %arg6[%add3A_82, %dma_wait3A_90] : memref<10240x128xf32, #tpu.memory_space<vmem_shared>> -> memref<40x128xf32, #tpu.memory_space<vmem_shared>>
      tpu.wait_dma2 semaphore(%run_scoped3A : memref<!tpu.dma_semaphore, #tpu.memory_space<semaphore_mem>>) src(%dma_wait3A_91 : memref<40x128xf32, #tpu.memory_space<vmem_shared>>) dst(%arg10 : memref<40x128xf32, #tpu.memory_space<vmem>>)
      tpu.yield
    }) : () -> ()
    "tpu.region"() ({
      %run_scoped3A = tpu.sem_alloc : memref<!tpu.dma_semaphore, #tpu.memory_space<semaphore_mem>>
      %dma_start3A_85 = arith.constant 0 : i32
      %dma_start3A_86 = arith.constant 0 : i32
      %dma_start3A_87 = tpu.memref_slice %arg5[%arg0, %dma_start3A_85, %dma_start3A_86] : memref<2x10240x128xf32, #tpu.memory_space<hbm>> -> memref<1x10240x128xf32, #tpu.memory_space<hbm>>
      %dma_start3A_88 = tpu.memref_squeeze %dma_start3A_87 : memref<1x10240x128xf32, #tpu.memory_space<hbm>> -> memref<10240x128xf32, #tpu.memory_space<hbm>>
      %dma_start3A_89 = arith.constant 0 : i32
      %dma_start3A_90 = tpu.memref_slice %dma_start3A_88[%add3A_82, %dma_start3A_89] : memref<10240x128xf32, #tpu.memory_space<hbm>> -> memref<40x128xf32, #tpu.memory_space<hbm>>
      %dma_start3A_91 = arith.constant 0 : i32
      %dma_start3A_92 = arith.constant 0 : i32
      %dma_start3A_93 = tpu.memref_slice %arg5[%arg0, %dma_start3A_91, %dma_start3A_92] : memref<2x10240x128xf32, #tpu.memory_space<hbm>> -> memref<1x10240x128xf32, #tpu.memory_space<hbm>>
      %dma_start3A_94 = tpu.memref_squeeze %dma_start3A_93 : memref<1x10240x128xf32, #tpu.memory_space<hbm>> -> memref<10240x128xf32, #tpu.memory_space<hbm>>
      %dma_start3A_95 = arith.constant 0 : i32
      %dma_start3A_96 = tpu.memref_slice %dma_start3A_94[%add3A_82, %dma_start3A_95] : memref<10240x128xf32, #tpu.memory_space<hbm>> -> memref<40x128xf32, #tpu.memory_space<hbm>>
      tpu.enqueue_dma source(%arg10 : memref<40x128xf32, #tpu.memory_space<vmem>>) target(%dma_start3A_96 : memref<40x128xf32, #tpu.memory_space<hbm>>) target_semaphore(%run_scoped3A : memref<!tpu.dma_semaphore, #tpu.memory_space<semaphore_mem>>)
      %dma_wait3A = arith.constant 0 : i32
      %dma_wait3A_97 = arith.constant 0 : i32
      %dma_wait3A_98 = tpu.memref_slice %arg5[%arg0, %dma_wait3A, %dma_wait3A_97] : memref<2x10240x128xf32, #tpu.memory_space<hbm>> -> memref<1x10240x128xf32, #tpu.memory_space<hbm>>
      %dma_wait3A_99 = tpu.memref_squeeze %dma_wait3A_98 : memref<1x10240x128xf32, #tpu.memory_space<hbm>> -> memref<10240x128xf32, #tpu.memory_space<hbm>>
      %dma_wait3A_100 = arith.constant 0 : i32
      %dma_wait3A_101 = tpu.memref_slice %dma_wait3A_99[%add3A_82, %dma_wait3A_100] : memref<10240x128xf32, #tpu.memory_space<hbm>> -> memref<40x128xf32, #tpu.memory_space<hbm>>
      %dma_wait3A_102 = arith.constant 0 : i32
      %dma_wait3A_103 = arith.constant 0 : i32
      %dma_wait3A_104 = tpu.memref_slice %arg5[%arg0, %dma_wait3A_102, %dma_wait3A_103] : memref<2x10240x128xf32, #tpu.memory_space<hbm>> -> memref<1x10240x128xf32, #tpu.memory_space<hbm>>
      %dma_wait3A_105 = tpu.memref_squeeze %dma_wait3A_104 : memref<1x10240x128xf32, #tpu.memory_space<hbm>> -> memref<10240x128xf32, #tpu.memory_space<hbm>>
      %dma_wait3A_106 = arith.constant 0 : i32
      %dma_wait3A_107 = tpu.memref_slice %dma_wait3A_105[%add3A_82, %dma_wait3A_106] : memref<10240x128xf32, #tpu.memory_space<hbm>> -> memref<40x128xf32, #tpu.memory_space<hbm>>
      tpu.wait_dma2 semaphore(%run_scoped3A : memref<!tpu.dma_semaphore, #tpu.memory_space<semaphore_mem>>) src(%arg10 : memref<40x128xf32, #tpu.memory_space<vmem>>) dst(%dma_wait3A_107 : memref<40x128xf32, #tpu.memory_space<hbm>>)
      tpu.yield
    }) : () -> ()
    %add3A_83 = arith.constant 600 : i32
    %add3A_84 = arith.addi %mul3A_4, %add3A_83 : i32
    "tpu.region"() ({
      %run_scoped3A = tpu.sem_alloc : memref<!tpu.dma_semaphore, #tpu.memory_space<semaphore_mem>>
      %dma_start3A_85 = arith.constant 0 : i32
      %dma_start3A_86 = tpu.memref_slice %arg6[%add3A_84, %dma_start3A_85] : memref<10240x128xf32, #tpu.memory_space<vmem_shared>> -> memref<40x128xf32, #tpu.memory_space<vmem_shared>>
      %dma_start3A_87 = arith.constant 0 : i32
      %dma_start3A_88 = tpu.memref_slice %arg6[%add3A_84, %dma_start3A_87] : memref<10240x128xf32, #tpu.memory_space<vmem_shared>> -> memref<40x128xf32, #tpu.memory_space<vmem_shared>>
      tpu.enqueue_dma source(%dma_start3A_88 : memref<40x128xf32, #tpu.memory_space<vmem_shared>>) target(%arg10 : memref<40x128xf32, #tpu.memory_space<vmem>>) target_semaphore(%run_scoped3A : memref<!tpu.dma_semaphore, #tpu.memory_space<semaphore_mem>>)
      %dma_wait3A = arith.constant 0 : i32
      %dma_wait3A_89 = tpu.memref_slice %arg6[%add3A_84, %dma_wait3A] : memref<10240x128xf32, #tpu.memory_space<vmem_shared>> -> memref<40x128xf32, #tpu.memory_space<vmem_shared>>
      %dma_wait3A_90 = arith.constant 0 : i32
      %dma_wait3A_91 = tpu.memref_slice %arg6[%add3A_84, %dma_wait3A_90] : memref<10240x128xf32, #tpu.memory_space<vmem_shared>> -> memref<40x128xf32, #tpu.memory_space<vmem_shared>>
      tpu.wait_dma2 semaphore(%run_scoped3A : memref<!tpu.dma_semaphore, #tpu.memory_space<semaphore_mem>>) src(%dma_wait3A_91 : memref<40x128xf32, #tpu.memory_space<vmem_shared>>) dst(%arg10 : memref<40x128xf32, #tpu.memory_space<vmem>>)
      tpu.yield
    }) : () -> ()
    "tpu.region"() ({
      %run_scoped3A = tpu.sem_alloc : memref<!tpu.dma_semaphore, #tpu.memory_space<semaphore_mem>>
      %dma_start3A_85 = arith.constant 0 : i32
      %dma_start3A_86 = arith.constant 0 : i32
      %dma_start3A_87 = tpu.memref_slice %arg5[%arg0, %dma_start3A_85, %dma_start3A_86] : memref<2x10240x128xf32, #tpu.memory_space<hbm>> -> memref<1x10240x128xf32, #tpu.memory_space<hbm>>
      %dma_start3A_88 = tpu.memref_squeeze %dma_start3A_87 : memref<1x10240x128xf32, #tpu.memory_space<hbm>> -> memref<10240x128xf32, #tpu.memory_space<hbm>>
      %dma_start3A_89 = arith.constant 0 : i32
      %dma_start3A_90 = tpu.memref_slice %dma_start3A_88[%add3A_84, %dma_start3A_89] : memref<10240x128xf32, #tpu.memory_space<hbm>> -> memref<40x128xf32, #tpu.memory_space<hbm>>
      %dma_start3A_91 = arith.constant 0 : i32
      %dma_start3A_92 = arith.constant 0 : i32
      %dma_start3A_93 = tpu.memref_slice %arg5[%arg0, %dma_start3A_91, %dma_start3A_92] : memref<2x10240x128xf32, #tpu.memory_space<hbm>> -> memref<1x10240x128xf32, #tpu.memory_space<hbm>>
      %dma_start3A_94 = tpu.memref_squeeze %dma_start3A_93 : memref<1x10240x128xf32, #tpu.memory_space<hbm>> -> memref<10240x128xf32, #tpu.memory_space<hbm>>
      %dma_start3A_95 = arith.constant 0 : i32
      %dma_start3A_96 = tpu.memref_slice %dma_start3A_94[%add3A_84, %dma_start3A_95] : memref<10240x128xf32, #tpu.memory_space<hbm>> -> memref<40x128xf32, #tpu.memory_space<hbm>>
      tpu.enqueue_dma source(%arg10 : memref<40x128xf32, #tpu.memory_space<vmem>>) target(%dma_start3A_96 : memref<40x128xf32, #tpu.memory_space<hbm>>) target_semaphore(%run_scoped3A : memref<!tpu.dma_semaphore, #tpu.memory_space<semaphore_mem>>)
      %dma_wait3A = arith.constant 0 : i32
      %dma_wait3A_97 = arith.constant 0 : i32
      %dma_wait3A_98 = tpu.memref_slice %arg5[%arg0, %dma_wait3A, %dma_wait3A_97] : memref<2x10240x128xf32, #tpu.memory_space<hbm>> -> memref<1x10240x128xf32, #tpu.memory_space<hbm>>
      %dma_wait3A_99 = tpu.memref_squeeze %dma_wait3A_98 : memref<1x10240x128xf32, #tpu.memory_space<hbm>> -> memref<10240x128xf32, #tpu.memory_space<hbm>>
      %dma_wait3A_100 = arith.constant 0 : i32
      %dma_wait3A_101 = tpu.memref_slice %dma_wait3A_99[%add3A_84, %dma_wait3A_100] : memref<10240x128xf32, #tpu.memory_space<hbm>> -> memref<40x128xf32, #tpu.memory_space<hbm>>
      %dma_wait3A_102 = arith.constant 0 : i32
      %dma_wait3A_103 = arith.constant 0 : i32
      %dma_wait3A_104 = tpu.memref_slice %arg5[%arg0, %dma_wait3A_102, %dma_wait3A_103] : memref<2x10240x128xf32, #tpu.memory_space<hbm>> -> memref<1x10240x128xf32, #tpu.memory_space<hbm>>
      %dma_wait3A_105 = tpu.memref_squeeze %dma_wait3A_104 : memref<1x10240x128xf32, #tpu.memory_space<hbm>> -> memref<10240x128xf32, #tpu.memory_space<hbm>>
      %dma_wait3A_106 = arith.constant 0 : i32
      %dma_wait3A_107 = tpu.memref_slice %dma_wait3A_105[%add3A_84, %dma_wait3A_106] : memref<10240x128xf32, #tpu.memory_space<hbm>> -> memref<40x128xf32, #tpu.memory_space<hbm>>
      tpu.wait_dma2 semaphore(%run_scoped3A : memref<!tpu.dma_semaphore, #tpu.memory_space<semaphore_mem>>) src(%arg10 : memref<40x128xf32, #tpu.memory_space<vmem>>) dst(%dma_wait3A_107 : memref<40x128xf32, #tpu.memory_space<hbm>>)
      tpu.yield
    }) : () -> ()
    return
  }
}

module attributes {stable_mosaic.version = 14 : i64} {
  func.func @_tc_transform_body(%arg0: i32, %arg1: memref<2000x128xf32, #tpu.memory_space<vmem>>, %arg2: memref<128x128xf32, #tpu.memory_space<vmem>>, %arg3: memref<1x128xf32, #tpu.memory_space<vmem>>, %arg4: memref<2000x128xf32, #tpu.memory_space<vmem>>) attributes {dimension_semantics = [#tpu.dimension_semantics<arbitrary>], iteration_bounds = array<i64: 5>, scalar_prefetch = 0 : i64, scratch_operands = 0 : i64, tpu.core_type = #tpu.core_type<tc>, window_params = [{transform_indices = @transform_0, window_bounds = array<i64: 2000, 128>}, {pipeline_mode = #tpu.pipeline_mode<synchronous>, transform_indices = @transform_1, window_bounds = array<i64: 128, 128>}, {pipeline_mode = #tpu.pipeline_mode<synchronous>, transform_indices = @transform_2, window_bounds = array<i64: 1, 128>}, {transform_indices = @transform_3, window_bounds = array<i64: 2000, 128>}]} {
    %get3A = arith.constant 0 : index
    %get3A_0 = arith.constant 0 : index
    %get3A_1 = vector.load %arg1[%get3A, %get3A_0] : memref<2000x128xf32, #tpu.memory_space<vmem>>, vector<2000x128xf32>
    %get3A_2 = arith.constant 0 : index
    %get3A_3 = arith.constant 0 : index
    %get3A_4 = vector.load %arg2[%get3A_2, %get3A_3] : memref<128x128xf32, #tpu.memory_space<vmem>>, vector<128x128xf32>
    %dot_general3A = arith.constant dense<0.000000e+00> : vector<2000x128xf32>
    %dot_general3A_5 = tpu.matmul %get3A_1, %get3A_4, %dot_general3A {dimension_numbers = #tpu.dot_dimension_numbers<[1], [0], [0], [1], [0, 0, 1, 1], [], []>, transpose_lhs_hint = false} : vector<2000x128xf32>, vector<128x128xf32>, vector<2000x128xf32> -> vector<2000x128xf32>
    %get3A_6 = arith.constant 0 : index
    %get3A_7 = arith.constant 0 : index
    %get3A_8 = vector.load %arg3[%get3A_6, %get3A_7] : memref<1x128xf32, #tpu.memory_space<vmem>>, vector<1x128xf32>
    %add3A = vector.broadcast %get3A_8 : vector<1x128xf32> to vector<2000x128xf32>
    %add3A_9 = arith.addf %dot_general3A_5, %add3A : vector<2000x128xf32>
    %mul3A = arith.constant 0.00999999977 : f32
    %mul3A_10 = vector.broadcast %mul3A : f32 to vector<2000x128xf32>
    %mul3A_11 = arith.mulf %mul3A_10, %add3A_9 : vector<2000x128xf32>
    %max3A = arith.maximumf %add3A_9, %mul3A_11 : vector<2000x128xf32>
    %swap3A = arith.constant 0 : index
    %swap3A_12 = arith.constant 0 : index
    %swap3A_13 = vector.load %arg4[%swap3A, %swap3A_12] : memref<2000x128xf32, #tpu.memory_space<vmem>>, vector<2000x128xf32>
    tpu.vector_store %arg4[%swap3A, %swap3A_12], %max3A {strides = array<i32>} : memref<2000x128xf32, #tpu.memory_space<vmem>>, vector<2000x128xf32>,
    return
  }
  func.func @transform_0(%arg0: i32) -> (i32, i32) {
    %c0_i32 = arith.constant 0 : i32
    %c0_i32_0 = arith.constant 0 : i32
    return %arg0, %c0_i32 : i32, i32
  }
  func.func @transform_1(%arg0: i32) -> (i32, i32) {
    %c0_i32 = arith.constant 0 : i32
    %c0_i32_0 = arith.constant 0 : i32
    %c0_i32_1 = arith.constant 0 : i32
    return %c0_i32, %c0_i32_0 : i32, i32
  }
  func.func @transform_2(%arg0: i32) -> (i32, i32) {
    %c0_i32 = arith.constant 0 : i32
    %c0_i32_0 = arith.constant 0 : i32
    %c0_i32_1 = arith.constant 0 : i32
    return %c0_i32, %c0_i32_0 : i32, i32
  }
  func.func @transform_3(%arg0: i32) -> (i32, i32) {
    %c0_i32 = arith.constant 0 : i32
    %c0_i32_0 = arith.constant 0 : i32
    return %arg0, %c0_i32 : i32, i32
  }
}

module attributes {stable_mosaic.version = 14 : i64} {
  func.func @_tc_msg_body(%arg0: i32, %arg1: memref<2000x128xf32, #tpu.memory_space<vmem>>, %arg2: memref<2000x128xf32, #tpu.memory_space<vmem>>, %arg3: memref<2000x16xf32, #tpu.memory_space<vmem>>, %arg4: memref<128x128xf32, #tpu.memory_space<vmem>>, %arg5: memref<128x128xf32, #tpu.memory_space<vmem>>, %arg6: memref<16x128xf32, #tpu.memory_space<vmem>>, %arg7: memref<1x128xf32, #tpu.memory_space<vmem>>, %arg8: memref<128x128xf32, #tpu.memory_space<vmem>>, %arg9: memref<128x128xf32, #tpu.memory_space<vmem>>, %arg10: memref<16x128xf32, #tpu.memory_space<vmem>>, %arg11: memref<1x128xf32, #tpu.memory_space<vmem>>, %arg12: memref<2000x128xf32, #tpu.memory_space<vmem>>) attributes {dimension_semantics = [#tpu.dimension_semantics<arbitrary>], iteration_bounds = array<i64: 160>, scalar_prefetch = 0 : i64, scratch_operands = 0 : i64, tpu.core_type = #tpu.core_type<tc>, window_params = [{transform_indices = @transform_0, window_bounds = array<i64: 2000, 128>}, {transform_indices = @transform_1, window_bounds = array<i64: 2000, 128>}, {transform_indices = @transform_2, window_bounds = array<i64: 2000, 16>}, {pipeline_mode = #tpu.pipeline_mode<synchronous>, transform_indices = @transform_3, window_bounds = array<i64: 128, 128>}, {pipeline_mode = #tpu.pipeline_mode<synchronous>, transform_indices = @transform_4, window_bounds = array<i64: 128, 128>}, {pipeline_mode = #tpu.pipeline_mode<synchronous>, transform_indices = @transform_5, window_bounds = array<i64: 16, 128>}, {pipeline_mode = #tpu.pipeline_mode<synchronous>, transform_indices = @transform_6, window_bounds = array<i64: 1, 128>}, {pipeline_mode = #tpu.pipeline_mode<synchronous>, transform_indices = @transform_7, window_bounds = array<i64: 128, 128>}, {pipeline_mode = #tpu.pipeline_mode<synchronous>, transform_indices = @transform_8, window_bounds = array<i64: 128, 128>}, {pipeline_mode = #tpu.pipeline_mode<synchronous>, transform_indices = @transform_9, window_bounds = array<i64: 16, 128>}, {pipeline_mode = #tpu.pipeline_mode<synchronous>, transform_indices = @transform_10, window_bounds = array<i64: 1, 128>}, {transform_indices = @transform_11, window_bounds = array<i64: 2000, 128>}]} {
    %get3A = arith.constant 0 : index
    %get3A_0 = arith.constant 0 : index
    %get3A_1 = vector.load %arg1[%get3A, %get3A_0] : memref<2000x128xf32, #tpu.memory_space<vmem>>, vector<2000x128xf32>
    %get3A_2 = arith.constant 0 : index
    %get3A_3 = arith.constant 0 : index
    %get3A_4 = vector.load %arg2[%get3A_2, %get3A_3] : memref<2000x128xf32, #tpu.memory_space<vmem>>, vector<2000x128xf32>
    %get3A_5 = arith.constant 0 : index
    %get3A_6 = arith.constant 0 : index
    %get3A_7 = vector.load %arg3[%get3A_5, %get3A_6] : memref<2000x16xf32, #tpu.memory_space<vmem>>, vector<2000x16xf32>
    %get3A_8 = arith.constant 0 : index
    %get3A_9 = arith.constant 0 : index
    %get3A_10 = vector.load %arg4[%get3A_8, %get3A_9] : memref<128x128xf32, #tpu.memory_space<vmem>>, vector<128x128xf32>
    %dot_general3A = arith.constant dense<0.000000e+00> : vector<2000x128xf32>
    %dot_general3A_11 = tpu.matmul %get3A_1, %get3A_10, %dot_general3A {dimension_numbers = #tpu.dot_dimension_numbers<[1], [0], [0], [1], [0, 0, 1, 1], [], []>, transpose_lhs_hint = false} : vector<2000x128xf32>, vector<128x128xf32>, vector<2000x128xf32> -> vector<2000x128xf32>
    %get3A_12 = arith.constant 0 : index
    %get3A_13 = arith.constant 0 : index
    %get3A_14 = vector.load %arg5[%get3A_12, %get3A_13] : memref<128x128xf32, #tpu.memory_space<vmem>>, vector<128x128xf32>
    %dot_general3A_15 = arith.constant dense<0.000000e+00> : vector<2000x128xf32>
    %dot_general3A_16 = tpu.matmul %get3A_4, %get3A_14, %dot_general3A_15 {dimension_numbers = #tpu.dot_dimension_numbers<[1], [0], [0], [1], [0, 0, 1, 1], [], []>, transpose_lhs_hint = false} : vector<2000x128xf32>, vector<128x128xf32>, vector<2000x128xf32> -> vector<2000x128xf32>
    %add3A = arith.addf %dot_general3A_11, %dot_general3A_16 : vector<2000x128xf32>
    %get3A_17 = arith.constant 0 : index
    %get3A_18 = arith.constant 0 : index
    %get3A_19 = vector.load %arg6[%get3A_17, %get3A_18] : memref<16x128xf32, #tpu.memory_space<vmem>>, vector<16x128xf32>
    %dot_general3A_20 = arith.constant dense<0.000000e+00> : vector<2000x128xf32>
    %dot_general3A_21 = tpu.matmul %get3A_7, %get3A_19, %dot_general3A_20 {dimension_numbers = #tpu.dot_dimension_numbers<[1], [0], [0], [1], [0, 0, 1, 1], [], []>, transpose_lhs_hint = false} : vector<2000x16xf32>, vector<16x128xf32>, vector<2000x128xf32> -> vector<2000x128xf32>
    %add3A_22 = arith.addf %add3A, %dot_general3A_21 : vector<2000x128xf32>
    %get3A_23 = arith.constant 0 : index
    %get3A_24 = arith.constant 0 : index
    %get3A_25 = vector.load %arg7[%get3A_23, %get3A_24] : memref<1x128xf32, #tpu.memory_space<vmem>>, vector<1x128xf32>
    %add3A_26 = vector.broadcast %get3A_25 : vector<1x128xf32> to vector<2000x128xf32>
    %add3A_27 = arith.addf %add3A_22, %add3A_26 : vector<2000x128xf32>
    %get3A_28 = arith.constant 0 : index
    %get3A_29 = arith.constant 0 : index
    %get3A_30 = vector.load %arg8[%get3A_28, %get3A_29] : memref<128x128xf32, #tpu.memory_space<vmem>>, vector<128x128xf32>
    %dot_general3A_31 = arith.constant dense<0.000000e+00> : vector<2000x128xf32>
    %dot_general3A_32 = tpu.matmul %get3A_1, %get3A_30, %dot_general3A_31 {dimension_numbers = #tpu.dot_dimension_numbers<[1], [0], [0], [1], [0, 0, 1, 1], [], []>, transpose_lhs_hint = false} : vector<2000x128xf32>, vector<128x128xf32>, vector<2000x128xf32> -> vector<2000x128xf32>
    %get3A_33 = arith.constant 0 : index
    %get3A_34 = arith.constant 0 : index
    %get3A_35 = vector.load %arg9[%get3A_33, %get3A_34] : memref<128x128xf32, #tpu.memory_space<vmem>>, vector<128x128xf32>
    %dot_general3A_36 = arith.constant dense<0.000000e+00> : vector<2000x128xf32>
    %dot_general3A_37 = tpu.matmul %get3A_4, %get3A_35, %dot_general3A_36 {dimension_numbers = #tpu.dot_dimension_numbers<[1], [0], [0], [1], [0, 0, 1, 1], [], []>, transpose_lhs_hint = false} : vector<2000x128xf32>, vector<128x128xf32>, vector<2000x128xf32> -> vector<2000x128xf32>
    %add3A_38 = arith.addf %dot_general3A_32, %dot_general3A_37 : vector<2000x128xf32>
    %get3A_39 = arith.constant 0 : index
    %get3A_40 = arith.constant 0 : index
    %get3A_41 = vector.load %arg10[%get3A_39, %get3A_40] : memref<16x128xf32, #tpu.memory_space<vmem>>, vector<16x128xf32>
    %dot_general3A_42 = arith.constant dense<0.000000e+00> : vector<2000x128xf32>
    %dot_general3A_43 = tpu.matmul %get3A_7, %get3A_41, %dot_general3A_42 {dimension_numbers = #tpu.dot_dimension_numbers<[1], [0], [0], [1], [0, 0, 1, 1], [], []>, transpose_lhs_hint = false} : vector<2000x16xf32>, vector<16x128xf32>, vector<2000x128xf32> -> vector<2000x128xf32>
    %add3A_44 = arith.addf %add3A_38, %dot_general3A_43 : vector<2000x128xf32>
    %get3A_45 = arith.constant 0 : index
    %get3A_46 = arith.constant 0 : index
    %get3A_47 = vector.load %arg11[%get3A_45, %get3A_46] : memref<1x128xf32, #tpu.memory_space<vmem>>, vector<1x128xf32>
    %add3A_48 = vector.broadcast %get3A_47 : vector<1x128xf32> to vector<2000x128xf32>
    %add3A_49 = arith.addf %add3A_44, %add3A_48 : vector<2000x128xf32>
    %logistic3A = arith.negf %add3A_27 : vector<2000x128xf32>
    %logistic3A_50 = math.exp %logistic3A : vector<2000x128xf32>
    %logistic3A_51 = arith.constant 1.000000e+00 : f32
    %logistic3A_52 = vector.broadcast %logistic3A_51 : f32 to vector<2000x128xf32>
    %logistic3A_53 = arith.addf %logistic3A_52, %logistic3A_50 : vector<2000x128xf32>
    %logistic3A_54 = arith.divf %logistic3A_52, %logistic3A_53 : vector<2000x128xf32>
    %custom_jvp_call3A = arith.constant 0.000000e+00 : f32
    %max3A = vector.broadcast %custom_jvp_call3A : f32 to vector<2000x128xf32>
    %max3A_55 = arith.maximumf %add3A_49, %max3A : vector<2000x128xf32>
    %sub3A = vector.broadcast %custom_jvp_call3A : f32 to vector<2000x128xf32>
    %sub3A_56 = arith.subf %add3A_49, %sub3A : vector<2000x128xf32>
    %ne3A = arith.cmpf one, %sub3A_56, %sub3A_56 : vector<2000x128xf32>
    %add3A_57 = vector.broadcast %custom_jvp_call3A : f32 to vector<2000x128xf32>
    %add3A_58 = arith.addf %add3A_49, %add3A_57 : vector<2000x128xf32>
    %abs3A = math.absf %sub3A_56 : vector<2000x128xf32>
    %neg3A = arith.constant 0.000000e+00 : f32
    %neg3A_59 = vector.broadcast %neg3A : f32 to vector<2000x128xf32>
    %neg3A_60 = arith.subf %neg3A_59, %abs3A : vector<2000x128xf32>
    %exp3A = math.exp %neg3A_60 : vector<2000x128xf32>
    %log1p3A = math.log1p %exp3A : vector<2000x128xf32>
    %add3A_61 = arith.addf %max3A_55, %log1p3A : vector<2000x128xf32>
    %select_n3A = arith.select %ne3A, %add3A_58, %add3A_61 : vector<2000x128xi1>, vector<2000x128xf32>
    %mul3A = arith.mulf %logistic3A_54, %select_n3A : vector<2000x128xf32>
    %swap3A = arith.constant 0 : index
    %swap3A_62 = arith.constant 0 : index
    %swap3A_63 = vector.load %arg12[%swap3A, %swap3A_62] : memref<2000x128xf32, #tpu.memory_space<vmem>>, vector<2000x128xf32>
    tpu.vector_store %arg12[%swap3A, %swap3A_62], %mul3A {strides = array<i32>} : memref<2000x128xf32, #tpu.memory_space<vmem>>, vector<2000x128xf32>,
    return
  }
  func.func @transform_0(%arg0: i32) -> (i32, i32) {
    %c0_i32 = arith.constant 0 : i32
    %c0_i32_0 = arith.constant 0 : i32
    return %arg0, %c0_i32 : i32, i32
  }
  func.func @transform_1(%arg0: i32) -> (i32, i32) {
    %c0_i32 = arith.constant 0 : i32
    %c0_i32_0 = arith.constant 0 : i32
    return %arg0, %c0_i32 : i32, i32
  }
  func.func @transform_2(%arg0: i32) -> (i32, i32) {
    %c0_i32 = arith.constant 0 : i32
    %c0_i32_0 = arith.constant 0 : i32
    return %arg0, %c0_i32 : i32, i32
  }
  func.func @transform_3(%arg0: i32) -> (i32, i32) {
    %c0_i32 = arith.constant 0 : i32
    %c0_i32_0 = arith.constant 0 : i32
    %c0_i32_1 = arith.constant 0 : i32
    return %c0_i32, %c0_i32_0 : i32, i32
  }
  func.func @transform_4(%arg0: i32) -> (i32, i32) {
    %c0_i32 = arith.constant 0 : i32
    %c0_i32_0 = arith.constant 0 : i32
    %c0_i32_1 = arith.constant 0 : i32
    return %c0_i32, %c0_i32_0 : i32, i32
  }
  func.func @transform_5(%arg0: i32) -> (i32, i32) {
    %c0_i32 = arith.constant 0 : i32
    %c0_i32_0 = arith.constant 0 : i32
    %c0_i32_1 = arith.constant 0 : i32
    return %c0_i32, %c0_i32_0 : i32, i32
  }
  func.func @transform_6(%arg0: i32) -> (i32, i32) {
    %c0_i32 = arith.constant 0 : i32
    %c0_i32_0 = arith.constant 0 : i32
    %c0_i32_1 = arith.constant 0 : i32
    return %c0_i32, %c0_i32_0 : i32, i32
  }
  func.func @transform_7(%arg0: i32) -> (i32, i32) {
    %c0_i32 = arith.constant 0 : i32
    %c0_i32_0 = arith.constant 0 : i32
    %c0_i32_1 = arith.constant 0 : i32
    return %c0_i32, %c0_i32_0 : i32, i32
  }
  func.func @transform_8(%arg0: i32) -> (i32, i32) {
    %c0_i32 = arith.constant 0 : i32
    %c0_i32_0 = arith.constant 0 : i32
    %c0_i32_1 = arith.constant 0 : i32
    return %c0_i32, %c0_i32_0 : i32, i32
  }
  func.func @transform_9(%arg0: i32) -> (i32, i32) {
    %c0_i32 = arith.constant 0 : i32
    %c0_i32_0 = arith.constant 0 : i32
    %c0_i32_1 = arith.constant 0 : i32
    return %c0_i32, %c0_i32_0 : i32, i32
  }
  func.func @transform_10(%arg0: i32) -> (i32, i32) {
    %c0_i32 = arith.constant 0 : i32
    %c0_i32_0 = arith.constant 0 : i32
    %c0_i32_1 = arith.constant 0 : i32
    return %c0_i32, %c0_i32_0 : i32, i32
  }
  func.func @transform_11(%arg0: i32) -> (i32, i32) {
    %c0_i32 = arith.constant 0 : i32
    %c0_i32_0 = arith.constant 0 : i32
    return %arg0, %c0_i32 : i32, i32
  }
}

module attributes {stable_mosaic.version = 14 : i64} {
  func.func @_tc_update_body(%arg0: i32, %arg1: memref<2000x128xf32, #tpu.memory_space<vmem>>, %arg2: memref<2000x128xf32, #tpu.memory_space<vmem>>, %arg3: memref<2000x128xf32, #tpu.memory_space<vmem>>, %arg4: memref<2000x128xf32, #tpu.memory_space<vmem>>) attributes {dimension_semantics = [#tpu.dimension_semantics<arbitrary>], iteration_bounds = array<i64: 5>, scalar_prefetch = 0 : i64, scratch_operands = 0 : i64, tpu.core_type = #tpu.core_type<tc>, window_params = [{transform_indices = @transform_0, window_bounds = array<i64: 2000, 128>}, {transform_indices = @transform_1, window_bounds = array<i64: 2000, 128>}, {transform_indices = @transform_2, window_bounds = array<i64: 2000, 128>}, {transform_indices = @transform_3, window_bounds = array<i64: 2000, 128>}]} {
    %get3A = arith.constant 0 : index
    %get3A_0 = arith.constant 0 : index
    %get3A_1 = vector.load %arg1[%get3A, %get3A_0] : memref<2000x128xf32, #tpu.memory_space<vmem>>, vector<2000x128xf32>
    %get3A_2 = arith.constant 0 : index
    %get3A_3 = arith.constant 0 : index
    %get3A_4 = vector.load %arg2[%get3A_2, %get3A_3] : memref<2000x128xf32, #tpu.memory_space<vmem>>, vector<2000x128xf32>
    %add3A = arith.addf %get3A_1, %get3A_4 : vector<2000x128xf32>
    %get3A_5 = arith.constant 0 : index
    %get3A_6 = arith.constant 0 : index
    %get3A_7 = vector.load %arg3[%get3A_5, %get3A_6] : memref<2000x128xf32, #tpu.memory_space<vmem>>, vector<2000x128xf32>
    %add3A_8 = arith.addf %add3A, %get3A_7 : vector<2000x128xf32>
    %mul3A = arith.constant 0.00999999977 : f32
    %mul3A_9 = vector.broadcast %mul3A : f32 to vector<2000x128xf32>
    %mul3A_10 = arith.mulf %mul3A_9, %add3A_8 : vector<2000x128xf32>
    %max3A = arith.maximumf %add3A_8, %mul3A_10 : vector<2000x128xf32>
    %swap3A = arith.constant 0 : index
    %swap3A_11 = arith.constant 0 : index
    %swap3A_12 = vector.load %arg4[%swap3A, %swap3A_11] : memref<2000x128xf32, #tpu.memory_space<vmem>>, vector<2000x128xf32>
    tpu.vector_store %arg4[%swap3A, %swap3A_11], %max3A {strides = array<i32>} : memref<2000x128xf32, #tpu.memory_space<vmem>>, vector<2000x128xf32>,
    return
  }
  func.func @transform_0(%arg0: i32) -> (i32, i32) {
    %c0_i32 = arith.constant 0 : i32
    %c0_i32_0 = arith.constant 0 : i32
    return %arg0, %c0_i32 : i32, i32
  }
  func.func @transform_1(%arg0: i32) -> (i32, i32) {
    %c0_i32 = arith.constant 0 : i32
    %c0_i32_0 = arith.constant 0 : i32
    return %arg0, %c0_i32 : i32, i32
  }
  func.func @transform_2(%arg0: i32) -> (i32, i32) {
    %c0_i32 = arith.constant 0 : i32
    %c0_i32_0 = arith.constant 0 : i32
    return %arg0, %c0_i32 : i32, i32
  }
  func.func @transform_3(%arg0: i32) -> (i32, i32) {
    %c0_i32 = arith.constant 0 : i32
    %c0_i32_0 = arith.constant 0 : i32
    return %arg0, %c0_i32 : i32, i32
  }
}

module attributes {stable_mosaic.version = 14 : i64} {
  func.func @_tc_head_body(%arg0: i32, %arg1: memref<2000x128xf32, #tpu.memory_space<vmem>>, %arg2: memref<2000x128xf32, #tpu.memory_space<vmem>>, %arg3: memref<2000x128xf32, #tpu.memory_space<vmem>>, %arg4: memref<1x1x2000xi32, #tpu.memory_space<vmem>>, %arg5: memref<128x128xf32, #tpu.memory_space<vmem>>, %arg6: memref<1x128xf32, #tpu.memory_space<vmem>>, %arg7: memref<128x1xf32, #tpu.memory_space<vmem>>, %arg8: memref<1x1xf32, #tpu.memory_space<vmem>>, %arg9: memref<2000x128xf32, #tpu.memory_space<vmem>>, %arg10: memref<64x1xf32, #tpu.memory_space<vmem>>, %arg11: memref<64x128xf32, #tpu.memory_space<vmem>>) attributes {dimension_semantics = [#tpu.dimension_semantics<arbitrary>], iteration_bounds = array<i64: 5>, scalar_prefetch = 0 : i64, scratch_operands = 1 : i64, tpu.core_type = #tpu.core_type<tc>, window_params = [{transform_indices = @transform_0, window_bounds = array<i64: 2000, 128>}, {transform_indices = @transform_1, window_bounds = array<i64: 2000, 128>}, {transform_indices = @transform_2, window_bounds = array<i64: 2000, 128>}, {transform_indices = @transform_3, window_bounds = array<i64: 1, 1, 2000>}, {pipeline_mode = #tpu.pipeline_mode<synchronous>, transform_indices = @transform_4, window_bounds = array<i64: 128, 128>}, {pipeline_mode = #tpu.pipeline_mode<synchronous>, transform_indices = @transform_5, window_bounds = array<i64: 1, 128>}, {pipeline_mode = #tpu.pipeline_mode<synchronous>, transform_indices = @transform_6, window_bounds = array<i64: 128, 1>}, {pipeline_mode = #tpu.pipeline_mode<synchronous>, transform_indices = @transform_7, window_bounds = array<i64: 1, 1>}, {transform_indices = @transform_8, window_bounds = array<i64: 2000, 128>}, {pipeline_mode = #tpu.pipeline_mode<synchronous>, transform_indices = @transform_9, window_bounds = array<i64: 64, 1>}]} {
    %get3A = arith.constant 0 : index
    %get3A_0 = arith.constant 0 : index
    %get3A_1 = vector.load %arg1[%get3A, %get3A_0] : memref<2000x128xf32, #tpu.memory_space<vmem>>, vector<2000x128xf32>
    %get3A_2 = arith.constant 0 : index
    %get3A_3 = arith.constant 0 : index
    %get3A_4 = vector.load %arg2[%get3A_2, %get3A_3] : memref<2000x128xf32, #tpu.memory_space<vmem>>, vector<2000x128xf32>
    %add3A = arith.addf %get3A_1, %get3A_4 : vector<2000x128xf32>
    %get3A_5 = arith.constant 0 : index
    %get3A_6 = arith.constant 0 : index
    %get3A_7 = vector.load %arg3[%get3A_5, %get3A_6] : memref<2000x128xf32, #tpu.memory_space<vmem>>, vector<2000x128xf32>
    %add3A_8 = arith.addf %add3A, %get3A_7 : vector<2000x128xf32>
    %mul3A = arith.constant 0.00999999977 : f32
    %mul3A_9 = vector.broadcast %mul3A : f32 to vector<2000x128xf32>
    %mul3A_10 = arith.mulf %mul3A_9, %add3A_8 : vector<2000x128xf32>
    %max3A = arith.maximumf %add3A_8, %mul3A_10 : vector<2000x128xf32>
    %swap3A = arith.constant 0 : index
    %swap3A_11 = arith.constant 0 : index
    %swap3A_12 = vector.load %arg9[%swap3A, %swap3A_11] : memref<2000x128xf32, #tpu.memory_space<vmem>>, vector<2000x128xf32>
    tpu.vector_store %arg9[%swap3A, %swap3A_11], %max3A {strides = array<i32>} : memref<2000x128xf32, #tpu.memory_space<vmem>>, vector<2000x128xf32>,
    %get3A_13 = arith.constant 0 : index
    %get3A_14 = arith.constant 0 : index
    %get3A_15 = arith.constant 0 : index
    %get3A_16 = vector.load %arg4[%get3A_13, %get3A_14, %get3A_15] : memref<1x1x2000xi32, #tpu.memory_space<vmem>>, vector<1x1x2000xi32>
    %get3A_17 = vector.shape_cast %get3A_16 : vector<1x1x2000xi32> to vector<2000xi32>
    %iota3A = tpu.iota {dimensions = array<i32: 0>} : vector<64x2000xi32>
    %broadcast_in_dim3A = vector.shape_cast %get3A_17 : vector<2000xi32> to vector<1x2000xi32>
    %eq3A = vector.broadcast %broadcast_in_dim3A : vector<1x2000xi32> to vector<64x2000xi32>
    %eq3A_18 = arith.cmpi eq, %iota3A, %eq3A : vector<64x2000xi32>
    %convert_element_type3A = arith.extui %eq3A_18 : vector<64x2000xi1> to vector<64x2000xi32>
    %convert_element_type3A_19 = arith.sitofp %convert_element_type3A : vector<64x2000xi32> to vector<64x2000xf32>
    %dot_general3A = arith.constant dense<0.000000e+00> : vector<64x128xf32>
    %dot_general3A_20 = tpu.matmul %convert_element_type3A_19, %max3A, %dot_general3A {dimension_numbers = #tpu.dot_dimension_numbers<[1], [0], [0], [1], [0, 0, 1, 1], [], []>, transpose_lhs_hint = false} : vector<64x2000xf32>, vector<2000x128xf32>, vector<64x128xf32> -> vector<64x128xf32>
    %eq3A_21 = arith.constant 0 : i32
    %eq3A_22 = arith.cmpi eq, %arg0, %eq3A_21 : i32
    %convert_element_type3A_23 = arith.extui %eq3A_22 : i1 to i32
    %cond3A = arith.constant 0 : i32
    %cond3A_24 = arith.cmpi ne, %convert_element_type3A_23, %cond3A : i32
    scf.if %cond3A_24 {
      %swap3A_34 = arith.constant 0 : index
      %swap3A_35 = arith.constant 0 : index
      %swap3A_36 = vector.load %arg11[%swap3A_34, %swap3A_35] : memref<64x128xf32, #tpu.memory_space<vmem>>, vector<64x128xf32>
      tpu.vector_store %arg11[%swap3A_34, %swap3A_35], %dot_general3A_20 {strides = array<i32>} : memref<64x128xf32, #tpu.memory_space<vmem>>, vector<64x128xf32>,
    } else {
    }
    %gt3A = arith.constant 0 : i32
    %gt3A_25 = arith.cmpi sgt, %arg0, %gt3A : i32
    %convert_element_type3A_26 = arith.extui %gt3A_25 : i1 to i32
    %cond3A_27 = arith.constant 0 : i32
    %cond3A_28 = arith.cmpi ne, %convert_element_type3A_26, %cond3A_27 : i32
    scf.if %cond3A_28 {
      %get3A_34 = arith.constant 0 : index
      %get3A_35 = arith.constant 0 : index
      %get3A_36 = vector.load %arg11[%get3A_34, %get3A_35] : memref<64x128xf32, #tpu.memory_space<vmem>>, vector<64x128xf32>
      %add3A_37 = arith.addf %get3A_36, %dot_general3A_20 : vector<64x128xf32>
      %swap3A_38 = arith.constant 0 : index
      %swap3A_39 = arith.constant 0 : index
      %swap3A_40 = vector.load %arg11[%swap3A_38, %swap3A_39] : memref<64x128xf32, #tpu.memory_space<vmem>>, vector<64x128xf32>
      tpu.vector_store %arg11[%swap3A_38, %swap3A_39], %add3A_37 {strides = array<i32>} : memref<64x128xf32, #tpu.memory_space<vmem>>, vector<64x128xf32>,
    } else {
    }
    %eq3A_29 = arith.constant 4 : i32
    %eq3A_30 = arith.cmpi eq, %arg0, %eq3A_29 : i32
    %convert_element_type3A_31 = arith.extui %eq3A_30 : i1 to i32
    %cond3A_32 = arith.constant 0 : i32
    %cond3A_33 = arith.cmpi ne, %convert_element_type3A_31, %cond3A_32 : i32
    scf.if %cond3A_33 {
      %get3A_34 = arith.constant 0 : index
      %get3A_35 = arith.constant 0 : index
      %get3A_36 = vector.load %arg11[%get3A_34, %get3A_35] : memref<64x128xf32, #tpu.memory_space<vmem>>, vector<64x128xf32>
      %mul3A_37 = arith.mulf %get3A_36, %get3A_36 : vector<64x128xf32>
      %reduce_sum3A = arith.constant dense<0.000000e+00> : vector<64xf32>
      %reduce_sum3A_38 = vector.multi_reduction <add>, %mul3A_37, %reduce_sum3A [1] : vector<64x128xf32> to vector<64xf32>
      %broadcast_in_dim3A_39 = vector.shape_cast %reduce_sum3A_38 : vector<64xf32> to vector<64x1xf32>
      %sqrt3A = math.sqrt %broadcast_in_dim3A_39 : vector<64x1xf32>
      %max3A_40 = arith.constant 9.99999996E-13 : f32
      %max3A_41 = vector.broadcast %max3A_40 : f32 to vector<64x1xf32>
      %max3A_42 = arith.maximumf %sqrt3A, %max3A_41 : vector<64x1xf32>
      %div3A = vector.broadcast %max3A_42 : vector<64x1xf32> to vector<64x128xf32>
      %div3A_43 = arith.divf %get3A_36, %div3A : vector<64x128xf32>
      %get3A_44 = arith.constant 0 : index
      %get3A_45 = arith.constant 0 : index
      %get3A_46 = vector.load %arg5[%get3A_44, %get3A_45] : memref<128x128xf32, #tpu.memory_space<vmem>>, vector<128x128xf32>
      %dot_general3A_47 = arith.constant dense<0.000000e+00> : vector<64x128xf32>
      %dot_general3A_48 = tpu.matmul %div3A_43, %get3A_46, %dot_general3A_47 {dimension_numbers = #tpu.dot_dimension_numbers<[1], [0], [0], [1], [0, 0, 1, 1], [], []>, transpose_lhs_hint = false} : vector<64x128xf32>, vector<128x128xf32>, vector<64x128xf32> -> vector<64x128xf32>
      %get3A_49 = arith.constant 0 : index
      %get3A_50 = arith.constant 0 : index
      %get3A_51 = vector.load %arg6[%get3A_49, %get3A_50] : memref<1x128xf32, #tpu.memory_space<vmem>>, vector<1x128xf32>
      %add3A_52 = vector.broadcast %get3A_51 : vector<1x128xf32> to vector<64x128xf32>
      %add3A_53 = arith.addf %dot_general3A_48, %add3A_52 : vector<64x128xf32>
      %mul3A_54 = arith.constant 0.00999999977 : f32
      %mul3A_55 = vector.broadcast %mul3A_54 : f32 to vector<64x128xf32>
      %mul3A_56 = arith.mulf %mul3A_55, %add3A_53 : vector<64x128xf32>
      %max3A_57 = arith.maximumf %add3A_53, %mul3A_56 : vector<64x128xf32>
      %get3A_58 = arith.constant 0 : index
      %get3A_59 = arith.constant 0 : index
      %get3A_60 = vector.load %arg7[%get3A_58, %get3A_59] : memref<128x1xf32, #tpu.memory_space<vmem>>, vector<128x1xf32>
      %dot_general3A_61 = arith.constant dense<0.000000e+00> : vector<64x1xf32>
      %dot_general3A_62 = tpu.matmul %max3A_57, %get3A_60, %dot_general3A_61 {dimension_numbers = #tpu.dot_dimension_numbers<[1], [0], [0], [1], [0, 0, 1, 1], [], []>, transpose_lhs_hint = false} : vector<64x128xf32>, vector<128x1xf32>, vector<64x1xf32> -> vector<64x1xf32>
      %get3A_63 = arith.constant 0 : index
      %get3A_64 = arith.constant 0 : index
      %get3A_65 = vector.load %arg8[%get3A_63, %get3A_64] : memref<1x1xf32, #tpu.memory_space<vmem>>, vector<1x1xf32>
      %add3A_66 = vector.broadcast %get3A_65 : vector<1x1xf32> to vector<64x1xf32>
      %add3A_67 = arith.addf %dot_general3A_62, %add3A_66 : vector<64x1xf32>
      %swap3A_68 = arith.constant 0 : index
      %swap3A_69 = arith.constant 0 : index
      %swap3A_70 = vector.load %arg10[%swap3A_68, %swap3A_69] : memref<64x1xf32, #tpu.memory_space<vmem>>, vector<64x1xf32>
      tpu.vector_store %arg10[%swap3A_68, %swap3A_69], %add3A_67 {strides = array<i32>} : memref<64x1xf32, #tpu.memory_space<vmem>>, vector<64x1xf32>,
    } else {
    }
    return
  }
  func.func @transform_0(%arg0: i32) -> (i32, i32) {
    %c0_i32 = arith.constant 0 : i32
    %c0_i32_0 = arith.constant 0 : i32
    return %arg0, %c0_i32 : i32, i32
  }
  func.func @transform_1(%arg0: i32) -> (i32, i32) {
    %c0_i32 = arith.constant 0 : i32
    %c0_i32_0 = arith.constant 0 : i32
    return %arg0, %c0_i32 : i32, i32
  }
  func.func @transform_2(%arg0: i32) -> (i32, i32) {
    %c0_i32 = arith.constant 0 : i32
    %c0_i32_0 = arith.constant 0 : i32
    return %arg0, %c0_i32 : i32, i32
  }
  func.func @transform_3(%arg0: i32) -> (i32, i32, i32) {
    %c0_i32 = arith.constant 0 : i32
    %c0_i32_0 = arith.constant 0 : i32
    %c0_i32_1 = arith.constant 0 : i32
    return %arg0, %c0_i32, %c0_i32_0 : i32, i32, i32
  }
  func.func @transform_4(%arg0: i32) -> (i32, i32) {
    %c0_i32 = arith.constant 0 : i32
    %c0_i32_0 = arith.constant 0 : i32
    %c0_i32_1 = arith.constant 0 : i32
    return %c0_i32, %c0_i32_0 : i32, i32
  }
  func.func @transform_5(%arg0: i32) -> (i32, i32) {
    %c0_i32 = arith.constant 0 : i32
    %c0_i32_0 = arith.constant 0 : i32
    %c0_i32_1 = arith.constant 0 : i32
    return %c0_i32, %c0_i32_0 : i32, i32
  }
  func.func @transform_6(%arg0: i32) -> (i32, i32) {
    %c0_i32 = arith.constant 0 : i32
    %c0_i32_0 = arith.constant 0 : i32
    %c0_i32_1 = arith.constant 0 : i32
    return %c0_i32, %c0_i32_0 : i32, i32
  }
  func.func @transform_7(%arg0: i32) -> (i32, i32) {
    %c0_i32 = arith.constant 0 : i32
    %c0_i32_0 = arith.constant 0 : i32
    %c0_i32_1 = arith.constant 0 : i32
    return %c0_i32, %c0_i32_0 : i32, i32
  }
  func.func @transform_8(%arg0: i32) -> (i32, i32) {
    %c0_i32 = arith.constant 0 : i32
    %c0_i32_0 = arith.constant 0 : i32
    return %arg0, %c0_i32 : i32, i32
  }
  func.func @transform_9(%arg0: i32) -> (i32, i32) {
    %c0_i32 = arith.constant 0 : i32
    %c0_i32_0 = arith.constant 0 : i32
    %c0_i32_1 = arith.constant 0 : i32
    return %c0_i32, %c0_i32_0 : i32, i32
  }
}

</mosaic_0001>

<sc_bundles>
// kernel: kernel.11.cloned.1.call-start
scs
__scs_entry_jumppad:
0x0: {  	(pc) =	sbr.rel $0x88, $3  }
0x1: {  	(tag) =	ssettag $0x0;
	lr =	simm.s32 $0x1  }
0x2: {  	[smem:$0x3F8F] =	sst lr;
	_ =	strace $0xD0000000  }
0x3: {  	_ = 	snop  }
0x4: {  	_ = 	snop  }
0x5: {  	_ = 	snop  }
0x6: {  	_ = 	snop  }
0x7: {  	_ = 	snop  }
__scs_overlays_trampoline_lowered:
0x8: {  	[smem:$0x3F9E] =	sst s0  }
0x9: {  	[smem:$0x3F9F] =	sst s1  }
0xa: {  	[smem:$0x3FA0] =	sst s2  }
0xb: {  	[smem:$0x3FA1] =	sst s3  }
0xc: {  	[smem:$0x3FA2] =	sst s4  }
0xd: {  	[smem:$0x3FA3] =	sst s5  }
0xe: {  	[smem:$0x3FA4] =	sst s6  }
0xf: {  	[smem:$0x3FA5] =	sst s7  }
0x10: {  	[smem:$0x3FA6] =	sst s8  }
0x11: {  	[smem:$0x3FA7] =	sst s9;
	s0 =	simm.s32 @!p0 $0x0  }
0x12: {  	s1 =	sld [smem:$0x3F8D];
	s0 =	simm.s32 @p0 $0x1  }
0x13: {  	[smem:$0x3FA8] =	sst s0;
	s0 =	simm.s32 @!p1 $0x0  }
0x14: {  	s2 =	sld [smem:$0x3F8C];
	s0 =	simm.s32 @p1 $0x1  }
0x15: {  	[smem:$0x3FA9] =	sst s0;
	s0 =	simm.s32 @!p2 $0x0  }
0x16: {  	s3 =	sld [smem:$0x3FDB];
	s0 =	simm.s32 @p2 $0x1  }
0x17: {  	s4 =	simm.s32 $0x1BF5;
	[smem:$0x3FAB] =	sst s0  }
0x18: {  	s0 =	sld [smem:$0x3F8E];
	_ =	swait.ge [sflag:s4], $0x0  }
0x19: {  	s7 =	sld [smem:$0x3F8F]  }
0x1a: {  	s8 =	sadd.s32 $0xFFFFE003, lr  }
0x1b: {  	s9 =	sadd.s32 $0xFFFFFEF7, lr;
	s5 =	simm.s32 $0xFFFFFFFF;
	p2 =	slt.u32 s8, $0xFFFFF086  }
0x1c: {  	p1 =	slt.u32 s9, $0xF7A;
	s5 =	simm.s32 @!p2 $0x0  }
0x1d: {  	s5 =	simm.s32 @p1 $0x1;
	p0 =	seq.s32 s7, s2  }
0x1e: {  	s7 =	smul.u32 @!p0 $0xF7A, s2;
	p2 =	seq.s32 @!p0 s5, $0x0  }
0x1f: {  	s9 =	smul.u32 $0xF7A, s1;
	s8 =	simm.s32 @!p0 $0x1BF5;
	p2 =	por !p2, p0  }
0x20: {  	[sflag:s8] =	ssyncset.s32 @!p0 $0xFFFFF086;
	s6 =	sadd.s32 @!p0 s3, s7;
	s7 =	simm.s32 @!p0 $0x108  }
0x21: {  	s3 =	sadd.s32 s3, s9;
	s6 =	sadd.s32 @!p0 $0x88, s6;
	s7 =	simm.s32 @p2 $0x1082  }
0x22: {  	[simem:s7], [sflag:s8] =	dma.local @!p0 [hbm:s6], $0xF7A  }
0x23: {  	s9 =	sor.u32 $0xD0000000, s2;
	s6 =	simm.s32 $0x108;
	_ =	swait.ge @!p0 [sflag:s8], $0x0  }
0x24: {  	s3 =	sadd.s32 $0x88, s3;
	s6 =	simm.s32 @!p1 $0x1082;
	[sflag:s4] =	ssyncset.s32 $0xFFFFF086  }
0x25: {  	[simem:s6], [sflag:s4] =	dma.local [hbm:s3], $0xF7A  }
0x26: {  	[smem:$0x3F8F] =	sst s1;
	(tag) =	ssettag s2;
	_ =	strace s9  }
0x27: {  	s1 =	sld [smem:$0x3F9F]  }
0x28: {  	s2 =	sld [smem:$0x3FA0]  }
0x29: {  	s4 =	sld [smem:$0x3FA2]  }
0x2a: {  	p0 =	seq.s32 s5, $0x0;
	s5 =	sld [smem:$0x3FA3]  }
0x2b: {  	s6 =	sld [smem:$0x3FA4]  }
0x2c: {  	s7 =	sld [smem:$0x3FA5]  }
0x2d: {  	s3 =	simm.s32 $0x108;
	s8 =	sld [smem:$0x3FA6]  }
0x2e: {  	s3 =	simm.s32 @!p0 $0x1082;
	s9 =	sld [smem:$0x3FA7]  }
0x2f: {  	lr =	sadd.s32 s0, s3;
	s0 =	sld [smem:$0x3F9E]  }
0x30: {  	s3 =	sld [smem:$0x3FA1]  }
0x31: {  	[smem:$0x3FAA] =	sst s10  }
0x32: {  	s10 =	sld [smem:$0x3FA8];
	_ =	sdelay $0x3  }
0x33: {  	p0 =	seq.s32 s10, $0x1;
	s10 =	sld [smem:$0x3FAA];
	_ =	sdelay $0x3  }
0x34: {  	[smem:$0x3FAA] =	sst s10  }
0x35: {  	s10 =	sld [smem:$0x3FA9];
	_ =	sdelay $0x3  }
0x36: {  	p1 =	seq.s32 s10, $0x1;
	s10 =	sld [smem:$0x3FAA];
	_ =	sdelay $0x3  }
0x37: {  	[smem:$0x3FAA] =	sst s10  }
0x38: {  	s10 =	sld [smem:$0x3FAB]  }
0x39: {  	_ = 	snop;
	(pc) =	sbr.ind lr, $3  }
0x3a: {  	_ = 	snop  }
0x3b: {  	_ = 	snop  }
0x3c: {  	p2 =	seq.s32 s10, $0x1;
	s10 =	sld [smem:$0x3FAA]  }
0x3d: {  	_ =	shalt  }
0x3e: {  	_ =	shalt  }
0x3f: {  	_ =	shalt  }
0x40: {  	_ =	shalt  }
0x41: {  	_ =	shalt  }
0x42: {  	_ =	shalt  }
0x43: {  	_ =	shalt  }
0x44: {  	_ =	shalt  }
0x45: {  	_ =	shalt  }
0x46: {  	_ =	shalt  }
0x47: {  	_ =	shalt  }
0x48: {  	_ =	shalt  }
0x49: {  	_ =	shalt  }
0x4a: {  	_ =	shalt  }
0x4b: {  	_ =	shalt  }
0x4c: {  	_ =	shalt  }
0x4d: {  	_ =	shalt  }
0x4e: {  	_ =	shalt  }
0x4f: {  	_ =	shalt  }
0x50: {  	_ =	shalt  }
0x51: {  	_ =	shalt  }
0x52: {  	_ =	shalt  }
0x53: {  	_ =	shalt  }
0x54: {  	_ =	shalt  }
0x55: {  	_ =	shalt  }
0x56: {  	_ =	shalt  }
0x57: {  	_ =	shalt  }
0x58: {  	_ =	shalt  }
0x59: {  	_ =	shalt  }
0x5a: {  	_ =	shalt  }
0x5b: {  	_ =	shalt  }
0x5c: {  	_ =	shalt  }
0x5d: {  	_ =	shalt  }
0x5e: {  	_ =	shalt  }
0x5f: {  	_ =	shalt  }
0x60: {  	_ =	shalt  }
0x61: {  	_ =	shalt  }
0x62: {  	_ =	shalt  }
0x63: {  	_ =	shalt  }
0x64: {  	_ =	shalt  }
0x65: {  	_ =	shalt  }
0x66: {  	_ =	shalt  }
0x67: {  	_ =	shalt  }
0x68: {  	_ =	shalt  }
0x69: {  	_ =	shalt  }
0x6a: {  	_ =	shalt  }
0x6b: {  	_ =	shalt  }
0x6c: {  	_ =	shalt  }
0x6d: {  	_ =	shalt  }
0x6e: {  	_ =	shalt  }
0x6f: {  	_ =	shalt  }
0x70: {  	_ =	shalt  }
0x71: {  	_ =	shalt  }
0x72: {  	_ =	shalt  }
0x73: {  	_ =	shalt  }
0x74: {  	_ =	shalt  }
0x75: {  	_ =	shalt  }
0x76: {  	_ =	shalt  }
0x77: {  	_ =	shalt  }
0x78: {  	_ =	shalt  }
0x79: {  	_ =	shalt  }
0x7a: {  	_ =	shalt  }
0x7b: {  	_ =	shalt  }
0x7c: {  	_ =	shalt  }
0x7d: {  	_ =	shalt  }
0x7e: {  	_ =	shalt  }
0x7f: {  	_ =	shalt  }
0x80: {  	_ =	shalt  }
0x81: {  	_ =	shalt  }
0x82: {  	_ =	shalt  }
0x83: {  	_ =	shalt  }
0x84: {  	_ =	shalt  }
0x85: {  	_ =	shalt  }
0x86: {  	_ =	shalt  }
0x87: {  	_ =	shalt  }
.Lfunc_end0:
.L_simem_size_0:
called_computation_lowered:
.L_overlay_start_0:
0x88: {  	s2 =	sld [smem:$0x3FD9]  }
0x89: {  	s3 =	sld [smem:$0x3FFE];
	_ =	sdelay $0x1  }
0x8a: {  	s1 =	srdreg.scid  }
0x8b: {  	s0 =	sand.u32 $0x1, s1  }
0x8c: {  	s14 =	sshll.u32 s0, $0xA;
	s2 =	sadd.s32 s3, s2  }
0x8d: {  	s2 =	sadd.s32 s2, s14  }
0x8e: {  	[smem:$0x3FB6] =	sst s2  }
0x8f: {  	_ = 	snop  }
0x90: {  	s2 =	sld [smem:$0x3FD0];
	_ =	sdelay $0x2  }
0x91: {  	s15 =	simm.s32 $0xA;
	s4 =	simm.s32 $0x10  }
0x92: {  	[smem:s4], [sflag:s15] =	dma.local [hbm:s2], $0x1  }
0x93: {  	_ =	swait.eq [sflag:s15], $0x1  }
0x94: {  	[sflag:s15] =	ssyncset.done $0x0  }
0x95: {  	[sflag:s15] =	ssyncadd.s32 $0xFFFFFFFF  }
0x96: {  	s16 =	sld [smem:$0x11];
	(tm) =	ssettm $0x1  }
0x97: {  	s17 =	sld [smem:$0x3FFB];
	_ =	sdelay $0x3  }
0x98: {  	_ =	strace s17  }
0x99: {  	s3 =	sld [smem:$0x3FFC];
	_ =	sdelay $0x3  }
0x9a: {  	_ =	strace s3  }
0x9b: {  	s3 =	sld [smem:$0x3FFD];
	_ =	sdelay $0x3  }
0x9c: {  	_ =	strace s3  }
0x9d: {  	_ =	strace $0x8FFFFFFF  }
0x9e: {  	s18 =	sld [smem:$0x3FDB];
	_ =	sdelay $0x1  }
0x9f: {  	s19 =	simm.s32 $_scs_section_size  }
0xa0: {  	s5 =	simm.s32 $_size__tile_overlayer_lowered;
	s6 =	simm.s32 $_tile_overlayer_lowered  }
0xa1: {  	s22 =	simm.s32 $0x1BFF;
	s21 =	sshll.u32 s6, $0x1;
	s3 =	sadd.s32 s19, s18  }
0xa2: {  	s7 =	simm.s32 $0x0;
	s20 =	sshll.u32 s5, $0x1;
	s5 =	sadd.s32 s21, s3  }
0xa3: {  	[timem:s7], [sflag:s22] =	dma.local [hbm:s5], s20  }
0xa4: {  	_ =	swait.ge [sflag:s22], s20  }
0xa5: {  	s4 =	ssub.s32 $0x0, s20;
	[sflag:s22] =	ssyncset.done $0x0  }
0xa6: {  	[sflag:s22] =	ssyncadd.s32 s4;
	_ =	sdelay $0x1  }
0xa7: {  	s23 =	simm.s32 $0x1B8B  }
0xa8: {  	_ =	swait.ge [sflag:s23], $0x1  }
0xa9: {  	[sflag:s23] =	ssyncset.done $0x0  }
0xaa: {  	s25 =	simm.s32 $0x1B8E;
	s24 =	sld [smem:$0x3FFE];
	[sflag:s23] =	ssyncadd.s32 $0xFFFFFFFF  }
0xab: {  	s26 =	simm.s32 $execute0_lowered;
	[smem:$0x3FD2] =	sst s25  }
0xac: {  	s5 =	sshll.u32 s26, $0x1;
	_ =	strace $0x80000046;
	[dreg:$0x1] =	wrdreg $0xFFFFFFFF  }
0xad: {  	s28 =	simm.s32 $_size_execute0_lowered;
	s3 =	sadd.s32 s3, s5;
	[dreg:$0x0] =	wrdreg $0x0  }
0xae: {  	s5 =	sshll.u32 s28, $0x1;
	[dreg:$0x2] =	wrdreg s3  }
0xaf: {  	[dreg:$0x3] =	wrdreg s5  }
0xb0: {  	[dreg:$0x4] =	wrdreg $0xC0  }
0xb1: {  	_ =	task [dreg:s7], $0x5FFFF  }
0xb2: {  	[dreg:$0x1] =	wrdreg $0xFFFFFFFF  }
0xb3: {  	[dreg:$0x0] =	wrdreg $0x60  }
0xb4: {  	[dreg:$0x2] =	wrdreg s16  }
0xb5: {  	[dreg:$0x3] =	wrdreg s24  }
0xb6: {  	[dreg:$0x4] =	wrdreg $0x9  }
0xb7: {  	_ =	task.clear_ibuf [dreg:s7], $0x5FFFF;
	_ =	strace $0x90000046  }
0xb8: {  	s29 =	simm.s32 $0x9;
	_ =	strace $0x80000048  }
0xb9: {  	_ =	swait.ge [sflag:s29], $0x1  }
0xba: {  	[sflag:s29] =	ssyncadd.s32 $0xFFFFFFFF  }
0xbb: {  	_ =	strace $0x90000048  }
0xbc: {  	_ =	sfence  }
0xbd: {  	s30 =	sld [smem:$0x0];
	_ =	sdelay $0x2  }
0xbe: {  	s31 =	sshll.u32 s1, $0xD;
	s1 =	sshrl.u32 s1, $0x2  }
0xbf: {  	s3 =	sand.u32 $0x4000, s31;
	s1 =	sadd.s32 s1, s30  }
0xc0: {  	s0 =	sor.u32 s3, s0;
	s1 =	sshll.u32 s1, $0x11  }
0xc1: {  	s0 =	sor.u32 s1, s0  }
0xc2: {  	s0 =	sadd.s32 $0x8F2B, s0  }
0xc3: {  	[sflag:s0] =	ssyncadd.remote.s32 $0x1  }
0xc4: {  	_ =	sfence.sel $0xFFFF  }
0xc5: {  	[dreg:$0x0] =	wrdreg $0xFFFFFFFF;
	(pc) =	sbr.abs _section_cstart, $3  }
0xc6: {  	[dreg:$0x1] =	wrdreg $0xFFFFFFFF  }
0xc7: {  	_ =	task.clear_ibuf [dreg:s7], $0x2FFFF;
	_ =	strace $0x9FFFFFFF  }
0xc8: {  	(tm) =	ssettm $0x7FFFFFFF  }
0xc9: {  	_ =	shalt  }
tec
execute0_lowered:
.L_overlay_start_1:
0x0: {  	(tag) =	ssettag $0x1  }
0x1: {  	s2 =	rddreg [dreg:$0x0]  }
0x2: {  	s0 =	rddreg [dreg:$0x1]  }
0x3: {  	s1 =	srdreg.scid;
	s11 =	stileid.u32  }
0x4: {  	s3 =	simm.s32 $0x0;
	s15 =	simm.s32 $0x5;
	s16 =	simm.s32 $0x4000  }
0x5: {  	s17 =	simm.s32 $0x50;
	s18 =	simm.s32 $0x8000;
	s19 =	simm.s32 $0xD000  }
0x6: {  	s21 =	simm.s32 $0xA800;
	s23 =	simm.s32 $0xF800;
	s24 =	simm.s32 $0x1  }
0x7: {  	s25 =	simm.s32 $0x2;
	s26 =	simm.s32 $0x3;
	s28 =	simm.s32 $0x4  }
0x8: {  	s31 =	simm.s32 $0x0;
	s1 =	sand.u32 $0x1, s1;
	s4 =	sshll.u32 s11, $0x1  }
0x9: {  	[smem:$0x7FF] =	sst s3;
	s14 =	smul.u32 $0x4E200, s11;
	s6 =	sor.u32 s1, s4  }
0xa: {  	_ =	strace $0x80000047;
	s30 =	ssub.s32 $0x2, s1;
	s1 =	smul.u32 $0x27100, s1  }
0xb: {  	s13 =	sadd.s32 $0x26000, s0;
	s4 =	sshll.u32 s6, $0xB;
	s7 =	smul.u32 $0x138800, s6  }
0xc: {  	s8 =	sshrl.u32 s30, $0x1;
	s10 =	smul.u32 $0x27100, s6;
	s5 =	sadd.s32 s4, s0  }
0xd: {  	s0 =	sadd.s32 $0x508000, s0;
	s8 =	ssub.s32 s30, s8;
	s4 =	sadd.s32 $0x6000, s5  }
0xe: {  	s7 =	sshrl.u32 s7, $0x3;
	s5 =	sadd.s32 $0x16000, s5;
	s9 =	sadd.s32 s13, s10  }
0xf: {  	s12 =	sadd.s32 $0x500, s10;
	s10 =	sadd.s32 s0, s10;
	s7 =	sadd.s32 $0x26C00, s7  }
0x10: {  	s11 =	sadd.s32 s13, s12;
	s12 =	sadd.s32 s0, s12;
	s6 =	sadd.s32 s13, s7  }
0x11: {  	s7 =	sadd.s32 s0, s7;
	s13 =	sadd.s32 s14, s13;
	s0 =	sadd.s32 s14, s0  }
0x12: {  	s8 =	smax.u32 s8, $0x1;
	s13 =	sadd.s32 s1, s13;
	s14 =	sadd.s32 s1, s0  }
.LBB2_1:
0x13: {  	[tilespmem:s3], [sflag:$0x5] =	stream.linear.gather [hbm4b:s4+s3], $0x3E80, $0x38;
	[tilespmem:$0x12000] =	vst v63  }
0x14: {  	_ =	swait.ge [sflag:s15], $0x3E80  }
0x15: {  	[sflag:s15] =	ssyncset.done $0x0  }
0x16: {  	[sflag:s15] =	ssyncadd.s32 $0xFFFFC180  }
0x17: {  	[tilespmem:s16], [sflag:$0x5] =	stream.linear.gather [hbm4b:s5+s3], $0x3E80, $0x38;
	[tilespmem:$0x12000] =	vst v63  }
0x18: {  	_ =	swait.ge [sflag:s15], $0x3E80  }
0x19: {  	[sflag:s15] =	ssyncset.done $0x0  }
0x1a: {  	[sflag:s15] =	ssyncadd.s32 $0xFFFFC180  }
0x1b: {  	[tilespmem:s18], [sflag:$0x1] =	stream.indirect.gather [hbm4b:s2+s17], $0x80, s3, s17, $0xb8;
	[tilespmem:$0x12000] =	vst v63  }
0x1c: {  	_ = 	snop  }
0x1d: {  	[tilespmem:s19], [sflag:$0x1] =	stream.indirect.gather [hbm4b:s2+s17], $0x80, s16, s17, $0xb8;
	[tilespmem:$0x12000] =	vst v63  }
0x1e: {  	s0 =	simm.s32 $0x80  }
0x1f: {  	[tilespmem:s21], [sflag:$0x2] =	stream.indirect.gather [hbm4b:s2+s17], $0x80, s0, s17, $0xb8;
	[tilespmem:$0x12000] =	vst v63  }
0x20: {  	s29 =	simm.s32 $0x4080  }
0x21: {  	[tilespmem:s23], [sflag:$0x2] =	stream.indirect.gather [hbm4b:s2+s17], $0x80, s29, s17, $0xb8;
	[tilespmem:$0x12000] =	vst v63  }
0x22: {  	_ =	swait.ge [sflag:s24], $0x2800  }
0x23: {  	[sflag:s24] =	ssyncset.done $0x0  }
0x24: {  	[sflag:s24] =	ssyncadd.s32 $0xFFFFD800  }
0x25: {  	_ =	swait.ge [sflag:s24], $0x2800  }
0x26: {  	[sflag:s24] =	ssyncset.done $0x0  }
0x27: {  	[sflag:s24] =	ssyncadd.s32 $0xFFFFD800  }
0x28: {  	[hbm4b:s9+s3] =	stream.linear.scatter [tilespmem:s18], [sflag:$0x3], $0x2800, $0x38;
	[tilespmem:$0x12000] =	vst v63  }
0x29: {  	_ = 	snop  }
0x2a: {  	[hbm4b:s10+s3] =	stream.linear.scatter [tilespmem:s19], [sflag:$0x3], $0x2800, $0x38;
	[tilespmem:$0x12000] =	vst v63  }
0x2b: {  	_ =	swait.ge [sflag:s25], $0x2800  }
0x2c: {  	[sflag:s25] =	ssyncset.done $0x0  }
0x2d: {  	[sflag:s25] =	ssyncadd.s32 $0xFFFFD800  }
0x2e: {  	_ =	swait.ge [sflag:s25], $0x2800  }
0x2f: {  	[sflag:s25] =	ssyncset.done $0x0  }
0x30: {  	[sflag:s25] =	ssyncadd.s32 $0xFFFFD800  }
0x31: {  	[hbm4b:s11+s3] =	stream.linear.scatter [tilespmem:s21], [sflag:$0x4], $0x2800, $0x38;
	[tilespmem:$0x12000] =	vst v63  }
0x32: {  	_ = 	snop  }
0x33: {  	[hbm4b:s12+s3] =	stream.linear.scatter [tilespmem:s23], [sflag:$0x4], $0x2800, $0x38;
	[tilespmem:$0x12000] =	vst v63  }
0x34: {  	_ =	swait.ge [sflag:s26], $0x2800  }
0x35: {  	[sflag:s26] =	ssyncset.done $0x0  }
0x36: {  	[sflag:s26] =	ssyncadd.s32 $0xFFFFD800  }
0x37: {  	_ =	swait.ge [sflag:s26], $0x2800  }
0x38: {  	[sflag:s26] =	ssyncset.done $0x0  }
0x39: {  	[sflag:s26] =	ssyncadd.s32 $0xFFFFD800  }
0x3a: {  	_ =	swait.ge [sflag:s28], $0x2800  }
0x3b: {  	[sflag:s28] =	ssyncset.done $0x0  }
0x3c: {  	[sflag:s28] =	ssyncadd.s32 $0xFFFFD800  }
0x3d: {  	_ =	swait.ge [sflag:s28], $0x2800  }
0x3e: {  	[sflag:s28] =	ssyncset.done $0x0  }
0x3f: {  	s30 =	simm.s32 $0x100;
	[sflag:s28] =	ssyncadd.s32 $0xFFFFD800  }
0x40: {  	[tilespmem:s18], [sflag:$0x1] =	stream.indirect.gather [hbm4b:s2+s17], $0x80, s30, s17, $0xb8;
	[tilespmem:$0x12000] =	vst v63  }
0x41: {  	s1 =	simm.s32 $0x4100  }
0x42: {  	[tilespmem:s19], [sflag:$0x1] =	stream.indirect.gather [hbm4b:s2+s17], $0x80, s1, s17, $0xb8;
	[tilespmem:$0x12000] =	vst v63  }
0x43: {  	s20 =	simm.s32 $0x180  }
0x44: {  	[tilespmem:s21], [sflag:$0x2] =	stream.indirect.gather [hbm4b:s2+s17], $0x80, s20, s17, $0xb8;
	[tilespmem:$0x12000] =	vst v63  }
0x45: {  	s22 =	simm.s32 $0x4180  }
0x46: {  	[tilespmem:s23], [sflag:$0x2] =	stream.indirect.gather [hbm4b:s2+s17], $0x80, s22, s17, $0xb8;
	[tilespmem:$0x12000] =	vst v63  }
0x47: {  	_ =	swait.ge [sflag:s24], $0x2800  }
0x48: {  	[sflag:s24] =	ssyncset.done $0x0  }
0x49: {  	[sflag:s24] =	ssyncadd.s32 $0xFFFFD800  }
0x4a: {  	_ =	swait.ge [sflag:s24], $0x2800  }
0x4b: {  	s29 =	sadd.s32 $0x0, s13;
	[sflag:s24] =	ssyncset.done $0x0  }
0x4c: {  	s1 =	sadd.s32 $0xA00, s29;
	s20 =	sadd.s32 $0x0, s14;
	[sflag:s24] =	ssyncadd.s32 $0xFFFFD800  }
0x4d: {  	[hbm4b:s1+s3] =	stream.linear.scatter [tilespmem:s18], [sflag:$0x3], $0x2800, $0x38;
	[tilespmem:$0x12000] =	vst v63  }
0x4e: {  	s30 =	sadd.s32 $0xA00, s20  }
0x4f: {  	[hbm4b:s30+s3] =	stream.linear.scatter [tilespmem:s19], [sflag:$0x3], $0x2800, $0x38;
	[tilespmem:$0x12000] =	vst v63  }
0x50: {  	_ =	swait.ge [sflag:s25], $0x2800  }
0x51: {  	[sflag:s25] =	ssyncset.done $0x0  }
0x52: {  	[sflag:s25] =	ssyncadd.s32 $0xFFFFD800  }
0x53: {  	_ =	swait.ge [sflag:s25], $0x2800  }
0x54: {  	[sflag:s25] =	ssyncset.done $0x0  }
0x55: {  	s0 =	sadd.s32 $0xF00, s29;
	s22 =	sadd.s32 $0xF00, s20;
	[sflag:s25] =	ssyncadd.s32 $0xFFFFD800  }
0x56: {  	[hbm4b:s0+s3] =	stream.linear.scatter [tilespmem:s21], [sflag:$0x4], $0x2800, $0x38;
	[tilespmem:$0x12000] =	vst v63  }
0x57: {  	s20 =	simm.s32 $0x200;
	s1 =	simm.s32 $0x4200;
	s0 =	simm.s32 $0xA00  }
.LBB2_2:
0x58: {  	[hbm4b:s22+s3] =	stream.linear.scatter [tilespmem:s23], [sflag:$0x4], $0x2800, $0x38;
	[tilespmem:$0x12000] =	vst v63  }
0x59: {  	s22 =	smov.u32 s0  }
0x5a: {  	p0 =	sne.s32 s0, $0x25800;
	s0 =	sadd.s32 $0xA00, s0;
	_ =	swait.ge [sflag:s26], $0x2800  }
0x5b: {  	[sflag:s26] =	ssyncset.done $0x0  }
0x5c: {  	[sflag:s26] =	ssyncadd.s32 $0xFFFFD800  }
0x5d: {  	_ =	swait.ge [sflag:s26], $0x2800  }
0x5e: {  	[sflag:s26] =	ssyncset.done $0x0  }
0x5f: {  	[sflag:s26] =	ssyncadd.s32 $0xFFFFD800  }
0x60: {  	_ =	swait.ge [sflag:s28], $0x2800  }
0x61: {  	[sflag:s28] =	ssyncset.done $0x0  }
0x62: {  	[sflag:s28] =	ssyncadd.s32 $0xFFFFD800  }
0x63: {  	_ =	swait.ge [sflag:s28], $0x2800  }
0x64: {  	[sflag:s28] =	ssyncset.done $0x0  }
0x65: {  	[sflag:s28] =	ssyncadd.s32 $0xFFFFD800  }
0x66: {  	[tilespmem:s18], [sflag:$0x1] =	stream.indirect.gather [hbm4b:s2+s17], $0x80, s20, s17, $0xb8;
	[tilespmem:$0x12000] =	vst v63  }
0x67: {  	_ = 	snop  }
0x68: {  	[tilespmem:s19], [sflag:$0x1] =	stream.indirect.gather [hbm4b:s2+s17], $0x80, s1, s17, $0xb8;
	[tilespmem:$0x12000] =	vst v63  }
0x69: {  	s29 =	sadd.s32 $0x80, s20  }
0x6a: {  	[tilespmem:s21], [sflag:$0x2] =	stream.indirect.gather [hbm4b:s2+s17], $0x80, s29, s17, $0xb8;
	[tilespmem:$0x12000] =	vst v63  }
0x6b: {  	s29 =	sadd.s32 $0x80, s1  }
0x6c: {  	[tilespmem:s23], [sflag:$0x2] =	stream.indirect.gather [hbm4b:s2+s17], $0x80, s29, s17, $0xb8;
	[tilespmem:$0x12000] =	vst v63  }
0x6d: {  	_ =	swait.ge [sflag:s24], $0x2800  }
0x6e: {  	[sflag:s24] =	ssyncset.done $0x0  }
0x6f: {  	[sflag:s24] =	ssyncadd.s32 $0xFFFFD800  }
0x70: {  	_ =	swait.ge [sflag:s24], $0x2800  }
0x71: {  	s29 =	sadd.s32 s22, s13;
	[sflag:s24] =	ssyncset.done $0x0  }
0x72: {  	s22 =	sadd.s32 s22, s14;
	s30 =	sadd.s32 $0xA00, s29;
	[sflag:s24] =	ssyncadd.s32 $0xFFFFD800  }
0x73: {  	[hbm4b:s30+s3] =	stream.linear.scatter [tilespmem:s18], [sflag:$0x3], $0x2800, $0x38;
	[tilespmem:$0x12000] =	vst v63  }
0x74: {  	s30 =	sadd.s32 $0xA00, s22  }
0x75: {  	[hbm4b:s30+s3] =	stream.linear.scatter [tilespmem:s19], [sflag:$0x3], $0x2800, $0x38;
	[tilespmem:$0x12000] =	vst v63  }
0x76: {  	_ =	swait.ge [sflag:s25], $0x2800  }
0x77: {  	[sflag:s25] =	ssyncset.done $0x0  }
0x78: {  	[sflag:s25] =	ssyncadd.s32 $0xFFFFD800  }
.Ltmp0:
0x79: {  	_ =	swait.ge [sflag:s25], $0x2800;
	(pc) =	sbr.rel @p0 .LBB2_2-.Ltmp0, $4  }
0x7a: {  	[sflag:s25] =	ssyncset.done $0x0  }
0x7b: {  	s29 =	sadd.s32 $0xF00, s29;
	[sflag:s25] =	ssyncadd.s32 $0xFFFFD800  }
0x7c: {  	[hbm4b:s29+s3] =	stream.linear.scatter [tilespmem:s21], [sflag:$0x4], $0x2800, $0x38;
	[tilespmem:$0x12000] =	vst v63  }
0x7d: {  	s20 =	sadd.s32 $0x100, s20;
	s1 =	sadd.s32 $0x100, s1;
	s22 =	sadd.s32 $0xF00, s22  }
0x7e: {  	[hbm4b:s22+s3] =	stream.linear.scatter [tilespmem:s23], [sflag:$0x4], $0x2800, $0x38;
	[tilespmem:$0x12000] =	vst v63  }
0x7f: {  	_ =	swait.ge [sflag:s26], $0x2800  }
0x80: {  	[sflag:s26] =	ssyncset.done $0x0  }
0x81: {  	[sflag:s26] =	ssyncadd.s32 $0xFFFFD800  }
0x82: {  	_ =	swait.ge [sflag:s26], $0x2800  }
0x83: {  	[sflag:s26] =	ssyncset.done $0x0  }
0x84: {  	s0 =	simm.s32 $0x3E00;
	[sflag:s26] =	ssyncadd.s32 $0xFFFFD800  }
0x85: {  	[tilespmem:s18], [sflag:$0x1] =	stream.indirect.gather [hbm4b:s2+s17], $0x80, s0, s17, $0xb8;
	[tilespmem:$0x12000] =	vst v63  }
0x86: {  	s30 =	simm.s32 $0x7E00  }
0x87: {  	[tilespmem:s19], [sflag:$0x1] =	stream.indirect.gather [hbm4b:s2+s17], $0x80, s30, s17, $0xb8;
	[tilespmem:$0x12000] =	vst v63  }
0x88: {  	_ =	swait.ge [sflag:s24], $0x2800  }
0x89: {  	[sflag:s24] =	ssyncset.done $0x0  }
0x8a: {  	[sflag:s24] =	ssyncadd.s32 $0xFFFFD800  }
0x8b: {  	_ =	swait.ge [sflag:s24], $0x2800  }
0x8c: {  	[sflag:s24] =	ssyncset.done $0x0  }
0x8d: {  	[sflag:s24] =	ssyncadd.s32 $0xFFFFD800  }
0x8e: {  	[hbm4b:s6+s3] =	stream.linear.scatter [tilespmem:s18], [sflag:$0x3], $0x2800, $0x38;
	[tilespmem:$0x12000] =	vst v63  }
0x8f: {  	_ = 	snop  }
0x90: {  	[hbm4b:s7+s3] =	stream.linear.scatter [tilespmem:s19], [sflag:$0x3], $0x2800, $0x38;
	[tilespmem:$0x12000] =	vst v63  }
0x91: {  	_ =	swait.ge [sflag:s28], $0x2800  }
0x92: {  	[sflag:s28] =	ssyncset.done $0x0  }
0x93: {  	[sflag:s28] =	ssyncadd.s32 $0xFFFFD800  }
0x94: {  	_ =	swait.ge [sflag:s28], $0x2800  }
0x95: {  	[sflag:s28] =	ssyncset.done $0x0  }
0x96: {  	s31 =	sadd.s32 $0x1, s31;
	[sflag:s28] =	ssyncadd.s32 $0xFFFFD800  }
0x97: {  	p0 =	sne.s32 s31, s8;
	_ =	swait.ge [sflag:s26], $0x2800  }
.Ltmp1:
0x98: {  	[sflag:s26] =	ssyncset.done $0x0;
	(pc) =	sbr.rel @p0 .LBB2_1-.Ltmp1, $4  }
0x99: {  	[sflag:s26] =	ssyncadd.s32 $0xFFFFD800  }
0x9a: {  	_ =	swait.ge [sflag:s26], $0x2800  }
0x9b: {  	[sflag:s26] =	ssyncset.done $0x0  }
0x9c: {  	[sflag:s26] =	ssyncadd.s32 $0xFFFFD800  }
0x9d: {  	_ =	sfence.sel $0x180000  }
0x9e: {  	[bflag:$0x0] =	sbarrier.arrive $0xFFFF  }
0x9f: {  	_ =	strace $0x90000047  }
0xa0: {  	s0 =	stileid.u32;
	[bflag:$0x2] =	sbarrier.arrive $0xFFFF  }
0xa1: {  	p0 =	sne.s32 s0, $0x0;
	s0 =	rddreg [dreg:$0x2]  }
0xa2: {  	s0 =	sadd.s32 @!p0 $0x100000, s0  }
0xa3: {  	[sflag:s0] =	ssyncadd.tile.s32 @!p0 $0x1;
	_ =	shalt  }
.Lfunc_end2:
_tile_overlayer_lowered:
.L_overlay_start_2:
0xa4: {  	(tag) =	ssettag $0x2  }
0xa5: {  	s0 =	rddreg [dreg:$0x0];
	s2 =	stileid.u32  }
0xa6: {  	s1 =	rddreg [dreg:$0x1];
	p0 =	sne.s32 s2, $0x0  }
0xa7: {  	s3 =	rddreg [dreg:$0x2];
	[bflag:$0x3] =	sbarrier.arrive $0xFFFF;
	s2 =	simm.s32 @!p0 $0x1C05  }
0xa8: {  	[timem:s3], [sflag:s2] =	dma.local @!p0 [hbm:s0], s1  }
0xa9: {  	s0 =	simm.s32 @!p0 $0x5  }
0xaa: {  	_ =	swait.ge @!p0 [sflag:s0], s1  }
0xab: {  	s1 =	ssub.s32 @!p0 $0x0, s1;
	[sflag:s0] =	ssyncset.done @!p0 $0x0  }
0xac: {  	[sflag:s0] =	ssyncadd.s32 @!p0 s1  }
0xad: {  	[bflag:$0x3] =	sbarrier.arrive $0xFFFF  }
0xae: {  	_ =	shalt  }

// kernel: kernel.14.cloned.1.call-start
scs
__scs_entry_jumppad:
0x0: {  	(pc) =	sbr.rel $0x88, $3  }
0x1: {  	(tag) =	ssettag $0x0;
	lr =	simm.s32 $0x1  }
0x2: {  	[smem:$0x3F8F] =	sst lr;
	_ =	strace $0xD0000000  }
0x3: {  	_ = 	snop  }
0x4: {  	_ = 	snop  }
0x5: {  	_ = 	snop  }
0x6: {  	_ = 	snop  }
0x7: {  	_ = 	snop  }
__scs_overlays_trampoline_lowered:
0x8: {  	[smem:$0x3F9E] =	sst s0  }
0x9: {  	[smem:$0x3F9F] =	sst s1  }
0xa: {  	[smem:$0x3FA0] =	sst s2  }
0xb: {  	[smem:$0x3FA1] =	sst s3  }
0xc: {  	[smem:$0x3FA2] =	sst s4  }
0xd: {  	[smem:$0x3FA3] =	sst s5  }
0xe: {  	[smem:$0x3FA4] =	sst s6  }
0xf: {  	[smem:$0x3FA5] =	sst s7  }
0x10: {  	[smem:$0x3FA6] =	sst s8  }
0x11: {  	[smem:$0x3FA7] =	sst s9;
	s0 =	simm.s32 @!p0 $0x0  }
0x12: {  	s1 =	sld [smem:$0x3F8D];
	s0 =	simm.s32 @p0 $0x1  }
0x13: {  	[smem:$0x3FA8] =	sst s0;
	s0 =	simm.s32 @!p1 $0x0  }
0x14: {  	s2 =	sld [smem:$0x3F8C];
	s0 =	simm.s32 @p1 $0x1  }
0x15: {  	[smem:$0x3FA9] =	sst s0;
	s0 =	simm.s32 @!p2 $0x0  }
0x16: {  	s3 =	sld [smem:$0x3FDB];
	s0 =	simm.s32 @p2 $0x1  }
0x17: {  	s4 =	simm.s32 $0x1BF5;
	[smem:$0x3FAB] =	sst s0  }
0x18: {  	s0 =	sld [smem:$0x3F8E];
	_ =	swait.ge [sflag:s4], $0x0  }
0x19: {  	s7 =	sld [smem:$0x3F8F]  }
0x1a: {  	s8 =	sadd.s32 $0xFFFFE003, lr  }
0x1b: {  	s9 =	sadd.s32 $0xFFFFFEF7, lr;
	s5 =	simm.s32 $0xFFFFFFFF;
	p2 =	slt.u32 s8, $0xFFFFF086  }
0x1c: {  	p1 =	slt.u32 s9, $0xF7A;
	s5 =	simm.s32 @!p2 $0x0  }
0x1d: {  	s5 =	simm.s32 @p1 $0x1;
	p0 =	seq.s32 s7, s2  }
0x1e: {  	s7 =	smul.u32 @!p0 $0xF7A, s2;
	p2 =	seq.s32 @!p0 s5, $0x0  }
0x1f: {  	s9 =	smul.u32 $0xF7A, s1;
	s8 =	simm.s32 @!p0 $0x1BF5;
	p2 =	por !p2, p0  }
0x20: {  	[sflag:s8] =	ssyncset.s32 @!p0 $0xFFFFF086;
	s6 =	sadd.s32 @!p0 s3, s7;
	s7 =	simm.s32 @!p0 $0x108  }
0x21: {  	s3 =	sadd.s32 s3, s9;
	s6 =	sadd.s32 @!p0 $0x88, s6;
	s7 =	simm.s32 @p2 $0x1082  }
0x22: {  	[simem:s7], [sflag:s8] =	dma.local @!p0 [hbm:s6], $0xF7A  }
0x23: {  	s9 =	sor.u32 $0xD0000000, s2;
	s6 =	simm.s32 $0x108;
	_ =	swait.ge @!p0 [sflag:s8], $0x0  }
0x24: {  	s3 =	sadd.s32 $0x88, s3;
	s6 =	simm.s32 @!p1 $0x1082;
	[sflag:s4] =	ssyncset.s32 $0xFFFFF086  }
0x25: {  	[simem:s6], [sflag:s4] =	dma.local [hbm:s3], $0xF7A  }
0x26: {  	[smem:$0x3F8F] =	sst s1;
	(tag) =	ssettag s2;
	_ =	strace s9  }
0x27: {  	s1 =	sld [smem:$0x3F9F]  }
0x28: {  	s2 =	sld [smem:$0x3FA0]  }
0x29: {  	s4 =	sld [smem:$0x3FA2]  }
0x2a: {  	p0 =	seq.s32 s5, $0x0;
	s5 =	sld [smem:$0x3FA3]  }
0x2b: {  	s6 =	sld [smem:$0x3FA4]  }
0x2c: {  	s7 =	sld [smem:$0x3FA5]  }
0x2d: {  	s3 =	simm.s32 $0x108;
	s8 =	sld [smem:$0x3FA6]  }
0x2e: {  	s3 =	simm.s32 @!p0 $0x1082;
	s9 =	sld [smem:$0x3FA7]  }
0x2f: {  	lr =	sadd.s32 s0, s3;
	s0 =	sld [smem:$0x3F9E]  }
0x30: {  	s3 =	sld [smem:$0x3FA1]  }
0x31: {  	[smem:$0x3FAA] =	sst s10  }
0x32: {  	s10 =	sld [smem:$0x3FA8];
	_ =	sdelay $0x3  }
0x33: {  	p0 =	seq.s32 s10, $0x1;
	s10 =	sld [smem:$0x3FAA];
	_ =	sdelay $0x3  }
0x34: {  	[smem:$0x3FAA] =	sst s10  }
0x35: {  	s10 =	sld [smem:$0x3FA9];
	_ =	sdelay $0x3  }
0x36: {  	p1 =	seq.s32 s10, $0x1;
	s10 =	sld [smem:$0x3FAA];
	_ =	sdelay $0x3  }
0x37: {  	[smem:$0x3FAA] =	sst s10  }
0x38: {  	s10 =	sld [smem:$0x3FAB]  }
0x39: {  	_ = 	snop;
	(pc) =	sbr.ind lr, $3  }
0x3a: {  	_ = 	snop  }
0x3b: {  	_ = 	snop  }
0x3c: {  	p2 =	seq.s32 s10, $0x1;
	s10 =	sld [smem:$0x3FAA]  }
0x3d: {  	_ =	shalt  }
0x3e: {  	_ =	shalt  }
0x3f: {  	_ =	shalt  }
0x40: {  	_ =	shalt  }
0x41: {  	_ =	shalt  }
0x42: {  	_ =	shalt  }
0x43: {  	_ =	shalt  }
0x44: {  	_ =	shalt  }
0x45: {  	_ =	shalt  }
0x46: {  	_ =	shalt  }
0x47: {  	_ =	shalt  }
0x48: {  	_ =	shalt  }
0x49: {  	_ =	shalt  }
0x4a: {  	_ =	shalt  }
0x4b: {  	_ =	shalt  }
0x4c: {  	_ =	shalt  }
0x4d: {  	_ =	shalt  }
0x4e: {  	_ =	shalt  }
0x4f: {  	_ =	shalt  }
0x50: {  	_ =	shalt  }
0x51: {  	_ =	shalt  }
0x52: {  	_ =	shalt  }
0x53: {  	_ =	shalt  }
0x54: {  	_ =	shalt  }
0x55: {  	_ =	shalt  }
0x56: {  	_ =	shalt  }
0x57: {  	_ =	shalt  }
0x58: {  	_ =	shalt  }
0x59: {  	_ =	shalt  }
0x5a: {  	_ =	shalt  }
0x5b: {  	_ =	shalt  }
0x5c: {  	_ =	shalt  }
0x5d: {  	_ =	shalt  }
0x5e: {  	_ =	shalt  }
0x5f: {  	_ =	shalt  }
0x60: {  	_ =	shalt  }
0x61: {  	_ =	shalt  }
0x62: {  	_ =	shalt  }
0x63: {  	_ =	shalt  }
0x64: {  	_ =	shalt  }
0x65: {  	_ =	shalt  }
0x66: {  	_ =	shalt  }
0x67: {  	_ =	shalt  }
0x68: {  	_ =	shalt  }
0x69: {  	_ =	shalt  }
0x6a: {  	_ =	shalt  }
0x6b: {  	_ =	shalt  }
0x6c: {  	_ =	shalt  }
0x6d: {  	_ =	shalt  }
0x6e: {  	_ =	shalt  }
0x6f: {  	_ =	shalt  }
0x70: {  	_ =	shalt  }
0x71: {  	_ =	shalt  }
0x72: {  	_ =	shalt  }
0x73: {  	_ =	shalt  }
0x74: {  	_ =	shalt  }
0x75: {  	_ =	shalt  }
0x76: {  	_ =	shalt  }
0x77: {  	_ =	shalt  }
0x78: {  	_ =	shalt  }
0x79: {  	_ =	shalt  }
0x7a: {  	_ =	shalt  }
0x7b: {  	_ =	shalt  }
0x7c: {  	_ =	shalt  }
0x7d: {  	_ =	shalt  }
0x7e: {  	_ =	shalt  }
0x7f: {  	_ =	shalt  }
0x80: {  	_ =	shalt  }
0x81: {  	_ =	shalt  }
0x82: {  	_ =	shalt  }
0x83: {  	_ =	shalt  }
0x84: {  	_ =	shalt  }
0x85: {  	_ =	shalt  }
0x86: {  	_ =	shalt  }
0x87: {  	_ =	shalt  }
.Lfunc_end0:
.L_simem_size_0:
called_computation.1_lowered:
.L_overlay_start_0:
0x88: {  	s2 =	sld [smem:$0x3FD9]  }
0x89: {  	s3 =	sld [smem:$0x3FFE];
	_ =	sdelay $0x1  }
0x8a: {  	s1 =	srdreg.scid  }
0x8b: {  	s0 =	sand.u32 $0x1, s1  }
0x8c: {  	s16 =	sshll.u32 s0, $0xA;
	s2 =	sadd.s32 s3, s2  }
0x8d: {  	s2 =	sadd.s32 s2, s16  }
0x8e: {  	[smem:$0x3FB6] =	sst s2  }
0x8f: {  	_ = 	snop  }
0x90: {  	(tm) =	ssettm $0x1  }
0x91: {  	s17 =	sld [smem:$0x3FFB];
	_ =	sdelay $0x3  }
0x92: {  	_ =	strace s17  }
0x93: {  	s2 =	sld [smem:$0x3FFC];
	_ =	sdelay $0x3  }
0x94: {  	_ =	strace s2  }
0x95: {  	s2 =	sld [smem:$0x3FFD];
	_ =	sdelay $0x3  }
0x96: {  	_ =	strace s2  }
0x97: {  	_ =	strace $0x8FFFFFFF  }
0x98: {  	s18 =	sld [smem:$0x3FDB];
	_ =	sdelay $0x1  }
0x99: {  	s19 =	simm.s32 $_scs_section_size  }
0x9a: {  	s4 =	simm.s32 $_size__tile_overlayer_lowered;
	s5 =	simm.s32 $_tile_overlayer_lowered  }
0x9b: {  	s22 =	simm.s32 $0x1BFF;
	s21 =	sshll.u32 s5, $0x1;
	s2 =	sadd.s32 s19, s18  }
0x9c: {  	s6 =	simm.s32 $0x0;
	s20 =	sshll.u32 s4, $0x1;
	s4 =	sadd.s32 s21, s2  }
0x9d: {  	[timem:s6], [sflag:s22] =	dma.local [hbm:s4], s20  }
0x9e: {  	_ =	swait.ge [sflag:s22], s20  }
0x9f: {  	s3 =	ssub.s32 $0x0, s20;
	[sflag:s22] =	ssyncset.done $0x0  }
0xa0: {  	[sflag:s22] =	ssyncadd.s32 s3;
	_ =	sdelay $0x1  }
0xa1: {  	s23 =	simm.s32 $0x1B8B  }
0xa2: {  	_ =	swait.ge [sflag:s23], $0x1  }
0xa3: {  	[sflag:s23] =	ssyncset.done $0x0  }
0xa4: {  	s25 =	simm.s32 $0x1B8E;
	s24 =	sld [smem:$0x3FFE];
	[sflag:s23] =	ssyncadd.s32 $0xFFFFFFFF  }
0xa5: {  	s26 =	simm.s32 $execute0_lowered;
	[smem:$0x3FD2] =	sst s25  }
0xa6: {  	s4 =	sshll.u32 s26, $0x1;
	_ =	strace $0x80000049;
	[dreg:$0x1] =	wrdreg $0xFFFFFFFF  }
0xa7: {  	s28 =	simm.s32 $_size_execute0_lowered;
	s2 =	sadd.s32 s2, s4;
	[dreg:$0x0] =	wrdreg $0x0  }
0xa8: {  	s4 =	sshll.u32 s28, $0x1;
	[dreg:$0x2] =	wrdreg s2  }
0xa9: {  	[dreg:$0x3] =	wrdreg s4  }
0xaa: {  	[dreg:$0x4] =	wrdreg $0xC0  }
0xab: {  	_ =	task [dreg:s6], $0x5FFFF  }
0xac: {  	[dreg:$0x1] =	wrdreg $0xFFFFFFFF  }
0xad: {  	[dreg:$0x0] =	wrdreg $0x60  }
0xae: {  	[dreg:$0x2] =	wrdreg s24  }
0xaf: {  	[dreg:$0x3] =	wrdreg $0x0  }
0xb0: {  	[dreg:$0x4] =	wrdreg $0x9  }
0xb1: {  	_ =	task.clear_ibuf [dreg:s6], $0x5FFFF;
	_ =	strace $0x90000049  }
0xb2: {  	s29 =	simm.s32 $0x9;
	_ =	strace $0x8000004B  }
0xb3: {  	_ =	swait.ge [sflag:s29], $0x1  }
0xb4: {  	[sflag:s29] =	ssyncadd.s32 $0xFFFFFFFF  }
0xb5: {  	_ =	strace $0x9000004B  }
0xb6: {  	_ =	sfence  }
0xb7: {  	s30 =	sld [smem:$0x0];
	_ =	sdelay $0x2  }
0xb8: {  	s31 =	sshll.u32 s1, $0xD;
	s1 =	sshrl.u32 s1, $0x2  }
0xb9: {  	s3 =	sand.u32 $0x4000, s31;
	s1 =	sadd.s32 s1, s30  }
0xba: {  	s0 =	sor.u32 s3, s0;
	s1 =	sshll.u32 s1, $0x11  }
0xbb: {  	s0 =	sor.u32 s1, s0  }
0xbc: {  	s0 =	sadd.s32 $0x8F2B, s0  }
0xbd: {  	[sflag:s0] =	ssyncadd.remote.s32 $0x1  }
0xbe: {  	_ =	sfence.sel $0xFFFF  }
0xbf: {  	[dreg:$0x0] =	wrdreg $0xFFFFFFFF;
	(pc) =	sbr.abs _section_cstart, $3  }
0xc0: {  	[dreg:$0x1] =	wrdreg $0xFFFFFFFF  }
0xc1: {  	_ =	task.clear_ibuf [dreg:s6], $0x2FFFF;
	_ =	strace $0x9FFFFFFF  }
0xc2: {  	(tm) =	ssettm $0x7FFFFFFF  }
0xc3: {  	_ =	shalt  }
tec
execute0_lowered:
.L_overlay_start_1:
0x0: {  	(tag) =	ssettag $0x1  }
0x1: {  	s1 =	rddreg [dreg:$0x0]  }
0x2: {  	s0 =	simm.s32 $0x0;
	s2 =	srdreg.scid;
	s25 =	stileid.u32  }
0x3: {  	[smem:$0x7FF] =	sst s0;
	s6 =	smul.u32 $0x280, s25  }
0x4: {  	s10 =	sadd.s32 $0xEEC000, s1;
	s8 =	sand.u32 $0x1, s2;
	s24 =	smul.u32 $0x4E200, s25  }
0x5: {  	s4 =	sshll.u32 s25, $0x1;
	s2 =	smul.u32 $0x28000, s8;
	s3 =	ssub.s32 $0x2, s8  }
0x6: {  	s21 =	sor.u32 s8, s4;
	s5 =	sshrl.u32 s3, $0x1;
	s17 =	sor.u32 $0x28, s6  }
0x7: {  	s19 =	sor.u32 $0x50, s6;
	s20 =	sor.u32 $0x78, s6;
	s14 =	sadd.s32 $0xA0, s6  }
0x8: {  	s15 =	sadd.s32 $0xC8, s6;
	s16 =	sadd.s32 $0xF0, s6;
	s11 =	sadd.s32 $0x118, s6  }
0x9: {  	s12 =	sadd.s32 $0x140, s6;
	s13 =	sadd.s32 $0x168, s6;
	s22 =	smul.u32 $0x27100, s21  }
0xa: {  	s7 =	sadd.s32 $0x1E0, s6;
	s26 =	sadd.s32 $0x208, s6;
	s23 =	smul.u32 $0x138800, s21  }
0xb: {  	s21 =	sshll.u32 s21, $0xC;
	s18 =	sadd.s32 s2, s1;
	s9 =	ssub.s32 s3, s5  }
0xc: {  	s2 =	sadd.s32 $0x190, s6;
	s3 =	sadd.s32 $0x1B8, s6;
	s5 =	sadd.s32 $0x230, s6  }
0xd: {  	s6 =	sadd.s32 $0x258, s6;
	s21 =	sadd.s32 s21, s1;
	s1 =	sadd.s32 $0x26000, s1  }
0xe: {  	s22 =	sadd.s32 s10, s22;
	s4 =	sshrl.u32 s23, $0x3;
	s23 =	smul.u32 $0x27100, s8  }
0xf: {  	s8 =	sadd.s32 s10, s4;
	s10 =	sadd.s32 s24, s10;
	s4 =	smul.u32 $0x2800, s25  }
0x10: {  	s24 =	sadd.s32 $0x26400, s18;
	s10 =	sadd.s32 s23, s10;
	s23 =	sshll.u32 s17, $0x4  }
0x11: {  	[dreg:$0x3] =	wrdreg s22;
	s22 =	sadd.s32 s4, s24;
	s18 =	sadd.s32 s23, s24  }
0x12: {  	s4 =	sshll.u32 s19, $0x4;
	s23 =	sshll.u32 s14, $0x4;
	[dreg:$0x4] =	wrdreg s22  }
0x13: {  	s14 =	sshll.u32 s14, $0x7;
	[dreg:$0x5] =	wrdreg s18;
	s18 =	sadd.s32 s4, s24  }
0x14: {  	s22 =	sshll.u32 s20, $0x4;
	s4 =	sadd.s32 s23, s24;
	[dreg:$0x6] =	wrdreg s18  }
0x15: {  	s18 =	sadd.s32 s22, s24;
	[dreg:$0x8] =	wrdreg s4;
	s22 =	sshll.u32 s15, $0x4  }
0x16: {  	s23 =	sshll.u32 s16, $0x4;
	[dreg:$0x7] =	wrdreg s18;
	s18 =	sadd.s32 s22, s24  }
0x17: {  	s4 =	sshll.u32 s11, $0x4;
	[dreg:$0x9] =	wrdreg s18;
	s18 =	sadd.s32 s23, s24  }
0x18: {  	s23 =	sadd.s32 s4, s24;
	s4 =	sshll.u32 s12, $0x4;
	[dreg:$0xa] =	wrdreg s18  }
0x19: {  	s22 =	sshll.u32 s13, $0x4;
	[dreg:$0xb] =	wrdreg s23;
	s18 =	sadd.s32 s4, s24  }
0x1a: {  	s23 =	sshll.u32 s2, $0x4;
	[dreg:$0xc] =	wrdreg s18;
	s18 =	sadd.s32 s22, s24  }
0x1b: {  	s15 =	sshll.u32 s15, $0x7;
	s4 =	sadd.s32 s23, s24;
	[dreg:$0xd] =	wrdreg s18  }
0x1c: {  	s22 =	sshll.u32 s3, $0x4;
	s23 =	sshll.u32 s7, $0x4;
	[dreg:$0xe] =	wrdreg s4  }
0x1d: {  	s18 =	sadd.s32 s22, s24;
	s4 =	sshll.u32 s26, $0x4;
	s22 =	smul.u32 $0x50000, s25  }
0x1e: {  	s25 =	sshll.u32 s5, $0x4;
	[dreg:$0xf] =	wrdreg s18;
	s18 =	sadd.s32 s23, s24  }
0x1f: {  	s5 =	sshll.u32 s5, $0x7;
	s23 =	sadd.s32 s4, s24;
	[dreg:$0x10] =	wrdreg s18  }
0x20: {  	s4 =	sshll.u32 s6, $0x4;
	s6 =	sshll.u32 s6, $0x7;
	[dreg:$0x11] =	wrdreg s23  }
0x21: {  	s18 =	rddreg [dreg:$0x1];
	s23 =	sadd.s32 s25, s24;
	s4 =	sadd.s32 s4, s24  }
0x22: {  	s22 =	sshrl.u32 s22, $0x2;
	s24 =	sshll.u32 s17, $0x7;
	s25 =	sshll.u32 s19, $0x7  }
0x23: {  	s17 =	sshll.u32 s16, $0x7;
	s16 =	sadd.s32 $0x9EA000, s21;
	[dreg:$0x12] =	wrdreg s23  }
0x24: {  	[dreg:$0x13] =	wrdreg s4;
	s22 =	sadd.s32 s22, s18;
	s4 =	sshll.u32 s20, $0x7  }
0x25: {  	s20 =	sadd.s32 s24, s18;
	s23 =	sadd.s32 s25, s18;
	s28 =	sadd.s32 s14, s18  }
0x26: {  	s29 =	sadd.s32 s15, s18;
	s30 =	sadd.s32 s17, s18;
	s24 =	sshll.u32 s11, $0x7  }
0x27: {  	s25 =	sshll.u32 s12, $0x7;
	s12 =	sshll.u32 s2, $0x7;
	s14 =	sshll.u32 s7, $0x7  }
0x28: {  	s15 =	sshll.u32 s26, $0x7;
	s5 =	sadd.s32 s5, s18;
	s6 =	sadd.s32 s6, s18  }
0x29: {  	s26 =	smax.u32 s9, $0x1;
	s11 =	simm.s32 $0x1E800;
	_ =	strace $0x8000004A  }
0x2a: {  	[dreg:$0x14] =	wrdreg s1;
	s19 =	sadd.s32 s4, s18;
	s4 =	sshll.u32 s13, $0x7  }
0x2b: {  	s17 =	sadd.s32 s24, s18;
	s24 =	sadd.s32 s25, s18;
	s13 =	sshll.u32 s3, $0x7  }
0x2c: {  	s25 =	sadd.s32 s12, s18;
	s3 =	sadd.s32 s14, s18;
	[dreg:$0x19] =	wrdreg s16  }
0x2d: {  	s1 =	sadd.s32 s15, s18;
	[dreg:$0x1b] =	wrdreg s26;
	s9 =	smov.u32 s20  }
0x2e: {  	s12 =	simm.s32 $0x3;
	s14 =	simm.s32 $0x1D400;
	s15 =	simm.s32 $0x1  }
0x2f: {  	s16 =	simm.s32 $0x28;
	s20 =	simm.s32 $0x0;
	[dreg:$0x17] =	wrdreg s5  }
0x30: {  	[dreg:$0x18] =	wrdreg s6;
	s4 =	sadd.s32 s4, s18;
	s31 =	sadd.s32 s13, s18  }
0x31: {  	s21 =	smov.u32 s19;
	s19 =	sadd.s32 $0x280, s8;
	[dreg:$0x15] =	wrdreg s3  }
0x32: {  	s8 =	sadd.s32 $0x780, s10;
	s10 =	smov.u32 s23;
	[dreg:$0x16] =	wrdreg s1  }
0x33: {  	s13 =	simm.s32 $0x1C000;
	[dreg:$0x1a] =	wrdreg s19;
	s19 =	simm.s32 $0x2  }
.LBB2_1:
0x34: {  	s7 =	rddreg [dreg:$0x14]  }
0x35: {  	[tilespmem:s11], [sflag:$0x3] =	stream.linear.gather [hbm4b:s7+s0], $0x1400, $0x38;
	[tilespmem:$0x1FC00] =	vst v63  }
0x36: {  	_ =	swait.ge [sflag:s12], $0x1400  }
0x37: {  	[sflag:s12] =	ssyncset.done $0x0  }
0x38: {  	[sflag:s12] =	ssyncadd.s32 $0xFFFFEC00  }
0x39: {  	[spmem:s22] =	stream.linear.scatter [tilespmem:s11], [sflag:$0x3], $0x1400, $0x38;
	[tilespmem:$0x1FC00] =	vst v63  }
0x3a: {  	_ =	swait.ge [sflag:s12], $0x1400  }
0x3b: {  	[sflag:s12] =	ssyncset.done $0x0  }
0x3c: {  	[sflag:s12] =	ssyncadd.s32 $0xFFFFEC00  }
0x3d: {  	[spmem:s9] =	stream.linear.scatter [tilespmem:s11], [sflag:$0x3], $0x1400, $0x38;
	[tilespmem:$0x1FC00] =	vst v63  }
0x3e: {  	_ =	swait.ge [sflag:s12], $0x1400  }
0x3f: {  	[sflag:s12] =	ssyncset.done $0x0  }
0x40: {  	[sflag:s12] =	ssyncadd.s32 $0xFFFFEC00  }
0x41: {  	[spmem:s10] =	stream.linear.scatter [tilespmem:s11], [sflag:$0x3], $0x1400, $0x38;
	[tilespmem:$0x1FC00] =	vst v63  }
0x42: {  	_ =	swait.ge [sflag:s12], $0x1400  }
0x43: {  	[sflag:s12] =	ssyncset.done $0x0  }
0x44: {  	[sflag:s12] =	ssyncadd.s32 $0xFFFFEC00  }
0x45: {  	[spmem:s21] =	stream.linear.scatter [tilespmem:s11], [sflag:$0x3], $0x1400, $0x38;
	[tilespmem:$0x1FC00] =	vst v63  }
0x46: {  	_ =	swait.ge [sflag:s12], $0x1400  }
0x47: {  	[sflag:s12] =	ssyncset.done $0x0  }
0x48: {  	[sflag:s12] =	ssyncadd.s32 $0xFFFFEC00  }
0x49: {  	[spmem:s28] =	stream.linear.scatter [tilespmem:s11], [sflag:$0x3], $0x1400, $0x38;
	[tilespmem:$0x1FC00] =	vst v63  }
0x4a: {  	_ =	swait.ge [sflag:s12], $0x1400  }
0x4b: {  	[sflag:s12] =	ssyncset.done $0x0  }
0x4c: {  	[sflag:s12] =	ssyncadd.s32 $0xFFFFEC00  }
0x4d: {  	[spmem:s29] =	stream.linear.scatter [tilespmem:s11], [sflag:$0x3], $0x1400, $0x38;
	[tilespmem:$0x1FC00] =	vst v63  }
0x4e: {  	_ =	swait.ge [sflag:s12], $0x1400  }
0x4f: {  	[sflag:s12] =	ssyncset.done $0x0  }
0x50: {  	[sflag:s12] =	ssyncadd.s32 $0xFFFFEC00  }
0x51: {  	[spmem:s30] =	stream.linear.scatter [tilespmem:s11], [sflag:$0x3], $0x1400, $0x38;
	[tilespmem:$0x1FC00] =	vst v63  }
0x52: {  	_ =	swait.ge [sflag:s12], $0x1400  }
0x53: {  	[sflag:s12] =	ssyncset.done $0x0  }
0x54: {  	[sflag:s12] =	ssyncadd.s32 $0xFFFFEC00  }
0x55: {  	[spmem:s17] =	stream.linear.scatter [tilespmem:s11], [sflag:$0x3], $0x1400, $0x38;
	[tilespmem:$0x1FC00] =	vst v63  }
0x56: {  	_ =	swait.ge [sflag:s12], $0x1400  }
0x57: {  	[sflag:s12] =	ssyncset.done $0x0  }
0x58: {  	s2 =	smov.u32 s24;
	[sflag:s12] =	ssyncadd.s32 $0xFFFFEC00  }
0x59: {  	[spmem:s2] =	stream.linear.scatter [tilespmem:s11], [sflag:$0x3], $0x1400, $0x38;
	[tilespmem:$0x1FC00] =	vst v63  }
0x5a: {  	_ =	swait.ge [sflag:s12], $0x1400  }
0x5b: {  	[sflag:s12] =	ssyncset.done $0x0  }
0x5c: {  	[sflag:s12] =	ssyncadd.s32 $0xFFFFEC00  }
0x5d: {  	[spmem:s4] =	stream.linear.scatter [tilespmem:s11], [sflag:$0x3], $0x1400, $0x38;
	[tilespmem:$0x1FC00] =	vst v63  }
0x5e: {  	_ =	swait.ge [sflag:s12], $0x1400  }
0x5f: {  	[sflag:s12] =	ssyncset.done $0x0  }
0x60: {  	s7 =	smov.u32 s25;
	[sflag:s12] =	ssyncadd.s32 $0xFFFFEC00  }
0x61: {  	[spmem:s7] =	stream.linear.scatter [tilespmem:s11], [sflag:$0x3], $0x1400, $0x38;
	[tilespmem:$0x1FC00] =	vst v63  }
0x62: {  	_ =	swait.ge [sflag:s12], $0x1400  }
0x63: {  	[sflag:s12] =	ssyncset.done $0x0  }
0x64: {  	s25 =	smov.u32 s10;
	s10 =	smov.u32 s31;
	[sflag:s12] =	ssyncadd.s32 $0xFFFFEC00  }
0x65: {  	[spmem:s10] =	stream.linear.scatter [tilespmem:s11], [sflag:$0x3], $0x1400, $0x38;
	[tilespmem:$0x1FC00] =	vst v63  }
0x66: {  	_ =	swait.ge [sflag:s12], $0x1400  }
0x67: {  	s26 =	smov.u32 s21;
	s21 =	smov.u32 s1;
	[sflag:s12] =	ssyncset.done $0x0  }
0x68: {  	s1 =	smov.u32 s17;
	s17 =	smov.u32 s3;
	[sflag:s12] =	ssyncadd.s32 $0xFFFFEC00  }
0x69: {  	[spmem:s17] =	stream.linear.scatter [tilespmem:s11], [sflag:$0x3], $0x1400, $0x38;
	[tilespmem:$0x1FC00] =	vst v63  }
0x6a: {  	_ =	swait.ge [sflag:s12], $0x1400  }
0x6b: {  	[sflag:s12] =	ssyncset.done $0x0  }
0x6c: {  	[sflag:s12] =	ssyncadd.s32 $0xFFFFEC00  }
0x6d: {  	[spmem:s21] =	stream.linear.scatter [tilespmem:s11], [sflag:$0x3], $0x1400, $0x38;
	[tilespmem:$0x1FC00] =	vst v63  }
0x6e: {  	_ =	swait.ge [sflag:s12], $0x1400  }
0x6f: {  	[sflag:s12] =	ssyncset.done $0x0  }
0x70: {  	s23 =	smov.u32 s22;
	s22 =	smov.u32 s5;
	[sflag:s12] =	ssyncadd.s32 $0xFFFFEC00  }
0x71: {  	[spmem:s22] =	stream.linear.scatter [tilespmem:s11], [sflag:$0x3], $0x1400, $0x38;
	[tilespmem:$0x1FC00] =	vst v63  }
0x72: {  	_ =	swait.ge [sflag:s12], $0x1400  }
0x73: {  	[sflag:s12] =	ssyncset.done $0x0  }
0x74: {  	s31 =	smov.u32 s30;
	s30 =	smov.u32 s6;
	[sflag:s12] =	ssyncadd.s32 $0xFFFFEC00  }
0x75: {  	[spmem:s30] =	stream.linear.scatter [tilespmem:s11], [sflag:$0x3], $0x1400, $0x38;
	[tilespmem:$0x1FC00] =	vst v63  }
0x76: {  	_ =	swait.ge [sflag:s12], $0x1400  }
0x77: {  	s24 =	smov.u32 s9;
	s5 =	smov.u32 s7;
	[sflag:s12] =	ssyncset.done $0x0  }
0x78: {  	s9 =	simm.s32 $0x14000;
	s7 =	rddreg [dreg:$0x19];
	[sflag:s12] =	ssyncadd.s32 $0xFFFFEC00  }
0x79: {  	[tilespmem:s9], [sflag:$0x3] =	stream.linear.gather [hbm4b:s7+s0], $0x7D00, $0x38;
	[tilespmem:$0x1FC00] =	vst v63  }
0x7a: {  	_ =	swait.ge [sflag:s12], $0x7D00  }
0x7b: {  	[sflag:s12] =	ssyncset.done $0x0  }
0x7c: {  	[sflag:s12] =	ssyncadd.s32 $0xFFFF8300  }
0x7d: {  	[bflag:$0x0] =	sbarrier.arrive $0xFFFF  }
0x7e: {  	s6 =	smov.u32 s10;
	s10 =	rddreg [dreg:$0x3]  }
0x7f: {  	[tilespmem:s13], [sflag:$0x1] =	stream.linear.gather [hbm4b:s10+s0], $0x1400, $0x38;
	[tilespmem:$0x1FC00] =	vst v63  }
0x80: {  	s17 =	rddreg [dreg:$0x1a]  }
0x81: {  	[tilespmem:s14], [sflag:$0x2] =	stream.linear.gather [hbm4b:s17+s0], $0x1400, $0x38;
	[tilespmem:$0x1FC00] =	vst v63  }
0x82: {  	_ =	swait.ge [sflag:s15], $0x1400  }
0x83: {  	[sflag:s15] =	ssyncset.done $0x0  }
0x84: {  	s21 =	simm.s32 $0x14000;
	[sflag:s15] =	ssyncadd.s32 $0xFFFFEC00  }
0x85: {  	[spmem:s18] =	stream.indirect.scatter.add.f32 [tilespmem:s13], [sflag:$0x3], $0x80, s21, s16, $0xb8;
	[tilespmem:$0x1FC00] =	vst v63  }
0x86: {  	_ =	swait.ge [sflag:s12], $0x1400  }
0x87: {  	[sflag:s12] =	ssyncset.done $0x0  }
0x88: {  	s22 =	sadd.s32 $0xFFFFFD80, s8;
	[sflag:s12] =	ssyncadd.s32 $0xFFFFEC00  }
0x89: {  	[tilespmem:s13], [sflag:$0x1] =	stream.linear.gather [hbm4b:s22+s0], $0x1400, $0x38;
	[tilespmem:$0x1FC00] =	vst v63  }
0x8a: {  	_ =	swait.ge [sflag:s19], $0x1400  }
0x8b: {  	[sflag:s19] =	ssyncset.done $0x0  }
0x8c: {  	s30 =	simm.s32 $0x14080;
	[sflag:s19] =	ssyncadd.s32 $0xFFFFEC00  }
0x8d: {  	[spmem:s18] =	stream.indirect.scatter.add.f32 [tilespmem:s14], [sflag:$0x3], $0x80, s30, s16, $0xb8;
	[tilespmem:$0x1FC00] =	vst v63  }
0x8e: {  	s3 =	smov.u32 s2;
	_ =	swait.ge [sflag:s12], $0x1400  }
0x8f: {  	s2 =	smov.u32 s4;
	s7 =	sadd.s32 $0x500, s8;
	[sflag:s12] =	ssyncset.done $0x0  }
0x90: {  	s10 =	smov.u32 s8;
	s21 =	simm.s32 $0x400;
	[sflag:s12] =	ssyncadd.s32 $0xFFFFEC00  }
.LBB2_2:
0x91: {  	[tilespmem:s14], [sflag:$0x2] =	stream.linear.gather [hbm4b:s10+s0], $0x1400, $0x38;
	[tilespmem:$0x1FC00] =	vst v63  }
0x92: {  	s9 =	smov.u32 s21;
	s10 =	smov.u32 s7  }
0x93: {  	p0 =	sne.s32 s21, $0x1EC00;
	s21 =	sadd.s32 $0x400, s21;
	_ =	swait.ge [sflag:s15], $0x1400  }
0x94: {  	s9 =	sshra.s32 s9, $0x2;
	[sflag:s15] =	ssyncset.done $0x0  }
0x95: {  	s22 =	sadd.s32 $0x14000, s9;
	[sflag:s15] =	ssyncadd.s32 $0xFFFFEC00  }
0x96: {  	[spmem:s18] =	stream.indirect.scatter.add.f32 [tilespmem:s13], [sflag:$0x3], $0x80, s22, s16, $0xb8;
	[tilespmem:$0x1FC00] =	vst v63  }
0x97: {  	_ =	swait.ge [sflag:s12], $0x1400  }
0x98: {  	[sflag:s12] =	ssyncset.done $0x0  }
0x99: {  	s22 =	sadd.s32 $0xFFFFFD80, s7;
	[sflag:s12] =	ssyncadd.s32 $0xFFFFEC00  }
0x9a: {  	[tilespmem:s13], [sflag:$0x1] =	stream.linear.gather [hbm4b:s22+s0], $0x1400, $0x38;
	[tilespmem:$0x1FC00] =	vst v63  }
0x9b: {  	_ =	swait.ge [sflag:s19], $0x1400  }
0x9c: {  	[sflag:s19] =	ssyncset.done $0x0  }
.Ltmp0:
0x9d: {  	s9 =	sadd.s32 $0x14080, s9;
	[sflag:s19] =	ssyncadd.s32 $0xFFFFEC00;
	(pc) =	sbr.rel @p0 .LBB2_2-.Ltmp0, $4  }
0x9e: {  	[spmem:s18] =	stream.indirect.scatter.add.f32 [tilespmem:s14], [sflag:$0x3], $0x80, s9, s16, $0xb8;
	[tilespmem:$0x1FC00] =	vst v63  }
0x9f: {  	_ =	swait.ge [sflag:s12], $0x1400  }
0xa0: {  	[sflag:s12] =	ssyncset.done $0x0  }
0xa1: {  	s7 =	sadd.s32 $0x500, s7;
	[sflag:s12] =	ssyncadd.s32 $0xFFFFEC00  }
0xa2: {  	[tilespmem:s14], [sflag:$0x2] =	stream.linear.gather [hbm4b:s10+s0], $0x1400, $0x38;
	[tilespmem:$0x1FC00] =	vst v63  }
0xa3: {  	_ =	swait.ge [sflag:s15], $0x1400  }
0xa4: {  	[sflag:s15] =	ssyncset.done $0x0  }
0xa5: {  	s4 =	simm.s32 $0x1BC00;
	[sflag:s15] =	ssyncadd.s32 $0xFFFFEC00  }
0xa6: {  	[spmem:s18] =	stream.indirect.scatter.add.f32 [tilespmem:s13], [sflag:$0x3], $0x80, s4, s16, $0xb8;
	[tilespmem:$0x1FC00] =	vst v63  }
0xa7: {  	_ =	swait.ge [sflag:s12], $0x1400  }
0xa8: {  	[sflag:s12] =	ssyncset.done $0x0  }
0xa9: {  	[sflag:s12] =	ssyncadd.s32 $0xFFFFEC00  }
0xaa: {  	_ =	swait.ge [sflag:s19], $0x1400  }
0xab: {  	[sflag:s19] =	ssyncset.done $0x0  }
0xac: {  	s22 =	simm.s32 $0x1BC80;
	[sflag:s19] =	ssyncadd.s32 $0xFFFFEC00  }
0xad: {  	[spmem:s18] =	stream.indirect.scatter.add.f32 [tilespmem:s14], [sflag:$0x3], $0x80, s22, s16, $0xb8;
	[tilespmem:$0x1FC00] =	vst v63  }
0xae: {  	_ =	swait.ge [sflag:s12], $0x1400  }
0xaf: {  	[sflag:s12] =	ssyncset.done $0x0  }
0xb0: {  	[sflag:s12] =	ssyncadd.s32 $0xFFFFEC00  }
0xb1: {  	[bflag:$0x0] =	sbarrier.arrive $0xFFFF  }
0xb2: {  	[tilespmem:s11], [sflag:$0x3] =	stream.linear.gather [spmem:s23], $0x1400, $0x38;
	[tilespmem:$0x1FC00] =	vst v63  }
0xb3: {  	_ =	swait.ge [sflag:s12], $0x1400  }
0xb4: {  	[sflag:s12] =	ssyncset.done $0x0  }
0xb5: {  	s7 =	rddreg [dreg:$0x4];
	[sflag:s12] =	ssyncadd.s32 $0xFFFFEC00  }
0xb6: {  	[hbm4b:s7+s0] =	stream.linear.scatter [tilespmem:s11], [sflag:$0x3], $0x1400, $0x38;
	[tilespmem:$0x1FC00] =	vst v63  }
0xb7: {  	_ =	swait.ge [sflag:s12], $0x1400  }
0xb8: {  	[sflag:s12] =	ssyncset.done $0x0  }
0xb9: {  	[sflag:s12] =	ssyncadd.s32 $0xFFFFEC00  }
0xba: {  	[tilespmem:s11], [sflag:$0x3] =	stream.linear.gather [spmem:s24], $0x1400, $0x38;
	[tilespmem:$0x1FC00] =	vst v63  }
0xbb: {  	_ =	swait.ge [sflag:s12], $0x1400  }
0xbc: {  	[sflag:s12] =	ssyncset.done $0x0  }
0xbd: {  	s9 =	smov.u32 s24;
	s24 =	rddreg [dreg:$0x5];
	[sflag:s12] =	ssyncadd.s32 $0xFFFFEC00  }
0xbe: {  	[hbm4b:s24+s0] =	stream.linear.scatter [tilespmem:s11], [sflag:$0x3], $0x1400, $0x38;
	[tilespmem:$0x1FC00] =	vst v63  }
0xbf: {  	_ =	swait.ge [sflag:s12], $0x1400  }
0xc0: {  	[sflag:s12] =	ssyncset.done $0x0  }
0xc1: {  	[sflag:s12] =	ssyncadd.s32 $0xFFFFEC00  }
0xc2: {  	[tilespmem:s11], [sflag:$0x3] =	stream.linear.gather [spmem:s25], $0x1400, $0x38;
	[tilespmem:$0x1FC00] =	vst v63  }
0xc3: {  	_ =	swait.ge [sflag:s12], $0x1400  }
0xc4: {  	[sflag:s12] =	ssyncset.done $0x0  }
0xc5: {  	s10 =	smov.u32 s25;
	s25 =	rddreg [dreg:$0x6];
	[sflag:s12] =	ssyncadd.s32 $0xFFFFEC00  }
0xc6: {  	[hbm4b:s25+s0] =	stream.linear.scatter [tilespmem:s11], [sflag:$0x3], $0x1400, $0x38;
	[tilespmem:$0x1FC00] =	vst v63  }
0xc7: {  	_ =	swait.ge [sflag:s12], $0x1400  }
0xc8: {  	[sflag:s12] =	ssyncset.done $0x0  }
0xc9: {  	[sflag:s12] =	ssyncadd.s32 $0xFFFFEC00  }
0xca: {  	[tilespmem:s11], [sflag:$0x3] =	stream.linear.gather [spmem:s26], $0x1400, $0x38;
	[tilespmem:$0x1FC00] =	vst v63  }
0xcb: {  	_ =	swait.ge [sflag:s12], $0x1400  }
0xcc: {  	[sflag:s12] =	ssyncset.done $0x0  }
0xcd: {  	s21 =	smov.u32 s26;
	s26 =	rddreg [dreg:$0x7];
	[sflag:s12] =	ssyncadd.s32 $0xFFFFEC00  }
0xce: {  	[hbm4b:s26+s0] =	stream.linear.scatter [tilespmem:s11], [sflag:$0x3], $0x1400, $0x38;
	[tilespmem:$0x1FC00] =	vst v63  }
0xcf: {  	_ =	swait.ge [sflag:s12], $0x1400  }
0xd0: {  	[sflag:s12] =	ssyncset.done $0x0  }
0xd1: {  	[sflag:s12] =	ssyncadd.s32 $0xFFFFEC00  }
0xd2: {  	[tilespmem:s11], [sflag:$0x3] =	stream.linear.gather [spmem:s28], $0x1400, $0x38;
	[tilespmem:$0x1FC00] =	vst v63  }
0xd3: {  	_ =	swait.ge [sflag:s12], $0x1400  }
0xd4: {  	[sflag:s12] =	ssyncset.done $0x0  }
0xd5: {  	s4 =	rddreg [dreg:$0x8];
	[sflag:s12] =	ssyncadd.s32 $0xFFFFEC00  }
0xd6: {  	[hbm4b:s4+s0] =	stream.linear.scatter [tilespmem:s11], [sflag:$0x3], $0x1400, $0x38;
	[tilespmem:$0x1FC00] =	vst v63  }
0xd7: {  	_ =	swait.ge [sflag:s12], $0x1400  }
0xd8: {  	[sflag:s12] =	ssyncset.done $0x0  }
0xd9: {  	[sflag:s12] =	ssyncadd.s32 $0xFFFFEC00  }
0xda: {  	[tilespmem:s11], [sflag:$0x3] =	stream.linear.gather [spmem:s29], $0x1400, $0x38;
	[tilespmem:$0x1FC00] =	vst v63  }
0xdb: {  	_ =	swait.ge [sflag:s12], $0x1400  }
0xdc: {  	[sflag:s12] =	ssyncset.done $0x0  }
0xdd: {  	s17 =	rddreg [dreg:$0x9];
	[sflag:s12] =	ssyncadd.s32 $0xFFFFEC00  }
0xde: {  	[hbm4b:s17+s0] =	stream.linear.scatter [tilespmem:s11], [sflag:$0x3], $0x1400, $0x38;
	[tilespmem:$0x1FC00] =	vst v63  }
0xdf: {  	_ =	swait.ge [sflag:s12], $0x1400  }
0xe0: {  	[sflag:s12] =	ssyncset.done $0x0  }
0xe1: {  	[sflag:s12] =	ssyncadd.s32 $0xFFFFEC00  }
0xe2: {  	[tilespmem:s11], [sflag:$0x3] =	stream.linear.gather [spmem:s31], $0x1400, $0x38;
	[tilespmem:$0x1FC00] =	vst v63  }
0xe3: {  	_ =	swait.ge [sflag:s12], $0x1400  }
0xe4: {  	[sflag:s12] =	ssyncset.done $0x0  }
0xe5: {  	s22 =	smov.u32 s23;
	s23 =	rddreg [dreg:$0xa];
	[sflag:s12] =	ssyncadd.s32 $0xFFFFEC00  }
0xe6: {  	[hbm4b:s23+s0] =	stream.linear.scatter [tilespmem:s11], [sflag:$0x3], $0x1400, $0x38;
	[tilespmem:$0x1FC00] =	vst v63  }
0xe7: {  	_ =	swait.ge [sflag:s12], $0x1400  }
0xe8: {  	[sflag:s12] =	ssyncset.done $0x0  }
0xe9: {  	[sflag:s12] =	ssyncadd.s32 $0xFFFFEC00  }
0xea: {  	[tilespmem:s11], [sflag:$0x3] =	stream.linear.gather [spmem:s1], $0x1400, $0x38;
	[tilespmem:$0x1FC00] =	vst v63  }
0xeb: {  	_ =	swait.ge [sflag:s12], $0x1400  }
0xec: {  	[sflag:s12] =	ssyncset.done $0x0  }
0xed: {  	s24 =	rddreg [dreg:$0xb];
	[sflag:s12] =	ssyncadd.s32 $0xFFFFEC00  }
0xee: {  	[hbm4b:s24+s0] =	stream.linear.scatter [tilespmem:s11], [sflag:$0x3], $0x1400, $0x38;
	[tilespmem:$0x1FC00] =	vst v63  }
0xef: {  	_ =	swait.ge [sflag:s12], $0x1400  }
0xf0: {  	[sflag:s12] =	ssyncset.done $0x0  }
0xf1: {  	[sflag:s12] =	ssyncadd.s32 $0xFFFFEC00  }
0xf2: {  	[tilespmem:s11], [sflag:$0x3] =	stream.linear.gather [spmem:s3], $0x1400, $0x38;
	[tilespmem:$0x1FC00] =	vst v63  }
0xf3: {  	_ =	swait.ge [sflag:s12], $0x1400  }
0xf4: {  	[sflag:s12] =	ssyncset.done $0x0  }
0xf5: {  	s25 =	rddreg [dreg:$0xc];
	[sflag:s12] =	ssyncadd.s32 $0xFFFFEC00  }
0xf6: {  	[hbm4b:s25+s0] =	stream.linear.scatter [tilespmem:s11], [sflag:$0x3], $0x1400, $0x38;
	[tilespmem:$0x1FC00] =	vst v63  }
0xf7: {  	_ =	swait.ge [sflag:s12], $0x1400  }
0xf8: {  	[sflag:s12] =	ssyncset.done $0x0  }
0xf9: {  	[sflag:s12] =	ssyncadd.s32 $0xFFFFEC00  }
0xfa: {  	[tilespmem:s11], [sflag:$0x3] =	stream.linear.gather [spmem:s2], $0x1400, $0x38;
	[tilespmem:$0x1FC00] =	vst v63  }
0xfb: {  	_ =	swait.ge [sflag:s12], $0x1400  }
0xfc: {  	[sflag:s12] =	ssyncset.done $0x0  }
0xfd: {  	s26 =	rddreg [dreg:$0xd];
	[sflag:s12] =	ssyncadd.s32 $0xFFFFEC00  }
0xfe: {  	[hbm4b:s26+s0] =	stream.linear.scatter [tilespmem:s11], [sflag:$0x3], $0x1400, $0x38;
	[tilespmem:$0x1FC00] =	vst v63  }
0xff: {  	_ =	swait.ge [sflag:s12], $0x1400  }
0x100: {  	[sflag:s12] =	ssyncset.done $0x0  }
0x101: {  	[sflag:s12] =	ssyncadd.s32 $0xFFFFEC00  }
0x102: {  	[tilespmem:s11], [sflag:$0x3] =	stream.linear.gather [spmem:s5], $0x1400, $0x38;
	[tilespmem:$0x1FC00] =	vst v63  }
0x103: {  	_ =	swait.ge [sflag:s12], $0x1400  }
0x104: {  	[sflag:s12] =	ssyncset.done $0x0  }
0x105: {  	s17 =	smov.u32 s1;
	s1 =	rddreg [dreg:$0xe];
	[sflag:s12] =	ssyncadd.s32 $0xFFFFEC00  }
0x106: {  	[hbm4b:s1+s0] =	stream.linear.scatter [tilespmem:s11], [sflag:$0x3], $0x1400, $0x38;
	[tilespmem:$0x1FC00] =	vst v63  }
0x107: {  	_ =	swait.ge [sflag:s12], $0x1400  }
0x108: {  	[sflag:s12] =	ssyncset.done $0x0  }
0x109: {  	[sflag:s12] =	ssyncadd.s32 $0xFFFFEC00  }
0x10a: {  	[tilespmem:s11], [sflag:$0x3] =	stream.linear.gather [spmem:s6], $0x1400, $0x38;
	[tilespmem:$0x1FC00] =	vst v63  }
0x10b: {  	_ =	swait.ge [sflag:s12], $0x1400  }
0x10c: {  	[sflag:s12] =	ssyncset.done $0x0  }
0x10d: {  	s24 =	smov.u32 s3;
	s3 =	rddreg [dreg:$0xf];
	[sflag:s12] =	ssyncadd.s32 $0xFFFFEC00  }
0x10e: {  	[hbm4b:s3+s0] =	stream.linear.scatter [tilespmem:s11], [sflag:$0x3], $0x1400, $0x38;
	[tilespmem:$0x1FC00] =	vst v63  }
0x10f: {  	_ =	swait.ge [sflag:s12], $0x1400  }
0x110: {  	[sflag:s12] =	ssyncset.done $0x0  }
0x111: {  	s3 =	rddreg [dreg:$0x15];
	[sflag:s12] =	ssyncadd.s32 $0xFFFFEC00  }
0x112: {  	[tilespmem:s11], [sflag:$0x3] =	stream.linear.gather [spmem:s3], $0x1400, $0x38;
	[tilespmem:$0x1FC00] =	vst v63  }
0x113: {  	_ =	swait.ge [sflag:s12], $0x1400  }
0x114: {  	[sflag:s12] =	ssyncset.done $0x0  }
0x115: {  	s4 =	rddreg [dreg:$0x10];
	[sflag:s12] =	ssyncadd.s32 $0xFFFFEC00  }
0x116: {  	[hbm4b:s4+s0] =	stream.linear.scatter [tilespmem:s11], [sflag:$0x3], $0x1400, $0x38;
	[tilespmem:$0x1FC00] =	vst v63  }
0x117: {  	_ =	swait.ge [sflag:s12], $0x1400  }
0x118: {  	[sflag:s12] =	ssyncset.done $0x0  }
0x119: {  	s1 =	rddreg [dreg:$0x16];
	[sflag:s12] =	ssyncadd.s32 $0xFFFFEC00  }
0x11a: {  	[tilespmem:s11], [sflag:$0x3] =	stream.linear.gather [spmem:s1], $0x1400, $0x38;
	[tilespmem:$0x1FC00] =	vst v63  }
0x11b: {  	_ =	swait.ge [sflag:s12], $0x1400  }
0x11c: {  	[sflag:s12] =	ssyncset.done $0x0  }
0x11d: {  	s25 =	smov.u32 s5;
	s5 =	rddreg [dreg:$0x11];
	[sflag:s12] =	ssyncadd.s32 $0xFFFFEC00  }
0x11e: {  	[hbm4b:s5+s0] =	stream.linear.scatter [tilespmem:s11], [sflag:$0x3], $0x1400, $0x38;
	[tilespmem:$0x1FC00] =	vst v63  }
0x11f: {  	_ =	swait.ge [sflag:s12], $0x1400  }
0x120: {  	[sflag:s12] =	ssyncset.done $0x0  }
0x121: {  	s5 =	rddreg [dreg:$0x17];
	[sflag:s12] =	ssyncadd.s32 $0xFFFFEC00  }
0x122: {  	[tilespmem:s11], [sflag:$0x3] =	stream.linear.gather [spmem:s5], $0x1400, $0x38;
	[tilespmem:$0x1FC00] =	vst v63  }
0x123: {  	_ =	swait.ge [sflag:s12], $0x1400  }
0x124: {  	s30 =	smov.u32 s31;
	[sflag:s12] =	ssyncset.done $0x0  }
0x125: {  	s31 =	smov.u32 s6;
	s6 =	rddreg [dreg:$0x12];
	[sflag:s12] =	ssyncadd.s32 $0xFFFFEC00  }
0x126: {  	[hbm4b:s6+s0] =	stream.linear.scatter [tilespmem:s11], [sflag:$0x3], $0x1400, $0x38;
	[tilespmem:$0x1FC00] =	vst v63  }
0x127: {  	_ =	swait.ge [sflag:s12], $0x1400  }
0x128: {  	[sflag:s12] =	ssyncset.done $0x0  }
0x129: {  	s6 =	rddreg [dreg:$0x18];
	[sflag:s12] =	ssyncadd.s32 $0xFFFFEC00  }
0x12a: {  	[tilespmem:s11], [sflag:$0x3] =	stream.linear.gather [spmem:s6], $0x1400, $0x38;
	[tilespmem:$0x1FC00] =	vst v63  }
0x12b: {  	_ =	swait.ge [sflag:s12], $0x1400  }
0x12c: {  	[sflag:s12] =	ssyncset.done $0x0  }
0x12d: {  	s23 =	rddreg [dreg:$0x13];
	[sflag:s12] =	ssyncadd.s32 $0xFFFFEC00  }
0x12e: {  	[hbm4b:s23+s0] =	stream.linear.scatter [tilespmem:s11], [sflag:$0x3], $0x1400, $0x38;
	[tilespmem:$0x1FC00] =	vst v63  }
0x12f: {  	_ =	swait.ge [sflag:s12], $0x1400  }
0x130: {  	s20 =	sadd.s32 $0x1, s20;
	s26 =	rddreg [dreg:$0x1b]  }
0x131: {  	p0 =	sne.s32 s20, s26  }
.Ltmp1:
0x132: {  	_ = 	snop;
	(pc) =	sbr.rel @p0 .LBB2_1-.Ltmp1, $3  }
0x133: {  	_ =	sdelay $0x1  }
0x134: {  	[sflag:s12] =	ssyncset.done $0x0  }
0x135: {  	s4 =	smov.u32 s2;
	[sflag:s12] =	ssyncadd.s32 $0xFFFFEC00  }
0x136: {  	_ =	sfence.sel $0x180000  }
0x137: {  	[bflag:$0x0] =	sbarrier.arrive $0xFFFF  }
0x138: {  	_ =	strace $0x9000004A  }
0x139: {  	s0 =	stileid.u32;
	[bflag:$0x2] =	sbarrier.arrive $0xFFFF  }
0x13a: {  	p0 =	sne.s32 s0, $0x0;
	s0 =	rddreg [dreg:$0x2]  }
0x13b: {  	s0 =	sadd.s32 @!p0 $0x100000, s0  }
0x13c: {  	[sflag:s0] =	ssyncadd.tile.s32 @!p0 $0x1;
	_ =	shalt  }
.Lfunc_end2:
_tile_overlayer_lowered:
.L_overlay_start_2:
0x13d: {  	(tag) =	ssettag $0x2  }
0x13e: {  	s0 =	rddreg [dreg:$0x0];
	s2 =	stileid.u32  }
0x13f: {  	s1 =	rddreg [dreg:$0x1];
	p0 =	sne.s32 s2, $0x0  }
0x140: {  	s3 =	rddreg [dreg:$0x2];
	[bflag:$0x3] =	sbarrier.arrive $0xFFFF;
	s2 =	simm.s32 @!p0 $0x1C03  }
0x141: {  	[timem:s3], [sflag:s2] =	dma.local @!p0 [hbm:s0], s1  }
0x142: {  	s0 =	simm.s32 @!p0 $0x3  }
0x143: {  	_ =	swait.ge @!p0 [sflag:s0], s1  }
0x144: {  	s1 =	ssub.s32 @!p0 $0x0, s1;
	[sflag:s0] =	ssyncset.done @!p0 $0x0  }
0x145: {  	[sflag:s0] =	ssyncadd.s32 @!p0 s1  }
0x146: {  	[bflag:$0x3] =	sbarrier.arrive $0xFFFF  }
0x147: {  	_ =	shalt  }

// kernel: kernel.17.cloned.1.call-start
scs
__scs_entry_jumppad:
0x0: {  	(pc) =	sbr.rel $0x88, $3  }
0x1: {  	(tag) =	ssettag $0x0;
	lr =	simm.s32 $0x1  }
0x2: {  	[smem:$0x3F8F] =	sst lr;
	_ =	strace $0xD0000000  }
0x3: {  	_ = 	snop  }
0x4: {  	_ = 	snop  }
0x5: {  	_ = 	snop  }
0x6: {  	_ = 	snop  }
0x7: {  	_ = 	snop  }
__scs_overlays_trampoline_lowered:
0x8: {  	[smem:$0x3F9E] =	sst s0  }
0x9: {  	[smem:$0x3F9F] =	sst s1  }
0xa: {  	[smem:$0x3FA0] =	sst s2  }
0xb: {  	[smem:$0x3FA1] =	sst s3  }
0xc: {  	[smem:$0x3FA2] =	sst s4  }
0xd: {  	[smem:$0x3FA3] =	sst s5  }
0xe: {  	[smem:$0x3FA4] =	sst s6  }
0xf: {  	[smem:$0x3FA5] =	sst s7  }
0x10: {  	[smem:$0x3FA6] =	sst s8  }
0x11: {  	[smem:$0x3FA7] =	sst s9;
	s0 =	simm.s32 @!p0 $0x0  }
0x12: {  	s1 =	sld [smem:$0x3F8D];
	s0 =	simm.s32 @p0 $0x1  }
0x13: {  	[smem:$0x3FA8] =	sst s0;
	s0 =	simm.s32 @!p1 $0x0  }
0x14: {  	s2 =	sld [smem:$0x3F8C];
	s0 =	simm.s32 @p1 $0x1  }
0x15: {  	[smem:$0x3FA9] =	sst s0;
	s0 =	simm.s32 @!p2 $0x0  }
0x16: {  	s3 =	sld [smem:$0x3FDB];
	s0 =	simm.s32 @p2 $0x1  }
0x17: {  	s4 =	simm.s32 $0x1BF5;
	[smem:$0x3FAB] =	sst s0  }
0x18: {  	s0 =	sld [smem:$0x3F8E];
	_ =	swait.ge [sflag:s4], $0x0  }
0x19: {  	s7 =	sld [smem:$0x3F8F]  }
0x1a: {  	s8 =	sadd.s32 $0xFFFFE003, lr  }
0x1b: {  	s9 =	sadd.s32 $0xFFFFFEF7, lr;
	s5 =	simm.s32 $0xFFFFFFFF;
	p2 =	slt.u32 s8, $0xFFFFF086  }
0x1c: {  	p1 =	slt.u32 s9, $0xF7A;
	s5 =	simm.s32 @!p2 $0x0  }
0x1d: {  	s5 =	simm.s32 @p1 $0x1;
	p0 =	seq.s32 s7, s2  }
0x1e: {  	s7 =	smul.u32 @!p0 $0xF7A, s2;
	p2 =	seq.s32 @!p0 s5, $0x0  }
0x1f: {  	s9 =	smul.u32 $0xF7A, s1;
	s8 =	simm.s32 @!p0 $0x1BF5;
	p2 =	por !p2, p0  }
0x20: {  	[sflag:s8] =	ssyncset.s32 @!p0 $0xFFFFF086;
	s6 =	sadd.s32 @!p0 s3, s7;
	s7 =	simm.s32 @!p0 $0x108  }
0x21: {  	s3 =	sadd.s32 s3, s9;
	s6 =	sadd.s32 @!p0 $0x88, s6;
	s7 =	simm.s32 @p2 $0x1082  }
0x22: {  	[simem:s7], [sflag:s8] =	dma.local @!p0 [hbm:s6], $0xF7A  }
0x23: {  	s9 =	sor.u32 $0xD0000000, s2;
	s6 =	simm.s32 $0x108;
	_ =	swait.ge @!p0 [sflag:s8], $0x0  }
0x24: {  	s3 =	sadd.s32 $0x88, s3;
	s6 =	simm.s32 @!p1 $0x1082;
	[sflag:s4] =	ssyncset.s32 $0xFFFFF086  }
0x25: {  	[simem:s6], [sflag:s4] =	dma.local [hbm:s3], $0xF7A  }
0x26: {  	[smem:$0x3F8F] =	sst s1;
	(tag) =	ssettag s2;
	_ =	strace s9  }
0x27: {  	s1 =	sld [smem:$0x3F9F]  }
0x28: {  	s2 =	sld [smem:$0x3FA0]  }
0x29: {  	s4 =	sld [smem:$0x3FA2]  }
0x2a: {  	p0 =	seq.s32 s5, $0x0;
	s5 =	sld [smem:$0x3FA3]  }
0x2b: {  	s6 =	sld [smem:$0x3FA4]  }
0x2c: {  	s7 =	sld [smem:$0x3FA5]  }
0x2d: {  	s3 =	simm.s32 $0x108;
	s8 =	sld [smem:$0x3FA6]  }
0x2e: {  	s3 =	simm.s32 @!p0 $0x1082;
	s9 =	sld [smem:$0x3FA7]  }
0x2f: {  	lr =	sadd.s32 s0, s3;
	s0 =	sld [smem:$0x3F9E]  }
0x30: {  	s3 =	sld [smem:$0x3FA1]  }
0x31: {  	[smem:$0x3FAA] =	sst s10  }
0x32: {  	s10 =	sld [smem:$0x3FA8];
	_ =	sdelay $0x3  }
0x33: {  	p0 =	seq.s32 s10, $0x1;
	s10 =	sld [smem:$0x3FAA];
	_ =	sdelay $0x3  }
0x34: {  	[smem:$0x3FAA] =	sst s10  }
0x35: {  	s10 =	sld [smem:$0x3FA9];
	_ =	sdelay $0x3  }
0x36: {  	p1 =	seq.s32 s10, $0x1;
	s10 =	sld [smem:$0x3FAA];
	_ =	sdelay $0x3  }
0x37: {  	[smem:$0x3FAA] =	sst s10  }
0x38: {  	s10 =	sld [smem:$0x3FAB]  }
0x39: {  	_ = 	snop;
	(pc) =	sbr.ind lr, $3  }
0x3a: {  	_ = 	snop  }
0x3b: {  	_ = 	snop  }
0x3c: {  	p2 =	seq.s32 s10, $0x1;
	s10 =	sld [smem:$0x3FAA]  }
0x3d: {  	_ =	shalt  }
0x3e: {  	_ =	shalt  }
0x3f: {  	_ =	shalt  }
0x40: {  	_ =	shalt  }
0x41: {  	_ =	shalt  }
0x42: {  	_ =	shalt  }
0x43: {  	_ =	shalt  }
0x44: {  	_ =	shalt  }
0x45: {  	_ =	shalt  }
0x46: {  	_ =	shalt  }
0x47: {  	_ =	shalt  }
0x48: {  	_ =	shalt  }
0x49: {  	_ =	shalt  }
0x4a: {  	_ =	shalt  }
0x4b: {  	_ =	shalt  }
0x4c: {  	_ =	shalt  }
0x4d: {  	_ =	shalt  }
0x4e: {  	_ =	shalt  }
0x4f: {  	_ =	shalt  }
0x50: {  	_ =	shalt  }
0x51: {  	_ =	shalt  }
0x52: {  	_ =	shalt  }
0x53: {  	_ =	shalt  }
0x54: {  	_ =	shalt  }
0x55: {  	_ =	shalt  }
0x56: {  	_ =	shalt  }
0x57: {  	_ =	shalt  }
0x58: {  	_ =	shalt  }
0x59: {  	_ =	shalt  }
0x5a: {  	_ =	shalt  }
0x5b: {  	_ =	shalt  }
0x5c: {  	_ =	shalt  }
0x5d: {  	_ =	shalt  }
0x5e: {  	_ =	shalt  }
0x5f: {  	_ =	shalt  }
0x60: {  	_ =	shalt  }
0x61: {  	_ =	shalt  }
0x62: {  	_ =	shalt  }
0x63: {  	_ =	shalt  }
0x64: {  	_ =	shalt  }
0x65: {  	_ =	shalt  }
0x66: {  	_ =	shalt  }
0x67: {  	_ =	shalt  }
0x68: {  	_ =	shalt  }
0x69: {  	_ =	shalt  }
0x6a: {  	_ =	shalt  }
0x6b: {  	_ =	shalt  }
0x6c: {  	_ =	shalt  }
0x6d: {  	_ =	shalt  }
0x6e: {  	_ =	shalt  }
0x6f: {  	_ =	shalt  }
0x70: {  	_ =	shalt  }
0x71: {  	_ =	shalt  }
0x72: {  	_ =	shalt  }
0x73: {  	_ =	shalt  }
0x74: {  	_ =	shalt  }
0x75: {  	_ =	shalt  }
0x76: {  	_ =	shalt  }
0x77: {  	_ =	shalt  }
0x78: {  	_ =	shalt  }
0x79: {  	_ =	shalt  }
0x7a: {  	_ =	shalt  }
0x7b: {  	_ =	shalt  }
0x7c: {  	_ =	shalt  }
0x7d: {  	_ =	shalt  }
0x7e: {  	_ =	shalt  }
0x7f: {  	_ =	shalt  }
0x80: {  	_ =	shalt  }
0x81: {  	_ =	shalt  }
0x82: {  	_ =	shalt  }
0x83: {  	_ =	shalt  }
0x84: {  	_ =	shalt  }
0x85: {  	_ =	shalt  }
0x86: {  	_ =	shalt  }
0x87: {  	_ =	shalt  }
.Lfunc_end0:
.L_simem_size_0:
called_computation.2_lowered:
.L_overlay_start_0:
0x88: {  	s2 =	sld [smem:$0x3FD9]  }
0x89: {  	s3 =	sld [smem:$0x3FFE];
	_ =	sdelay $0x1  }
0x8a: {  	s1 =	srdreg.scid  }
0x8b: {  	s0 =	sand.u32 $0x1, s1  }
0x8c: {  	s14 =	sshll.u32 s0, $0xA;
	s2 =	sadd.s32 s3, s2  }
0x8d: {  	s2 =	sadd.s32 s2, s14  }
0x8e: {  	[smem:$0x3FB6] =	sst s2  }
0x8f: {  	_ = 	snop  }
0x90: {  	s2 =	sld [smem:$0x3FD0];
	_ =	sdelay $0x2  }
0x91: {  	s15 =	simm.s32 $0xA;
	s4 =	simm.s32 $0x10  }
0x92: {  	[smem:s4], [sflag:s15] =	dma.local [hbm:s2], $0x1  }
0x93: {  	_ =	swait.eq [sflag:s15], $0x1  }
0x94: {  	[sflag:s15] =	ssyncset.done $0x0  }
0x95: {  	[sflag:s15] =	ssyncadd.s32 $0xFFFFFFFF  }
0x96: {  	s16 =	sld [smem:$0x11];
	(tm) =	ssettm $0x1  }
0x97: {  	s17 =	sld [smem:$0x3FFB];
	_ =	sdelay $0x3  }
0x98: {  	_ =	strace s17  }
0x99: {  	s3 =	sld [smem:$0x3FFC];
	_ =	sdelay $0x3  }
0x9a: {  	_ =	strace s3  }
0x9b: {  	s3 =	sld [smem:$0x3FFD];
	_ =	sdelay $0x3  }
0x9c: {  	_ =	strace s3  }
0x9d: {  	_ =	strace $0x8FFFFFFF  }
0x9e: {  	s18 =	sld [smem:$0x3FDB];
	_ =	sdelay $0x1  }
0x9f: {  	s19 =	simm.s32 $_scs_section_size  }
0xa0: {  	s5 =	simm.s32 $_size__tile_overlayer_lowered;
	s6 =	simm.s32 $_tile_overlayer_lowered  }
0xa1: {  	s22 =	simm.s32 $0x1BFF;
	s21 =	sshll.u32 s6, $0x1;
	s3 =	sadd.s32 s19, s18  }
0xa2: {  	s7 =	simm.s32 $0x0;
	s20 =	sshll.u32 s5, $0x1;
	s5 =	sadd.s32 s21, s3  }
0xa3: {  	[timem:s7], [sflag:s22] =	dma.local [hbm:s5], s20  }
0xa4: {  	_ =	swait.ge [sflag:s22], s20  }
0xa5: {  	s4 =	ssub.s32 $0x0, s20;
	[sflag:s22] =	ssyncset.done $0x0  }
0xa6: {  	[sflag:s22] =	ssyncadd.s32 s4;
	_ =	sdelay $0x1  }
0xa7: {  	s23 =	simm.s32 $0x1B8B  }
0xa8: {  	_ =	swait.ge [sflag:s23], $0x1  }
0xa9: {  	[sflag:s23] =	ssyncset.done $0x0  }
0xaa: {  	s25 =	simm.s32 $0x1B8E;
	s24 =	sld [smem:$0x3FFE];
	[sflag:s23] =	ssyncadd.s32 $0xFFFFFFFF  }
0xab: {  	s26 =	simm.s32 $execute0_lowered;
	[smem:$0x3FD2] =	sst s25  }
0xac: {  	s5 =	sshll.u32 s26, $0x1;
	_ =	strace $0x8000004C;
	[dreg:$0x1] =	wrdreg $0xFFFFFFFF  }
0xad: {  	s28 =	simm.s32 $_size_execute0_lowered;
	s3 =	sadd.s32 s3, s5;
	[dreg:$0x0] =	wrdreg $0x0  }
0xae: {  	s5 =	sshll.u32 s28, $0x1;
	[dreg:$0x2] =	wrdreg s3  }
0xaf: {  	[dreg:$0x3] =	wrdreg s5  }
0xb0: {  	[dreg:$0x4] =	wrdreg $0xC0  }
0xb1: {  	_ =	task [dreg:s7], $0x5FFFF  }
0xb2: {  	[dreg:$0x1] =	wrdreg $0xFFFFFFFF  }
0xb3: {  	[dreg:$0x0] =	wrdreg $0x60  }
0xb4: {  	[dreg:$0x2] =	wrdreg s16  }
0xb5: {  	[dreg:$0x3] =	wrdreg s24  }
0xb6: {  	[dreg:$0x4] =	wrdreg $0x9  }
0xb7: {  	_ =	task.clear_ibuf [dreg:s7], $0x5FFFF;
	_ =	strace $0x9000004C  }
0xb8: {  	s29 =	simm.s32 $0x9;
	_ =	strace $0x8000004E  }
0xb9: {  	_ =	swait.ge [sflag:s29], $0x1  }
0xba: {  	[sflag:s29] =	ssyncadd.s32 $0xFFFFFFFF  }
0xbb: {  	_ =	strace $0x9000004E  }
0xbc: {  	_ =	sfence  }
0xbd: {  	s30 =	sld [smem:$0x0];
	_ =	sdelay $0x2  }
0xbe: {  	s31 =	sshll.u32 s1, $0xD;
	s1 =	sshrl.u32 s1, $0x2  }
0xbf: {  	s3 =	sand.u32 $0x4000, s31;
	s1 =	sadd.s32 s1, s30  }
0xc0: {  	s0 =	sor.u32 s3, s0;
	s1 =	sshll.u32 s1, $0x11  }
0xc1: {  	s0 =	sor.u32 s1, s0  }
0xc2: {  	s0 =	sadd.s32 $0x8F2B, s0  }
0xc3: {  	[sflag:s0] =	ssyncadd.remote.s32 $0x1  }
0xc4: {  	_ =	sfence.sel $0xFFFF  }
0xc5: {  	[dreg:$0x0] =	wrdreg $0xFFFFFFFF;
	(pc) =	sbr.abs _section_cstart, $3  }
0xc6: {  	[dreg:$0x1] =	wrdreg $0xFFFFFFFF  }
0xc7: {  	_ =	task.clear_ibuf [dreg:s7], $0x2FFFF;
	_ =	strace $0x9FFFFFFF  }
0xc8: {  	(tm) =	ssettm $0x7FFFFFFF  }
0xc9: {  	_ =	shalt  }
tec
execute0_lowered:
.L_overlay_start_1:
0x0: {  	(tag) =	ssettag $0x1  }
0x1: {  	s2 =	rddreg [dreg:$0x0]  }
0x2: {  	s0 =	rddreg [dreg:$0x1]  }
0x3: {  	s1 =	srdreg.scid;
	s11 =	stileid.u32  }
0x4: {  	s3 =	simm.s32 $0x0;
	s15 =	simm.s32 $0x5;
	s16 =	simm.s32 $0x4000  }
0x5: {  	s17 =	simm.s32 $0x50;
	s18 =	simm.s32 $0x8000;
	s19 =	simm.s32 $0xD000  }
0x6: {  	s21 =	simm.s32 $0xA800;
	s23 =	simm.s32 $0xF800;
	s24 =	simm.s32 $0x1  }
0x7: {  	s25 =	simm.s32 $0x2;
	s26 =	simm.s32 $0x3;
	s28 =	simm.s32 $0x4  }
0x8: {  	s31 =	simm.s32 $0x0;
	s1 =	sand.u32 $0x1, s1;
	s4 =	sshll.u32 s11, $0x1  }
0x9: {  	[smem:$0x7FF] =	sst s3;
	s14 =	smul.u32 $0x4E200, s11;
	s6 =	sor.u32 s1, s4  }
0xa: {  	_ =	strace $0x8000004D;
	s30 =	ssub.s32 $0x2, s1;
	s1 =	smul.u32 $0x27100, s1  }
0xb: {  	s13 =	sadd.s32 $0x26400, s0;
	s4 =	sshll.u32 s6, $0xB;
	s7 =	smul.u32 $0x138800, s6  }
0xc: {  	s8 =	sshrl.u32 s30, $0x1;
	s10 =	smul.u32 $0x27100, s6;
	s5 =	sadd.s32 s4, s0  }
0xd: {  	s0 =	sadd.s32 $0xEEC000, s0;
	s8 =	ssub.s32 s30, s8;
	s4 =	sadd.s32 $0x6000, s5  }
0xe: {  	s7 =	sshrl.u32 s7, $0x3;
	s5 =	sadd.s32 $0x16000, s5;
	s9 =	sadd.s32 s13, s10  }
0xf: {  	s12 =	sadd.s32 $0x500, s10;
	s10 =	sadd.s32 s0, s10;
	s7 =	sadd.s32 $0x26C00, s7  }
0x10: {  	s11 =	sadd.s32 s13, s12;
	s12 =	sadd.s32 s0, s12;
	s6 =	sadd.s32 s13, s7  }
0x11: {  	s7 =	sadd.s32 s0, s7;
	s13 =	sadd.s32 s14, s13;
	s0 =	sadd.s32 s14, s0  }
0x12: {  	s8 =	smax.u32 s8, $0x1;
	s13 =	sadd.s32 s1, s13;
	s14 =	sadd.s32 s1, s0  }
.LBB2_1:
0x13: {  	[tilespmem:s3], [sflag:$0x5] =	stream.linear.gather [hbm4b:s4+s3], $0x3E80, $0x38;
	[tilespmem:$0x12000] =	vst v63  }
0x14: {  	_ =	swait.ge [sflag:s15], $0x3E80  }
0x15: {  	[sflag:s15] =	ssyncset.done $0x0  }
0x16: {  	[sflag:s15] =	ssyncadd.s32 $0xFFFFC180  }
0x17: {  	[tilespmem:s16], [sflag:$0x5] =	stream.linear.gather [hbm4b:s5+s3], $0x3E80, $0x38;
	[tilespmem:$0x12000] =	vst v63  }
0x18: {  	_ =	swait.ge [sflag:s15], $0x3E80  }
0x19: {  	[sflag:s15] =	ssyncset.done $0x0  }
0x1a: {  	[sflag:s15] =	ssyncadd.s32 $0xFFFFC180  }
0x1b: {  	[tilespmem:s18], [sflag:$0x1] =	stream.indirect.gather [hbm4b:s2+s17], $0x80, s3, s17, $0xb8;
	[tilespmem:$0x12000] =	vst v63  }
0x1c: {  	_ = 	snop  }
0x1d: {  	[tilespmem:s19], [sflag:$0x1] =	stream.indirect.gather [hbm4b:s2+s17], $0x80, s16, s17, $0xb8;
	[tilespmem:$0x12000] =	vst v63  }
0x1e: {  	s0 =	simm.s32 $0x80  }
0x1f: {  	[tilespmem:s21], [sflag:$0x2] =	stream.indirect.gather [hbm4b:s2+s17], $0x80, s0, s17, $0xb8;
	[tilespmem:$0x12000] =	vst v63  }
0x20: {  	s29 =	simm.s32 $0x4080  }
0x21: {  	[tilespmem:s23], [sflag:$0x2] =	stream.indirect.gather [hbm4b:s2+s17], $0x80, s29, s17, $0xb8;
	[tilespmem:$0x12000] =	vst v63  }
0x22: {  	_ =	swait.ge [sflag:s24], $0x2800  }
0x23: {  	[sflag:s24] =	ssyncset.done $0x0  }
0x24: {  	[sflag:s24] =	ssyncadd.s32 $0xFFFFD800  }
0x25: {  	_ =	swait.ge [sflag:s24], $0x2800  }
0x26: {  	[sflag:s24] =	ssyncset.done $0x0  }
0x27: {  	[sflag:s24] =	ssyncadd.s32 $0xFFFFD800  }
0x28: {  	[hbm4b:s9+s3] =	stream.linear.scatter [tilespmem:s18], [sflag:$0x3], $0x2800, $0x38;
	[tilespmem:$0x12000] =	vst v63  }
0x29: {  	_ = 	snop  }
0x2a: {  	[hbm4b:s10+s3] =	stream.linear.scatter [tilespmem:s19], [sflag:$0x3], $0x2800, $0x38;
	[tilespmem:$0x12000] =	vst v63  }
0x2b: {  	_ =	swait.ge [sflag:s25], $0x2800  }
0x2c: {  	[sflag:s25] =	ssyncset.done $0x0  }
0x2d: {  	[sflag:s25] =	ssyncadd.s32 $0xFFFFD800  }
0x2e: {  	_ =	swait.ge [sflag:s25], $0x2800  }
0x2f: {  	[sflag:s25] =	ssyncset.done $0x0  }
0x30: {  	[sflag:s25] =	ssyncadd.s32 $0xFFFFD800  }
0x31: {  	[hbm4b:s11+s3] =	stream.linear.scatter [tilespmem:s21], [sflag:$0x4], $0x2800, $0x38;
	[tilespmem:$0x12000] =	vst v63  }
0x32: {  	_ = 	snop  }
0x33: {  	[hbm4b:s12+s3] =	stream.linear.scatter [tilespmem:s23], [sflag:$0x4], $0x2800, $0x38;
	[tilespmem:$0x12000] =	vst v63  }
0x34: {  	_ =	swait.ge [sflag:s26], $0x2800  }
0x35: {  	[sflag:s26] =	ssyncset.done $0x0  }
0x36: {  	[sflag:s26] =	ssyncadd.s32 $0xFFFFD800  }
0x37: {  	_ =	swait.ge [sflag:s26], $0x2800  }
0x38: {  	[sflag:s26] =	ssyncset.done $0x0  }
0x39: {  	[sflag:s26] =	ssyncadd.s32 $0xFFFFD800  }
0x3a: {  	_ =	swait.ge [sflag:s28], $0x2800  }
0x3b: {  	[sflag:s28] =	ssyncset.done $0x0  }
0x3c: {  	[sflag:s28] =	ssyncadd.s32 $0xFFFFD800  }
0x3d: {  	_ =	swait.ge [sflag:s28], $0x2800  }
0x3e: {  	[sflag:s28] =	ssyncset.done $0x0  }
0x3f: {  	s30 =	simm.s32 $0x100;
	[sflag:s28] =	ssyncadd.s32 $0xFFFFD800  }
0x40: {  	[tilespmem:s18], [sflag:$0x1] =	stream.indirect.gather [hbm4b:s2+s17], $0x80, s30, s17, $0xb8;
	[tilespmem:$0x12000] =	vst v63  }
0x41: {  	s1 =	simm.s32 $0x4100  }
0x42: {  	[tilespmem:s19], [sflag:$0x1] =	stream.indirect.gather [hbm4b:s2+s17], $0x80, s1, s17, $0xb8;
	[tilespmem:$0x12000] =	vst v63  }
0x43: {  	s20 =	simm.s32 $0x180  }
0x44: {  	[tilespmem:s21], [sflag:$0x2] =	stream.indirect.gather [hbm4b:s2+s17], $0x80, s20, s17, $0xb8;
	[tilespmem:$0x12000] =	vst v63  }
0x45: {  	s22 =	simm.s32 $0x4180  }
0x46: {  	[tilespmem:s23], [sflag:$0x2] =	stream.indirect.gather [hbm4b:s2+s17], $0x80, s22, s17, $0xb8;
	[tilespmem:$0x12000] =	vst v63  }
0x47: {  	_ =	swait.ge [sflag:s24], $0x2800  }
0x48: {  	[sflag:s24] =	ssyncset.done $0x0  }
0x49: {  	[sflag:s24] =	ssyncadd.s32 $0xFFFFD800  }
0x4a: {  	_ =	swait.ge [sflag:s24], $0x2800  }
0x4b: {  	s29 =	sadd.s32 $0x0, s13;
	[sflag:s24] =	ssyncset.done $0x0  }
0x4c: {  	s1 =	sadd.s32 $0xA00, s29;
	s20 =	sadd.s32 $0x0, s14;
	[sflag:s24] =	ssyncadd.s32 $0xFFFFD800  }
0x4d: {  	[hbm4b:s1+s3] =	stream.linear.scatter [tilespmem:s18], [sflag:$0x3], $0x2800, $0x38;
	[tilespmem:$0x12000] =	vst v63  }
0x4e: {  	s30 =	sadd.s32 $0xA00, s20  }
0x4f: {  	[hbm4b:s30+s3] =	stream.linear.scatter [tilespmem:s19], [sflag:$0x3], $0x2800, $0x38;
	[tilespmem:$0x12000] =	vst v63  }
0x50: {  	_ =	swait.ge [sflag:s25], $0x2800  }
0x51: {  	[sflag:s25] =	ssyncset.done $0x0  }
0x52: {  	[sflag:s25] =	ssyncadd.s32 $0xFFFFD800  }
0x53: {  	_ =	swait.ge [sflag:s25], $0x2800  }
0x54: {  	[sflag:s25] =	ssyncset.done $0x0  }
0x55: {  	s0 =	sadd.s32 $0xF00, s29;
	s22 =	sadd.s32 $0xF00, s20;
	[sflag:s25] =	ssyncadd.s32 $0xFFFFD800  }
0x56: {  	[hbm4b:s0+s3] =	stream.linear.scatter [tilespmem:s21], [sflag:$0x4], $0x2800, $0x38;
	[tilespmem:$0x12000] =	vst v63  }
0x57: {  	s20 =	simm.s32 $0x200;
	s1 =	simm.s32 $0x4200;
	s0 =	simm.s32 $0xA00  }
.LBB2_2:
0x58: {  	[hbm4b:s22+s3] =	stream.linear.scatter [tilespmem:s23], [sflag:$0x4], $0x2800, $0x38;
	[tilespmem:$0x12000] =	vst v63  }
0x59: {  	s22 =	smov.u32 s0  }
0x5a: {  	p0 =	sne.s32 s0, $0x25800;
	s0 =	sadd.s32 $0xA00, s0;
	_ =	swait.ge [sflag:s26], $0x2800  }
0x5b: {  	[sflag:s26] =	ssyncset.done $0x0  }
0x5c: {  	[sflag:s26] =	ssyncadd.s32 $0xFFFFD800  }
0x5d: {  	_ =	swait.ge [sflag:s26], $0x2800  }
0x5e: {  	[sflag:s26] =	ssyncset.done $0x0  }
0x5f: {  	[sflag:s26] =	ssyncadd.s32 $0xFFFFD800  }
0x60: {  	_ =	swait.ge [sflag:s28], $0x2800  }
0x61: {  	[sflag:s28] =	ssyncset.done $0x0  }
0x62: {  	[sflag:s28] =	ssyncadd.s32 $0xFFFFD800  }
0x63: {  	_ =	swait.ge [sflag:s28], $0x2800  }
0x64: {  	[sflag:s28] =	ssyncset.done $0x0  }
0x65: {  	[sflag:s28] =	ssyncadd.s32 $0xFFFFD800  }
0x66: {  	[tilespmem:s18], [sflag:$0x1] =	stream.indirect.gather [hbm4b:s2+s17], $0x80, s20, s17, $0xb8;
	[tilespmem:$0x12000] =	vst v63  }
0x67: {  	_ = 	snop  }
0x68: {  	[tilespmem:s19], [sflag:$0x1] =	stream.indirect.gather [hbm4b:s2+s17], $0x80, s1, s17, $0xb8;
	[tilespmem:$0x12000] =	vst v63  }
0x69: {  	s29 =	sadd.s32 $0x80, s20  }
0x6a: {  	[tilespmem:s21], [sflag:$0x2] =	stream.indirect.gather [hbm4b:s2+s17], $0x80, s29, s17, $0xb8;
	[tilespmem:$0x12000] =	vst v63  }
0x6b: {  	s29 =	sadd.s32 $0x80, s1  }
0x6c: {  	[tilespmem:s23], [sflag:$0x2] =	stream.indirect.gather [hbm4b:s2+s17], $0x80, s29, s17, $0xb8;
	[tilespmem:$0x12000] =	vst v63  }
0x6d: {  	_ =	swait.ge [sflag:s24], $0x2800  }
0x6e: {  	[sflag:s24] =	ssyncset.done $0x0  }
0x6f: {  	[sflag:s24] =	ssyncadd.s32 $0xFFFFD800  }
0x70: {  	_ =	swait.ge [sflag:s24], $0x2800  }
0x71: {  	s29 =	sadd.s32 s22, s13;
	[sflag:s24] =	ssyncset.done $0x0  }
0x72: {  	s22 =	sadd.s32 s22, s14;
	s30 =	sadd.s32 $0xA00, s29;
	[sflag:s24] =	ssyncadd.s32 $0xFFFFD800  }
0x73: {  	[hbm4b:s30+s3] =	stream.linear.scatter [tilespmem:s18], [sflag:$0x3], $0x2800, $0x38;
	[tilespmem:$0x12000] =	vst v63  }
0x74: {  	s30 =	sadd.s32 $0xA00, s22  }
0x75: {  	[hbm4b:s30+s3] =	stream.linear.scatter [tilespmem:s19], [sflag:$0x3], $0x2800, $0x38;
	[tilespmem:$0x12000] =	vst v63  }
0x76: {  	_ =	swait.ge [sflag:s25], $0x2800  }
0x77: {  	[sflag:s25] =	ssyncset.done $0x0  }
0x78: {  	[sflag:s25] =	ssyncadd.s32 $0xFFFFD800  }
.Ltmp0:
0x79: {  	_ =	swait.ge [sflag:s25], $0x2800;
	(pc) =	sbr.rel @p0 .LBB2_2-.Ltmp0, $4  }
0x7a: {  	[sflag:s25] =	ssyncset.done $0x0  }
0x7b: {  	s29 =	sadd.s32 $0xF00, s29;
	[sflag:s25] =	ssyncadd.s32 $0xFFFFD800  }
0x7c: {  	[hbm4b:s29+s3] =	stream.linear.scatter [tilespmem:s21], [sflag:$0x4], $0x2800, $0x38;
	[tilespmem:$0x12000] =	vst v63  }
0x7d: {  	s20 =	sadd.s32 $0x100, s20;
	s1 =	sadd.s32 $0x100, s1;
	s22 =	sadd.s32 $0xF00, s22  }
0x7e: {  	[hbm4b:s22+s3] =	stream.linear.scatter [tilespmem:s23], [sflag:$0x4], $0x2800, $0x38;
	[tilespmem:$0x12000] =	vst v63  }
0x7f: {  	_ =	swait.ge [sflag:s26], $0x2800  }
0x80: {  	[sflag:s26] =	ssyncset.done $0x0  }
0x81: {  	[sflag:s26] =	ssyncadd.s32 $0xFFFFD800  }
0x82: {  	_ =	swait.ge [sflag:s26], $0x2800  }
0x83: {  	[sflag:s26] =	ssyncset.done $0x0  }
0x84: {  	s0 =	simm.s32 $0x3E00;
	[sflag:s26] =	ssyncadd.s32 $0xFFFFD800  }
0x85: {  	[tilespmem:s18], [sflag:$0x1] =	stream.indirect.gather [hbm4b:s2+s17], $0x80, s0, s17, $0xb8;
	[tilespmem:$0x12000] =	vst v63  }
0x86: {  	s30 =	simm.s32 $0x7E00  }
0x87: {  	[tilespmem:s19], [sflag:$0x1] =	stream.indirect.gather [hbm4b:s2+s17], $0x80, s30, s17, $0xb8;
	[tilespmem:$0x12000] =	vst v63  }
0x88: {  	_ =	swait.ge [sflag:s24], $0x2800  }
0x89: {  	[sflag:s24] =	ssyncset.done $0x0  }
0x8a: {  	[sflag:s24] =	ssyncadd.s32 $0xFFFFD800  }
0x8b: {  	_ =	swait.ge [sflag:s24], $0x2800  }
0x8c: {  	[sflag:s24] =	ssyncset.done $0x0  }
0x8d: {  	[sflag:s24] =	ssyncadd.s32 $0xFFFFD800  }
0x8e: {  	[hbm4b:s6+s3] =	stream.linear.scatter [tilespmem:s18], [sflag:$0x3], $0x2800, $0x38;
	[tilespmem:$0x12000] =	vst v63  }
0x8f: {  	_ = 	snop  }
0x90: {  	[hbm4b:s7+s3] =	stream.linear.scatter [tilespmem:s19], [sflag:$0x3], $0x2800, $0x38;
	[tilespmem:$0x12000] =	vst v63  }
0x91: {  	_ =	swait.ge [sflag:s28], $0x2800  }
0x92: {  	[sflag:s28] =	ssyncset.done $0x0  }
0x93: {  	[sflag:s28] =	ssyncadd.s32 $0xFFFFD800  }
0x94: {  	_ =	swait.ge [sflag:s28], $0x2800  }
0x95: {  	[sflag:s28] =	ssyncset.done $0x0  }
0x96: {  	s31 =	sadd.s32 $0x1, s31;
	[sflag:s28] =	ssyncadd.s32 $0xFFFFD800  }
0x97: {  	p0 =	sne.s32 s31, s8;
	_ =	swait.ge [sflag:s26], $0x2800  }
.Ltmp1:
0x98: {  	[sflag:s26] =	ssyncset.done $0x0;
	(pc) =	sbr.rel @p0 .LBB2_1-.Ltmp1, $4  }
0x99: {  	[sflag:s26] =	ssyncadd.s32 $0xFFFFD800  }
0x9a: {  	_ =	swait.ge [sflag:s26], $0x2800  }
0x9b: {  	[sflag:s26] =	ssyncset.done $0x0  }
0x9c: {  	[sflag:s26] =	ssyncadd.s32 $0xFFFFD800  }
0x9d: {  	_ =	sfence.sel $0x180000  }
0x9e: {  	[bflag:$0x0] =	sbarrier.arrive $0xFFFF  }
0x9f: {  	_ =	strace $0x9000004D  }
0xa0: {  	s0 =	stileid.u32;
	[bflag:$0x2] =	sbarrier.arrive $0xFFFF  }
0xa1: {  	p0 =	sne.s32 s0, $0x0;
	s0 =	rddreg [dreg:$0x2]  }
0xa2: {  	s0 =	sadd.s32 @!p0 $0x100000, s0  }
0xa3: {  	[sflag:s0] =	ssyncadd.tile.s32 @!p0 $0x1;
	_ =	shalt  }
.Lfunc_end2:
_tile_overlayer_lowered:
.L_overlay_start_2:
0xa4: {  	(tag) =	ssettag $0x2  }
0xa5: {  	s0 =	rddreg [dreg:$0x0];
	s2 =	stileid.u32  }
0xa6: {  	s1 =	rddreg [dreg:$0x1];
	p0 =	sne.s32 s2, $0x0  }
0xa7: {  	s3 =	rddreg [dreg:$0x2];
	[bflag:$0x3] =	sbarrier.arrive $0xFFFF;
	s2 =	simm.s32 @!p0 $0x1C05  }
0xa8: {  	[timem:s3], [sflag:s2] =	dma.local @!p0 [hbm:s0], s1  }
0xa9: {  	s0 =	simm.s32 @!p0 $0x5  }
0xaa: {  	_ =	swait.ge @!p0 [sflag:s0], s1  }
0xab: {  	s1 =	ssub.s32 @!p0 $0x0, s1;
	[sflag:s0] =	ssyncset.done @!p0 $0x0  }
0xac: {  	[sflag:s0] =	ssyncadd.s32 @!p0 s1  }
0xad: {  	[bflag:$0x3] =	sbarrier.arrive $0xFFFF  }
0xae: {  	_ =	shalt  }

// kernel: kernel.20.cloned.1.call-start
scs
__scs_entry_jumppad:
0x0: {  	(pc) =	sbr.rel $0x88, $3  }
0x1: {  	(tag) =	ssettag $0x0;
	lr =	simm.s32 $0x1  }
0x2: {  	[smem:$0x3F8F] =	sst lr;
	_ =	strace $0xD0000000  }
0x3: {  	_ = 	snop  }
0x4: {  	_ = 	snop  }
0x5: {  	_ = 	snop  }
0x6: {  	_ = 	snop  }
0x7: {  	_ = 	snop  }
__scs_overlays_trampoline_lowered:
0x8: {  	[smem:$0x3F9E] =	sst s0  }
0x9: {  	[smem:$0x3F9F] =	sst s1  }
0xa: {  	[smem:$0x3FA0] =	sst s2  }
0xb: {  	[smem:$0x3FA1] =	sst s3  }
0xc: {  	[smem:$0x3FA2] =	sst s4  }
0xd: {  	[smem:$0x3FA3] =	sst s5  }
0xe: {  	[smem:$0x3FA4] =	sst s6  }
0xf: {  	[smem:$0x3FA5] =	sst s7  }
0x10: {  	[smem:$0x3FA6] =	sst s8  }
0x11: {  	[smem:$0x3FA7] =	sst s9;
	s0 =	simm.s32 @!p0 $0x0  }
0x12: {  	s1 =	sld [smem:$0x3F8D];
	s0 =	simm.s32 @p0 $0x1  }
0x13: {  	[smem:$0x3FA8] =	sst s0;
	s0 =	simm.s32 @!p1 $0x0  }
0x14: {  	s2 =	sld [smem:$0x3F8C];
	s0 =	simm.s32 @p1 $0x1  }
0x15: {  	[smem:$0x3FA9] =	sst s0;
	s0 =	simm.s32 @!p2 $0x0  }
0x16: {  	s3 =	sld [smem:$0x3FDB];
	s0 =	simm.s32 @p2 $0x1  }
0x17: {  	s4 =	simm.s32 $0x1BF5;
	[smem:$0x3FAB] =	sst s0  }
0x18: {  	s0 =	sld [smem:$0x3F8E];
	_ =	swait.ge [sflag:s4], $0x0  }
0x19: {  	s7 =	sld [smem:$0x3F8F]  }
0x1a: {  	s8 =	sadd.s32 $0xFFFFE003, lr  }
0x1b: {  	s9 =	sadd.s32 $0xFFFFFEF7, lr;
	s5 =	simm.s32 $0xFFFFFFFF;
	p2 =	slt.u32 s8, $0xFFFFF086  }
0x1c: {  	p1 =	slt.u32 s9, $0xF7A;
	s5 =	simm.s32 @!p2 $0x0  }
0x1d: {  	s5 =	simm.s32 @p1 $0x1;
	p0 =	seq.s32 s7, s2  }
0x1e: {  	s7 =	smul.u32 @!p0 $0xF7A, s2;
	p2 =	seq.s32 @!p0 s5, $0x0  }
0x1f: {  	s9 =	smul.u32 $0xF7A, s1;
	s8 =	simm.s32 @!p0 $0x1BF5;
	p2 =	por !p2, p0  }
0x20: {  	[sflag:s8] =	ssyncset.s32 @!p0 $0xFFFFF086;
	s6 =	sadd.s32 @!p0 s3, s7;
	s7 =	simm.s32 @!p0 $0x108  }
0x21: {  	s3 =	sadd.s32 s3, s9;
	s6 =	sadd.s32 @!p0 $0x88, s6;
	s7 =	simm.s32 @p2 $0x1082  }
0x22: {  	[simem:s7], [sflag:s8] =	dma.local @!p0 [hbm:s6], $0xF7A  }
0x23: {  	s9 =	sor.u32 $0xD0000000, s2;
	s6 =	simm.s32 $0x108;
	_ =	swait.ge @!p0 [sflag:s8], $0x0  }
0x24: {  	s3 =	sadd.s32 $0x88, s3;
	s6 =	simm.s32 @!p1 $0x1082;
	[sflag:s4] =	ssyncset.s32 $0xFFFFF086  }
0x25: {  	[simem:s6], [sflag:s4] =	dma.local [hbm:s3], $0xF7A  }
0x26: {  	[smem:$0x3F8F] =	sst s1;
	(tag) =	ssettag s2;
	_ =	strace s9  }
0x27: {  	s1 =	sld [smem:$0x3F9F]  }
0x28: {  	s2 =	sld [smem:$0x3FA0]  }
0x29: {  	s4 =	sld [smem:$0x3FA2]  }
0x2a: {  	p0 =	seq.s32 s5, $0x0;
	s5 =	sld [smem:$0x3FA3]  }
0x2b: {  	s6 =	sld [smem:$0x3FA4]  }
0x2c: {  	s7 =	sld [smem:$0x3FA5]  }
0x2d: {  	s3 =	simm.s32 $0x108;
	s8 =	sld [smem:$0x3FA6]  }
0x2e: {  	s3 =	simm.s32 @!p0 $0x1082;
	s9 =	sld [smem:$0x3FA7]  }
0x2f: {  	lr =	sadd.s32 s0, s3;
	s0 =	sld [smem:$0x3F9E]  }
0x30: {  	s3 =	sld [smem:$0x3FA1]  }
0x31: {  	[smem:$0x3FAA] =	sst s10  }
0x32: {  	s10 =	sld [smem:$0x3FA8];
	_ =	sdelay $0x3  }
0x33: {  	p0 =	seq.s32 s10, $0x1;
	s10 =	sld [smem:$0x3FAA];
	_ =	sdelay $0x3  }
0x34: {  	[smem:$0x3FAA] =	sst s10  }
0x35: {  	s10 =	sld [smem:$0x3FA9];
	_ =	sdelay $0x3  }
0x36: {  	p1 =	seq.s32 s10, $0x1;
	s10 =	sld [smem:$0x3FAA];
	_ =	sdelay $0x3  }
0x37: {  	[smem:$0x3FAA] =	sst s10  }
0x38: {  	s10 =	sld [smem:$0x3FAB]  }
0x39: {  	_ = 	snop;
	(pc) =	sbr.ind lr, $3  }
0x3a: {  	_ = 	snop  }
0x3b: {  	_ = 	snop  }
0x3c: {  	p2 =	seq.s32 s10, $0x1;
	s10 =	sld [smem:$0x3FAA]  }
0x3d: {  	_ =	shalt  }
0x3e: {  	_ =	shalt  }
0x3f: {  	_ =	shalt  }
0x40: {  	_ =	shalt  }
0x41: {  	_ =	shalt  }
0x42: {  	_ =	shalt  }
0x43: {  	_ =	shalt  }
0x44: {  	_ =	shalt  }
0x45: {  	_ =	shalt  }
0x46: {  	_ =	shalt  }
0x47: {  	_ =	shalt  }
0x48: {  	_ =	shalt  }
0x49: {  	_ =	shalt  }
0x4a: {  	_ =	shalt  }
0x4b: {  	_ =	shalt  }
0x4c: {  	_ =	shalt  }
0x4d: {  	_ =	shalt  }
0x4e: {  	_ =	shalt  }
0x4f: {  	_ =	shalt  }
0x50: {  	_ =	shalt  }
0x51: {  	_ =	shalt  }
0x52: {  	_ =	shalt  }
0x53: {  	_ =	shalt  }
0x54: {  	_ =	shalt  }
0x55: {  	_ =	shalt  }
0x56: {  	_ =	shalt  }
0x57: {  	_ =	shalt  }
0x58: {  	_ =	shalt  }
0x59: {  	_ =	shalt  }
0x5a: {  	_ =	shalt  }
0x5b: {  	_ =	shalt  }
0x5c: {  	_ =	shalt  }
0x5d: {  	_ =	shalt  }
0x5e: {  	_ =	shalt  }
0x5f: {  	_ =	shalt  }
0x60: {  	_ =	shalt  }
0x61: {  	_ =	shalt  }
0x62: {  	_ =	shalt  }
0x63: {  	_ =	shalt  }
0x64: {  	_ =	shalt  }
0x65: {  	_ =	shalt  }
0x66: {  	_ =	shalt  }
0x67: {  	_ =	shalt  }
0x68: {  	_ =	shalt  }
0x69: {  	_ =	shalt  }
0x6a: {  	_ =	shalt  }
0x6b: {  	_ =	shalt  }
0x6c: {  	_ =	shalt  }
0x6d: {  	_ =	shalt  }
0x6e: {  	_ =	shalt  }
0x6f: {  	_ =	shalt  }
0x70: {  	_ =	shalt  }
0x71: {  	_ =	shalt  }
0x72: {  	_ =	shalt  }
0x73: {  	_ =	shalt  }
0x74: {  	_ =	shalt  }
0x75: {  	_ =	shalt  }
0x76: {  	_ =	shalt  }
0x77: {  	_ =	shalt  }
0x78: {  	_ =	shalt  }
0x79: {  	_ =	shalt  }
0x7a: {  	_ =	shalt  }
0x7b: {  	_ =	shalt  }
0x7c: {  	_ =	shalt  }
0x7d: {  	_ =	shalt  }
0x7e: {  	_ =	shalt  }
0x7f: {  	_ =	shalt  }
0x80: {  	_ =	shalt  }
0x81: {  	_ =	shalt  }
0x82: {  	_ =	shalt  }
0x83: {  	_ =	shalt  }
0x84: {  	_ =	shalt  }
0x85: {  	_ =	shalt  }
0x86: {  	_ =	shalt  }
0x87: {  	_ =	shalt  }
.Lfunc_end0:
.L_simem_size_0:
called_computation.3_lowered:
.L_overlay_start_0:
0x88: {  	s2 =	sld [smem:$0x3FD9]  }
0x89: {  	s3 =	sld [smem:$0x3FFE];
	_ =	sdelay $0x1  }
0x8a: {  	s1 =	srdreg.scid  }
0x8b: {  	s0 =	sand.u32 $0x1, s1  }
0x8c: {  	s16 =	sshll.u32 s0, $0xA;
	s2 =	sadd.s32 s3, s2  }
0x8d: {  	s2 =	sadd.s32 s2, s16  }
0x8e: {  	[smem:$0x3FB6] =	sst s2  }
0x8f: {  	_ = 	snop  }
0x90: {  	(tm) =	ssettm $0x1  }
0x91: {  	s17 =	sld [smem:$0x3FFB];
	_ =	sdelay $0x3  }
0x92: {  	_ =	strace s17  }
0x93: {  	s2 =	sld [smem:$0x3FFC];
	_ =	sdelay $0x3  }
0x94: {  	_ =	strace s2  }
0x95: {  	s2 =	sld [smem:$0x3FFD];
	_ =	sdelay $0x3  }
0x96: {  	_ =	strace s2  }
0x97: {  	_ =	strace $0x8FFFFFFF  }
0x98: {  	s18 =	sld [smem:$0x3FDB];
	_ =	sdelay $0x1  }
0x99: {  	s19 =	simm.s32 $_scs_section_size  }
0x9a: {  	s4 =	simm.s32 $_size__tile_overlayer_lowered;
	s5 =	simm.s32 $_tile_overlayer_lowered  }
0x9b: {  	s22 =	simm.s32 $0x1BFF;
	s21 =	sshll.u32 s5, $0x1;
	s2 =	sadd.s32 s19, s18  }
0x9c: {  	s6 =	simm.s32 $0x0;
	s20 =	sshll.u32 s4, $0x1;
	s4 =	sadd.s32 s21, s2  }
0x9d: {  	[timem:s6], [sflag:s22] =	dma.local [hbm:s4], s20  }
0x9e: {  	_ =	swait.ge [sflag:s22], s20  }
0x9f: {  	s3 =	ssub.s32 $0x0, s20;
	[sflag:s22] =	ssyncset.done $0x0  }
0xa0: {  	[sflag:s22] =	ssyncadd.s32 s3;
	_ =	sdelay $0x1  }
0xa1: {  	s23 =	simm.s32 $0x1B8B  }
0xa2: {  	_ =	swait.ge [sflag:s23], $0x1  }
0xa3: {  	[sflag:s23] =	ssyncset.done $0x0  }
0xa4: {  	s25 =	simm.s32 $0x1B8E;
	s24 =	sld [smem:$0x3FFE];
	[sflag:s23] =	ssyncadd.s32 $0xFFFFFFFF  }
0xa5: {  	s26 =	simm.s32 $execute0_lowered;
	[smem:$0x3FD2] =	sst s25  }
0xa6: {  	s4 =	sshll.u32 s26, $0x1;
	_ =	strace $0x8000004F;
	[dreg:$0x1] =	wrdreg $0xFFFFFFFF  }
0xa7: {  	s28 =	simm.s32 $_size_execute0_lowered;
	s2 =	sadd.s32 s2, s4;
	[dreg:$0x0] =	wrdreg $0x0  }
0xa8: {  	s4 =	sshll.u32 s28, $0x1;
	[dreg:$0x2] =	wrdreg s2  }
0xa9: {  	[dreg:$0x3] =	wrdreg s4  }
0xaa: {  	[dreg:$0x4] =	wrdreg $0xC0  }
0xab: {  	_ =	task [dreg:s6], $0x5FFFF  }
0xac: {  	[dreg:$0x1] =	wrdreg $0xFFFFFFFF  }
0xad: {  	[dreg:$0x0] =	wrdreg $0x60  }
0xae: {  	[dreg:$0x2] =	wrdreg s24  }
0xaf: {  	[dreg:$0x3] =	wrdreg $0x0  }
0xb0: {  	[dreg:$0x4] =	wrdreg $0x9  }
0xb1: {  	_ =	task.clear_ibuf [dreg:s6], $0x5FFFF;
	_ =	strace $0x9000004F  }
0xb2: {  	s29 =	simm.s32 $0x9;
	_ =	strace $0x80000051  }
0xb3: {  	_ =	swait.ge [sflag:s29], $0x1  }
0xb4: {  	[sflag:s29] =	ssyncadd.s32 $0xFFFFFFFF  }
0xb5: {  	_ =	strace $0x90000051  }
0xb6: {  	_ =	sfence  }
0xb7: {  	s30 =	sld [smem:$0x0];
	_ =	sdelay $0x2  }
0xb8: {  	s31 =	sshll.u32 s1, $0xD;
	s1 =	sshrl.u32 s1, $0x2  }
0xb9: {  	s3 =	sand.u32 $0x4000, s31;
	s1 =	sadd.s32 s1, s30  }
0xba: {  	s0 =	sor.u32 s3, s0;
	s1 =	sshll.u32 s1, $0x11  }
0xbb: {  	s0 =	sor.u32 s1, s0  }
0xbc: {  	s0 =	sadd.s32 $0x8F2B, s0  }
0xbd: {  	[sflag:s0] =	ssyncadd.remote.s32 $0x1  }
0xbe: {  	_ =	sfence.sel $0xFFFF  }
0xbf: {  	[dreg:$0x0] =	wrdreg $0xFFFFFFFF;
	(pc) =	sbr.abs _section_cstart, $3  }
0xc0: {  	[dreg:$0x1] =	wrdreg $0xFFFFFFFF  }
0xc1: {  	_ =	task.clear_ibuf [dreg:s6], $0x2FFFF;
	_ =	strace $0x9FFFFFFF  }
0xc2: {  	(tm) =	ssettm $0x7FFFFFFF  }
0xc3: {  	_ =	shalt  }
tec
execute0_lowered:
.L_overlay_start_1:
0x0: {  	(tag) =	ssettag $0x1  }
0x1: {  	s1 =	rddreg [dreg:$0x0]  }
0x2: {  	s0 =	simm.s32 $0x0;
	s2 =	srdreg.scid;
	s25 =	stileid.u32  }
0x3: {  	[smem:$0x7FF] =	sst s0;
	s6 =	smul.u32 $0x280, s25  }
0x4: {  	s10 =	sadd.s32 $0x13CE000, s1;
	s8 =	sand.u32 $0x1, s2;
	s24 =	smul.u32 $0x4E200, s25  }
0x5: {  	s4 =	sshll.u32 s25, $0x1;
	s2 =	smul.u32 $0x28000, s8;
	s3 =	ssub.s32 $0x2, s8  }
0x6: {  	s21 =	sor.u32 s8, s4;
	s5 =	sshrl.u32 s3, $0x1;
	s17 =	sor.u32 $0x28, s6  }
0x7: {  	s19 =	sor.u32 $0x50, s6;
	s20 =	sor.u32 $0x78, s6;
	s14 =	sadd.s32 $0xA0, s6  }
0x8: {  	s15 =	sadd.s32 $0xC8, s6;
	s16 =	sadd.s32 $0xF0, s6;
	s11 =	sadd.s32 $0x118, s6  }
0x9: {  	s12 =	sadd.s32 $0x140, s6;
	s13 =	sadd.s32 $0x168, s6;
	s22 =	smul.u32 $0x27100, s21  }
0xa: {  	s7 =	sadd.s32 $0x1E0, s6;
	s26 =	sadd.s32 $0x208, s6;
	s23 =	smul.u32 $0x138800, s21  }
0xb: {  	s21 =	sshll.u32 s21, $0xC;
	s18 =	sadd.s32 s2, s1;
	s9 =	ssub.s32 s3, s5  }
0xc: {  	s2 =	sadd.s32 $0x190, s6;
	s3 =	sadd.s32 $0x1B8, s6;
	s5 =	sadd.s32 $0x230, s6  }
0xd: {  	s6 =	sadd.s32 $0x258, s6;
	s21 =	sadd.s32 s21, s1;
	s1 =	sadd.s32 $0x26000, s1  }
0xe: {  	s22 =	sadd.s32 s10, s22;
	s4 =	sshrl.u32 s23, $0x3;
	s23 =	smul.u32 $0x27100, s8  }
0xf: {  	s8 =	sadd.s32 s10, s4;
	s10 =	sadd.s32 s24, s10;
	s4 =	smul.u32 $0x2800, s25  }
0x10: {  	s24 =	sadd.s32 $0x26400, s18;
	s10 =	sadd.s32 s23, s10;
	s23 =	sshll.u32 s17, $0x4  }
0x11: {  	[dreg:$0x3] =	wrdreg s22;
	s22 =	sadd.s32 s4, s24;
	s18 =	sadd.s32 s23, s24  }
0x12: {  	s4 =	sshll.u32 s19, $0x4;
	s23 =	sshll.u32 s14, $0x4;
	[dreg:$0x4] =	wrdreg s22  }
0x13: {  	s14 =	sshll.u32 s14, $0x7;
	[dreg:$0x5] =	wrdreg s18;
	s18 =	sadd.s32 s4, s24  }
0x14: {  	s22 =	sshll.u32 s20, $0x4;
	s4 =	sadd.s32 s23, s24;
	[dreg:$0x6] =	wrdreg s18  }
0x15: {  	s18 =	sadd.s32 s22, s24;
	[dreg:$0x8] =	wrdreg s4;
	s22 =	sshll.u32 s15, $0x4  }
0x16: {  	s23 =	sshll.u32 s16, $0x4;
	[dreg:$0x7] =	wrdreg s18;
	s18 =	sadd.s32 s22, s24  }
0x17: {  	s4 =	sshll.u32 s11, $0x4;
	[dreg:$0x9] =	wrdreg s18;
	s18 =	sadd.s32 s23, s24  }
0x18: {  	s23 =	sadd.s32 s4, s24;
	s4 =	sshll.u32 s12, $0x4;
	[dreg:$0xa] =	wrdreg s18  }
0x19: {  	s22 =	sshll.u32 s13, $0x4;
	[dreg:$0xb] =	wrdreg s23;
	s18 =	sadd.s32 s4, s24  }
0x1a: {  	s23 =	sshll.u32 s2, $0x4;
	[dreg:$0xc] =	wrdreg s18;
	s18 =	sadd.s32 s22, s24  }
0x1b: {  	s15 =	sshll.u32 s15, $0x7;
	s4 =	sadd.s32 s23, s24;
	[dreg:$0xd] =	wrdreg s18  }
0x1c: {  	s22 =	sshll.u32 s3, $0x4;
	s23 =	sshll.u32 s7, $0x4;
	[dreg:$0xe] =	wrdreg s4  }
0x1d: {  	s18 =	sadd.s32 s22, s24;
	s4 =	sshll.u32 s26, $0x4;
	s22 =	smul.u32 $0x50000, s25  }
0x1e: {  	s25 =	sshll.u32 s5, $0x4;
	[dreg:$0xf] =	wrdreg s18;
	s18 =	sadd.s32 s23, s24  }
0x1f: {  	s5 =	sshll.u32 s5, $0x7;
	s23 =	sadd.s32 s4, s24;
	[dreg:$0x10] =	wrdreg s18  }
0x20: {  	s4 =	sshll.u32 s6, $0x4;
	s6 =	sshll.u32 s6, $0x7;
	[dreg:$0x11] =	wrdreg s23  }
0x21: {  	s18 =	rddreg [dreg:$0x1];
	s23 =	sadd.s32 s25, s24;
	s4 =	sadd.s32 s4, s24  }
0x22: {  	s22 =	sshrl.u32 s22, $0x2;
	s24 =	sshll.u32 s17, $0x7;
	s25 =	sshll.u32 s19, $0x7  }
0x23: {  	s17 =	sshll.u32 s16, $0x7;
	s16 =	sadd.s32 $0x9EA000, s21;
	[dreg:$0x12] =	wrdreg s23  }
0x24: {  	[dreg:$0x13] =	wrdreg s4;
	s22 =	sadd.s32 s22, s18;
	s4 =	sshll.u32 s20, $0x7  }
0x25: {  	s20 =	sadd.s32 s24, s18;
	s23 =	sadd.s32 s25, s18;
	s28 =	sadd.s32 s14, s18  }
0x26: {  	s29 =	sadd.s32 s15, s18;
	s30 =	sadd.s32 s17, s18;
	s24 =	sshll.u32 s11, $0x7  }
0x27: {  	s25 =	sshll.u32 s12, $0x7;
	s12 =	sshll.u32 s2, $0x7;
	s14 =	sshll.u32 s7, $0x7  }
0x28: {  	s15 =	sshll.u32 s26, $0x7;
	s5 =	sadd.s32 s5, s18;
	s6 =	sadd.s32 s6, s18  }
0x29: {  	s26 =	smax.u32 s9, $0x1;
	s11 =	simm.s32 $0x1E800;
	_ =	strace $0x80000050  }
0x2a: {  	[dreg:$0x14] =	wrdreg s1;
	s19 =	sadd.s32 s4, s18;
	s4 =	sshll.u32 s13, $0x7  }
0x2b: {  	s17 =	sadd.s32 s24, s18;
	s24 =	sadd.s32 s25, s18;
	s13 =	sshll.u32 s3, $0x7  }
0x2c: {  	s25 =	sadd.s32 s12, s18;
	s3 =	sadd.s32 s14, s18;
	[dreg:$0x19] =	wrdreg s16  }
0x2d: {  	s1 =	sadd.s32 s15, s18;
	[dreg:$0x1b] =	wrdreg s26;
	s9 =	smov.u32 s20  }
0x2e: {  	s12 =	simm.s32 $0x3;
	s14 =	simm.s32 $0x1D400;
	s15 =	simm.s32 $0x1  }
0x2f: {  	s16 =	simm.s32 $0x28;
	s20 =	simm.s32 $0x0;
	[dreg:$0x17] =	wrdreg s5  }
0x30: {  	[dreg:$0x18] =	wrdreg s6;
	s4 =	sadd.s32 s4, s18;
	s31 =	sadd.s32 s13, s18  }
0x31: {  	s21 =	smov.u32 s19;
	s19 =	sadd.s32 $0x280, s8;
	[dreg:$0x15] =	wrdreg s3  }
0x32: {  	s8 =	sadd.s32 $0x780, s10;
	s10 =	smov.u32 s23;
	[dreg:$0x16] =	wrdreg s1  }
0x33: {  	s13 =	simm.s32 $0x1C000;
	[dreg:$0x1a] =	wrdreg s19;
	s19 =	simm.s32 $0x2  }
.LBB2_1:
0x34: {  	s7 =	rddreg [dreg:$0x14]  }
0x35: {  	[tilespmem:s11], [sflag:$0x3] =	stream.linear.gather [hbm4b:s7+s0], $0x1400, $0x38;
	[tilespmem:$0x1FC00] =	vst v63  }
0x36: {  	_ =	swait.ge [sflag:s12], $0x1400  }
0x37: {  	[sflag:s12] =	ssyncset.done $0x0  }
0x38: {  	[sflag:s12] =	ssyncadd.s32 $0xFFFFEC00  }
0x39: {  	[spmem:s22] =	stream.linear.scatter [tilespmem:s11], [sflag:$0x3], $0x1400, $0x38;
	[tilespmem:$0x1FC00] =	vst v63  }
0x3a: {  	_ =	swait.ge [sflag:s12], $0x1400  }
0x3b: {  	[sflag:s12] =	ssyncset.done $0x0  }
0x3c: {  	[sflag:s12] =	ssyncadd.s32 $0xFFFFEC00  }
0x3d: {  	[spmem:s9] =	stream.linear.scatter [tilespmem:s11], [sflag:$0x3], $0x1400, $0x38;
	[tilespmem:$0x1FC00] =	vst v63  }
0x3e: {  	_ =	swait.ge [sflag:s12], $0x1400  }
0x3f: {  	[sflag:s12] =	ssyncset.done $0x0  }
0x40: {  	[sflag:s12] =	ssyncadd.s32 $0xFFFFEC00  }
0x41: {  	[spmem:s10] =	stream.linear.scatter [tilespmem:s11], [sflag:$0x3], $0x1400, $0x38;
	[tilespmem:$0x1FC00] =	vst v63  }
0x42: {  	_ =	swait.ge [sflag:s12], $0x1400  }
0x43: {  	[sflag:s12] =	ssyncset.done $0x0  }
0x44: {  	[sflag:s12] =	ssyncadd.s32 $0xFFFFEC00  }
0x45: {  	[spmem:s21] =	stream.linear.scatter [tilespmem:s11], [sflag:$0x3], $0x1400, $0x38;
	[tilespmem:$0x1FC00] =	vst v63  }
0x46: {  	_ =	swait.ge [sflag:s12], $0x1400  }
0x47: {  	[sflag:s12] =	ssyncset.done $0x0  }
0x48: {  	[sflag:s12] =	ssyncadd.s32 $0xFFFFEC00  }
0x49: {  	[spmem:s28] =	stream.linear.scatter [tilespmem:s11], [sflag:$0x3], $0x1400, $0x38;
	[tilespmem:$0x1FC00] =	vst v63  }
0x4a: {  	_ =	swait.ge [sflag:s12], $0x1400  }
0x4b: {  	[sflag:s12] =	ssyncset.done $0x0  }
0x4c: {  	[sflag:s12] =	ssyncadd.s32 $0xFFFFEC00  }
0x4d: {  	[spmem:s29] =	stream.linear.scatter [tilespmem:s11], [sflag:$0x3], $0x1400, $0x38;
	[tilespmem:$0x1FC00] =	vst v63  }
0x4e: {  	_ =	swait.ge [sflag:s12], $0x1400  }
0x4f: {  	[sflag:s12] =	ssyncset.done $0x0  }
0x50: {  	[sflag:s12] =	ssyncadd.s32 $0xFFFFEC00  }
0x51: {  	[spmem:s30] =	stream.linear.scatter [tilespmem:s11], [sflag:$0x3], $0x1400, $0x38;
	[tilespmem:$0x1FC00] =	vst v63  }
0x52: {  	_ =	swait.ge [sflag:s12], $0x1400  }
0x53: {  	[sflag:s12] =	ssyncset.done $0x0  }
0x54: {  	[sflag:s12] =	ssyncadd.s32 $0xFFFFEC00  }
0x55: {  	[spmem:s17] =	stream.linear.scatter [tilespmem:s11], [sflag:$0x3], $0x1400, $0x38;
	[tilespmem:$0x1FC00] =	vst v63  }
0x56: {  	_ =	swait.ge [sflag:s12], $0x1400  }
0x57: {  	[sflag:s12] =	ssyncset.done $0x0  }
0x58: {  	s2 =	smov.u32 s24;
	[sflag:s12] =	ssyncadd.s32 $0xFFFFEC00  }
0x59: {  	[spmem:s2] =	stream.linear.scatter [tilespmem:s11], [sflag:$0x3], $0x1400, $0x38;
	[tilespmem:$0x1FC00] =	vst v63  }
0x5a: {  	_ =	swait.ge [sflag:s12], $0x1400  }
0x5b: {  	[sflag:s12] =	ssyncset.done $0x0  }
0x5c: {  	[sflag:s12] =	ssyncadd.s32 $0xFFFFEC00  }
0x5d: {  	[spmem:s4] =	stream.linear.scatter [tilespmem:s11], [sflag:$0x3], $0x1400, $0x38;
	[tilespmem:$0x1FC00] =	vst v63  }
0x5e: {  	_ =	swait.ge [sflag:s12], $0x1400  }
0x5f: {  	[sflag:s12] =	ssyncset.done $0x0  }
0x60: {  	s7 =	smov.u32 s25;
	[sflag:s12] =	ssyncadd.s32 $0xFFFFEC00  }
0x61: {  	[spmem:s7] =	stream.linear.scatter [tilespmem:s11], [sflag:$0x3], $0x1400, $0x38;
	[tilespmem:$0x1FC00] =	vst v63  }
0x62: {  	_ =	swait.ge [sflag:s12], $0x1400  }
0x63: {  	[sflag:s12] =	ssyncset.done $0x0  }
0x64: {  	s25 =	smov.u32 s10;
	s10 =	smov.u32 s31;
	[sflag:s12] =	ssyncadd.s32 $0xFFFFEC00  }
0x65: {  	[spmem:s10] =	stream.linear.scatter [tilespmem:s11], [sflag:$0x3], $0x1400, $0x38;
	[tilespmem:$0x1FC00] =	vst v63  }
0x66: {  	_ =	swait.ge [sflag:s12], $0x1400  }
0x67: {  	s26 =	smov.u32 s21;
	s21 =	smov.u32 s1;
	[sflag:s12] =	ssyncset.done $0x0  }
0x68: {  	s1 =	smov.u32 s17;
	s17 =	smov.u32 s3;
	[sflag:s12] =	ssyncadd.s32 $0xFFFFEC00  }
0x69: {  	[spmem:s17] =	stream.linear.scatter [tilespmem:s11], [sflag:$0x3], $0x1400, $0x38;
	[tilespmem:$0x1FC00] =	vst v63  }
0x6a: {  	_ =	swait.ge [sflag:s12], $0x1400  }
0x6b: {  	[sflag:s12] =	ssyncset.done $0x0  }
0x6c: {  	[sflag:s12] =	ssyncadd.s32 $0xFFFFEC00  }
0x6d: {  	[spmem:s21] =	stream.linear.scatter [tilespmem:s11], [sflag:$0x3], $0x1400, $0x38;
	[tilespmem:$0x1FC00] =	vst v63  }
0x6e: {  	_ =	swait.ge [sflag:s12], $0x1400  }
0x6f: {  	[sflag:s12] =	ssyncset.done $0x0  }
0x70: {  	s23 =	smov.u32 s22;
	s22 =	smov.u32 s5;
	[sflag:s12] =	ssyncadd.s32 $0xFFFFEC00  }
0x71: {  	[spmem:s22] =	stream.linear.scatter [tilespmem:s11], [sflag:$0x3], $0x1400, $0x38;
	[tilespmem:$0x1FC00] =	vst v63  }
0x72: {  	_ =	swait.ge [sflag:s12], $0x1400  }
0x73: {  	[sflag:s12] =	ssyncset.done $0x0  }
0x74: {  	s31 =	smov.u32 s30;
	s30 =	smov.u32 s6;
	[sflag:s12] =	ssyncadd.s32 $0xFFFFEC00  }
0x75: {  	[spmem:s30] =	stream.linear.scatter [tilespmem:s11], [sflag:$0x3], $0x1400, $0x38;
	[tilespmem:$0x1FC00] =	vst v63  }
0x76: {  	_ =	swait.ge [sflag:s12], $0x1400  }
0x77: {  	s24 =	smov.u32 s9;
	s5 =	smov.u32 s7;
	[sflag:s12] =	ssyncset.done $0x0  }
0x78: {  	s9 =	simm.s32 $0x14000;
	s7 =	rddreg [dreg:$0x19];
	[sflag:s12] =	ssyncadd.s32 $0xFFFFEC00  }
0x79: {  	[tilespmem:s9], [sflag:$0x3] =	stream.linear.gather [hbm4b:s7+s0], $0x7D00, $0x38;
	[tilespmem:$0x1FC00] =	vst v63  }
0x7a: {  	_ =	swait.ge [sflag:s12], $0x7D00  }
0x7b: {  	[sflag:s12] =	ssyncset.done $0x0  }
0x7c: {  	[sflag:s12] =	ssyncadd.s32 $0xFFFF8300  }
0x7d: {  	[bflag:$0x0] =	sbarrier.arrive $0xFFFF  }
0x7e: {  	s6 =	smov.u32 s10;
	s10 =	rddreg [dreg:$0x3]  }
0x7f: {  	[tilespmem:s13], [sflag:$0x1] =	stream.linear.gather [hbm4b:s10+s0], $0x1400, $0x38;
	[tilespmem:$0x1FC00] =	vst v63  }
0x80: {  	s17 =	rddreg [dreg:$0x1a]  }
0x81: {  	[tilespmem:s14], [sflag:$0x2] =	stream.linear.gather [hbm4b:s17+s0], $0x1400, $0x38;
	[tilespmem:$0x1FC00] =	vst v63  }
0x82: {  	_ =	swait.ge [sflag:s15], $0x1400  }
0x83: {  	[sflag:s15] =	ssyncset.done $0x0  }
0x84: {  	s21 =	simm.s32 $0x14000;
	[sflag:s15] =	ssyncadd.s32 $0xFFFFEC00  }
0x85: {  	[spmem:s18] =	stream.indirect.scatter.add.f32 [tilespmem:s13], [sflag:$0x3], $0x80, s21, s16, $0xb8;
	[tilespmem:$0x1FC00] =	vst v63  }
0x86: {  	_ =	swait.ge [sflag:s12], $0x1400  }
0x87: {  	[sflag:s12] =	ssyncset.done $0x0  }
0x88: {  	s22 =	sadd.s32 $0xFFFFFD80, s8;
	[sflag:s12] =	ssyncadd.s32 $0xFFFFEC00  }
0x89: {  	[tilespmem:s13], [sflag:$0x1] =	stream.linear.gather [hbm4b:s22+s0], $0x1400, $0x38;
	[tilespmem:$0x1FC00] =	vst v63  }
0x8a: {  	_ =	swait.ge [sflag:s19], $0x1400  }
0x8b: {  	[sflag:s19] =	ssyncset.done $0x0  }
0x8c: {  	s30 =	simm.s32 $0x14080;
	[sflag:s19] =	ssyncadd.s32 $0xFFFFEC00  }
0x8d: {  	[spmem:s18] =	stream.indirect.scatter.add.f32 [tilespmem:s14], [sflag:$0x3], $0x80, s30, s16, $0xb8;
	[tilespmem:$0x1FC00] =	vst v63  }
0x8e: {  	s3 =	smov.u32 s2;
	_ =	swait.ge [sflag:s12], $0x1400  }
0x8f: {  	s2 =	smov.u32 s4;
	s7 =	sadd.s32 $0x500, s8;
	[sflag:s12] =	ssyncset.done $0x0  }
0x90: {  	s10 =	smov.u32 s8;
	s21 =	simm.s32 $0x400;
	[sflag:s12] =	ssyncadd.s32 $0xFFFFEC00  }
.LBB2_2:
0x91: {  	[tilespmem:s14], [sflag:$0x2] =	stream.linear.gather [hbm4b:s10+s0], $0x1400, $0x38;
	[tilespmem:$0x1FC00] =	vst v63  }
0x92: {  	s9 =	smov.u32 s21;
	s10 =	smov.u32 s7  }
0x93: {  	p0 =	sne.s32 s21, $0x1EC00;
	s21 =	sadd.s32 $0x400, s21;
	_ =	swait.ge [sflag:s15], $0x1400  }
0x94: {  	s9 =	sshra.s32 s9, $0x2;
	[sflag:s15] =	ssyncset.done $0x0  }
0x95: {  	s22 =	sadd.s32 $0x14000, s9;
	[sflag:s15] =	ssyncadd.s32 $0xFFFFEC00  }
0x96: {  	[spmem:s18] =	stream.indirect.scatter.add.f32 [tilespmem:s13], [sflag:$0x3], $0x80, s22, s16, $0xb8;
	[tilespmem:$0x1FC00] =	vst v63  }
0x97: {  	_ =	swait.ge [sflag:s12], $0x1400  }
0x98: {  	[sflag:s12] =	ssyncset.done $0x0  }
0x99: {  	s22 =	sadd.s32 $0xFFFFFD80, s7;
	[sflag:s12] =	ssyncadd.s32 $0xFFFFEC00  }
0x9a: {  	[tilespmem:s13], [sflag:$0x1] =	stream.linear.gather [hbm4b:s22+s0], $0x1400, $0x38;
	[tilespmem:$0x1FC00] =	vst v63  }
0x9b: {  	_ =	swait.ge [sflag:s19], $0x1400  }
0x9c: {  	[sflag:s19] =	ssyncset.done $0x0  }
.Ltmp0:
0x9d: {  	s9 =	sadd.s32 $0x14080, s9;
	[sflag:s19] =	ssyncadd.s32 $0xFFFFEC00;
	(pc) =	sbr.rel @p0 .LBB2_2-.Ltmp0, $4  }
0x9e: {  	[spmem:s18] =	stream.indirect.scatter.add.f32 [tilespmem:s14], [sflag:$0x3], $0x80, s9, s16, $0xb8;
	[tilespmem:$0x1FC00] =	vst v63  }
0x9f: {  	_ =	swait.ge [sflag:s12], $0x1400  }
0xa0: {  	[sflag:s12] =	ssyncset.done $0x0  }
0xa1: {  	s7 =	sadd.s32 $0x500, s7;
	[sflag:s12] =	ssyncadd.s32 $0xFFFFEC00  }
0xa2: {  	[tilespmem:s14], [sflag:$0x2] =	stream.linear.gather [hbm4b:s10+s0], $0x1400, $0x38;
	[tilespmem:$0x1FC00] =	vst v63  }
0xa3: {  	_ =	swait.ge [sflag:s15], $0x1400  }
0xa4: {  	[sflag:s15] =	ssyncset.done $0x0  }
0xa5: {  	s4 =	simm.s32 $0x1BC00;
	[sflag:s15] =	ssyncadd.s32 $0xFFFFEC00  }
0xa6: {  	[spmem:s18] =	stream.indirect.scatter.add.f32 [tilespmem:s13], [sflag:$0x3], $0x80, s4, s16, $0xb8;
	[tilespmem:$0x1FC00] =	vst v63  }
0xa7: {  	_ =	swait.ge [sflag:s12], $0x1400  }
0xa8: {  	[sflag:s12] =	ssyncset.done $0x0  }
0xa9: {  	[sflag:s12] =	ssyncadd.s32 $0xFFFFEC00  }
0xaa: {  	_ =	swait.ge [sflag:s19], $0x1400  }
0xab: {  	[sflag:s19] =	ssyncset.done $0x0  }
0xac: {  	s22 =	simm.s32 $0x1BC80;
	[sflag:s19] =	ssyncadd.s32 $0xFFFFEC00  }
0xad: {  	[spmem:s18] =	stream.indirect.scatter.add.f32 [tilespmem:s14], [sflag:$0x3], $0x80, s22, s16, $0xb8;
	[tilespmem:$0x1FC00] =	vst v63  }
0xae: {  	_ =	swait.ge [sflag:s12], $0x1400  }
0xaf: {  	[sflag:s12] =	ssyncset.done $0x0  }
0xb0: {  	[sflag:s12] =	ssyncadd.s32 $0xFFFFEC00  }
0xb1: {  	[bflag:$0x0] =	sbarrier.arrive $0xFFFF  }
0xb2: {  	[tilespmem:s11], [sflag:$0x3] =	stream.linear.gather [spmem:s23], $0x1400, $0x38;
	[tilespmem:$0x1FC00] =	vst v63  }
0xb3: {  	_ =	swait.ge [sflag:s12], $0x1400  }
0xb4: {  	[sflag:s12] =	ssyncset.done $0x0  }
0xb5: {  	s7 =	rddreg [dreg:$0x4];
	[sflag:s12] =	ssyncadd.s32 $0xFFFFEC00  }
0xb6: {  	[hbm4b:s7+s0] =	stream.linear.scatter [tilespmem:s11], [sflag:$0x3], $0x1400, $0x38;
	[tilespmem:$0x1FC00] =	vst v63  }
0xb7: {  	_ =	swait.ge [sflag:s12], $0x1400  }
0xb8: {  	[sflag:s12] =	ssyncset.done $0x0  }
0xb9: {  	[sflag:s12] =	ssyncadd.s32 $0xFFFFEC00  }
0xba: {  	[tilespmem:s11], [sflag:$0x3] =	stream.linear.gather [spmem:s24], $0x1400, $0x38;
	[tilespmem:$0x1FC00] =	vst v63  }
0xbb: {  	_ =	swait.ge [sflag:s12], $0x1400  }
0xbc: {  	[sflag:s12] =	ssyncset.done $0x0  }
0xbd: {  	s9 =	smov.u32 s24;
	s24 =	rddreg [dreg:$0x5];
	[sflag:s12] =	ssyncadd.s32 $0xFFFFEC00  }
0xbe: {  	[hbm4b:s24+s0] =	stream.linear.scatter [tilespmem:s11], [sflag:$0x3], $0x1400, $0x38;
	[tilespmem:$0x1FC00] =	vst v63  }
0xbf: {  	_ =	swait.ge [sflag:s12], $0x1400  }
0xc0: {  	[sflag:s12] =	ssyncset.done $0x0  }
0xc1: {  	[sflag:s12] =	ssyncadd.s32 $0xFFFFEC00  }
0xc2: {  	[tilespmem:s11], [sflag:$0x3] =	stream.linear.gather [spmem:s25], $0x1400, $0x38;
	[tilespmem:$0x1FC00] =	vst v63  }
0xc3: {  	_ =	swait.ge [sflag:s12], $0x1400  }
0xc4: {  	[sflag:s12] =	ssyncset.done $0x0  }
0xc5: {  	s10 =	smov.u32 s25;
	s25 =	rddreg [dreg:$0x6];
	[sflag:s12] =	ssyncadd.s32 $0xFFFFEC00  }
0xc6: {  	[hbm4b:s25+s0] =	stream.linear.scatter [tilespmem:s11], [sflag:$0x3], $0x1400, $0x38;
	[tilespmem:$0x1FC00] =	vst v63  }
0xc7: {  	_ =	swait.ge [sflag:s12], $0x1400  }
0xc8: {  	[sflag:s12] =	ssyncset.done $0x0  }
0xc9: {  	[sflag:s12] =	ssyncadd.s32 $0xFFFFEC00  }
0xca: {  	[tilespmem:s11], [sflag:$0x3] =	stream.linear.gather [spmem:s26], $0x1400, $0x38;
	[tilespmem:$0x1FC00] =	vst v63  }
0xcb: {  	_ =	swait.ge [sflag:s12], $0x1400  }
0xcc: {  	[sflag:s12] =	ssyncset.done $0x0  }
0xcd: {  	s21 =	smov.u32 s26;
	s26 =	rddreg [dreg:$0x7];
	[sflag:s12] =	ssyncadd.s32 $0xFFFFEC00  }
0xce: {  	[hbm4b:s26+s0] =	stream.linear.scatter [tilespmem:s11], [sflag:$0x3], $0x1400, $0x38;
	[tilespmem:$0x1FC00] =	vst v63  }
0xcf: {  	_ =	swait.ge [sflag:s12], $0x1400  }
0xd0: {  	[sflag:s12] =	ssyncset.done $0x0  }
0xd1: {  	[sflag:s12] =	ssyncadd.s32 $0xFFFFEC00  }
0xd2: {  	[tilespmem:s11], [sflag:$0x3] =	stream.linear.gather [spmem:s28], $0x1400, $0x38;
	[tilespmem:$0x1FC00] =	vst v63  }
0xd3: {  	_ =	swait.ge [sflag:s12], $0x1400  }
0xd4: {  	[sflag:s12] =	ssyncset.done $0x0  }
0xd5: {  	s4 =	rddreg [dreg:$0x8];
	[sflag:s12] =	ssyncadd.s32 $0xFFFFEC00  }
0xd6: {  	[hbm4b:s4+s0] =	stream.linear.scatter [tilespmem:s11], [sflag:$0x3], $0x1400, $0x38;
	[tilespmem:$0x1FC00] =	vst v63  }
0xd7: {  	_ =	swait.ge [sflag:s12], $0x1400  }
0xd8: {  	[sflag:s12] =	ssyncset.done $0x0  }
0xd9: {  	[sflag:s12] =	ssyncadd.s32 $0xFFFFEC00  }
0xda: {  	[tilespmem:s11], [sflag:$0x3] =	stream.linear.gather [spmem:s29], $0x1400, $0x38;
	[tilespmem:$0x1FC00] =	vst v63  }
0xdb: {  	_ =	swait.ge [sflag:s12], $0x1400  }
0xdc: {  	[sflag:s12] =	ssyncset.done $0x0  }
0xdd: {  	s17 =	rddreg [dreg:$0x9];
	[sflag:s12] =	ssyncadd.s32 $0xFFFFEC00  }
0xde: {  	[hbm4b:s17+s0] =	stream.linear.scatter [tilespmem:s11], [sflag:$0x3], $0x1400, $0x38;
	[tilespmem:$0x1FC00] =	vst v63  }
0xdf: {  	_ =	swait.ge [sflag:s12], $0x1400  }
0xe0: {  	[sflag:s12] =	ssyncset.done $0x0  }
0xe1: {  	[sflag:s12] =	ssyncadd.s32 $0xFFFFEC00  }
0xe2: {  	[tilespmem:s11], [sflag:$0x3] =	stream.linear.gather [spmem:s31], $0x1400, $0x38;
	[tilespmem:$0x1FC00] =	vst v63  }
0xe3: {  	_ =	swait.ge [sflag:s12], $0x1400  }
0xe4: {  	[sflag:s12] =	ssyncset.done $0x0  }
0xe5: {  	s22 =	smov.u32 s23;
	s23 =	rddreg [dreg:$0xa];
	[sflag:s12] =	ssyncadd.s32 $0xFFFFEC00  }
0xe6: {  	[hbm4b:s23+s0] =	stream.linear.scatter [tilespmem:s11], [sflag:$0x3], $0x1400, $0x38;
	[tilespmem:$0x1FC00] =	vst v63  }
0xe7: {  	_ =	swait.ge [sflag:s12], $0x1400  }
0xe8: {  	[sflag:s12] =	ssyncset.done $0x0  }
0xe9: {  	[sflag:s12] =	ssyncadd.s32 $0xFFFFEC00  }
0xea: {  	[tilespmem:s11], [sflag:$0x3] =	stream.linear.gather [spmem:s1], $0x1400, $0x38;
	[tilespmem:$0x1FC00] =	vst v63  }
0xeb: {  	_ =	swait.ge [sflag:s12], $0x1400  }
0xec: {  	[sflag:s12] =	ssyncset.done $0x0  }
0xed: {  	s24 =	rddreg [dreg:$0xb];
	[sflag:s12] =	ssyncadd.s32 $0xFFFFEC00  }
0xee: {  	[hbm4b:s24+s0] =	stream.linear.scatter [tilespmem:s11], [sflag:$0x3], $0x1400, $0x38;
	[tilespmem:$0x1FC00] =	vst v63  }
0xef: {  	_ =	swait.ge [sflag:s12], $0x1400  }
0xf0: {  	[sflag:s12] =	ssyncset.done $0x0  }
0xf1: {  	[sflag:s12] =	ssyncadd.s32 $0xFFFFEC00  }
0xf2: {  	[tilespmem:s11], [sflag:$0x3] =	stream.linear.gather [spmem:s3], $0x1400, $0x38;
	[tilespmem:$0x1FC00] =	vst v63  }
0xf3: {  	_ =	swait.ge [sflag:s12], $0x1400  }
0xf4: {  	[sflag:s12] =	ssyncset.done $0x0  }
0xf5: {  	s25 =	rddreg [dreg:$0xc];
	[sflag:s12] =	ssyncadd.s32 $0xFFFFEC00  }
0xf6: {  	[hbm4b:s25+s0] =	stream.linear.scatter [tilespmem:s11], [sflag:$0x3], $0x1400, $0x38;
	[tilespmem:$0x1FC00] =	vst v63  }
0xf7: {  	_ =	swait.ge [sflag:s12], $0x1400  }
0xf8: {  	[sflag:s12] =	ssyncset.done $0x0  }
0xf9: {  	[sflag:s12] =	ssyncadd.s32 $0xFFFFEC00  }
0xfa: {  	[tilespmem:s11], [sflag:$0x3] =	stream.linear.gather [spmem:s2], $0x1400, $0x38;
	[tilespmem:$0x1FC00] =	vst v63  }
0xfb: {  	_ =	swait.ge [sflag:s12], $0x1400  }
0xfc: {  	[sflag:s12] =	ssyncset.done $0x0  }
0xfd: {  	s26 =	rddreg [dreg:$0xd];
	[sflag:s12] =	ssyncadd.s32 $0xFFFFEC00  }
0xfe: {  	[hbm4b:s26+s0] =	stream.linear.scatter [tilespmem:s11], [sflag:$0x3], $0x1400, $0x38;
	[tilespmem:$0x1FC00] =	vst v63  }
0xff: {  	_ =	swait.ge [sflag:s12], $0x1400  }
0x100: {  	[sflag:s12] =	ssyncset.done $0x0  }
0x101: {  	[sflag:s12] =	ssyncadd.s32 $0xFFFFEC00  }
0x102: {  	[tilespmem:s11], [sflag:$0x3] =	stream.linear.gather [spmem:s5], $0x1400, $0x38;
	[tilespmem:$0x1FC00] =	vst v63  }
0x103: {  	_ =	swait.ge [sflag:s12], $0x1400  }
0x104: {  	[sflag:s12] =	ssyncset.done $0x0  }
0x105: {  	s17 =	smov.u32 s1;
	s1 =	rddreg [dreg:$0xe];
	[sflag:s12] =	ssyncadd.s32 $0xFFFFEC00  }
0x106: {  	[hbm4b:s1+s0] =	stream.linear.scatter [tilespmem:s11], [sflag:$0x3], $0x1400, $0x38;
	[tilespmem:$0x1FC00] =	vst v63  }
0x107: {  	_ =	swait.ge [sflag:s12], $0x1400  }
0x108: {  	[sflag:s12] =	ssyncset.done $0x0  }
0x109: {  	[sflag:s12] =	ssyncadd.s32 $0xFFFFEC00  }
0x10a: {  	[tilespmem:s11], [sflag:$0x3] =	stream.linear.gather [spmem:s6], $0x1400, $0x38;
	[tilespmem:$0x1FC00] =	vst v63  }
0x10b: {  	_ =	swait.ge [sflag:s12], $0x1400  }
0x10c: {  	[sflag:s12] =	ssyncset.done $0x0  }
0x10d: {  	s24 =	smov.u32 s3;
	s3 =	rddreg [dreg:$0xf];
	[sflag:s12] =	ssyncadd.s32 $0xFFFFEC00  }
0x10e: {  	[hbm4b:s3+s0] =	stream.linear.scatter [tilespmem:s11], [sflag:$0x3], $0x1400, $0x38;
	[tilespmem:$0x1FC00] =	vst v63  }
0x10f: {  	_ =	swait.ge [sflag:s12], $0x1400  }
0x110: {  	[sflag:s12] =	ssyncset.done $0x0  }
0x111: {  	s3 =	rddreg [dreg:$0x15];
	[sflag:s12] =	ssyncadd.s32 $0xFFFFEC00  }
0x112: {  	[tilespmem:s11], [sflag:$0x3] =	stream.linear.gather [spmem:s3], $0x1400, $0x38;
	[tilespmem:$0x1FC00] =	vst v63  }
0x113: {  	_ =	swait.ge [sflag:s12], $0x1400  }
0x114: {  	[sflag:s12] =	ssyncset.done $0x0  }
0x115: {  	s4 =	rddreg [dreg:$0x10];
	[sflag:s12] =	ssyncadd.s32 $0xFFFFEC00  }
0x116: {  	[hbm4b:s4+s0] =	stream.linear.scatter [tilespmem:s11], [sflag:$0x3], $0x1400, $0x38;
	[tilespmem:$0x1FC00] =	vst v63  }
0x117: {  	_ =	swait.ge [sflag:s12], $0x1400  }
0x118: {  	[sflag:s12] =	ssyncset.done $0x0  }
0x119: {  	s1 =	rddreg [dreg:$0x16];
	[sflag:s12] =	ssyncadd.s32 $0xFFFFEC00  }
0x11a: {  	[tilespmem:s11], [sflag:$0x3] =	stream.linear.gather [spmem:s1], $0x1400, $0x38;
	[tilespmem:$0x1FC00] =	vst v63  }
0x11b: {  	_ =	swait.ge [sflag:s12], $0x1400  }
0x11c: {  	[sflag:s12] =	ssyncset.done $0x0  }
0x11d: {  	s25 =	smov.u32 s5;
	s5 =	rddreg [dreg:$0x11];
	[sflag:s12] =	ssyncadd.s32 $0xFFFFEC00  }
0x11e: {  	[hbm4b:s5+s0] =	stream.linear.scatter [tilespmem:s11], [sflag:$0x3], $0x1400, $0x38;
	[tilespmem:$0x1FC00] =	vst v63  }
0x11f: {  	_ =	swait.ge [sflag:s12], $0x1400  }
0x120: {  	[sflag:s12] =	ssyncset.done $0x0  }
0x121: {  	s5 =	rddreg [dreg:$0x17];
	[sflag:s12] =	ssyncadd.s32 $0xFFFFEC00  }
0x122: {  	[tilespmem:s11], [sflag:$0x3] =	stream.linear.gather [spmem:s5], $0x1400, $0x38;
	[tilespmem:$0x1FC00] =	vst v63  }
0x123: {  	_ =	swait.ge [sflag:s12], $0x1400  }
0x124: {  	s30 =	smov.u32 s31;
	[sflag:s12] =	ssyncset.done $0x0  }
0x125: {  	s31 =	smov.u32 s6;
	s6 =	rddreg [dreg:$0x12];
	[sflag:s12] =	ssyncadd.s32 $0xFFFFEC00  }
0x126: {  	[hbm4b:s6+s0] =	stream.linear.scatter [tilespmem:s11], [sflag:$0x3], $0x1400, $0x38;
	[tilespmem:$0x1FC00] =	vst v63  }
0x127: {  	_ =	swait.ge [sflag:s12], $0x1400  }
0x128: {  	[sflag:s12] =	ssyncset.done $0x0  }
0x129: {  	s6 =	rddreg [dreg:$0x18];
	[sflag:s12] =	ssyncadd.s32 $0xFFFFEC00  }
0x12a: {  	[tilespmem:s11], [sflag:$0x3] =	stream.linear.gather [spmem:s6], $0x1400, $0x38;
	[tilespmem:$0x1FC00] =	vst v63  }
0x12b: {  	_ =	swait.ge [sflag:s12], $0x1400  }
0x12c: {  	[sflag:s12] =	ssyncset.done $0x0  }
0x12d: {  	s23 =	rddreg [dreg:$0x13];
	[sflag:s12] =	ssyncadd.s32 $0xFFFFEC00  }
0x12e: {  	[hbm4b:s23+s0] =	stream.linear.scatter [tilespmem:s11], [sflag:$0x3], $0x1400, $0x38;
	[tilespmem:$0x1FC00] =	vst v63  }
0x12f: {  	_ =	swait.ge [sflag:s12], $0x1400  }
0x130: {  	s20 =	sadd.s32 $0x1, s20;
	s26 =	rddreg [dreg:$0x1b]  }
0x131: {  	p0 =	sne.s32 s20, s26  }
.Ltmp1:
0x132: {  	_ = 	snop;
	(pc) =	sbr.rel @p0 .LBB2_1-.Ltmp1, $3  }
0x133: {  	_ =	sdelay $0x1  }
0x134: {  	[sflag:s12] =	ssyncset.done $0x0  }
0x135: {  	s4 =	smov.u32 s2;
	[sflag:s12] =	ssyncadd.s32 $0xFFFFEC00  }
0x136: {  	_ =	sfence.sel $0x180000  }
0x137: {  	[bflag:$0x0] =	sbarrier.arrive $0xFFFF  }
0x138: {  	_ =	strace $0x90000050  }
0x139: {  	s0 =	stileid.u32;
	[bflag:$0x2] =	sbarrier.arrive $0xFFFF  }
0x13a: {  	p0 =	sne.s32 s0, $0x0;
	s0 =	rddreg [dreg:$0x2]  }
0x13b: {  	s0 =	sadd.s32 @!p0 $0x100000, s0  }
0x13c: {  	[sflag:s0] =	ssyncadd.tile.s32 @!p0 $0x1;
	_ =	shalt  }
.Lfunc_end2:
_tile_overlayer_lowered:
.L_overlay_start_2:
0x13d: {  	(tag) =	ssettag $0x2  }
0x13e: {  	s0 =	rddreg [dreg:$0x0];
	s2 =	stileid.u32  }
0x13f: {  	s1 =	rddreg [dreg:$0x1];
	p0 =	sne.s32 s2, $0x0  }
0x140: {  	s3 =	rddreg [dreg:$0x2];
	[bflag:$0x3] =	sbarrier.arrive $0xFFFF;
	s2 =	simm.s32 @!p0 $0x1C03  }
0x141: {  	[timem:s3], [sflag:s2] =	dma.local @!p0 [hbm:s0], s1  }
0x142: {  	s0 =	simm.s32 @!p0 $0x3  }
0x143: {  	_ =	swait.ge @!p0 [sflag:s0], s1  }
0x144: {  	s1 =	ssub.s32 @!p0 $0x0, s1;
	[sflag:s0] =	ssyncset.done @!p0 $0x0  }
0x145: {  	[sflag:s0] =	ssyncadd.s32 @!p0 s1  }
0x146: {  	[bflag:$0x3] =	sbarrier.arrive $0xFFFF  }
0x147: {  	_ =	shalt  }

</sc_bundles>
